<compile_context>
chip_gen: v7x
topology: tpu7x:2x2x1
jax: 0.10.2.dev20260603
libtpu: 0.0.44.dev20260713+nightly
codegen_flags: <defaults>
</compile_context>

<pallas_src>
import functools

import jax
import jax.numpy as jnp
from jax import lax
from jax.experimental import pallas as pl
from jax.experimental.pallas import tpu as pltpu
from jax.experimental.pallas import tpu_sc as plsc

_NC = 2
_NS = 16
_UNIT = 32
_SLOW_CORE = 0
_IDX_PER_GATHER = 128


def _make_sc_agg(b_pad, k, d, c_chunk, u_slow):
    units = b_pad // (_NS * _UNIT)
    u_fast = units - u_slow
    slow_rows = u_slow * _UNIT
    fast_rows = u_fast * _UNIT
    assert (slow_rows // c_chunk) % 2 == 0 and (fast_rows // c_chunk) % 2 == 0
    idx_n = c_chunk * k
    pieces = [_IDX_PER_GATHER] * (idx_n // _IDX_PER_GATHER)
    if idx_n % _IDX_PER_GATHER:
        pieces.append(idx_n % _IDX_PER_GATHER)
    assert all(p % 8 == 0 for p in pieces)
    mesh = plsc.VectorSubcoreMesh(core_axis_name="c", subcore_axis_name="s", num_cores=_NC)

    @functools.partial(
        pl.kernel,
        mesh=mesh,
        out_type=jax.ShapeDtypeStruct((b_pad, d), jnp.float32),
        scratch_types=[
            pltpu.VMEM((fast_rows * k,), jnp.int32),
            pltpu.VMEM((idx_n, d), jnp.float32),
            pltpu.VMEM((idx_n, d), jnp.float32),
            pltpu.VMEM((c_chunk, d), jnp.float32),
            pltpu.VMEM((c_chunk, d), jnp.float32),
            pltpu.SemaphoreType.DMA,
            pltpu.SemaphoreType.DMA,
            pltpu.SemaphoreType.DMA,
            pltpu.SemaphoreType.DMA,
        ],
    )
    def agg(nbr_hbm, table_hbm, out_hbm, idx_v, rows_a, rows_b, acc_a, acc_b,
            sem_a, sem_b, sem_oa, sem_ob):
        cc_ax = lax.axis_index("c")
        s_ax = lax.axis_index("s")
        is_slow = cc_ax == _SLOW_CORE
        r0 = jnp.where(is_slow, s_ax * slow_rows,
                       _NS * slow_rows + s_ax * fast_rows)
        nch = jnp.where(is_slow, slow_rows // c_chunk, fast_rows // c_chunk)

        @pl.when(is_slow)
        def _():
            pltpu.sync_copy(nbr_hbm.at[pl.ds(r0 * k, slow_rows * k)],
                            idx_v.at[pl.ds(0, slow_rows * k)])

        @pl.when(jnp.logical_not(is_slow))
        def _():
            pltpu.sync_copy(nbr_hbm.at[pl.ds(r0 * k, fast_rows * k)], idx_v)

        def issue(j, rows, sem):
            off = j * idx_n
            o = 0
            for p in pieces:
                pltpu.async_copy(
                    table_hbm.at[idx_v.at[pl.ds(off + o, p)]],
                    rows.at[pl.ds(o, p)],
                    sem,
                )
                o += p

        def drain(rows, sem):
            pltpu.make_async_copy(table_hbm.at[pl.ds(0, idx_n)], rows, sem).wait()

        def reduce_store(j, t, rows, acc, sem_o):
            @pl.when(t > 0)
            def _():
                pltpu.make_async_copy(acc, out_hbm.at[pl.ds(r0, c_chunk)], sem_o).wait()

            def red_body(cc, carry2):
                rbase = cc * k
                for dd in range(d // 16):
                    sl = pl.ds(dd * 16, 16)
                    s = rows[rbase, sl]
                    for kk in range(1, k):
                        s = s + rows[rbase + kk, sl]
                    acc[cc, sl] = s
                return carry2

            lax.fori_loop(0, c_chunk, red_body, 0)
            pltpu.async_copy(acc, out_hbm.at[pl.ds(r0 + j * c_chunk, c_chunk)], sem_o)

        issue(0, rows_a, sem_a)

        def pair_body(t, carry):
            j0 = 2 * t
            issue(j0 + 1, rows_b, sem_b)
            drain(rows_a, sem_a)
            reduce_store(j0, t, rows_a, acc_a, sem_oa)
            issue(jnp.where(j0 + 2 < nch, j0 + 2, 0), rows_a, sem_a)
            drain(rows_b, sem_b)
            reduce_store(j0 + 1, t, rows_b, acc_b, sem_ob)
            return carry

        lax.fori_loop(0, nch // 2, pair_body, 0)
        drain(rows_a, sem_a)
        pltpu.make_async_copy(acc_a, out_hbm.at[pl.ds(r0, c_chunk)], sem_oa).wait()
        pltpu.make_async_copy(acc_b, out_hbm.at[pl.ds(r0, c_chunk)], sem_ob).wait()

    return agg


def _msg_body(x_ref, wm_ref, b_ref, o_ref):
    t = jnp.dot(x_ref[...], wm_ref[...], preferred_element_type=jnp.float32)
    o_ref[...] = t + b_ref[...]


def _tc_msg(raw, w_msg, bias):
    m, d_raw = raw.shape
    d_msg = w_msg.shape[1]
    bm = 1024
    return pl.pallas_call(
        _msg_body,
        grid=(pl.cdiv(m, bm),),
        in_specs=[
            pl.BlockSpec((bm, d_raw), lambda i: (i, 0)),
            pl.BlockSpec(w_msg.shape, lambda i: (0, 0)),
            pl.BlockSpec(bias.shape, lambda i: (0, 0)),
        ],
        out_specs=pl.BlockSpec((bm, d_msg), lambda i: (i, 0)),
        out_shape=jax.ShapeDtypeStruct((m, d_msg), jnp.float32),
    )(raw, w_msg, bias)


def _combine_body(msg_ref, a_ref, wn_ref, o_ref):
    t = msg_ref[...] + jnp.dot(a_ref[...], wn_ref[...],
                               preferred_element_type=jnp.float32)
    o_ref[...] = jnp.maximum(t, 0.0)


def _tc_combine(msg, agg_pad, w_nbr):
    m, d_msg = msg.shape
    bm = 1024
    return pl.pallas_call(
        _combine_body,
        grid=(pl.cdiv(m, bm),),
        in_specs=[
            pl.BlockSpec((bm, d_msg), lambda i: (i, 0)),
            pl.BlockSpec((bm, agg_pad.shape[1]), lambda i: (i, 0)),
            pl.BlockSpec(w_nbr.shape, lambda i: (0, 0)),
        ],
        out_specs=pl.BlockSpec((bm, d_msg), lambda i: (i, 0)),
        out_shape=jax.ShapeDtypeStruct((m, d_msg), jnp.float32),
    )(msg, agg_pad, w_nbr)


def kernel(raw_messages, neighbors, memory_table, W_msg, b_msg, W_nbr, b_nbr):
    b, k = neighbors.shape
    d = memory_table.shape[1]
    c_chunk = 16
    unit_rows = _NS * _UNIT
    units = (b + unit_rows - 1) // unit_rows
    b_pad = units * unit_rows
    u_slow = max(2, round(0.4915 * units))

    nbr_flat = jnp.pad(neighbors.reshape(-1), (0, (b_pad - b) * k))
    agg_pad = _make_sc_agg(b_pad, k, d, c_chunk, u_slow)(nbr_flat, memory_table)
    bias = (b_msg + b_nbr).reshape(1, -1)
    msg = _tc_msg(raw_messages, W_msg, bias)
    return _tc_combine(msg, agg_pad, W_nbr)

# --- scband reference (transcript-rebuilt; emitter-appended) ---
"""Pipeline reference for scband-neighbor-message-function-2989297238772 (READ-ONLY COPY).

The authoritative reference and input builder live on the scoring server;
editing this copy changes nothing except your own understanding.
"""

import jax, jax.numpy as jnp
import numpy as np

B, K, N_NODES = 30000, 20, 100000
D_RAW, D_NBR, D_MSG = 256, 128, 128


def setup_inputs(seed: int = 0) -> dict:
    key = jax.random.key(seed)
    ks = jax.random.split(key, 8)
    raw_messages = jax.random.normal(ks[0], (B, D_RAW), dtype=jnp.float32)
    neighbors = jax.random.randint(ks[1], (B, K), 0, N_NODES, dtype=jnp.int32)
    memory_table = jax.random.normal(ks[2], (N_NODES, D_NBR), dtype=jnp.float32) * 0.1
    # nn.Linear params (kaiming-uniform-ish init)
    lim_msg = 1.0 / np.sqrt(D_RAW)
    W_msg = jax.random.uniform(ks[3], (D_RAW, D_MSG), dtype=jnp.float32, minval=-lim_msg, maxval=lim_msg)
    b_msg = jax.random.uniform(ks[4], (D_MSG,), dtype=jnp.float32, minval=-lim_msg, maxval=lim_msg)
    lim_nbr = 1.0 / np.sqrt(D_NBR)
    W_nbr = jax.random.uniform(ks[5], (D_NBR, D_MSG), dtype=jnp.float32, minval=-lim_nbr, maxval=lim_nbr)
    b_nbr = jax.random.uniform(ks[6], (D_MSG,), dtype=jnp.float32, minval=-lim_nbr, maxval=lim_nbr)
    return {
        "raw_messages": raw_messages,
        "neighbors": neighbors,
        "memory_table": memory_table,
        "W_msg": W_msg,
        "b_msg": b_msg,
        "W_nbr": W_nbr,
        "b_nbr": b_nbr,
    }


def reference(raw_messages, neighbors, memory_table, W_msg, b_msg, W_nbr, b_nbr):
    # neighbor_finder.get_temporal_neighbor -> precomputed `neighbors` [B, K]
    # memory.get_memory(neighbors.flatten())  -> gather from memory_table
    b, k = neighbors.shape
    neighbor_memories = jnp.take(memory_table, neighbors.reshape(-1), axis=0)
    neighbor_memories = neighbor_memories.reshape((b, k, -1))
    neighbor_agg = neighbor_memories.sum(axis=1)
    message_term = raw_messages @ W_msg + b_msg
    neighborhood_term = neighbor_agg @ W_nbr + b_nbr
    return jax.nn.relu(message_term + neighborhood_term)

if __name__ == "__main__":
    import jax
    _d = setup_inputs()
    print(jax.jit(kernel)(*tuple(_d.values())))

</pallas_src>

<mosaic_0001>
#map = affine_map<(d0, d1) -> (0)>
#map1 = affine_map<(d0, d1) -> (0, 0)>
module attributes {stable_mosaic.version = 14 : i64} {
  func.func @agg(%arg0: i32, %arg1: i32, %arg2: memref<604160xi32, #tpu.memory_space<hbm>>, %arg3: memref<100000x128xf32, #tpu.memory_space<hbm>>, %arg4: memref<30208x128xf32, #tpu.memory_space<hbm>>, %arg5: memref<19200xi32, #tpu.memory_space<vmem>>, %arg6: memref<320x128xf32, #tpu.memory_space<vmem>>, %arg7: memref<320x128xf32, #tpu.memory_space<vmem>>, %arg8: memref<16x128xf32, #tpu.memory_space<vmem>>, %arg9: memref<16x128xf32, #tpu.memory_space<vmem>>, %arg10: memref<!tpu.dma_semaphore, #tpu.memory_space<semaphore_mem>>, %arg11: memref<!tpu.dma_semaphore, #tpu.memory_space<semaphore_mem>>, %arg12: memref<!tpu.dma_semaphore, #tpu.memory_space<semaphore_mem>>, %arg13: memref<!tpu.dma_semaphore, #tpu.memory_space<semaphore_mem>>) attributes {dimension_semantics = [#tpu.dimension_semantics<core_parallel>, #tpu.dimension_semantics<subcore_parallel>], iteration_bounds = array<i64: 2, 16>, scalar_prefetch = 0 : i64, scratch_operands = 9 : i64, tpu.core_type = #tpu.core_type<sc_vector_subcore>, window_params = [{transform_indices = #map}, {transform_indices = #map1}, {transform_indices = #map1}]} {
    %eq3A = arith.constant 0 : i32
    %eq3A_0 = arith.cmpi eq, %arg0, %eq3A : i32
    %mul3A = arith.constant 928 : i32
    %mul3A_1 = arith.muli %arg1, %mul3A : i32
    %mul3A_2 = arith.constant 960 : i32
    %mul3A_3 = arith.muli %arg1, %mul3A_2 : i32
    %add3A = arith.constant 14848 : i32
    %add3A_4 = arith.addi %add3A, %mul3A_3 : i32
    %select_n3A = arith.select %eq3A_0, %mul3A_1, %add3A_4 : i32
    %jit3A = arith.constant 58 : i32
    %jit3A_5 = arith.constant 60 : i32
    %select_n3A_6 = arith.select %eq3A_0, %jit3A, %jit3A_5 : i32
    %convert_element_type3A = arith.extui %eq3A_0 : i1 to i32
    %cond3A = arith.constant 0 : i32
    %cond3A_7 = arith.cmpi ne, %convert_element_type3A, %cond3A : i32
    scf.if %cond3A_7 {
      %mul3A_75 = arith.constant 20 : i32
      %mul3A_76 = arith.muli %select_n3A, %mul3A_75 : i32
      "tpu.region"() ({
        %run_scoped3A = tpu.sem_alloc : memref<!tpu.dma_semaphore, #tpu.memory_space<semaphore_mem>>
        %dma_start3A_77 = arith.constant 0 : i32
        %dma_start3A_78 = tpu.memref_slice %arg5[%dma_start3A_77] : memref<19200xi32, #tpu.memory_space<vmem>> -> memref<18560xi32, #tpu.memory_space<vmem>>
        %dma_start3A_79 = tpu.memref_slice %arg2[%mul3A_76] : memref<604160xi32, #tpu.memory_space<hbm>> -> memref<18560xi32, #tpu.memory_space<hbm>>
        %dma_start3A_80 = arith.constant 0 : i32
        %dma_start3A_81 = tpu.memref_slice %arg5[%dma_start3A_80] : memref<19200xi32, #tpu.memory_space<vmem>> -> memref<18560xi32, #tpu.memory_space<vmem>>
        %dma_start3A_82 = tpu.memref_slice %arg2[%mul3A_76] : memref<604160xi32, #tpu.memory_space<hbm>> -> memref<18560xi32, #tpu.memory_space<hbm>>
        tpu.enqueue_dma source(%dma_start3A_82 : memref<18560xi32, #tpu.memory_space<hbm>>) target(%dma_start3A_81 : memref<18560xi32, #tpu.memory_space<vmem>>) target_semaphore(%run_scoped3A : memref<!tpu.dma_semaphore, #tpu.memory_space<semaphore_mem>>)
        %dma_wait3A_83 = arith.constant 0 : i32
        %dma_wait3A_84 = tpu.memref_slice %arg5[%dma_wait3A_83] : memref<19200xi32, #tpu.memory_space<vmem>> -> memref<18560xi32, #tpu.memory_space<vmem>>
        %dma_wait3A_85 = tpu.memref_slice %arg2[%mul3A_76] : memref<604160xi32, #tpu.memory_space<hbm>> -> memref<18560xi32, #tpu.memory_space<hbm>>
        %dma_wait3A_86 = arith.constant 0 : i32
        %dma_wait3A_87 = tpu.memref_slice %arg5[%dma_wait3A_86] : memref<19200xi32, #tpu.memory_space<vmem>> -> memref<18560xi32, #tpu.memory_space<vmem>>
        %dma_wait3A_88 = tpu.memref_slice %arg2[%mul3A_76] : memref<604160xi32, #tpu.memory_space<hbm>> -> memref<18560xi32, #tpu.memory_space<hbm>>
        tpu.wait_dma2 semaphore(%run_scoped3A : memref<!tpu.dma_semaphore, #tpu.memory_space<semaphore_mem>>) src(%dma_wait3A_88 : memref<18560xi32, #tpu.memory_space<hbm>>) dst(%dma_wait3A_87 : memref<18560xi32, #tpu.memory_space<vmem>>)
        tpu.yield
      }) : () -> ()
    } else {
    }
    %not3A = arith.constant true
    %not3A_8 = arith.xori %eq3A_0, %not3A : i1
    %convert_element_type3A_9 = arith.extui %not3A_8 : i1 to i32
    %cond3A_10 = arith.constant 0 : i32
    %cond3A_11 = arith.cmpi ne, %convert_element_type3A_9, %cond3A_10 : i32
    scf.if %cond3A_11 {
      %mul3A_75 = arith.constant 20 : i32
      %mul3A_76 = arith.muli %select_n3A, %mul3A_75 : i32
      "tpu.region"() ({
        %run_scoped3A = tpu.sem_alloc : memref<!tpu.dma_semaphore, #tpu.memory_space<semaphore_mem>>
        %dma_start3A_77 = tpu.memref_slice %arg2[%mul3A_76] : memref<604160xi32, #tpu.memory_space<hbm>> -> memref<19200xi32, #tpu.memory_space<hbm>>
        %dma_start3A_78 = tpu.memref_slice %arg2[%mul3A_76] : memref<604160xi32, #tpu.memory_space<hbm>> -> memref<19200xi32, #tpu.memory_space<hbm>>
        tpu.enqueue_dma source(%dma_start3A_78 : memref<19200xi32, #tpu.memory_space<hbm>>) target(%arg5 : memref<19200xi32, #tpu.memory_space<vmem>>) target_semaphore(%run_scoped3A : memref<!tpu.dma_semaphore, #tpu.memory_space<semaphore_mem>>)
        %dma_wait3A_79 = tpu.memref_slice %arg2[%mul3A_76] : memref<604160xi32, #tpu.memory_space<hbm>> -> memref<19200xi32, #tpu.memory_space<hbm>>
        %dma_wait3A_80 = tpu.memref_slice %arg2[%mul3A_76] : memref<604160xi32, #tpu.memory_space<hbm>> -> memref<19200xi32, #tpu.memory_space<hbm>>
        tpu.wait_dma2 semaphore(%run_scoped3A : memref<!tpu.dma_semaphore, #tpu.memory_space<semaphore_mem>>) src(%dma_wait3A_80 : memref<19200xi32, #tpu.memory_space<hbm>>) dst(%arg5 : memref<19200xi32, #tpu.memory_space<vmem>>)
        tpu.yield
      }) : () -> ()
    } else {
    }
    %dma_start3A = arith.constant 0 : i32
    %dma_start3A_12 = arith.constant 0 : i32
    %dma_start3A_13 = tpu.memref_slice %arg6[%dma_start3A, %dma_start3A_12] : memref<320x128xf32, #tpu.memory_space<vmem>> -> memref<128x128xf32, #tpu.memory_space<vmem>>
    %dma_start3A_14 = arith.constant 0 : i32
    %dma_start3A_15 = tpu.memref_slice %arg5[%dma_start3A_14] : memref<19200xi32, #tpu.memory_space<vmem>> -> memref<128xi32, #tpu.memory_space<vmem>>
    %dma_start3A_16 = arith.constant 0 : i32
    %dma_start3A_17 = arith.constant 0 : i32
    %dma_start3A_18 = tpu.memref_slice %arg3[%dma_start3A_16, %dma_start3A_17] : memref<100000x128xf32, #tpu.memory_space<hbm>> -> memref<100000x128xf32, #tpu.memory_space<hbm>>
    tpu.enqueue_indirect_dma source(%dma_start3A_18 : memref<100000x128xf32, #tpu.memory_space<hbm>>) target(%dma_start3A_13 : memref<128x128xf32, #tpu.memory_space<vmem>>) offsets(%dma_start3A_15 : memref<128xi32, #tpu.memory_space<vmem>>) semaphore(%arg10 : memref<!tpu.dma_semaphore, #tpu.memory_space<semaphore_mem>>)
    %dma_start3A_19 = arith.constant 128 : i32
    %dma_start3A_20 = arith.constant 0 : i32
    %dma_start3A_21 = tpu.memref_slice %arg6[%dma_start3A_19, %dma_start3A_20] : memref<320x128xf32, #tpu.memory_space<vmem>> -> memref<128x128xf32, #tpu.memory_space<vmem>>
    %dma_start3A_22 = arith.constant 128 : i32
    %dma_start3A_23 = tpu.memref_slice %arg5[%dma_start3A_22] : memref<19200xi32, #tpu.memory_space<vmem>> -> memref<128xi32, #tpu.memory_space<vmem>>
    %dma_start3A_24 = arith.constant 0 : i32
    %dma_start3A_25 = arith.constant 0 : i32
    %dma_start3A_26 = tpu.memref_slice %arg3[%dma_start3A_24, %dma_start3A_25] : memref<100000x128xf32, #tpu.memory_space<hbm>> -> memref<100000x128xf32, #tpu.memory_space<hbm>>
    tpu.enqueue_indirect_dma source(%dma_start3A_26 : memref<100000x128xf32, #tpu.memory_space<hbm>>) target(%dma_start3A_21 : memref<128x128xf32, #tpu.memory_space<vmem>>) offsets(%dma_start3A_23 : memref<128xi32, #tpu.memory_space<vmem>>) semaphore(%arg10 : memref<!tpu.dma_semaphore, #tpu.memory_space<semaphore_mem>>)
    %dma_start3A_27 = arith.constant 256 : i32
    %dma_start3A_28 = arith.constant 0 : i32
    %dma_start3A_29 = tpu.memref_slice %arg6[%dma_start3A_27, %dma_start3A_28] : memref<320x128xf32, #tpu.memory_space<vmem>> -> memref<64x128xf32, #tpu.memory_space<vmem>>
    %dma_start3A_30 = arith.constant 256 : i32
    %dma_start3A_31 = tpu.memref_slice %arg5[%dma_start3A_30] : memref<19200xi32, #tpu.memory_space<vmem>> -> memref<64xi32, #tpu.memory_space<vmem>>
    %dma_start3A_32 = arith.constant 0 : i32
    %dma_start3A_33 = arith.constant 0 : i32
    %dma_start3A_34 = tpu.memref_slice %arg3[%dma_start3A_32, %dma_start3A_33] : memref<100000x128xf32, #tpu.memory_space<hbm>> -> memref<100000x128xf32, #tpu.memory_space<hbm>>
    tpu.enqueue_indirect_dma source(%dma_start3A_34 : memref<100000x128xf32, #tpu.memory_space<hbm>>) target(%dma_start3A_29 : memref<64x128xf32, #tpu.memory_space<vmem>>) offsets(%dma_start3A_31 : memref<64xi32, #tpu.memory_space<vmem>>) semaphore(%arg10 : memref<!tpu.dma_semaphore, #tpu.memory_space<semaphore_mem>>)
    %jit3A_35 = arith.constant 2 : i32
    %div3A = arith.divsi %select_n3A_6, %jit3A_35 : i32
    %sign3A = arith.constant 0 : i32
    %sign3A_36 = arith.cmpi sgt, %select_n3A_6, %sign3A : i32
    %sign3A_37 = arith.extui %sign3A_36 : i1 to i32
    %sign3A_38 = arith.constant 0 : i32
    %sign3A_39 = arith.cmpi slt, %select_n3A_6, %sign3A_38 : i32
    %sign3A_40 = arith.extui %sign3A_39 : i1 to i32
    %sign3A_41 = arith.subi %sign3A_37, %sign3A_40 : i32
    %sign3A_42 = arith.constant 0 : i32
    %sign3A_43 = arith.cmpi sgt, %jit3A_35, %sign3A_42 : i32
    %sign3A_44 = arith.extui %sign3A_43 : i1 to i32
    %sign3A_45 = arith.constant 0 : i32
    %sign3A_46 = arith.cmpi slt, %jit3A_35, %sign3A_45 : i32
    %sign3A_47 = arith.extui %sign3A_46 : i1 to i32
    %sign3A_48 = arith.subi %sign3A_44, %sign3A_47 : i32
    %ne3A = arith.cmpi ne, %sign3A_41, %sign3A_48 : i32
    %rem3A = arith.remsi %select_n3A_6, %jit3A_35 : i32
    %ne3A_49 = arith.constant 0 : i32
    %ne3A_50 = arith.cmpi ne, %rem3A, %ne3A_49 : i32
    %and3A = arith.andi %ne3A, %ne3A_50 : i1
    %sub3A = arith.constant 1 : i32
    %sub3A_51 = arith.subi %div3A, %sub3A : i32
    %select_n3A_52 = arith.select %and3A, %sub3A_51, %div3A : i32
    %while3A = arith.constant 0 : i32
    %while3A_53 = arith.constant 0 : i32
    %while3A_54 = arith.subi %select_n3A_52, %while3A_53 : i32
    %while3A_55 = arith.addi %while3A_53, %while3A_54 : i32
    %while3A_56 = arith.constant 1 : i32
    %while3A_57 = arith.divsi %while3A_54, %while3A_56 : i32
    %while3A_58 = arith.muli %while3A_57, %while3A_56 : i32
    %while3A_59 = arith.addi %while3A_53, %while3A_58 : i32
    %while3A_60 = arith.constant 1 : i32
    scf.for %while3A_75 = %while3A_53 to %while3A_59 step %while3A_60  : i32 {
      %mul3A_76 = arith.constant 2 : i32
      %mul3A_77 = arith.muli %mul3A_76, %while3A_75 : i32
      %add3A_78 = arith.constant 1 : i32
      %add3A_79 = arith.addi %mul3A_77, %add3A_78 : i32
      %mul3A_80 = arith.constant 320 : i32
      %mul3A_81 = arith.muli %add3A_79, %mul3A_80 : i32
      %add3A_82 = arith.constant 0 : i32
      %add3A_83 = arith.addi %mul3A_81, %add3A_82 : i32
      %dma_start3A_84 = arith.constant 0 : i32
      %dma_start3A_85 = arith.constant 0 : i32
      %dma_start3A_86 = tpu.memref_slice %arg7[%dma_start3A_84, %dma_start3A_85] : memref<320x128xf32, #tpu.memory_space<vmem>> -> memref<128x128xf32, #tpu.memory_space<vmem>>
      %dma_start3A_87 = tpu.memref_slice %arg5[%add3A_83] : memref<19200xi32, #tpu.memory_space<vmem>> -> memref<128xi32, #tpu.memory_space<vmem>>
      %dma_start3A_88 = arith.constant 0 : i32
      %dma_start3A_89 = arith.constant 0 : i32
      %dma_start3A_90 = tpu.memref_slice %arg3[%dma_start3A_88, %dma_start3A_89] : memref<100000x128xf32, #tpu.memory_space<hbm>> -> memref<100000x128xf32, #tpu.memory_space<hbm>>
      tpu.enqueue_indirect_dma source(%dma_start3A_90 : memref<100000x128xf32, #tpu.memory_space<hbm>>) target(%dma_start3A_86 : memref<128x128xf32, #tpu.memory_space<vmem>>) offsets(%dma_start3A_87 : memref<128xi32, #tpu.memory_space<vmem>>) semaphore(%arg11 : memref<!tpu.dma_semaphore, #tpu.memory_space<semaphore_mem>>)
      %add3A_91 = arith.constant 128 : i32
      %add3A_92 = arith.addi %mul3A_81, %add3A_91 : i32
      %dma_start3A_93 = arith.constant 128 : i32
      %dma_start3A_94 = arith.constant 0 : i32
      %dma_start3A_95 = tpu.memref_slice %arg7[%dma_start3A_93, %dma_start3A_94] : memref<320x128xf32, #tpu.memory_space<vmem>> -> memref<128x128xf32, #tpu.memory_space<vmem>>
      %dma_start3A_96 = tpu.memref_slice %arg5[%add3A_92] : memref<19200xi32, #tpu.memory_space<vmem>> -> memref<128xi32, #tpu.memory_space<vmem>>
      %dma_start3A_97 = arith.constant 0 : i32
      %dma_start3A_98 = arith.constant 0 : i32
      %dma_start3A_99 = tpu.memref_slice %arg3[%dma_start3A_97, %dma_start3A_98] : memref<100000x128xf32, #tpu.memory_space<hbm>> -> memref<100000x128xf32, #tpu.memory_space<hbm>>
      tpu.enqueue_indirect_dma source(%dma_start3A_99 : memref<100000x128xf32, #tpu.memory_space<hbm>>) target(%dma_start3A_95 : memref<128x128xf32, #tpu.memory_space<vmem>>) offsets(%dma_start3A_96 : memref<128xi32, #tpu.memory_space<vmem>>) semaphore(%arg11 : memref<!tpu.dma_semaphore, #tpu.memory_space<semaphore_mem>>)
      %add3A_100 = arith.constant 256 : i32
      %add3A_101 = arith.addi %mul3A_81, %add3A_100 : i32
      %dma_start3A_102 = arith.constant 256 : i32
      %dma_start3A_103 = arith.constant 0 : i32
      %dma_start3A_104 = tpu.memref_slice %arg7[%dma_start3A_102, %dma_start3A_103] : memref<320x128xf32, #tpu.memory_space<vmem>> -> memref<64x128xf32, #tpu.memory_space<vmem>>
      %dma_start3A_105 = tpu.memref_slice %arg5[%add3A_101] : memref<19200xi32, #tpu.memory_space<vmem>> -> memref<64xi32, #tpu.memory_space<vmem>>
      %dma_start3A_106 = arith.constant 0 : i32
      %dma_start3A_107 = arith.constant 0 : i32
      %dma_start3A_108 = tpu.memref_slice %arg3[%dma_start3A_106, %dma_start3A_107] : memref<100000x128xf32, #tpu.memory_space<hbm>> -> memref<100000x128xf32, #tpu.memory_space<hbm>>
      tpu.enqueue_indirect_dma source(%dma_start3A_108 : memref<100000x128xf32, #tpu.memory_space<hbm>>) target(%dma_start3A_104 : memref<64x128xf32, #tpu.memory_space<vmem>>) offsets(%dma_start3A_105 : memref<64xi32, #tpu.memory_space<vmem>>) semaphore(%arg11 : memref<!tpu.dma_semaphore, #tpu.memory_space<semaphore_mem>>)
      %dma_wait3A_109 = arith.constant 0 : i32
      %dma_wait3A_110 = arith.constant 0 : i32
      %dma_wait3A_111 = tpu.memref_slice %arg3[%dma_wait3A_109, %dma_wait3A_110] : memref<100000x128xf32, #tpu.memory_space<hbm>> -> memref<320x128xf32, #tpu.memory_space<hbm>>
      %dma_wait3A_112 = arith.constant 0 : i32
      %dma_wait3A_113 = arith.constant 0 : i32
      %dma_wait3A_114 = tpu.memref_slice %arg3[%dma_wait3A_112, %dma_wait3A_113] : memref<100000x128xf32, #tpu.memory_space<hbm>> -> memref<320x128xf32, #tpu.memory_space<hbm>>
      tpu.wait_dma2 semaphore(%arg10 : memref<!tpu.dma_semaphore, #tpu.memory_space<semaphore_mem>>) src(%dma_wait3A_114 : memref<320x128xf32, #tpu.memory_space<hbm>>) dst(%arg6 : memref<320x128xf32, #tpu.memory_space<vmem>>)
      %gt3A = arith.constant 0 : i32
      %gt3A_115 = arith.cmpi sgt, %while3A_75, %gt3A : i32
      %convert_element_type3A_116 = arith.extui %gt3A_115 : i1 to i32
      %cond3A_117 = arith.constant 0 : i32
      %cond3A_118 = arith.cmpi ne, %convert_element_type3A_116, %cond3A_117 : i32
      scf.if %cond3A_118 {
        %dma_wait3A_192 = arith.constant 0 : i32
        %dma_wait3A_193 = tpu.memref_slice %arg4[%select_n3A, %dma_wait3A_192] : memref<30208x128xf32, #tpu.memory_space<hbm>> -> memref<16x128xf32, #tpu.memory_space<hbm>>
        %dma_wait3A_194 = arith.constant 0 : i32
        %dma_wait3A_195 = tpu.memref_slice %arg4[%select_n3A, %dma_wait3A_194] : memref<30208x128xf32, #tpu.memory_space<hbm>> -> memref<16x128xf32, #tpu.memory_space<hbm>>
        tpu.wait_dma2 semaphore(%arg12 : memref<!tpu.dma_semaphore, #tpu.memory_space<semaphore_mem>>) src(%arg8 : memref<16x128xf32, #tpu.memory_space<vmem>>) dst(%dma_wait3A_195 : memref<16x128xf32, #tpu.memory_space<hbm>>)
      } else {
      }
      %scan3A = arith.constant 0 : i32
      %scan3A_119 = arith.constant 0 : i32
      %scan3A_120 = arith.constant 16 : i32
      %scan3A_121 = arith.addi %scan3A_119, %scan3A_120 : i32
      %scan3A_122 = arith.constant 1 : i32
      scf.for %scan3A_192 = %scan3A_119 to %scan3A_121 step %scan3A_122  : i32 {
        %mul3A_193 = arith.constant 20 : i32
        %mul3A_194 = arith.muli %scan3A_192, %mul3A_193 : i32
        %get3A = arith.index_cast %mul3A_194 : i32 to index
        %get3A_195 = arith.constant 0 : index
        %get3A_196 = tpu.vector_load %arg6[%get3A, %get3A_195] {strides = array<i32>} : memref<320x128xf32, #tpu.memory_space<vmem>>, vector<1x16xf32>,
        %get3A_197 = vector.shape_cast %get3A_196 : vector<1x16xf32> to vector<16xf32>
        %add3A_198 = arith.constant 1 : i32
        %add3A_199 = arith.addi %mul3A_194, %add3A_198 : i32
        %get3A_200 = arith.index_cast %add3A_199 : i32 to index
        %get3A_201 = arith.constant 0 : index
        %get3A_202 = tpu.vector_load %arg6[%get3A_200, %get3A_201] {strides = array<i32>} : memref<320x128xf32, #tpu.memory_space<vmem>>, vector<1x16xf32>,
        %get3A_203 = vector.shape_cast %get3A_202 : vector<1x16xf32> to vector<16xf32>
        %add3A_204 = arith.addf %get3A_197, %get3A_203 : vector<16xf32>
        %add3A_205 = arith.constant 2 : i32
        %add3A_206 = arith.addi %mul3A_194, %add3A_205 : i32
        %get3A_207 = arith.index_cast %add3A_206 : i32 to index
        %get3A_208 = arith.constant 0 : index
        %get3A_209 = tpu.vector_load %arg6[%get3A_207, %get3A_208] {strides = array<i32>} : memref<320x128xf32, #tpu.memory_space<vmem>>, vector<1x16xf32>,
        %get3A_210 = vector.shape_cast %get3A_209 : vector<1x16xf32> to vector<16xf32>
        %add3A_211 = arith.addf %add3A_204, %get3A_210 : vector<16xf32>
        %add3A_212 = arith.constant 3 : i32
        %add3A_213 = arith.addi %mul3A_194, %add3A_212 : i32
        %get3A_214 = arith.index_cast %add3A_213 : i32 to index
        %get3A_215 = arith.constant 0 : index
        %get3A_216 = tpu.vector_load %arg6[%get3A_214, %get3A_215] {strides = array<i32>} : memref<320x128xf32, #tpu.memory_space<vmem>>, vector<1x16xf32>,
        %get3A_217 = vector.shape_cast %get3A_216 : vector<1x16xf32> to vector<16xf32>
        %add3A_218 = arith.addf %add3A_211, %get3A_217 : vector<16xf32>
        %add3A_219 = arith.constant 4 : i32
        %add3A_220 = arith.addi %mul3A_194, %add3A_219 : i32
        %get3A_221 = arith.index_cast %add3A_220 : i32 to index
        %get3A_222 = arith.constant 0 : index
        %get3A_223 = tpu.vector_load %arg6[%get3A_221, %get3A_222] {strides = array<i32>} : memref<320x128xf32, #tpu.memory_space<vmem>>, vector<1x16xf32>,
        %get3A_224 = vector.shape_cast %get3A_223 : vector<1x16xf32> to vector<16xf32>
        %add3A_225 = arith.addf %add3A_218, %get3A_224 : vector<16xf32>
        %add3A_226 = arith.constant 5 : i32
        %add3A_227 = arith.addi %mul3A_194, %add3A_226 : i32
        %get3A_228 = arith.index_cast %add3A_227 : i32 to index
        %get3A_229 = arith.constant 0 : index
        %get3A_230 = tpu.vector_load %arg6[%get3A_228, %get3A_229] {strides = array<i32>} : memref<320x128xf32, #tpu.memory_space<vmem>>, vector<1x16xf32>,
        %get3A_231 = vector.shape_cast %get3A_230 : vector<1x16xf32> to vector<16xf32>
        %add3A_232 = arith.addf %add3A_225, %get3A_231 : vector<16xf32>
        %add3A_233 = arith.constant 6 : i32
        %add3A_234 = arith.addi %mul3A_194, %add3A_233 : i32
        %get3A_235 = arith.index_cast %add3A_234 : i32 to index
        %get3A_236 = arith.constant 0 : index
        %get3A_237 = tpu.vector_load %arg6[%get3A_235, %get3A_236] {strides = array<i32>} : memref<320x128xf32, #tpu.memory_space<vmem>>, vector<1x16xf32>,
        %get3A_238 = vector.shape_cast %get3A_237 : vector<1x16xf32> to vector<16xf32>
        %add3A_239 = arith.addf %add3A_232, %get3A_238 : vector<16xf32>
        %add3A_240 = arith.constant 7 : i32
        %add3A_241 = arith.addi %mul3A_194, %add3A_240 : i32
        %get3A_242 = arith.index_cast %add3A_241 : i32 to index
        %get3A_243 = arith.constant 0 : index
        %get3A_244 = tpu.vector_load %arg6[%get3A_242, %get3A_243] {strides = array<i32>} : memref<320x128xf32, #tpu.memory_space<vmem>>, vector<1x16xf32>,
        %get3A_245 = vector.shape_cast %get3A_244 : vector<1x16xf32> to vector<16xf32>
        %add3A_246 = arith.addf %add3A_239, %get3A_245 : vector<16xf32>
        %add3A_247 = arith.constant 8 : i32
        %add3A_248 = arith.addi %mul3A_194, %add3A_247 : i32
        %get3A_249 = arith.index_cast %add3A_248 : i32 to index
        %get3A_250 = arith.constant 0 : index
        %get3A_251 = tpu.vector_load %arg6[%get3A_249, %get3A_250] {strides = array<i32>} : memref<320x128xf32, #tpu.memory_space<vmem>>, vector<1x16xf32>,
        %get3A_252 = vector.shape_cast %get3A_251 : vector<1x16xf32> to vector<16xf32>
        %add3A_253 = arith.addf %add3A_246, %get3A_252 : vector<16xf32>
        %add3A_254 = arith.constant 9 : i32
        %add3A_255 = arith.addi %mul3A_194, %add3A_254 : i32
        %get3A_256 = arith.index_cast %add3A_255 : i32 to index
        %get3A_257 = arith.constant 0 : index
        %get3A_258 = tpu.vector_load %arg6[%get3A_256, %get3A_257] {strides = array<i32>} : memref<320x128xf32, #tpu.memory_space<vmem>>, vector<1x16xf32>,
        %get3A_259 = vector.shape_cast %get3A_258 : vector<1x16xf32> to vector<16xf32>
        %add3A_260 = arith.addf %add3A_253, %get3A_259 : vector<16xf32>
        %add3A_261 = arith.constant 10 : i32
        %add3A_262 = arith.addi %mul3A_194, %add3A_261 : i32
        %get3A_263 = arith.index_cast %add3A_262 : i32 to index
        %get3A_264 = arith.constant 0 : index
        %get3A_265 = tpu.vector_load %arg6[%get3A_263, %get3A_264] {strides = array<i32>} : memref<320x128xf32, #tpu.memory_space<vmem>>, vector<1x16xf32>,
        %get3A_266 = vector.shape_cast %get3A_265 : vector<1x16xf32> to vector<16xf32>
        %add3A_267 = arith.addf %add3A_260, %get3A_266 : vector<16xf32>
        %add3A_268 = arith.constant 11 : i32
        %add3A_269 = arith.addi %mul3A_194, %add3A_268 : i32
        %get3A_270 = arith.index_cast %add3A_269 : i32 to index
        %get3A_271 = arith.constant 0 : index
        %get3A_272 = tpu.vector_load %arg6[%get3A_270, %get3A_271] {strides = array<i32>} : memref<320x128xf32, #tpu.memory_space<vmem>>, vector<1x16xf32>,
        %get3A_273 = vector.shape_cast %get3A_272 : vector<1x16xf32> to vector<16xf32>
        %add3A_274 = arith.addf %add3A_267, %get3A_273 : vector<16xf32>
        %add3A_275 = arith.constant 12 : i32
        %add3A_276 = arith.addi %mul3A_194, %add3A_275 : i32
        %get3A_277 = arith.index_cast %add3A_276 : i32 to index
        %get3A_278 = arith.constant 0 : index
        %get3A_279 = tpu.vector_load %arg6[%get3A_277, %get3A_278] {strides = array<i32>} : memref<320x128xf32, #tpu.memory_space<vmem>>, vector<1x16xf32>,
        %get3A_280 = vector.shape_cast %get3A_279 : vector<1x16xf32> to vector<16xf32>
        %add3A_281 = arith.addf %add3A_274, %get3A_280 : vector<16xf32>
        %add3A_282 = arith.constant 13 : i32
        %add3A_283 = arith.addi %mul3A_194, %add3A_282 : i32
        %get3A_284 = arith.index_cast %add3A_283 : i32 to index
        %get3A_285 = arith.constant 0 : index
        %get3A_286 = tpu.vector_load %arg6[%get3A_284, %get3A_285] {strides = array<i32>} : memref<320x128xf32, #tpu.memory_space<vmem>>, vector<1x16xf32>,
        %get3A_287 = vector.shape_cast %get3A_286 : vector<1x16xf32> to vector<16xf32>
        %add3A_288 = arith.addf %add3A_281, %get3A_287 : vector<16xf32>
        %add3A_289 = arith.constant 14 : i32
        %add3A_290 = arith.addi %mul3A_194, %add3A_289 : i32
        %get3A_291 = arith.index_cast %add3A_290 : i32 to index
        %get3A_292 = arith.constant 0 : index
        %get3A_293 = tpu.vector_load %arg6[%get3A_291, %get3A_292] {strides = array<i32>} : memref<320x128xf32, #tpu.memory_space<vmem>>, vector<1x16xf32>,
        %get3A_294 = vector.shape_cast %get3A_293 : vector<1x16xf32> to vector<16xf32>
        %add3A_295 = arith.addf %add3A_288, %get3A_294 : vector<16xf32>
        %add3A_296 = arith.constant 15 : i32
        %add3A_297 = arith.addi %mul3A_194, %add3A_296 : i32
        %get3A_298 = arith.index_cast %add3A_297 : i32 to index
        %get3A_299 = arith.constant 0 : index
        %get3A_300 = tpu.vector_load %arg6[%get3A_298, %get3A_299] {strides = array<i32>} : memref<320x128xf32, #tpu.memory_space<vmem>>, vector<1x16xf32>,
        %get3A_301 = vector.shape_cast %get3A_300 : vector<1x16xf32> to vector<16xf32>
        %add3A_302 = arith.addf %add3A_295, %get3A_301 : vector<16xf32>
        %add3A_303 = arith.constant 16 : i32
        %add3A_304 = arith.addi %mul3A_194, %add3A_303 : i32
        %get3A_305 = arith.index_cast %add3A_304 : i32 to index
        %get3A_306 = arith.constant 0 : index
        %get3A_307 = tpu.vector_load %arg6[%get3A_305, %get3A_306] {strides = array<i32>} : memref<320x128xf32, #tpu.memory_space<vmem>>, vector<1x16xf32>,
        %get3A_308 = vector.shape_cast %get3A_307 : vector<1x16xf32> to vector<16xf32>
        %add3A_309 = arith.addf %add3A_302, %get3A_308 : vector<16xf32>
        %add3A_310 = arith.constant 17 : i32
        %add3A_311 = arith.addi %mul3A_194, %add3A_310 : i32
        %get3A_312 = arith.index_cast %add3A_311 : i32 to index
        %get3A_313 = arith.constant 0 : index
        %get3A_314 = tpu.vector_load %arg6[%get3A_312, %get3A_313] {strides = array<i32>} : memref<320x128xf32, #tpu.memory_space<vmem>>, vector<1x16xf32>,
        %get3A_315 = vector.shape_cast %get3A_314 : vector<1x16xf32> to vector<16xf32>
        %add3A_316 = arith.addf %add3A_309, %get3A_315 : vector<16xf32>
        %add3A_317 = arith.constant 18 : i32
        %add3A_318 = arith.addi %mul3A_194, %add3A_317 : i32
        %get3A_319 = arith.index_cast %add3A_318 : i32 to index
        %get3A_320 = arith.constant 0 : index
        %get3A_321 = tpu.vector_load %arg6[%get3A_319, %get3A_320] {strides = array<i32>} : memref<320x128xf32, #tpu.memory_space<vmem>>, vector<1x16xf32>,
        %get3A_322 = vector.shape_cast %get3A_321 : vector<1x16xf32> to vector<16xf32>
        %add3A_323 = arith.addf %add3A_316, %get3A_322 : vector<16xf32>
        %add3A_324 = arith.constant 19 : i32
        %add3A_325 = arith.addi %mul3A_194, %add3A_324 : i32
        %get3A_326 = arith.index_cast %add3A_325 : i32 to index
        %get3A_327 = arith.constant 0 : index
        %get3A_328 = tpu.vector_load %arg6[%get3A_326, %get3A_327] {strides = array<i32>} : memref<320x128xf32, #tpu.memory_space<vmem>>, vector<1x16xf32>,
        %get3A_329 = vector.shape_cast %get3A_328 : vector<1x16xf32> to vector<16xf32>
        %add3A_330 = arith.addf %add3A_323, %get3A_329 : vector<16xf32>
        %swap3A = arith.index_cast %scan3A_192 : i32 to index
        %swap3A_331 = arith.constant 0 : index
        %swap3A_332 = tpu.vector_load %arg8[%swap3A, %swap3A_331] {strides = array<i32>} : memref<16x128xf32, #tpu.memory_space<vmem>>, vector<1x16xf32>,
        %swap3A_333 = vector.shape_cast %swap3A_332 : vector<1x16xf32> to vector<16xf32>
        %swap3A_334 = vector.shape_cast %add3A_330 : vector<16xf32> to vector<1x16xf32>
        tpu.vector_store %arg8[%swap3A, %swap3A_331], %swap3A_334 {strides = array<i32>} : memref<16x128xf32, #tpu.memory_space<vmem>>, vector<1x16xf32>,
        %get3A_335 = arith.index_cast %mul3A_194 : i32 to index
        %get3A_336 = arith.constant 16 : index
        %get3A_337 = tpu.vector_load %arg6[%get3A_335, %get3A_336] {strides = array<i32>} : memref<320x128xf32, #tpu.memory_space<vmem>>, vector<1x16xf32>,
        %get3A_338 = vector.shape_cast %get3A_337 : vector<1x16xf32> to vector<16xf32>
        %add3A_339 = arith.constant 1 : i32
        %add3A_340 = arith.addi %mul3A_194, %add3A_339 : i32
        %get3A_341 = arith.index_cast %add3A_340 : i32 to index
        %get3A_342 = arith.constant 16 : index
        %get3A_343 = tpu.vector_load %arg6[%get3A_341, %get3A_342] {strides = array<i32>} : memref<320x128xf32, #tpu.memory_space<vmem>>, vector<1x16xf32>,
        %get3A_344 = vector.shape_cast %get3A_343 : vector<1x16xf32> to vector<16xf32>
        %add3A_345 = arith.addf %get3A_338, %get3A_344 : vector<16xf32>
        %add3A_346 = arith.constant 2 : i32
        %add3A_347 = arith.addi %mul3A_194, %add3A_346 : i32
        %get3A_348 = arith.index_cast %add3A_347 : i32 to index
        %get3A_349 = arith.constant 16 : index
        %get3A_350 = tpu.vector_load %arg6[%get3A_348, %get3A_349] {strides = array<i32>} : memref<320x128xf32, #tpu.memory_space<vmem>>, vector<1x16xf32>,
        %get3A_351 = vector.shape_cast %get3A_350 : vector<1x16xf32> to vector<16xf32>
        %add3A_352 = arith.addf %add3A_345, %get3A_351 : vector<16xf32>
        %add3A_353 = arith.constant 3 : i32
        %add3A_354 = arith.addi %mul3A_194, %add3A_353 : i32
        %get3A_355 = arith.index_cast %add3A_354 : i32 to index
        %get3A_356 = arith.constant 16 : index
        %get3A_357 = tpu.vector_load %arg6[%get3A_355, %get3A_356] {strides = array<i32>} : memref<320x128xf32, #tpu.memory_space<vmem>>, vector<1x16xf32>,
        %get3A_358 = vector.shape_cast %get3A_357 : vector<1x16xf32> to vector<16xf32>
        %add3A_359 = arith.addf %add3A_352, %get3A_358 : vector<16xf32>
        %add3A_360 = arith.constant 4 : i32
        %add3A_361 = arith.addi %mul3A_194, %add3A_360 : i32
        %get3A_362 = arith.index_cast %add3A_361 : i32 to index
        %get3A_363 = arith.constant 16 : index
        %get3A_364 = tpu.vector_load %arg6[%get3A_362, %get3A_363] {strides = array<i32>} : memref<320x128xf32, #tpu.memory_space<vmem>>, vector<1x16xf32>,
        %get3A_365 = vector.shape_cast %get3A_364 : vector<1x16xf32> to vector<16xf32>
        %add3A_366 = arith.addf %add3A_359, %get3A_365 : vector<16xf32>
        %add3A_367 = arith.constant 5 : i32
        %add3A_368 = arith.addi %mul3A_194, %add3A_367 : i32
        %get3A_369 = arith.index_cast %add3A_368 : i32 to index
        %get3A_370 = arith.constant 16 : index
        %get3A_371 = tpu.vector_load %arg6[%get3A_369, %get3A_370] {strides = array<i32>} : memref<320x128xf32, #tpu.memory_space<vmem>>, vector<1x16xf32>,
        %get3A_372 = vector.shape_cast %get3A_371 : vector<1x16xf32> to vector<16xf32>
        %add3A_373 = arith.addf %add3A_366, %get3A_372 : vector<16xf32>
        %add3A_374 = arith.constant 6 : i32
        %add3A_375 = arith.addi %mul3A_194, %add3A_374 : i32
        %get3A_376 = arith.index_cast %add3A_375 : i32 to index
        %get3A_377 = arith.constant 16 : index
        %get3A_378 = tpu.vector_load %arg6[%get3A_376, %get3A_377] {strides = array<i32>} : memref<320x128xf32, #tpu.memory_space<vmem>>, vector<1x16xf32>,
        %get3A_379 = vector.shape_cast %get3A_378 : vector<1x16xf32> to vector<16xf32>
        %add3A_380 = arith.addf %add3A_373, %get3A_379 : vector<16xf32>
        %add3A_381 = arith.constant 7 : i32
        %add3A_382 = arith.addi %mul3A_194, %add3A_381 : i32
        %get3A_383 = arith.index_cast %add3A_382 : i32 to index
        %get3A_384 = arith.constant 16 : index
        %get3A_385 = tpu.vector_load %arg6[%get3A_383, %get3A_384] {strides = array<i32>} : memref<320x128xf32, #tpu.memory_space<vmem>>, vector<1x16xf32>,
        %get3A_386 = vector.shape_cast %get3A_385 : vector<1x16xf32> to vector<16xf32>
        %add3A_387 = arith.addf %add3A_380, %get3A_386 : vector<16xf32>
        %add3A_388 = arith.constant 8 : i32
        %add3A_389 = arith.addi %mul3A_194, %add3A_388 : i32
        %get3A_390 = arith.index_cast %add3A_389 : i32 to index
        %get3A_391 = arith.constant 16 : index
        %get3A_392 = tpu.vector_load %arg6[%get3A_390, %get3A_391] {strides = array<i32>} : memref<320x128xf32, #tpu.memory_space<vmem>>, vector<1x16xf32>,
        %get3A_393 = vector.shape_cast %get3A_392 : vector<1x16xf32> to vector<16xf32>
        %add3A_394 = arith.addf %add3A_387, %get3A_393 : vector<16xf32>
        %add3A_395 = arith.constant 9 : i32
        %add3A_396 = arith.addi %mul3A_194, %add3A_395 : i32
        %get3A_397 = arith.index_cast %add3A_396 : i32 to index
        %get3A_398 = arith.constant 16 : index
        %get3A_399 = tpu.vector_load %arg6[%get3A_397, %get3A_398] {strides = array<i32>} : memref<320x128xf32, #tpu.memory_space<vmem>>, vector<1x16xf32>,
        %get3A_400 = vector.shape_cast %get3A_399 : vector<1x16xf32> to vector<16xf32>
        %add3A_401 = arith.addf %add3A_394, %get3A_400 : vector<16xf32>
        %add3A_402 = arith.constant 10 : i32
        %add3A_403 = arith.addi %mul3A_194, %add3A_402 : i32
        %get3A_404 = arith.index_cast %add3A_403 : i32 to index
        %get3A_405 = arith.constant 16 : index
        %get3A_406 = tpu.vector_load %arg6[%get3A_404, %get3A_405] {strides = array<i32>} : memref<320x128xf32, #tpu.memory_space<vmem>>, vector<1x16xf32>,
        %get3A_407 = vector.shape_cast %get3A_406 : vector<1x16xf32> to vector<16xf32>
        %add3A_408 = arith.addf %add3A_401, %get3A_407 : vector<16xf32>
        %add3A_409 = arith.constant 11 : i32
        %add3A_410 = arith.addi %mul3A_194, %add3A_409 : i32
        %get3A_411 = arith.index_cast %add3A_410 : i32 to index
        %get3A_412 = arith.constant 16 : index
        %get3A_413 = tpu.vector_load %arg6[%get3A_411, %get3A_412] {strides = array<i32>} : memref<320x128xf32, #tpu.memory_space<vmem>>, vector<1x16xf32>,
        %get3A_414 = vector.shape_cast %get3A_413 : vector<1x16xf32> to vector<16xf32>
        %add3A_415 = arith.addf %add3A_408, %get3A_414 : vector<16xf32>
        %add3A_416 = arith.constant 12 : i32
        %add3A_417 = arith.addi %mul3A_194, %add3A_416 : i32
        %get3A_418 = arith.index_cast %add3A_417 : i32 to index
        %get3A_419 = arith.constant 16 : index
        %get3A_420 = tpu.vector_load %arg6[%get3A_418, %get3A_419] {strides = array<i32>} : memref<320x128xf32, #tpu.memory_space<vmem>>, vector<1x16xf32>,
        %get3A_421 = vector.shape_cast %get3A_420 : vector<1x16xf32> to vector<16xf32>
        %add3A_422 = arith.addf %add3A_415, %get3A_421 : vector<16xf32>
        %add3A_423 = arith.constant 13 : i32
        %add3A_424 = arith.addi %mul3A_194, %add3A_423 : i32
        %get3A_425 = arith.index_cast %add3A_424 : i32 to index
        %get3A_426 = arith.constant 16 : index
        %get3A_427 = tpu.vector_load %arg6[%get3A_425, %get3A_426] {strides = array<i32>} : memref<320x128xf32, #tpu.memory_space<vmem>>, vector<1x16xf32>,
        %get3A_428 = vector.shape_cast %get3A_427 : vector<1x16xf32> to vector<16xf32>
        %add3A_429 = arith.addf %add3A_422, %get3A_428 : vector<16xf32>
        %add3A_430 = arith.constant 14 : i32
        %add3A_431 = arith.addi %mul3A_194, %add3A_430 : i32
        %get3A_432 = arith.index_cast %add3A_431 : i32 to index
        %get3A_433 = arith.constant 16 : index
        %get3A_434 = tpu.vector_load %arg6[%get3A_432, %get3A_433] {strides = array<i32>} : memref<320x128xf32, #tpu.memory_space<vmem>>, vector<1x16xf32>,
        %get3A_435 = vector.shape_cast %get3A_434 : vector<1x16xf32> to vector<16xf32>
        %add3A_436 = arith.addf %add3A_429, %get3A_435 : vector<16xf32>
        %add3A_437 = arith.constant 15 : i32
        %add3A_438 = arith.addi %mul3A_194, %add3A_437 : i32
        %get3A_439 = arith.index_cast %add3A_438 : i32 to index
        %get3A_440 = arith.constant 16 : index
        %get3A_441 = tpu.vector_load %arg6[%get3A_439, %get3A_440] {strides = array<i32>} : memref<320x128xf32, #tpu.memory_space<vmem>>, vector<1x16xf32>,
        %get3A_442 = vector.shape_cast %get3A_441 : vector<1x16xf32> to vector<16xf32>
        %add3A_443 = arith.addf %add3A_436, %get3A_442 : vector<16xf32>
        %add3A_444 = arith.constant 16 : i32
        %add3A_445 = arith.addi %mul3A_194, %add3A_444 : i32
        %get3A_446 = arith.index_cast %add3A_445 : i32 to index
        %get3A_447 = arith.constant 16 : index
        %get3A_448 = tpu.vector_load %arg6[%get3A_446, %get3A_447] {strides = array<i32>} : memref<320x128xf32, #tpu.memory_space<vmem>>, vector<1x16xf32>,
        %get3A_449 = vector.shape_cast %get3A_448 : vector<1x16xf32> to vector<16xf32>
        %add3A_450 = arith.addf %add3A_443, %get3A_449 : vector<16xf32>
        %add3A_451 = arith.constant 17 : i32
        %add3A_452 = arith.addi %mul3A_194, %add3A_451 : i32
        %get3A_453 = arith.index_cast %add3A_452 : i32 to index
        %get3A_454 = arith.constant 16 : index
        %get3A_455 = tpu.vector_load %arg6[%get3A_453, %get3A_454] {strides = array<i32>} : memref<320x128xf32, #tpu.memory_space<vmem>>, vector<1x16xf32>,
        %get3A_456 = vector.shape_cast %get3A_455 : vector<1x16xf32> to vector<16xf32>
        %add3A_457 = arith.addf %add3A_450, %get3A_456 : vector<16xf32>
        %add3A_458 = arith.constant 18 : i32
        %add3A_459 = arith.addi %mul3A_194, %add3A_458 : i32
        %get3A_460 = arith.index_cast %add3A_459 : i32 to index
        %get3A_461 = arith.constant 16 : index
        %get3A_462 = tpu.vector_load %arg6[%get3A_460, %get3A_461] {strides = array<i32>} : memref<320x128xf32, #tpu.memory_space<vmem>>, vector<1x16xf32>,
        %get3A_463 = vector.shape_cast %get3A_462 : vector<1x16xf32> to vector<16xf32>
        %add3A_464 = arith.addf %add3A_457, %get3A_463 : vector<16xf32>
        %add3A_465 = arith.constant 19 : i32
        %add3A_466 = arith.addi %mul3A_194, %add3A_465 : i32
        %get3A_467 = arith.index_cast %add3A_466 : i32 to index
        %get3A_468 = arith.constant 16 : index
        %get3A_469 = tpu.vector_load %arg6[%get3A_467, %get3A_468] {strides = array<i32>} : memref<320x128xf32, #tpu.memory_space<vmem>>, vector<1x16xf32>,
        %get3A_470 = vector.shape_cast %get3A_469 : vector<1x16xf32> to vector<16xf32>
        %add3A_471 = arith.addf %add3A_464, %get3A_470 : vector<16xf32>
        %swap3A_472 = arith.index_cast %scan3A_192 : i32 to index
        %swap3A_473 = arith.constant 16 : index
        %swap3A_474 = tpu.vector_load %arg8[%swap3A_472, %swap3A_473] {strides = array<i32>} : memref<16x128xf32, #tpu.memory_space<vmem>>, vector<1x16xf32>,
        %swap3A_475 = vector.shape_cast %swap3A_474 : vector<1x16xf32> to vector<16xf32>
        %swap3A_476 = vector.shape_cast %add3A_471 : vector<16xf32> to vector<1x16xf32>
        tpu.vector_store %arg8[%swap3A_472, %swap3A_473], %swap3A_476 {strides = array<i32>} : memref<16x128xf32, #tpu.memory_space<vmem>>, vector<1x16xf32>,
        %get3A_477 = arith.index_cast %mul3A_194 : i32 to index
        %get3A_478 = arith.constant 32 : index
        %get3A_479 = tpu.vector_load %arg6[%get3A_477, %get3A_478] {strides = array<i32>} : memref<320x128xf32, #tpu.memory_space<vmem>>, vector<1x16xf32>,
        %get3A_480 = vector.shape_cast %get3A_479 : vector<1x16xf32> to vector<16xf32>
        %add3A_481 = arith.constant 1 : i32
        %add3A_482 = arith.addi %mul3A_194, %add3A_481 : i32
        %get3A_483 = arith.index_cast %add3A_482 : i32 to index
        %get3A_484 = arith.constant 32 : index
        %get3A_485 = tpu.vector_load %arg6[%get3A_483, %get3A_484] {strides = array<i32>} : memref<320x128xf32, #tpu.memory_space<vmem>>, vector<1x16xf32>,
        %get3A_486 = vector.shape_cast %get3A_485 : vector<1x16xf32> to vector<16xf32>
        %add3A_487 = arith.addf %get3A_480, %get3A_486 : vector<16xf32>
        %add3A_488 = arith.constant 2 : i32
        %add3A_489 = arith.addi %mul3A_194, %add3A_488 : i32
        %get3A_490 = arith.index_cast %add3A_489 : i32 to index
        %get3A_491 = arith.constant 32 : index
        %get3A_492 = tpu.vector_load %arg6[%get3A_490, %get3A_491] {strides = array<i32>} : memref<320x128xf32, #tpu.memory_space<vmem>>, vector<1x16xf32>,
        %get3A_493 = vector.shape_cast %get3A_492 : vector<1x16xf32> to vector<16xf32>
        %add3A_494 = arith.addf %add3A_487, %get3A_493 : vector<16xf32>
        %add3A_495 = arith.constant 3 : i32
        %add3A_496 = arith.addi %mul3A_194, %add3A_495 : i32
        %get3A_497 = arith.index_cast %add3A_496 : i32 to index
        %get3A_498 = arith.constant 32 : index
        %get3A_499 = tpu.vector_load %arg6[%get3A_497, %get3A_498] {strides = array<i32>} : memref<320x128xf32, #tpu.memory_space<vmem>>, vector<1x16xf32>,
        %get3A_500 = vector.shape_cast %get3A_499 : vector<1x16xf32> to vector<16xf32>
        %add3A_501 = arith.addf %add3A_494, %get3A_500 : vector<16xf32>
        %add3A_502 = arith.constant 4 : i32
        %add3A_503 = arith.addi %mul3A_194, %add3A_502 : i32
        %get3A_504 = arith.index_cast %add3A_503 : i32 to index
        %get3A_505 = arith.constant 32 : index
        %get3A_506 = tpu.vector_load %arg6[%get3A_504, %get3A_505] {strides = array<i32>} : memref<320x128xf32, #tpu.memory_space<vmem>>, vector<1x16xf32>,
        %get3A_507 = vector.shape_cast %get3A_506 : vector<1x16xf32> to vector<16xf32>
        %add3A_508 = arith.addf %add3A_501, %get3A_507 : vector<16xf32>
        %add3A_509 = arith.constant 5 : i32
        %add3A_510 = arith.addi %mul3A_194, %add3A_509 : i32
        %get3A_511 = arith.index_cast %add3A_510 : i32 to index
        %get3A_512 = arith.constant 32 : index
        %get3A_513 = tpu.vector_load %arg6[%get3A_511, %get3A_512] {strides = array<i32>} : memref<320x128xf32, #tpu.memory_space<vmem>>, vector<1x16xf32>,
        %get3A_514 = vector.shape_cast %get3A_513 : vector<1x16xf32> to vector<16xf32>
        %add3A_515 = arith.addf %add3A_508, %get3A_514 : vector<16xf32>
        %add3A_516 = arith.constant 6 : i32
        %add3A_517 = arith.addi %mul3A_194, %add3A_516 : i32
        %get3A_518 = arith.index_cast %add3A_517 : i32 to index
        %get3A_519 = arith.constant 32 : index
        %get3A_520 = tpu.vector_load %arg6[%get3A_518, %get3A_519] {strides = array<i32>} : memref<320x128xf32, #tpu.memory_space<vmem>>, vector<1x16xf32>,
        %get3A_521 = vector.shape_cast %get3A_520 : vector<1x16xf32> to vector<16xf32>
        %add3A_522 = arith.addf %add3A_515, %get3A_521 : vector<16xf32>
        %add3A_523 = arith.constant 7 : i32
        %add3A_524 = arith.addi %mul3A_194, %add3A_523 : i32
        %get3A_525 = arith.index_cast %add3A_524 : i32 to index
        %get3A_526 = arith.constant 32 : index
        %get3A_527 = tpu.vector_load %arg6[%get3A_525, %get3A_526] {strides = array<i32>} : memref<320x128xf32, #tpu.memory_space<vmem>>, vector<1x16xf32>,
        %get3A_528 = vector.shape_cast %get3A_527 : vector<1x16xf32> to vector<16xf32>
        %add3A_529 = arith.addf %add3A_522, %get3A_528 : vector<16xf32>
        %add3A_530 = arith.constant 8 : i32
        %add3A_531 = arith.addi %mul3A_194, %add3A_530 : i32
        %get3A_532 = arith.index_cast %add3A_531 : i32 to index
        %get3A_533 = arith.constant 32 : index
        %get3A_534 = tpu.vector_load %arg6[%get3A_532, %get3A_533] {strides = array<i32>} : memref<320x128xf32, #tpu.memory_space<vmem>>, vector<1x16xf32>,
        %get3A_535 = vector.shape_cast %get3A_534 : vector<1x16xf32> to vector<16xf32>
        %add3A_536 = arith.addf %add3A_529, %get3A_535 : vector<16xf32>
        %add3A_537 = arith.constant 9 : i32
        %add3A_538 = arith.addi %mul3A_194, %add3A_537 : i32
        %get3A_539 = arith.index_cast %add3A_538 : i32 to index
        %get3A_540 = arith.constant 32 : index
        %get3A_541 = tpu.vector_load %arg6[%get3A_539, %get3A_540] {strides = array<i32>} : memref<320x128xf32, #tpu.memory_space<vmem>>, vector<1x16xf32>,
        %get3A_542 = vector.shape_cast %get3A_541 : vector<1x16xf32> to vector<16xf32>
        %add3A_543 = arith.addf %add3A_536, %get3A_542 : vector<16xf32>
        %add3A_544 = arith.constant 10 : i32
        %add3A_545 = arith.addi %mul3A_194, %add3A_544 : i32
        %get3A_546 = arith.index_cast %add3A_545 : i32 to index
        %get3A_547 = arith.constant 32 : index
        %get3A_548 = tpu.vector_load %arg6[%get3A_546, %get3A_547] {strides = array<i32>} : memref<320x128xf32, #tpu.memory_space<vmem>>, vector<1x16xf32>,
        %get3A_549 = vector.shape_cast %get3A_548 : vector<1x16xf32> to vector<16xf32>
        %add3A_550 = arith.addf %add3A_543, %get3A_549 : vector<16xf32>
        %add3A_551 = arith.constant 11 : i32
        %add3A_552 = arith.addi %mul3A_194, %add3A_551 : i32
        %get3A_553 = arith.index_cast %add3A_552 : i32 to index
        %get3A_554 = arith.constant 32 : index
        %get3A_555 = tpu.vector_load %arg6[%get3A_553, %get3A_554] {strides = array<i32>} : memref<320x128xf32, #tpu.memory_space<vmem>>, vector<1x16xf32>,
        %get3A_556 = vector.shape_cast %get3A_555 : vector<1x16xf32> to vector<16xf32>
        %add3A_557 = arith.addf %add3A_550, %get3A_556 : vector<16xf32>
        %add3A_558 = arith.constant 12 : i32
        %add3A_559 = arith.addi %mul3A_194, %add3A_558 : i32
        %get3A_560 = arith.index_cast %add3A_559 : i32 to index
        %get3A_561 = arith.constant 32 : index
        %get3A_562 = tpu.vector_load %arg6[%get3A_560, %get3A_561] {strides = array<i32>} : memref<320x128xf32, #tpu.memory_space<vmem>>, vector<1x16xf32>,
        %get3A_563 = vector.shape_cast %get3A_562 : vector<1x16xf32> to vector<16xf32>
        %add3A_564 = arith.addf %add3A_557, %get3A_563 : vector<16xf32>
        %add3A_565 = arith.constant 13 : i32
        %add3A_566 = arith.addi %mul3A_194, %add3A_565 : i32
        %get3A_567 = arith.index_cast %add3A_566 : i32 to index
        %get3A_568 = arith.constant 32 : index
        %get3A_569 = tpu.vector_load %arg6[%get3A_567, %get3A_568] {strides = array<i32>} : memref<320x128xf32, #tpu.memory_space<vmem>>, vector<1x16xf32>,
        %get3A_570 = vector.shape_cast %get3A_569 : vector<1x16xf32> to vector<16xf32>
        %add3A_571 = arith.addf %add3A_564, %get3A_570 : vector<16xf32>
        %add3A_572 = arith.constant 14 : i32
        %add3A_573 = arith.addi %mul3A_194, %add3A_572 : i32
        %get3A_574 = arith.index_cast %add3A_573 : i32 to index
        %get3A_575 = arith.constant 32 : index
        %get3A_576 = tpu.vector_load %arg6[%get3A_574, %get3A_575] {strides = array<i32>} : memref<320x128xf32, #tpu.memory_space<vmem>>, vector<1x16xf32>,
        %get3A_577 = vector.shape_cast %get3A_576 : vector<1x16xf32> to vector<16xf32>
        %add3A_578 = arith.addf %add3A_571, %get3A_577 : vector<16xf32>
        %add3A_579 = arith.constant 15 : i32
        %add3A_580 = arith.addi %mul3A_194, %add3A_579 : i32
        %get3A_581 = arith.index_cast %add3A_580 : i32 to index
        %get3A_582 = arith.constant 32 : index
        %get3A_583 = tpu.vector_load %arg6[%get3A_581, %get3A_582] {strides = array<i32>} : memref<320x128xf32, #tpu.memory_space<vmem>>, vector<1x16xf32>,
        %get3A_584 = vector.shape_cast %get3A_583 : vector<1x16xf32> to vector<16xf32>
        %add3A_585 = arith.addf %add3A_578, %get3A_584 : vector<16xf32>
        %add3A_586 = arith.constant 16 : i32
        %add3A_587 = arith.addi %mul3A_194, %add3A_586 : i32
        %get3A_588 = arith.index_cast %add3A_587 : i32 to index
        %get3A_589 = arith.constant 32 : index
        %get3A_590 = tpu.vector_load %arg6[%get3A_588, %get3A_589] {strides = array<i32>} : memref<320x128xf32, #tpu.memory_space<vmem>>, vector<1x16xf32>,
        %get3A_591 = vector.shape_cast %get3A_590 : vector<1x16xf32> to vector<16xf32>
        %add3A_592 = arith.addf %add3A_585, %get3A_591 : vector<16xf32>
        %add3A_593 = arith.constant 17 : i32
        %add3A_594 = arith.addi %mul3A_194, %add3A_593 : i32
        %get3A_595 = arith.index_cast %add3A_594 : i32 to index
        %get3A_596 = arith.constant 32 : index
        %get3A_597 = tpu.vector_load %arg6[%get3A_595, %get3A_596] {strides = array<i32>} : memref<320x128xf32, #tpu.memory_space<vmem>>, vector<1x16xf32>,
        %get3A_598 = vector.shape_cast %get3A_597 : vector<1x16xf32> to vector<16xf32>
        %add3A_599 = arith.addf %add3A_592, %get3A_598 : vector<16xf32>
        %add3A_600 = arith.constant 18 : i32
        %add3A_601 = arith.addi %mul3A_194, %add3A_600 : i32
        %get3A_602 = arith.index_cast %add3A_601 : i32 to index
        %get3A_603 = arith.constant 32 : index
        %get3A_604 = tpu.vector_load %arg6[%get3A_602, %get3A_603] {strides = array<i32>} : memref<320x128xf32, #tpu.memory_space<vmem>>, vector<1x16xf32>,
        %get3A_605 = vector.shape_cast %get3A_604 : vector<1x16xf32> to vector<16xf32>
        %add3A_606 = arith.addf %add3A_599, %get3A_605 : vector<16xf32>
        %add3A_607 = arith.constant 19 : i32
        %add3A_608 = arith.addi %mul3A_194, %add3A_607 : i32
        %get3A_609 = arith.index_cast %add3A_608 : i32 to index
        %get3A_610 = arith.constant 32 : index
        %get3A_611 = tpu.vector_load %arg6[%get3A_609, %get3A_610] {strides = array<i32>} : memref<320x128xf32, #tpu.memory_space<vmem>>, vector<1x16xf32>,
        %get3A_612 = vector.shape_cast %get3A_611 : vector<1x16xf32> to vector<16xf32>
        %add3A_613 = arith.addf %add3A_606, %get3A_612 : vector<16xf32>
        %swap3A_614 = arith.index_cast %scan3A_192 : i32 to index
        %swap3A_615 = arith.constant 32 : index
        %swap3A_616 = tpu.vector_load %arg8[%swap3A_614, %swap3A_615] {strides = array<i32>} : memref<16x128xf32, #tpu.memory_space<vmem>>, vector<1x16xf32>,
        %swap3A_617 = vector.shape_cast %swap3A_616 : vector<1x16xf32> to vector<16xf32>
        %swap3A_618 = vector.shape_cast %add3A_613 : vector<16xf32> to vector<1x16xf32>
        tpu.vector_store %arg8[%swap3A_614, %swap3A_615], %swap3A_618 {strides = array<i32>} : memref<16x128xf32, #tpu.memory_space<vmem>>, vector<1x16xf32>,
        %get3A_619 = arith.index_cast %mul3A_194 : i32 to index
        %get3A_620 = arith.constant 48 : index
        %get3A_621 = tpu.vector_load %arg6[%get3A_619, %get3A_620] {strides = array<i32>} : memref<320x128xf32, #tpu.memory_space<vmem>>, vector<1x16xf32>,
        %get3A_622 = vector.shape_cast %get3A_621 : vector<1x16xf32> to vector<16xf32>
        %add3A_623 = arith.constant 1 : i32
        %add3A_624 = arith.addi %mul3A_194, %add3A_623 : i32
        %get3A_625 = arith.index_cast %add3A_624 : i32 to index
        %get3A_626 = arith.constant 48 : index
        %get3A_627 = tpu.vector_load %arg6[%get3A_625, %get3A_626] {strides = array<i32>} : memref<320x128xf32, #tpu.memory_space<vmem>>, vector<1x16xf32>,
        %get3A_628 = vector.shape_cast %get3A_627 : vector<1x16xf32> to vector<16xf32>
        %add3A_629 = arith.addf %get3A_622, %get3A_628 : vector<16xf32>
        %add3A_630 = arith.constant 2 : i32
        %add3A_631 = arith.addi %mul3A_194, %add3A_630 : i32
        %get3A_632 = arith.index_cast %add3A_631 : i32 to index
        %get3A_633 = arith.constant 48 : index
        %get3A_634 = tpu.vector_load %arg6[%get3A_632, %get3A_633] {strides = array<i32>} : memref<320x128xf32, #tpu.memory_space<vmem>>, vector<1x16xf32>,
        %get3A_635 = vector.shape_cast %get3A_634 : vector<1x16xf32> to vector<16xf32>
        %add3A_636 = arith.addf %add3A_629, %get3A_635 : vector<16xf32>
        %add3A_637 = arith.constant 3 : i32
        %add3A_638 = arith.addi %mul3A_194, %add3A_637 : i32
        %get3A_639 = arith.index_cast %add3A_638 : i32 to index
        %get3A_640 = arith.constant 48 : index
        %get3A_641 = tpu.vector_load %arg6[%get3A_639, %get3A_640] {strides = array<i32>} : memref<320x128xf32, #tpu.memory_space<vmem>>, vector<1x16xf32>,
        %get3A_642 = vector.shape_cast %get3A_641 : vector<1x16xf32> to vector<16xf32>
        %add3A_643 = arith.addf %add3A_636, %get3A_642 : vector<16xf32>
        %add3A_644 = arith.constant 4 : i32
        %add3A_645 = arith.addi %mul3A_194, %add3A_644 : i32
        %get3A_646 = arith.index_cast %add3A_645 : i32 to index
        %get3A_647 = arith.constant 48 : index
        %get3A_648 = tpu.vector_load %arg6[%get3A_646, %get3A_647] {strides = array<i32>} : memref<320x128xf32, #tpu.memory_space<vmem>>, vector<1x16xf32>,
        %get3A_649 = vector.shape_cast %get3A_648 : vector<1x16xf32> to vector<16xf32>
        %add3A_650 = arith.addf %add3A_643, %get3A_649 : vector<16xf32>
        %add3A_651 = arith.constant 5 : i32
        %add3A_652 = arith.addi %mul3A_194, %add3A_651 : i32
        %get3A_653 = arith.index_cast %add3A_652 : i32 to index
        %get3A_654 = arith.constant 48 : index
        %get3A_655 = tpu.vector_load %arg6[%get3A_653, %get3A_654] {strides = array<i32>} : memref<320x128xf32, #tpu.memory_space<vmem>>, vector<1x16xf32>,
        %get3A_656 = vector.shape_cast %get3A_655 : vector<1x16xf32> to vector<16xf32>
        %add3A_657 = arith.addf %add3A_650, %get3A_656 : vector<16xf32>
        %add3A_658 = arith.constant 6 : i32
        %add3A_659 = arith.addi %mul3A_194, %add3A_658 : i32
        %get3A_660 = arith.index_cast %add3A_659 : i32 to index
        %get3A_661 = arith.constant 48 : index
        %get3A_662 = tpu.vector_load %arg6[%get3A_660, %get3A_661] {strides = array<i32>} : memref<320x128xf32, #tpu.memory_space<vmem>>, vector<1x16xf32>,
        %get3A_663 = vector.shape_cast %get3A_662 : vector<1x16xf32> to vector<16xf32>
        %add3A_664 = arith.addf %add3A_657, %get3A_663 : vector<16xf32>
        %add3A_665 = arith.constant 7 : i32
        %add3A_666 = arith.addi %mul3A_194, %add3A_665 : i32
        %get3A_667 = arith.index_cast %add3A_666 : i32 to index
        %get3A_668 = arith.constant 48 : index
        %get3A_669 = tpu.vector_load %arg6[%get3A_667, %get3A_668] {strides = array<i32>} : memref<320x128xf32, #tpu.memory_space<vmem>>, vector<1x16xf32>,
        %get3A_670 = vector.shape_cast %get3A_669 : vector<1x16xf32> to vector<16xf32>
        %add3A_671 = arith.addf %add3A_664, %get3A_670 : vector<16xf32>
        %add3A_672 = arith.constant 8 : i32
        %add3A_673 = arith.addi %mul3A_194, %add3A_672 : i32
        %get3A_674 = arith.index_cast %add3A_673 : i32 to index
        %get3A_675 = arith.constant 48 : index
        %get3A_676 = tpu.vector_load %arg6[%get3A_674, %get3A_675] {strides = array<i32>} : memref<320x128xf32, #tpu.memory_space<vmem>>, vector<1x16xf32>,
        %get3A_677 = vector.shape_cast %get3A_676 : vector<1x16xf32> to vector<16xf32>
        %add3A_678 = arith.addf %add3A_671, %get3A_677 : vector<16xf32>
        %add3A_679 = arith.constant 9 : i32
        %add3A_680 = arith.addi %mul3A_194, %add3A_679 : i32
        %get3A_681 = arith.index_cast %add3A_680 : i32 to index
        %get3A_682 = arith.constant 48 : index
        %get3A_683 = tpu.vector_load %arg6[%get3A_681, %get3A_682] {strides = array<i32>} : memref<320x128xf32, #tpu.memory_space<vmem>>, vector<1x16xf32>,
        %get3A_684 = vector.shape_cast %get3A_683 : vector<1x16xf32> to vector<16xf32>
        %add3A_685 = arith.addf %add3A_678, %get3A_684 : vector<16xf32>
        %add3A_686 = arith.constant 10 : i32
        %add3A_687 = arith.addi %mul3A_194, %add3A_686 : i32
        %get3A_688 = arith.index_cast %add3A_687 : i32 to index
        %get3A_689 = arith.constant 48 : index
        %get3A_690 = tpu.vector_load %arg6[%get3A_688, %get3A_689] {strides = array<i32>} : memref<320x128xf32, #tpu.memory_space<vmem>>, vector<1x16xf32>,
        %get3A_691 = vector.shape_cast %get3A_690 : vector<1x16xf32> to vector<16xf32>
        %add3A_692 = arith.addf %add3A_685, %get3A_691 : vector<16xf32>
        %add3A_693 = arith.constant 11 : i32
        %add3A_694 = arith.addi %mul3A_194, %add3A_693 : i32
        %get3A_695 = arith.index_cast %add3A_694 : i32 to index
        %get3A_696 = arith.constant 48 : index
        %get3A_697 = tpu.vector_load %arg6[%get3A_695, %get3A_696] {strides = array<i32>} : memref<320x128xf32, #tpu.memory_space<vmem>>, vector<1x16xf32>,
        %get3A_698 = vector.shape_cast %get3A_697 : vector<1x16xf32> to vector<16xf32>
        %add3A_699 = arith.addf %add3A_692, %get3A_698 : vector<16xf32>
        %add3A_700 = arith.constant 12 : i32
        %add3A_701 = arith.addi %mul3A_194, %add3A_700 : i32
        %get3A_702 = arith.index_cast %add3A_701 : i32 to index
        %get3A_703 = arith.constant 48 : index
        %get3A_704 = tpu.vector_load %arg6[%get3A_702, %get3A_703] {strides = array<i32>} : memref<320x128xf32, #tpu.memory_space<vmem>>, vector<1x16xf32>,
        %get3A_705 = vector.shape_cast %get3A_704 : vector<1x16xf32> to vector<16xf32>
        %add3A_706 = arith.addf %add3A_699, %get3A_705 : vector<16xf32>
        %add3A_707 = arith.constant 13 : i32
        %add3A_708 = arith.addi %mul3A_194, %add3A_707 : i32
        %get3A_709 = arith.index_cast %add3A_708 : i32 to index
        %get3A_710 = arith.constant 48 : index
        %get3A_711 = tpu.vector_load %arg6[%get3A_709, %get3A_710] {strides = array<i32>} : memref<320x128xf32, #tpu.memory_space<vmem>>, vector<1x16xf32>,
        %get3A_712 = vector.shape_cast %get3A_711 : vector<1x16xf32> to vector<16xf32>
        %add3A_713 = arith.addf %add3A_706, %get3A_712 : vector<16xf32>
        %add3A_714 = arith.constant 14 : i32
        %add3A_715 = arith.addi %mul3A_194, %add3A_714 : i32
        %get3A_716 = arith.index_cast %add3A_715 : i32 to index
        %get3A_717 = arith.constant 48 : index
        %get3A_718 = tpu.vector_load %arg6[%get3A_716, %get3A_717] {strides = array<i32>} : memref<320x128xf32, #tpu.memory_space<vmem>>, vector<1x16xf32>,
        %get3A_719 = vector.shape_cast %get3A_718 : vector<1x16xf32> to vector<16xf32>
        %add3A_720 = arith.addf %add3A_713, %get3A_719 : vector<16xf32>
        %add3A_721 = arith.constant 15 : i32
        %add3A_722 = arith.addi %mul3A_194, %add3A_721 : i32
        %get3A_723 = arith.index_cast %add3A_722 : i32 to index
        %get3A_724 = arith.constant 48 : index
        %get3A_725 = tpu.vector_load %arg6[%get3A_723, %get3A_724] {strides = array<i32>} : memref<320x128xf32, #tpu.memory_space<vmem>>, vector<1x16xf32>,
        %get3A_726 = vector.shape_cast %get3A_725 : vector<1x16xf32> to vector<16xf32>
        %add3A_727 = arith.addf %add3A_720, %get3A_726 : vector<16xf32>
        %add3A_728 = arith.constant 16 : i32
        %add3A_729 = arith.addi %mul3A_194, %add3A_728 : i32
        %get3A_730 = arith.index_cast %add3A_729 : i32 to index
        %get3A_731 = arith.constant 48 : index
        %get3A_732 = tpu.vector_load %arg6[%get3A_730, %get3A_731] {strides = array<i32>} : memref<320x128xf32, #tpu.memory_space<vmem>>, vector<1x16xf32>,
        %get3A_733 = vector.shape_cast %get3A_732 : vector<1x16xf32> to vector<16xf32>
        %add3A_734 = arith.addf %add3A_727, %get3A_733 : vector<16xf32>
        %add3A_735 = arith.constant 17 : i32
        %add3A_736 = arith.addi %mul3A_194, %add3A_735 : i32
        %get3A_737 = arith.index_cast %add3A_736 : i32 to index
        %get3A_738 = arith.constant 48 : index
        %get3A_739 = tpu.vector_load %arg6[%get3A_737, %get3A_738] {strides = array<i32>} : memref<320x128xf32, #tpu.memory_space<vmem>>, vector<1x16xf32>,
        %get3A_740 = vector.shape_cast %get3A_739 : vector<1x16xf32> to vector<16xf32>
        %add3A_741 = arith.addf %add3A_734, %get3A_740 : vector<16xf32>
        %add3A_742 = arith.constant 18 : i32
        %add3A_743 = arith.addi %mul3A_194, %add3A_742 : i32
        %get3A_744 = arith.index_cast %add3A_743 : i32 to index
        %get3A_745 = arith.constant 48 : index
        %get3A_746 = tpu.vector_load %arg6[%get3A_744, %get3A_745] {strides = array<i32>} : memref<320x128xf32, #tpu.memory_space<vmem>>, vector<1x16xf32>,
        %get3A_747 = vector.shape_cast %get3A_746 : vector<1x16xf32> to vector<16xf32>
        %add3A_748 = arith.addf %add3A_741, %get3A_747 : vector<16xf32>
        %add3A_749 = arith.constant 19 : i32
        %add3A_750 = arith.addi %mul3A_194, %add3A_749 : i32
        %get3A_751 = arith.index_cast %add3A_750 : i32 to index
        %get3A_752 = arith.constant 48 : index
        %get3A_753 = tpu.vector_load %arg6[%get3A_751, %get3A_752] {strides = array<i32>} : memref<320x128xf32, #tpu.memory_space<vmem>>, vector<1x16xf32>,
        %get3A_754 = vector.shape_cast %get3A_753 : vector<1x16xf32> to vector<16xf32>
        %add3A_755 = arith.addf %add3A_748, %get3A_754 : vector<16xf32>
        %swap3A_756 = arith.index_cast %scan3A_192 : i32 to index
        %swap3A_757 = arith.constant 48 : index
        %swap3A_758 = tpu.vector_load %arg8[%swap3A_756, %swap3A_757] {strides = array<i32>} : memref<16x128xf32, #tpu.memory_space<vmem>>, vector<1x16xf32>,
        %swap3A_759 = vector.shape_cast %swap3A_758 : vector<1x16xf32> to vector<16xf32>
        %swap3A_760 = vector.shape_cast %add3A_755 : vector<16xf32> to vector<1x16xf32>
        tpu.vector_store %arg8[%swap3A_756, %swap3A_757], %swap3A_760 {strides = array<i32>} : memref<16x128xf32, #tpu.memory_space<vmem>>, vector<1x16xf32>,
        %get3A_761 = arith.index_cast %mul3A_194 : i32 to index
        %get3A_762 = arith.constant 64 : index
        %get3A_763 = tpu.vector_load %arg6[%get3A_761, %get3A_762] {strides = array<i32>} : memref<320x128xf32, #tpu.memory_space<vmem>>, vector<1x16xf32>,
        %get3A_764 = vector.shape_cast %get3A_763 : vector<1x16xf32> to vector<16xf32>
        %add3A_765 = arith.constant 1 : i32
        %add3A_766 = arith.addi %mul3A_194, %add3A_765 : i32
        %get3A_767 = arith.index_cast %add3A_766 : i32 to index
        %get3A_768 = arith.constant 64 : index
        %get3A_769 = tpu.vector_load %arg6[%get3A_767, %get3A_768] {strides = array<i32>} : memref<320x128xf32, #tpu.memory_space<vmem>>, vector<1x16xf32>,
        %get3A_770 = vector.shape_cast %get3A_769 : vector<1x16xf32> to vector<16xf32>
        %add3A_771 = arith.addf %get3A_764, %get3A_770 : vector<16xf32>
        %add3A_772 = arith.constant 2 : i32
        %add3A_773 = arith.addi %mul3A_194, %add3A_772 : i32
        %get3A_774 = arith.index_cast %add3A_773 : i32 to index
        %get3A_775 = arith.constant 64 : index
        %get3A_776 = tpu.vector_load %arg6[%get3A_774, %get3A_775] {strides = array<i32>} : memref<320x128xf32, #tpu.memory_space<vmem>>, vector<1x16xf32>,
        %get3A_777 = vector.shape_cast %get3A_776 : vector<1x16xf32> to vector<16xf32>
        %add3A_778 = arith.addf %add3A_771, %get3A_777 : vector<16xf32>
        %add3A_779 = arith.constant 3 : i32
        %add3A_780 = arith.addi %mul3A_194, %add3A_779 : i32
        %get3A_781 = arith.index_cast %add3A_780 : i32 to index
        %get3A_782 = arith.constant 64 : index
        %get3A_783 = tpu.vector_load %arg6[%get3A_781, %get3A_782] {strides = array<i32>} : memref<320x128xf32, #tpu.memory_space<vmem>>, vector<1x16xf32>,
        %get3A_784 = vector.shape_cast %get3A_783 : vector<1x16xf32> to vector<16xf32>
        %add3A_785 = arith.addf %add3A_778, %get3A_784 : vector<16xf32>
        %add3A_786 = arith.constant 4 : i32
        %add3A_787 = arith.addi %mul3A_194, %add3A_786 : i32
        %get3A_788 = arith.index_cast %add3A_787 : i32 to index
        %get3A_789 = arith.constant 64 : index
        %get3A_790 = tpu.vector_load %arg6[%get3A_788, %get3A_789] {strides = array<i32>} : memref<320x128xf32, #tpu.memory_space<vmem>>, vector<1x16xf32>,
        %get3A_791 = vector.shape_cast %get3A_790 : vector<1x16xf32> to vector<16xf32>
        %add3A_792 = arith.addf %add3A_785, %get3A_791 : vector<16xf32>
        %add3A_793 = arith.constant 5 : i32
        %add3A_794 = arith.addi %mul3A_194, %add3A_793 : i32
        %get3A_795 = arith.index_cast %add3A_794 : i32 to index
        %get3A_796 = arith.constant 64 : index
        %get3A_797 = tpu.vector_load %arg6[%get3A_795, %get3A_796] {strides = array<i32>} : memref<320x128xf32, #tpu.memory_space<vmem>>, vector<1x16xf32>,
        %get3A_798 = vector.shape_cast %get3A_797 : vector<1x16xf32> to vector<16xf32>
        %add3A_799 = arith.addf %add3A_792, %get3A_798 : vector<16xf32>
        %add3A_800 = arith.constant 6 : i32
        %add3A_801 = arith.addi %mul3A_194, %add3A_800 : i32
        %get3A_802 = arith.index_cast %add3A_801 : i32 to index
        %get3A_803 = arith.constant 64 : index
        %get3A_804 = tpu.vector_load %arg6[%get3A_802, %get3A_803] {strides = array<i32>} : memref<320x128xf32, #tpu.memory_space<vmem>>, vector<1x16xf32>,
        %get3A_805 = vector.shape_cast %get3A_804 : vector<1x16xf32> to vector<16xf32>
        %add3A_806 = arith.addf %add3A_799, %get3A_805 : vector<16xf32>
        %add3A_807 = arith.constant 7 : i32
        %add3A_808 = arith.addi %mul3A_194, %add3A_807 : i32
        %get3A_809 = arith.index_cast %add3A_808 : i32 to index
        %get3A_810 = arith.constant 64 : index
        %get3A_811 = tpu.vector_load %arg6[%get3A_809, %get3A_810] {strides = array<i32>} : memref<320x128xf32, #tpu.memory_space<vmem>>, vector<1x16xf32>,
        %get3A_812 = vector.shape_cast %get3A_811 : vector<1x16xf32> to vector<16xf32>
        %add3A_813 = arith.addf %add3A_806, %get3A_812 : vector<16xf32>
        %add3A_814 = arith.constant 8 : i32
        %add3A_815 = arith.addi %mul3A_194, %add3A_814 : i32
        %get3A_816 = arith.index_cast %add3A_815 : i32 to index
        %get3A_817 = arith.constant 64 : index
        %get3A_818 = tpu.vector_load %arg6[%get3A_816, %get3A_817] {strides = array<i32>} : memref<320x128xf32, #tpu.memory_space<vmem>>, vector<1x16xf32>,
        %get3A_819 = vector.shape_cast %get3A_818 : vector<1x16xf32> to vector<16xf32>
        %add3A_820 = arith.addf %add3A_813, %get3A_819 : vector<16xf32>
        %add3A_821 = arith.constant 9 : i32
        %add3A_822 = arith.addi %mul3A_194, %add3A_821 : i32
        %get3A_823 = arith.index_cast %add3A_822 : i32 to index
        %get3A_824 = arith.constant 64 : index
        %get3A_825 = tpu.vector_load %arg6[%get3A_823, %get3A_824] {strides = array<i32>} : memref<320x128xf32, #tpu.memory_space<vmem>>, vector<1x16xf32>,
        %get3A_826 = vector.shape_cast %get3A_825 : vector<1x16xf32> to vector<16xf32>
        %add3A_827 = arith.addf %add3A_820, %get3A_826 : vector<16xf32>
        %add3A_828 = arith.constant 10 : i32
        %add3A_829 = arith.addi %mul3A_194, %add3A_828 : i32
        %get3A_830 = arith.index_cast %add3A_829 : i32 to index
        %get3A_831 = arith.constant 64 : index
        %get3A_832 = tpu.vector_load %arg6[%get3A_830, %get3A_831] {strides = array<i32>} : memref<320x128xf32, #tpu.memory_space<vmem>>, vector<1x16xf32>,
        %get3A_833 = vector.shape_cast %get3A_832 : vector<1x16xf32> to vector<16xf32>
        %add3A_834 = arith.addf %add3A_827, %get3A_833 : vector<16xf32>
        %add3A_835 = arith.constant 11 : i32
        %add3A_836 = arith.addi %mul3A_194, %add3A_835 : i32
        %get3A_837 = arith.index_cast %add3A_836 : i32 to index
        %get3A_838 = arith.constant 64 : index
        %get3A_839 = tpu.vector_load %arg6[%get3A_837, %get3A_838] {strides = array<i32>} : memref<320x128xf32, #tpu.memory_space<vmem>>, vector<1x16xf32>,
        %get3A_840 = vector.shape_cast %get3A_839 : vector<1x16xf32> to vector<16xf32>
        %add3A_841 = arith.addf %add3A_834, %get3A_840 : vector<16xf32>
        %add3A_842 = arith.constant 12 : i32
        %add3A_843 = arith.addi %mul3A_194, %add3A_842 : i32
        %get3A_844 = arith.index_cast %add3A_843 : i32 to index
        %get3A_845 = arith.constant 64 : index
        %get3A_846 = tpu.vector_load %arg6[%get3A_844, %get3A_845] {strides = array<i32>} : memref<320x128xf32, #tpu.memory_space<vmem>>, vector<1x16xf32>,
        %get3A_847 = vector.shape_cast %get3A_846 : vector<1x16xf32> to vector<16xf32>
        %add3A_848 = arith.addf %add3A_841, %get3A_847 : vector<16xf32>
        %add3A_849 = arith.constant 13 : i32
        %add3A_850 = arith.addi %mul3A_194, %add3A_849 : i32
        %get3A_851 = arith.index_cast %add3A_850 : i32 to index
        %get3A_852 = arith.constant 64 : index
        %get3A_853 = tpu.vector_load %arg6[%get3A_851, %get3A_852] {strides = array<i32>} : memref<320x128xf32, #tpu.memory_space<vmem>>, vector<1x16xf32>,
        %get3A_854 = vector.shape_cast %get3A_853 : vector<1x16xf32> to vector<16xf32>
        %add3A_855 = arith.addf %add3A_848, %get3A_854 : vector<16xf32>
        %add3A_856 = arith.constant 14 : i32
        %add3A_857 = arith.addi %mul3A_194, %add3A_856 : i32
        %get3A_858 = arith.index_cast %add3A_857 : i32 to index
        %get3A_859 = arith.constant 64 : index
        %get3A_860 = tpu.vector_load %arg6[%get3A_858, %get3A_859] {strides = array<i32>} : memref<320x128xf32, #tpu.memory_space<vmem>>, vector<1x16xf32>,
        %get3A_861 = vector.shape_cast %get3A_860 : vector<1x16xf32> to vector<16xf32>
        %add3A_862 = arith.addf %add3A_855, %get3A_861 : vector<16xf32>
        %add3A_863 = arith.constant 15 : i32
        %add3A_864 = arith.addi %mul3A_194, %add3A_863 : i32
        %get3A_865 = arith.index_cast %add3A_864 : i32 to index
        %get3A_866 = arith.constant 64 : index
        %get3A_867 = tpu.vector_load %arg6[%get3A_865, %get3A_866] {strides = array<i32>} : memref<320x128xf32, #tpu.memory_space<vmem>>, vector<1x16xf32>,
        %get3A_868 = vector.shape_cast %get3A_867 : vector<1x16xf32> to vector<16xf32>
        %add3A_869 = arith.addf %add3A_862, %get3A_868 : vector<16xf32>
        %add3A_870 = arith.constant 16 : i32
        %add3A_871 = arith.addi %mul3A_194, %add3A_870 : i32
        %get3A_872 = arith.index_cast %add3A_871 : i32 to index
        %get3A_873 = arith.constant 64 : index
        %get3A_874 = tpu.vector_load %arg6[%get3A_872, %get3A_873] {strides = array<i32>} : memref<320x128xf32, #tpu.memory_space<vmem>>, vector<1x16xf32>,
        %get3A_875 = vector.shape_cast %get3A_874 : vector<1x16xf32> to vector<16xf32>
        %add3A_876 = arith.addf %add3A_869, %get3A_875 : vector<16xf32>
        %add3A_877 = arith.constant 17 : i32
        %add3A_878 = arith.addi %mul3A_194, %add3A_877 : i32
        %get3A_879 = arith.index_cast %add3A_878 : i32 to index
        %get3A_880 = arith.constant 64 : index
        %get3A_881 = tpu.vector_load %arg6[%get3A_879, %get3A_880] {strides = array<i32>} : memref<320x128xf32, #tpu.memory_space<vmem>>, vector<1x16xf32>,
        %get3A_882 = vector.shape_cast %get3A_881 : vector<1x16xf32> to vector<16xf32>
        %add3A_883 = arith.addf %add3A_876, %get3A_882 : vector<16xf32>
        %add3A_884 = arith.constant 18 : i32
        %add3A_885 = arith.addi %mul3A_194, %add3A_884 : i32
        %get3A_886 = arith.index_cast %add3A_885 : i32 to index
        %get3A_887 = arith.constant 64 : index
        %get3A_888 = tpu.vector_load %arg6[%get3A_886, %get3A_887] {strides = array<i32>} : memref<320x128xf32, #tpu.memory_space<vmem>>, vector<1x16xf32>,
        %get3A_889 = vector.shape_cast %get3A_888 : vector<1x16xf32> to vector<16xf32>
        %add3A_890 = arith.addf %add3A_883, %get3A_889 : vector<16xf32>
        %add3A_891 = arith.constant 19 : i32
        %add3A_892 = arith.addi %mul3A_194, %add3A_891 : i32
        %get3A_893 = arith.index_cast %add3A_892 : i32 to index
        %get3A_894 = arith.constant 64 : index
        %get3A_895 = tpu.vector_load %arg6[%get3A_893, %get3A_894] {strides = array<i32>} : memref<320x128xf32, #tpu.memory_space<vmem>>, vector<1x16xf32>,
        %get3A_896 = vector.shape_cast %get3A_895 : vector<1x16xf32> to vector<16xf32>
        %add3A_897 = arith.addf %add3A_890, %get3A_896 : vector<16xf32>
        %swap3A_898 = arith.index_cast %scan3A_192 : i32 to index
        %swap3A_899 = arith.constant 64 : index
        %swap3A_900 = tpu.vector_load %arg8[%swap3A_898, %swap3A_899] {strides = array<i32>} : memref<16x128xf32, #tpu.memory_space<vmem>>, vector<1x16xf32>,
        %swap3A_901 = vector.shape_cast %swap3A_900 : vector<1x16xf32> to vector<16xf32>
        %swap3A_902 = vector.shape_cast %add3A_897 : vector<16xf32> to vector<1x16xf32>
        tpu.vector_store %arg8[%swap3A_898, %swap3A_899], %swap3A_902 {strides = array<i32>} : memref<16x128xf32, #tpu.memory_space<vmem>>, vector<1x16xf32>,
        %get3A_903 = arith.index_cast %mul3A_194 : i32 to index
        %get3A_904 = arith.constant 80 : index
        %get3A_905 = tpu.vector_load %arg6[%get3A_903, %get3A_904] {strides = array<i32>} : memref<320x128xf32, #tpu.memory_space<vmem>>, vector<1x16xf32>,
        %get3A_906 = vector.shape_cast %get3A_905 : vector<1x16xf32> to vector<16xf32>
        %add3A_907 = arith.constant 1 : i32
        %add3A_908 = arith.addi %mul3A_194, %add3A_907 : i32
        %get3A_909 = arith.index_cast %add3A_908 : i32 to index
        %get3A_910 = arith.constant 80 : index
        %get3A_911 = tpu.vector_load %arg6[%get3A_909, %get3A_910] {strides = array<i32>} : memref<320x128xf32, #tpu.memory_space<vmem>>, vector<1x16xf32>,
        %get3A_912 = vector.shape_cast %get3A_911 : vector<1x16xf32> to vector<16xf32>
        %add3A_913 = arith.addf %get3A_906, %get3A_912 : vector<16xf32>
        %add3A_914 = arith.constant 2 : i32
        %add3A_915 = arith.addi %mul3A_194, %add3A_914 : i32
        %get3A_916 = arith.index_cast %add3A_915 : i32 to index
        %get3A_917 = arith.constant 80 : index
        %get3A_918 = tpu.vector_load %arg6[%get3A_916, %get3A_917] {strides = array<i32>} : memref<320x128xf32, #tpu.memory_space<vmem>>, vector<1x16xf32>,
        %get3A_919 = vector.shape_cast %get3A_918 : vector<1x16xf32> to vector<16xf32>
        %add3A_920 = arith.addf %add3A_913, %get3A_919 : vector<16xf32>
        %add3A_921 = arith.constant 3 : i32
        %add3A_922 = arith.addi %mul3A_194, %add3A_921 : i32
        %get3A_923 = arith.index_cast %add3A_922 : i32 to index
        %get3A_924 = arith.constant 80 : index
        %get3A_925 = tpu.vector_load %arg6[%get3A_923, %get3A_924] {strides = array<i32>} : memref<320x128xf32, #tpu.memory_space<vmem>>, vector<1x16xf32>,
        %get3A_926 = vector.shape_cast %get3A_925 : vector<1x16xf32> to vector<16xf32>
        %add3A_927 = arith.addf %add3A_920, %get3A_926 : vector<16xf32>
        %add3A_928 = arith.constant 4 : i32
        %add3A_929 = arith.addi %mul3A_194, %add3A_928 : i32
        %get3A_930 = arith.index_cast %add3A_929 : i32 to index
        %get3A_931 = arith.constant 80 : index
        %get3A_932 = tpu.vector_load %arg6[%get3A_930, %get3A_931] {strides = array<i32>} : memref<320x128xf32, #tpu.memory_space<vmem>>, vector<1x16xf32>,
        %get3A_933 = vector.shape_cast %get3A_932 : vector<1x16xf32> to vector<16xf32>
        %add3A_934 = arith.addf %add3A_927, %get3A_933 : vector<16xf32>
        %add3A_935 = arith.constant 5 : i32
        %add3A_936 = arith.addi %mul3A_194, %add3A_935 : i32
        %get3A_937 = arith.index_cast %add3A_936 : i32 to index
        %get3A_938 = arith.constant 80 : index
        %get3A_939 = tpu.vector_load %arg6[%get3A_937, %get3A_938] {strides = array<i32>} : memref<320x128xf32, #tpu.memory_space<vmem>>, vector<1x16xf32>,
        %get3A_940 = vector.shape_cast %get3A_939 : vector<1x16xf32> to vector<16xf32>
        %add3A_941 = arith.addf %add3A_934, %get3A_940 : vector<16xf32>
        %add3A_942 = arith.constant 6 : i32
        %add3A_943 = arith.addi %mul3A_194, %add3A_942 : i32
        %get3A_944 = arith.index_cast %add3A_943 : i32 to index
        %get3A_945 = arith.constant 80 : index
        %get3A_946 = tpu.vector_load %arg6[%get3A_944, %get3A_945] {strides = array<i32>} : memref<320x128xf32, #tpu.memory_space<vmem>>, vector<1x16xf32>,
        %get3A_947 = vector.shape_cast %get3A_946 : vector<1x16xf32> to vector<16xf32>
        %add3A_948 = arith.addf %add3A_941, %get3A_947 : vector<16xf32>
        %add3A_949 = arith.constant 7 : i32
        %add3A_950 = arith.addi %mul3A_194, %add3A_949 : i32
        %get3A_951 = arith.index_cast %add3A_950 : i32 to index
        %get3A_952 = arith.constant 80 : index
        %get3A_953 = tpu.vector_load %arg6[%get3A_951, %get3A_952] {strides = array<i32>} : memref<320x128xf32, #tpu.memory_space<vmem>>, vector<1x16xf32>,
        %get3A_954 = vector.shape_cast %get3A_953 : vector<1x16xf32> to vector<16xf32>
        %add3A_955 = arith.addf %add3A_948, %get3A_954 : vector<16xf32>
        %add3A_956 = arith.constant 8 : i32
        %add3A_957 = arith.addi %mul3A_194, %add3A_956 : i32
        %get3A_958 = arith.index_cast %add3A_957 : i32 to index
        %get3A_959 = arith.constant 80 : index
        %get3A_960 = tpu.vector_load %arg6[%get3A_958, %get3A_959] {strides = array<i32>} : memref<320x128xf32, #tpu.memory_space<vmem>>, vector<1x16xf32>,
        %get3A_961 = vector.shape_cast %get3A_960 : vector<1x16xf32> to vector<16xf32>
        %add3A_962 = arith.addf %add3A_955, %get3A_961 : vector<16xf32>
        %add3A_963 = arith.constant 9 : i32
        %add3A_964 = arith.addi %mul3A_194, %add3A_963 : i32
        %get3A_965 = arith.index_cast %add3A_964 : i32 to index
        %get3A_966 = arith.constant 80 : index
        %get3A_967 = tpu.vector_load %arg6[%get3A_965, %get3A_966] {strides = array<i32>} : memref<320x128xf32, #tpu.memory_space<vmem>>, vector<1x16xf32>,
        %get3A_968 = vector.shape_cast %get3A_967 : vector<1x16xf32> to vector<16xf32>
        %add3A_969 = arith.addf %add3A_962, %get3A_968 : vector<16xf32>
        %add3A_970 = arith.constant 10 : i32
        %add3A_971 = arith.addi %mul3A_194, %add3A_970 : i32
        %get3A_972 = arith.index_cast %add3A_971 : i32 to index
        %get3A_973 = arith.constant 80 : index
        %get3A_974 = tpu.vector_load %arg6[%get3A_972, %get3A_973] {strides = array<i32>} : memref<320x128xf32, #tpu.memory_space<vmem>>, vector<1x16xf32>,
        %get3A_975 = vector.shape_cast %get3A_974 : vector<1x16xf32> to vector<16xf32>
        %add3A_976 = arith.addf %add3A_969, %get3A_975 : vector<16xf32>
        %add3A_977 = arith.constant 11 : i32
        %add3A_978 = arith.addi %mul3A_194, %add3A_977 : i32
        %get3A_979 = arith.index_cast %add3A_978 : i32 to index
        %get3A_980 = arith.constant 80 : index
        %get3A_981 = tpu.vector_load %arg6[%get3A_979, %get3A_980] {strides = array<i32>} : memref<320x128xf32, #tpu.memory_space<vmem>>, vector<1x16xf32>,
        %get3A_982 = vector.shape_cast %get3A_981 : vector<1x16xf32> to vector<16xf32>
        %add3A_983 = arith.addf %add3A_976, %get3A_982 : vector<16xf32>
        %add3A_984 = arith.constant 12 : i32
        %add3A_985 = arith.addi %mul3A_194, %add3A_984 : i32
        %get3A_986 = arith.index_cast %add3A_985 : i32 to index
        %get3A_987 = arith.constant 80 : index
        %get3A_988 = tpu.vector_load %arg6[%get3A_986, %get3A_987] {strides = array<i32>} : memref<320x128xf32, #tpu.memory_space<vmem>>, vector<1x16xf32>,
        %get3A_989 = vector.shape_cast %get3A_988 : vector<1x16xf32> to vector<16xf32>
        %add3A_990 = arith.addf %add3A_983, %get3A_989 : vector<16xf32>
        %add3A_991 = arith.constant 13 : i32
        %add3A_992 = arith.addi %mul3A_194, %add3A_991 : i32
        %get3A_993 = arith.index_cast %add3A_992 : i32 to index
        %get3A_994 = arith.constant 80 : index
        %get3A_995 = tpu.vector_load %arg6[%get3A_993, %get3A_994] {strides = array<i32>} : memref<320x128xf32, #tpu.memory_space<vmem>>, vector<1x16xf32>,
        %get3A_996 = vector.shape_cast %get3A_995 : vector<1x16xf32> to vector<16xf32>
        %add3A_997 = arith.addf %add3A_990, %get3A_996 : vector<16xf32>
        %add3A_998 = arith.constant 14 : i32
        %add3A_999 = arith.addi %mul3A_194, %add3A_998 : i32
        %get3A_1000 = arith.index_cast %add3A_999 : i32 to index
        %get3A_1001 = arith.constant 80 : index
        %get3A_1002 = tpu.vector_load %arg6[%get3A_1000, %get3A_1001] {strides = array<i32>} : memref<320x128xf32, #tpu.memory_space<vmem>>, vector<1x16xf32>,
        %get3A_1003 = vector.shape_cast %get3A_1002 : vector<1x16xf32> to vector<16xf32>
        %add3A_1004 = arith.addf %add3A_997, %get3A_1003 : vector<16xf32>
        %add3A_1005 = arith.constant 15 : i32
        %add3A_1006 = arith.addi %mul3A_194, %add3A_1005 : i32
        %get3A_1007 = arith.index_cast %add3A_1006 : i32 to index
        %get3A_1008 = arith.constant 80 : index
        %get3A_1009 = tpu.vector_load %arg6[%get3A_1007, %get3A_1008] {strides = array<i32>} : memref<320x128xf32, #tpu.memory_space<vmem>>, vector<1x16xf32>,
        %get3A_1010 = vector.shape_cast %get3A_1009 : vector<1x16xf32> to vector<16xf32>
        %add3A_1011 = arith.addf %add3A_1004, %get3A_1010 : vector<16xf32>
        %add3A_1012 = arith.constant 16 : i32
        %add3A_1013 = arith.addi %mul3A_194, %add3A_1012 : i32
        %get3A_1014 = arith.index_cast %add3A_1013 : i32 to index
        %get3A_1015 = arith.constant 80 : index
        %get3A_1016 = tpu.vector_load %arg6[%get3A_1014, %get3A_1015] {strides = array<i32>} : memref<320x128xf32, #tpu.memory_space<vmem>>, vector<1x16xf32>,
        %get3A_1017 = vector.shape_cast %get3A_1016 : vector<1x16xf32> to vector<16xf32>
        %add3A_1018 = arith.addf %add3A_1011, %get3A_1017 : vector<16xf32>
        %add3A_1019 = arith.constant 17 : i32
        %add3A_1020 = arith.addi %mul3A_194, %add3A_1019 : i32
        %get3A_1021 = arith.index_cast %add3A_1020 : i32 to index
        %get3A_1022 = arith.constant 80 : index
        %get3A_1023 = tpu.vector_load %arg6[%get3A_1021, %get3A_1022] {strides = array<i32>} : memref<320x128xf32, #tpu.memory_space<vmem>>, vector<1x16xf32>,
        %get3A_1024 = vector.shape_cast %get3A_1023 : vector<1x16xf32> to vector<16xf32>
        %add3A_1025 = arith.addf %add3A_1018, %get3A_1024 : vector<16xf32>
        %add3A_1026 = arith.constant 18 : i32
        %add3A_1027 = arith.addi %mul3A_194, %add3A_1026 : i32
        %get3A_1028 = arith.index_cast %add3A_1027 : i32 to index
        %get3A_1029 = arith.constant 80 : index
        %get3A_1030 = tpu.vector_load %arg6[%get3A_1028, %get3A_1029] {strides = array<i32>} : memref<320x128xf32, #tpu.memory_space<vmem>>, vector<1x16xf32>,
        %get3A_1031 = vector.shape_cast %get3A_1030 : vector<1x16xf32> to vector<16xf32>
        %add3A_1032 = arith.addf %add3A_1025, %get3A_1031 : vector<16xf32>
        %add3A_1033 = arith.constant 19 : i32
        %add3A_1034 = arith.addi %mul3A_194, %add3A_1033 : i32
        %get3A_1035 = arith.index_cast %add3A_1034 : i32 to index
        %get3A_1036 = arith.constant 80 : index
        %get3A_1037 = tpu.vector_load %arg6[%get3A_1035, %get3A_1036] {strides = array<i32>} : memref<320x128xf32, #tpu.memory_space<vmem>>, vector<1x16xf32>,
        %get3A_1038 = vector.shape_cast %get3A_1037 : vector<1x16xf32> to vector<16xf32>
        %add3A_1039 = arith.addf %add3A_1032, %get3A_1038 : vector<16xf32>
        %swap3A_1040 = arith.index_cast %scan3A_192 : i32 to index
        %swap3A_1041 = arith.constant 80 : index
        %swap3A_1042 = tpu.vector_load %arg8[%swap3A_1040, %swap3A_1041] {strides = array<i32>} : memref<16x128xf32, #tpu.memory_space<vmem>>, vector<1x16xf32>,
        %swap3A_1043 = vector.shape_cast %swap3A_1042 : vector<1x16xf32> to vector<16xf32>
        %swap3A_1044 = vector.shape_cast %add3A_1039 : vector<16xf32> to vector<1x16xf32>
        tpu.vector_store %arg8[%swap3A_1040, %swap3A_1041], %swap3A_1044 {strides = array<i32>} : memref<16x128xf32, #tpu.memory_space<vmem>>, vector<1x16xf32>,
        %get3A_1045 = arith.index_cast %mul3A_194 : i32 to index
        %get3A_1046 = arith.constant 96 : index
        %get3A_1047 = tpu.vector_load %arg6[%get3A_1045, %get3A_1046] {strides = array<i32>} : memref<320x128xf32, #tpu.memory_space<vmem>>, vector<1x16xf32>,
        %get3A_1048 = vector.shape_cast %get3A_1047 : vector<1x16xf32> to vector<16xf32>
        %add3A_1049 = arith.constant 1 : i32
        %add3A_1050 = arith.addi %mul3A_194, %add3A_1049 : i32
        %get3A_1051 = arith.index_cast %add3A_1050 : i32 to index
        %get3A_1052 = arith.constant 96 : index
        %get3A_1053 = tpu.vector_load %arg6[%get3A_1051, %get3A_1052] {strides = array<i32>} : memref<320x128xf32, #tpu.memory_space<vmem>>, vector<1x16xf32>,
        %get3A_1054 = vector.shape_cast %get3A_1053 : vector<1x16xf32> to vector<16xf32>
        %add3A_1055 = arith.addf %get3A_1048, %get3A_1054 : vector<16xf32>
        %add3A_1056 = arith.constant 2 : i32
        %add3A_1057 = arith.addi %mul3A_194, %add3A_1056 : i32
        %get3A_1058 = arith.index_cast %add3A_1057 : i32 to index
        %get3A_1059 = arith.constant 96 : index
        %get3A_1060 = tpu.vector_load %arg6[%get3A_1058, %get3A_1059] {strides = array<i32>} : memref<320x128xf32, #tpu.memory_space<vmem>>, vector<1x16xf32>,
        %get3A_1061 = vector.shape_cast %get3A_1060 : vector<1x16xf32> to vector<16xf32>
        %add3A_1062 = arith.addf %add3A_1055, %get3A_1061 : vector<16xf32>
        %add3A_1063 = arith.constant 3 : i32
        %add3A_1064 = arith.addi %mul3A_194, %add3A_1063 : i32
        %get3A_1065 = arith.index_cast %add3A_1064 : i32 to index
        %get3A_1066 = arith.constant 96 : index
        %get3A_1067 = tpu.vector_load %arg6[%get3A_1065, %get3A_1066] {strides = array<i32>} : memref<320x128xf32, #tpu.memory_space<vmem>>, vector<1x16xf32>,
        %get3A_1068 = vector.shape_cast %get3A_1067 : vector<1x16xf32> to vector<16xf32>
        %add3A_1069 = arith.addf %add3A_1062, %get3A_1068 : vector<16xf32>
        %add3A_1070 = arith.constant 4 : i32
        %add3A_1071 = arith.addi %mul3A_194, %add3A_1070 : i32
        %get3A_1072 = arith.index_cast %add3A_1071 : i32 to index
        %get3A_1073 = arith.constant 96 : index
        %get3A_1074 = tpu.vector_load %arg6[%get3A_1072, %get3A_1073] {strides = array<i32>} : memref<320x128xf32, #tpu.memory_space<vmem>>, vector<1x16xf32>,
        %get3A_1075 = vector.shape_cast %get3A_1074 : vector<1x16xf32> to vector<16xf32>
        %add3A_1076 = arith.addf %add3A_1069, %get3A_1075 : vector<16xf32>
        %add3A_1077 = arith.constant 5 : i32
        %add3A_1078 = arith.addi %mul3A_194, %add3A_1077 : i32
        %get3A_1079 = arith.index_cast %add3A_1078 : i32 to index
        %get3A_1080 = arith.constant 96 : index
        %get3A_1081 = tpu.vector_load %arg6[%get3A_1079, %get3A_1080] {strides = array<i32>} : memref<320x128xf32, #tpu.memory_space<vmem>>, vector<1x16xf32>,
        %get3A_1082 = vector.shape_cast %get3A_1081 : vector<1x16xf32> to vector<16xf32>
        %add3A_1083 = arith.addf %add3A_1076, %get3A_1082 : vector<16xf32>
        %add3A_1084 = arith.constant 6 : i32
        %add3A_1085 = arith.addi %mul3A_194, %add3A_1084 : i32
        %get3A_1086 = arith.index_cast %add3A_1085 : i32 to index
        %get3A_1087 = arith.constant 96 : index
        %get3A_1088 = tpu.vector_load %arg6[%get3A_1086, %get3A_1087] {strides = array<i32>} : memref<320x128xf32, #tpu.memory_space<vmem>>, vector<1x16xf32>,
        %get3A_1089 = vector.shape_cast %get3A_1088 : vector<1x16xf32> to vector<16xf32>
        %add3A_1090 = arith.addf %add3A_1083, %get3A_1089 : vector<16xf32>
        %add3A_1091 = arith.constant 7 : i32
        %add3A_1092 = arith.addi %mul3A_194, %add3A_1091 : i32
        %get3A_1093 = arith.index_cast %add3A_1092 : i32 to index
        %get3A_1094 = arith.constant 96 : index
        %get3A_1095 = tpu.vector_load %arg6[%get3A_1093, %get3A_1094] {strides = array<i32>} : memref<320x128xf32, #tpu.memory_space<vmem>>, vector<1x16xf32>,
        %get3A_1096 = vector.shape_cast %get3A_1095 : vector<1x16xf32> to vector<16xf32>
        %add3A_1097 = arith.addf %add3A_1090, %get3A_1096 : vector<16xf32>
        %add3A_1098 = arith.constant 8 : i32
        %add3A_1099 = arith.addi %mul3A_194, %add3A_1098 : i32
        %get3A_1100 = arith.index_cast %add3A_1099 : i32 to index
        %get3A_1101 = arith.constant 96 : index
        %get3A_1102 = tpu.vector_load %arg6[%get3A_1100, %get3A_1101] {strides = array<i32>} : memref<320x128xf32, #tpu.memory_space<vmem>>, vector<1x16xf32>,
        %get3A_1103 = vector.shape_cast %get3A_1102 : vector<1x16xf32> to vector<16xf32>
        %add3A_1104 = arith.addf %add3A_1097, %get3A_1103 : vector<16xf32>
        %add3A_1105 = arith.constant 9 : i32
        %add3A_1106 = arith.addi %mul3A_194, %add3A_1105 : i32
        %get3A_1107 = arith.index_cast %add3A_1106 : i32 to index
        %get3A_1108 = arith.constant 96 : index
        %get3A_1109 = tpu.vector_load %arg6[%get3A_1107, %get3A_1108] {strides = array<i32>} : memref<320x128xf32, #tpu.memory_space<vmem>>, vector<1x16xf32>,
        %get3A_1110 = vector.shape_cast %get3A_1109 : vector<1x16xf32> to vector<16xf32>
        %add3A_1111 = arith.addf %add3A_1104, %get3A_1110 : vector<16xf32>
        %add3A_1112 = arith.constant 10 : i32
        %add3A_1113 = arith.addi %mul3A_194, %add3A_1112 : i32
        %get3A_1114 = arith.index_cast %add3A_1113 : i32 to index
        %get3A_1115 = arith.constant 96 : index
        %get3A_1116 = tpu.vector_load %arg6[%get3A_1114, %get3A_1115] {strides = array<i32>} : memref<320x128xf32, #tpu.memory_space<vmem>>, vector<1x16xf32>,
        %get3A_1117 = vector.shape_cast %get3A_1116 : vector<1x16xf32> to vector<16xf32>
        %add3A_1118 = arith.addf %add3A_1111, %get3A_1117 : vector<16xf32>
        %add3A_1119 = arith.constant 11 : i32
        %add3A_1120 = arith.addi %mul3A_194, %add3A_1119 : i32
        %get3A_1121 = arith.index_cast %add3A_1120 : i32 to index
        %get3A_1122 = arith.constant 96 : index
        %get3A_1123 = tpu.vector_load %arg6[%get3A_1121, %get3A_1122] {strides = array<i32>} : memref<320x128xf32, #tpu.memory_space<vmem>>, vector<1x16xf32>,
        %get3A_1124 = vector.shape_cast %get3A_1123 : vector<1x16xf32> to vector<16xf32>
        %add3A_1125 = arith.addf %add3A_1118, %get3A_1124 : vector<16xf32>
        %add3A_1126 = arith.constant 12 : i32
        %add3A_1127 = arith.addi %mul3A_194, %add3A_1126 : i32
        %get3A_1128 = arith.index_cast %add3A_1127 : i32 to index
        %get3A_1129 = arith.constant 96 : index
        %get3A_1130 = tpu.vector_load %arg6[%get3A_1128, %get3A_1129] {strides = array<i32>} : memref<320x128xf32, #tpu.memory_space<vmem>>, vector<1x16xf32>,
        %get3A_1131 = vector.shape_cast %get3A_1130 : vector<1x16xf32> to vector<16xf32>
        %add3A_1132 = arith.addf %add3A_1125, %get3A_1131 : vector<16xf32>
        %add3A_1133 = arith.constant 13 : i32
        %add3A_1134 = arith.addi %mul3A_194, %add3A_1133 : i32
        %get3A_1135 = arith.index_cast %add3A_1134 : i32 to index
        %get3A_1136 = arith.constant 96 : index
        %get3A_1137 = tpu.vector_load %arg6[%get3A_1135, %get3A_1136] {strides = array<i32>} : memref<320x128xf32, #tpu.memory_space<vmem>>, vector<1x16xf32>,
        %get3A_1138 = vector.shape_cast %get3A_1137 : vector<1x16xf32> to vector<16xf32>
        %add3A_1139 = arith.addf %add3A_1132, %get3A_1138 : vector<16xf32>
        %add3A_1140 = arith.constant 14 : i32
        %add3A_1141 = arith.addi %mul3A_194, %add3A_1140 : i32
        %get3A_1142 = arith.index_cast %add3A_1141 : i32 to index
        %get3A_1143 = arith.constant 96 : index
        %get3A_1144 = tpu.vector_load %arg6[%get3A_1142, %get3A_1143] {strides = array<i32>} : memref<320x128xf32, #tpu.memory_space<vmem>>, vector<1x16xf32>,
        %get3A_1145 = vector.shape_cast %get3A_1144 : vector<1x16xf32> to vector<16xf32>
        %add3A_1146 = arith.addf %add3A_1139, %get3A_1145 : vector<16xf32>
        %add3A_1147 = arith.constant 15 : i32
        %add3A_1148 = arith.addi %mul3A_194, %add3A_1147 : i32
        %get3A_1149 = arith.index_cast %add3A_1148 : i32 to index
        %get3A_1150 = arith.constant 96 : index
        %get3A_1151 = tpu.vector_load %arg6[%get3A_1149, %get3A_1150] {strides = array<i32>} : memref<320x128xf32, #tpu.memory_space<vmem>>, vector<1x16xf32>,
        %get3A_1152 = vector.shape_cast %get3A_1151 : vector<1x16xf32> to vector<16xf32>
        %add3A_1153 = arith.addf %add3A_1146, %get3A_1152 : vector<16xf32>
        %add3A_1154 = arith.constant 16 : i32
        %add3A_1155 = arith.addi %mul3A_194, %add3A_1154 : i32
        %get3A_1156 = arith.index_cast %add3A_1155 : i32 to index
        %get3A_1157 = arith.constant 96 : index
        %get3A_1158 = tpu.vector_load %arg6[%get3A_1156, %get3A_1157] {strides = array<i32>} : memref<320x128xf32, #tpu.memory_space<vmem>>, vector<1x16xf32>,
        %get3A_1159 = vector.shape_cast %get3A_1158 : vector<1x16xf32> to vector<16xf32>
        %add3A_1160 = arith.addf %add3A_1153, %get3A_1159 : vector<16xf32>
        %add3A_1161 = arith.constant 17 : i32
        %add3A_1162 = arith.addi %mul3A_194, %add3A_1161 : i32
        %get3A_1163 = arith.index_cast %add3A_1162 : i32 to index
        %get3A_1164 = arith.constant 96 : index
        %get3A_1165 = tpu.vector_load %arg6[%get3A_1163, %get3A_1164] {strides = array<i32>} : memref<320x128xf32, #tpu.memory_space<vmem>>, vector<1x16xf32>,
        %get3A_1166 = vector.shape_cast %get3A_1165 : vector<1x16xf32> to vector<16xf32>
        %add3A_1167 = arith.addf %add3A_1160, %get3A_1166 : vector<16xf32>
        %add3A_1168 = arith.constant 18 : i32
        %add3A_1169 = arith.addi %mul3A_194, %add3A_1168 : i32
        %get3A_1170 = arith.index_cast %add3A_1169 : i32 to index
        %get3A_1171 = arith.constant 96 : index
        %get3A_1172 = tpu.vector_load %arg6[%get3A_1170, %get3A_1171] {strides = array<i32>} : memref<320x128xf32, #tpu.memory_space<vmem>>, vector<1x16xf32>,
        %get3A_1173 = vector.shape_cast %get3A_1172 : vector<1x16xf32> to vector<16xf32>
        %add3A_1174 = arith.addf %add3A_1167, %get3A_1173 : vector<16xf32>
        %add3A_1175 = arith.constant 19 : i32
        %add3A_1176 = arith.addi %mul3A_194, %add3A_1175 : i32
        %get3A_1177 = arith.index_cast %add3A_1176 : i32 to index
        %get3A_1178 = arith.constant 96 : index
        %get3A_1179 = tpu.vector_load %arg6[%get3A_1177, %get3A_1178] {strides = array<i32>} : memref<320x128xf32, #tpu.memory_space<vmem>>, vector<1x16xf32>,
        %get3A_1180 = vector.shape_cast %get3A_1179 : vector<1x16xf32> to vector<16xf32>
        %add3A_1181 = arith.addf %add3A_1174, %get3A_1180 : vector<16xf32>
        %swap3A_1182 = arith.index_cast %scan3A_192 : i32 to index
        %swap3A_1183 = arith.constant 96 : index
        %swap3A_1184 = tpu.vector_load %arg8[%swap3A_1182, %swap3A_1183] {strides = array<i32>} : memref<16x128xf32, #tpu.memory_space<vmem>>, vector<1x16xf32>,
        %swap3A_1185 = vector.shape_cast %swap3A_1184 : vector<1x16xf32> to vector<16xf32>
        %swap3A_1186 = vector.shape_cast %add3A_1181 : vector<16xf32> to vector<1x16xf32>
        tpu.vector_store %arg8[%swap3A_1182, %swap3A_1183], %swap3A_1186 {strides = array<i32>} : memref<16x128xf32, #tpu.memory_space<vmem>>, vector<1x16xf32>,
        %get3A_1187 = arith.index_cast %mul3A_194 : i32 to index
        %get3A_1188 = arith.constant 112 : index
        %get3A_1189 = tpu.vector_load %arg6[%get3A_1187, %get3A_1188] {strides = array<i32>} : memref<320x128xf32, #tpu.memory_space<vmem>>, vector<1x16xf32>,
        %get3A_1190 = vector.shape_cast %get3A_1189 : vector<1x16xf32> to vector<16xf32>
        %add3A_1191 = arith.constant 1 : i32
        %add3A_1192 = arith.addi %mul3A_194, %add3A_1191 : i32
        %get3A_1193 = arith.index_cast %add3A_1192 : i32 to index
        %get3A_1194 = arith.constant 112 : index
        %get3A_1195 = tpu.vector_load %arg6[%get3A_1193, %get3A_1194] {strides = array<i32>} : memref<320x128xf32, #tpu.memory_space<vmem>>, vector<1x16xf32>,
        %get3A_1196 = vector.shape_cast %get3A_1195 : vector<1x16xf32> to vector<16xf32>
        %add3A_1197 = arith.addf %get3A_1190, %get3A_1196 : vector<16xf32>
        %add3A_1198 = arith.constant 2 : i32
        %add3A_1199 = arith.addi %mul3A_194, %add3A_1198 : i32
        %get3A_1200 = arith.index_cast %add3A_1199 : i32 to index
        %get3A_1201 = arith.constant 112 : index
        %get3A_1202 = tpu.vector_load %arg6[%get3A_1200, %get3A_1201] {strides = array<i32>} : memref<320x128xf32, #tpu.memory_space<vmem>>, vector<1x16xf32>,
        %get3A_1203 = vector.shape_cast %get3A_1202 : vector<1x16xf32> to vector<16xf32>
        %add3A_1204 = arith.addf %add3A_1197, %get3A_1203 : vector<16xf32>
        %add3A_1205 = arith.constant 3 : i32
        %add3A_1206 = arith.addi %mul3A_194, %add3A_1205 : i32
        %get3A_1207 = arith.index_cast %add3A_1206 : i32 to index
        %get3A_1208 = arith.constant 112 : index
        %get3A_1209 = tpu.vector_load %arg6[%get3A_1207, %get3A_1208] {strides = array<i32>} : memref<320x128xf32, #tpu.memory_space<vmem>>, vector<1x16xf32>,
        %get3A_1210 = vector.shape_cast %get3A_1209 : vector<1x16xf32> to vector<16xf32>
        %add3A_1211 = arith.addf %add3A_1204, %get3A_1210 : vector<16xf32>
        %add3A_1212 = arith.constant 4 : i32
        %add3A_1213 = arith.addi %mul3A_194, %add3A_1212 : i32
        %get3A_1214 = arith.index_cast %add3A_1213 : i32 to index
        %get3A_1215 = arith.constant 112 : index
        %get3A_1216 = tpu.vector_load %arg6[%get3A_1214, %get3A_1215] {strides = array<i32>} : memref<320x128xf32, #tpu.memory_space<vmem>>, vector<1x16xf32>,
        %get3A_1217 = vector.shape_cast %get3A_1216 : vector<1x16xf32> to vector<16xf32>
        %add3A_1218 = arith.addf %add3A_1211, %get3A_1217 : vector<16xf32>
        %add3A_1219 = arith.constant 5 : i32
        %add3A_1220 = arith.addi %mul3A_194, %add3A_1219 : i32
        %get3A_1221 = arith.index_cast %add3A_1220 : i32 to index
        %get3A_1222 = arith.constant 112 : index
        %get3A_1223 = tpu.vector_load %arg6[%get3A_1221, %get3A_1222] {strides = array<i32>} : memref<320x128xf32, #tpu.memory_space<vmem>>, vector<1x16xf32>,
        %get3A_1224 = vector.shape_cast %get3A_1223 : vector<1x16xf32> to vector<16xf32>
        %add3A_1225 = arith.addf %add3A_1218, %get3A_1224 : vector<16xf32>
        %add3A_1226 = arith.constant 6 : i32
        %add3A_1227 = arith.addi %mul3A_194, %add3A_1226 : i32
        %get3A_1228 = arith.index_cast %add3A_1227 : i32 to index
        %get3A_1229 = arith.constant 112 : index
        %get3A_1230 = tpu.vector_load %arg6[%get3A_1228, %get3A_1229] {strides = array<i32>} : memref<320x128xf32, #tpu.memory_space<vmem>>, vector<1x16xf32>,
        %get3A_1231 = vector.shape_cast %get3A_1230 : vector<1x16xf32> to vector<16xf32>
        %add3A_1232 = arith.addf %add3A_1225, %get3A_1231 : vector<16xf32>
        %add3A_1233 = arith.constant 7 : i32
        %add3A_1234 = arith.addi %mul3A_194, %add3A_1233 : i32
        %get3A_1235 = arith.index_cast %add3A_1234 : i32 to index
        %get3A_1236 = arith.constant 112 : index
        %get3A_1237 = tpu.vector_load %arg6[%get3A_1235, %get3A_1236] {strides = array<i32>} : memref<320x128xf32, #tpu.memory_space<vmem>>, vector<1x16xf32>,
        %get3A_1238 = vector.shape_cast %get3A_1237 : vector<1x16xf32> to vector<16xf32>
        %add3A_1239 = arith.addf %add3A_1232, %get3A_1238 : vector<16xf32>
        %add3A_1240 = arith.constant 8 : i32
        %add3A_1241 = arith.addi %mul3A_194, %add3A_1240 : i32
        %get3A_1242 = arith.index_cast %add3A_1241 : i32 to index
        %get3A_1243 = arith.constant 112 : index
        %get3A_1244 = tpu.vector_load %arg6[%get3A_1242, %get3A_1243] {strides = array<i32>} : memref<320x128xf32, #tpu.memory_space<vmem>>, vector<1x16xf32>,
        %get3A_1245 = vector.shape_cast %get3A_1244 : vector<1x16xf32> to vector<16xf32>
        %add3A_1246 = arith.addf %add3A_1239, %get3A_1245 : vector<16xf32>
        %add3A_1247 = arith.constant 9 : i32
        %add3A_1248 = arith.addi %mul3A_194, %add3A_1247 : i32
        %get3A_1249 = arith.index_cast %add3A_1248 : i32 to index
        %get3A_1250 = arith.constant 112 : index
        %get3A_1251 = tpu.vector_load %arg6[%get3A_1249, %get3A_1250] {strides = array<i32>} : memref<320x128xf32, #tpu.memory_space<vmem>>, vector<1x16xf32>,
        %get3A_1252 = vector.shape_cast %get3A_1251 : vector<1x16xf32> to vector<16xf32>
        %add3A_1253 = arith.addf %add3A_1246, %get3A_1252 : vector<16xf32>
        %add3A_1254 = arith.constant 10 : i32
        %add3A_1255 = arith.addi %mul3A_194, %add3A_1254 : i32
        %get3A_1256 = arith.index_cast %add3A_1255 : i32 to index
        %get3A_1257 = arith.constant 112 : index
        %get3A_1258 = tpu.vector_load %arg6[%get3A_1256, %get3A_1257] {strides = array<i32>} : memref<320x128xf32, #tpu.memory_space<vmem>>, vector<1x16xf32>,
        %get3A_1259 = vector.shape_cast %get3A_1258 : vector<1x16xf32> to vector<16xf32>
        %add3A_1260 = arith.addf %add3A_1253, %get3A_1259 : vector<16xf32>
        %add3A_1261 = arith.constant 11 : i32
        %add3A_1262 = arith.addi %mul3A_194, %add3A_1261 : i32
        %get3A_1263 = arith.index_cast %add3A_1262 : i32 to index
        %get3A_1264 = arith.constant 112 : index
        %get3A_1265 = tpu.vector_load %arg6[%get3A_1263, %get3A_1264] {strides = array<i32>} : memref<320x128xf32, #tpu.memory_space<vmem>>, vector<1x16xf32>,
        %get3A_1266 = vector.shape_cast %get3A_1265 : vector<1x16xf32> to vector<16xf32>
        %add3A_1267 = arith.addf %add3A_1260, %get3A_1266 : vector<16xf32>
        %add3A_1268 = arith.constant 12 : i32
        %add3A_1269 = arith.addi %mul3A_194, %add3A_1268 : i32
        %get3A_1270 = arith.index_cast %add3A_1269 : i32 to index
        %get3A_1271 = arith.constant 112 : index
        %get3A_1272 = tpu.vector_load %arg6[%get3A_1270, %get3A_1271] {strides = array<i32>} : memref<320x128xf32, #tpu.memory_space<vmem>>, vector<1x16xf32>,
        %get3A_1273 = vector.shape_cast %get3A_1272 : vector<1x16xf32> to vector<16xf32>
        %add3A_1274 = arith.addf %add3A_1267, %get3A_1273 : vector<16xf32>
        %add3A_1275 = arith.constant 13 : i32
        %add3A_1276 = arith.addi %mul3A_194, %add3A_1275 : i32
        %get3A_1277 = arith.index_cast %add3A_1276 : i32 to index
        %get3A_1278 = arith.constant 112 : index
        %get3A_1279 = tpu.vector_load %arg6[%get3A_1277, %get3A_1278] {strides = array<i32>} : memref<320x128xf32, #tpu.memory_space<vmem>>, vector<1x16xf32>,
        %get3A_1280 = vector.shape_cast %get3A_1279 : vector<1x16xf32> to vector<16xf32>
        %add3A_1281 = arith.addf %add3A_1274, %get3A_1280 : vector<16xf32>
        %add3A_1282 = arith.constant 14 : i32
        %add3A_1283 = arith.addi %mul3A_194, %add3A_1282 : i32
        %get3A_1284 = arith.index_cast %add3A_1283 : i32 to index
        %get3A_1285 = arith.constant 112 : index
        %get3A_1286 = tpu.vector_load %arg6[%get3A_1284, %get3A_1285] {strides = array<i32>} : memref<320x128xf32, #tpu.memory_space<vmem>>, vector<1x16xf32>,
        %get3A_1287 = vector.shape_cast %get3A_1286 : vector<1x16xf32> to vector<16xf32>
        %add3A_1288 = arith.addf %add3A_1281, %get3A_1287 : vector<16xf32>
        %add3A_1289 = arith.constant 15 : i32
        %add3A_1290 = arith.addi %mul3A_194, %add3A_1289 : i32
        %get3A_1291 = arith.index_cast %add3A_1290 : i32 to index
        %get3A_1292 = arith.constant 112 : index
        %get3A_1293 = tpu.vector_load %arg6[%get3A_1291, %get3A_1292] {strides = array<i32>} : memref<320x128xf32, #tpu.memory_space<vmem>>, vector<1x16xf32>,
        %get3A_1294 = vector.shape_cast %get3A_1293 : vector<1x16xf32> to vector<16xf32>
        %add3A_1295 = arith.addf %add3A_1288, %get3A_1294 : vector<16xf32>
        %add3A_1296 = arith.constant 16 : i32
        %add3A_1297 = arith.addi %mul3A_194, %add3A_1296 : i32
        %get3A_1298 = arith.index_cast %add3A_1297 : i32 to index
        %get3A_1299 = arith.constant 112 : index
        %get3A_1300 = tpu.vector_load %arg6[%get3A_1298, %get3A_1299] {strides = array<i32>} : memref<320x128xf32, #tpu.memory_space<vmem>>, vector<1x16xf32>,
        %get3A_1301 = vector.shape_cast %get3A_1300 : vector<1x16xf32> to vector<16xf32>
        %add3A_1302 = arith.addf %add3A_1295, %get3A_1301 : vector<16xf32>
        %add3A_1303 = arith.constant 17 : i32
        %add3A_1304 = arith.addi %mul3A_194, %add3A_1303 : i32
        %get3A_1305 = arith.index_cast %add3A_1304 : i32 to index
        %get3A_1306 = arith.constant 112 : index
        %get3A_1307 = tpu.vector_load %arg6[%get3A_1305, %get3A_1306] {strides = array<i32>} : memref<320x128xf32, #tpu.memory_space<vmem>>, vector<1x16xf32>,
        %get3A_1308 = vector.shape_cast %get3A_1307 : vector<1x16xf32> to vector<16xf32>
        %add3A_1309 = arith.addf %add3A_1302, %get3A_1308 : vector<16xf32>
        %add3A_1310 = arith.constant 18 : i32
        %add3A_1311 = arith.addi %mul3A_194, %add3A_1310 : i32
        %get3A_1312 = arith.index_cast %add3A_1311 : i32 to index
        %get3A_1313 = arith.constant 112 : index
        %get3A_1314 = tpu.vector_load %arg6[%get3A_1312, %get3A_1313] {strides = array<i32>} : memref<320x128xf32, #tpu.memory_space<vmem>>, vector<1x16xf32>,
        %get3A_1315 = vector.shape_cast %get3A_1314 : vector<1x16xf32> to vector<16xf32>
        %add3A_1316 = arith.addf %add3A_1309, %get3A_1315 : vector<16xf32>
        %add3A_1317 = arith.constant 19 : i32
        %add3A_1318 = arith.addi %mul3A_194, %add3A_1317 : i32
        %get3A_1319 = arith.index_cast %add3A_1318 : i32 to index
        %get3A_1320 = arith.constant 112 : index
        %get3A_1321 = tpu.vector_load %arg6[%get3A_1319, %get3A_1320] {strides = array<i32>} : memref<320x128xf32, #tpu.memory_space<vmem>>, vector<1x16xf32>,
        %get3A_1322 = vector.shape_cast %get3A_1321 : vector<1x16xf32> to vector<16xf32>
        %add3A_1323 = arith.addf %add3A_1316, %get3A_1322 : vector<16xf32>
        %swap3A_1324 = arith.index_cast %scan3A_192 : i32 to index
        %swap3A_1325 = arith.constant 112 : index
        %swap3A_1326 = tpu.vector_load %arg8[%swap3A_1324, %swap3A_1325] {strides = array<i32>} : memref<16x128xf32, #tpu.memory_space<vmem>>, vector<1x16xf32>,
        %swap3A_1327 = vector.shape_cast %swap3A_1326 : vector<1x16xf32> to vector<16xf32>
        %swap3A_1328 = vector.shape_cast %add3A_1323 : vector<16xf32> to vector<1x16xf32>
        tpu.vector_store %arg8[%swap3A_1324, %swap3A_1325], %swap3A_1328 {strides = array<i32>} : memref<16x128xf32, #tpu.memory_space<vmem>>, vector<1x16xf32>,
      }
      %scan3A_123 = arith.constant 16 : i32
      %mul3A_124 = arith.constant 16 : i32
      %mul3A_125 = arith.muli %mul3A_77, %mul3A_124 : i32
      %add3A_126 = arith.addi %select_n3A, %mul3A_125 : i32
      %dma_start3A_127 = arith.constant 0 : i32
      %dma_start3A_128 = tpu.memref_slice %arg4[%add3A_126, %dma_start3A_127] : memref<30208x128xf32, #tpu.memory_space<hbm>> -> memref<16x128xf32, #tpu.memory_space<hbm>>
      %dma_start3A_129 = arith.constant 0 : i32
      %dma_start3A_130 = tpu.memref_slice %arg4[%add3A_126, %dma_start3A_129] : memref<30208x128xf32, #tpu.memory_space<hbm>> -> memref<16x128xf32, #tpu.memory_space<hbm>>
      tpu.enqueue_dma source(%arg8 : memref<16x128xf32, #tpu.memory_space<vmem>>) target(%dma_start3A_130 : memref<16x128xf32, #tpu.memory_space<hbm>>) target_semaphore(%arg12 : memref<!tpu.dma_semaphore, #tpu.memory_space<semaphore_mem>>)
      %add3A_131 = arith.constant 2 : i32
      %add3A_132 = arith.addi %mul3A_77, %add3A_131 : i32
      %lt3A = arith.cmpi slt, %add3A_132, %select_n3A_6 : i32
      %add3A_133 = arith.constant 2 : i32
      %add3A_134 = arith.addi %mul3A_77, %add3A_133 : i32
      %jit3A_135 = arith.constant 0 : i32
      %select_n3A_136 = arith.select %lt3A, %add3A_134, %jit3A_135 : i32
      %mul3A_137 = arith.constant 320 : i32
      %mul3A_138 = arith.muli %select_n3A_136, %mul3A_137 : i32
      %add3A_139 = arith.constant 0 : i32
      %add3A_140 = arith.addi %mul3A_138, %add3A_139 : i32
      %dma_start3A_141 = arith.constant 0 : i32
      %dma_start3A_142 = arith.constant 0 : i32
      %dma_start3A_143 = tpu.memref_slice %arg6[%dma_start3A_141, %dma_start3A_142] : memref<320x128xf32, #tpu.memory_space<vmem>> -> memref<128x128xf32, #tpu.memory_space<vmem>>
      %dma_start3A_144 = tpu.memref_slice %arg5[%add3A_140] : memref<19200xi32, #tpu.memory_space<vmem>> -> memref<128xi32, #tpu.memory_space<vmem>>
      %dma_start3A_145 = arith.constant 0 : i32
      %dma_start3A_146 = arith.constant 0 : i32
      %dma_start3A_147 = tpu.memref_slice %arg3[%dma_start3A_145, %dma_start3A_146] : memref<100000x128xf32, #tpu.memory_space<hbm>> -> memref<100000x128xf32, #tpu.memory_space<hbm>>
      tpu.enqueue_indirect_dma source(%dma_start3A_147 : memref<100000x128xf32, #tpu.memory_space<hbm>>) target(%dma_start3A_143 : memref<128x128xf32, #tpu.memory_space<vmem>>) offsets(%dma_start3A_144 : memref<128xi32, #tpu.memory_space<vmem>>) semaphore(%arg10 : memref<!tpu.dma_semaphore, #tpu.memory_space<semaphore_mem>>)
      %add3A_148 = arith.constant 128 : i32
      %add3A_149 = arith.addi %mul3A_138, %add3A_148 : i32
      %dma_start3A_150 = arith.constant 128 : i32
      %dma_start3A_151 = arith.constant 0 : i32
      %dma_start3A_152 = tpu.memref_slice %arg6[%dma_start3A_150, %dma_start3A_151] : memref<320x128xf32, #tpu.memory_space<vmem>> -> memref<128x128xf32, #tpu.memory_space<vmem>>
      %dma_start3A_153 = tpu.memref_slice %arg5[%add3A_149] : memref<19200xi32, #tpu.memory_space<vmem>> -> memref<128xi32, #tpu.memory_space<vmem>>
      %dma_start3A_154 = arith.constant 0 : i32
      %dma_start3A_155 = arith.constant 0 : i32
      %dma_start3A_156 = tpu.memref_slice %arg3[%dma_start3A_154, %dma_start3A_155] : memref<100000x128xf32, #tpu.memory_space<hbm>> -> memref<100000x128xf32, #tpu.memory_space<hbm>>
      tpu.enqueue_indirect_dma source(%dma_start3A_156 : memref<100000x128xf32, #tpu.memory_space<hbm>>) target(%dma_start3A_152 : memref<128x128xf32, #tpu.memory_space<vmem>>) offsets(%dma_start3A_153 : memref<128xi32, #tpu.memory_space<vmem>>) semaphore(%arg10 : memref<!tpu.dma_semaphore, #tpu.memory_space<semaphore_mem>>)
      %add3A_157 = arith.constant 256 : i32
      %add3A_158 = arith.addi %mul3A_138, %add3A_157 : i32
      %dma_start3A_159 = arith.constant 256 : i32
      %dma_start3A_160 = arith.constant 0 : i32
      %dma_start3A_161 = tpu.memref_slice %arg6[%dma_start3A_159, %dma_start3A_160] : memref<320x128xf32, #tpu.memory_space<vmem>> -> memref<64x128xf32, #tpu.memory_space<vmem>>
      %dma_start3A_162 = tpu.memref_slice %arg5[%add3A_158] : memref<19200xi32, #tpu.memory_space<vmem>> -> memref<64xi32, #tpu.memory_space<vmem>>
      %dma_start3A_163 = arith.constant 0 : i32
      %dma_start3A_164 = arith.constant 0 : i32
      %dma_start3A_165 = tpu.memref_slice %arg3[%dma_start3A_163, %dma_start3A_164] : memref<100000x128xf32, #tpu.memory_space<hbm>> -> memref<100000x128xf32, #tpu.memory_space<hbm>>
      tpu.enqueue_indirect_dma source(%dma_start3A_165 : memref<100000x128xf32, #tpu.memory_space<hbm>>) target(%dma_start3A_161 : memref<64x128xf32, #tpu.memory_space<vmem>>) offsets(%dma_start3A_162 : memref<64xi32, #tpu.memory_space<vmem>>) semaphore(%arg10 : memref<!tpu.dma_semaphore, #tpu.memory_space<semaphore_mem>>)
      %dma_wait3A_166 = arith.constant 0 : i32
      %dma_wait3A_167 = arith.constant 0 : i32
      %dma_wait3A_168 = tpu.memref_slice %arg3[%dma_wait3A_166, %dma_wait3A_167] : memref<100000x128xf32, #tpu.memory_space<hbm>> -> memref<320x128xf32, #tpu.memory_space<hbm>>
      %dma_wait3A_169 = arith.constant 0 : i32
      %dma_wait3A_170 = arith.constant 0 : i32
      %dma_wait3A_171 = tpu.memref_slice %arg3[%dma_wait3A_169, %dma_wait3A_170] : memref<100000x128xf32, #tpu.memory_space<hbm>> -> memref<320x128xf32, #tpu.memory_space<hbm>>
      tpu.wait_dma2 semaphore(%arg11 : memref<!tpu.dma_semaphore, #tpu.memory_space<semaphore_mem>>) src(%dma_wait3A_171 : memref<320x128xf32, #tpu.memory_space<hbm>>) dst(%arg7 : memref<320x128xf32, #tpu.memory_space<vmem>>)
      %add3A_172 = arith.constant 1 : i32
      %add3A_173 = arith.addi %mul3A_77, %add3A_172 : i32
      %gt3A_174 = arith.constant 0 : i32
      %gt3A_175 = arith.cmpi sgt, %while3A_75, %gt3A_174 : i32
      %convert_element_type3A_176 = arith.extui %gt3A_175 : i1 to i32
      %cond3A_177 = arith.constant 0 : i32
      %cond3A_178 = arith.cmpi ne, %convert_element_type3A_176, %cond3A_177 : i32
      scf.if %cond3A_178 {
        %dma_wait3A_192 = arith.constant 0 : i32
        %dma_wait3A_193 = tpu.memref_slice %arg4[%select_n3A, %dma_wait3A_192] : memref<30208x128xf32, #tpu.memory_space<hbm>> -> memref<16x128xf32, #tpu.memory_space<hbm>>
        %dma_wait3A_194 = arith.constant 0 : i32
        %dma_wait3A_195 = tpu.memref_slice %arg4[%select_n3A, %dma_wait3A_194] : memref<30208x128xf32, #tpu.memory_space<hbm>> -> memref<16x128xf32, #tpu.memory_space<hbm>>
        tpu.wait_dma2 semaphore(%arg13 : memref<!tpu.dma_semaphore, #tpu.memory_space<semaphore_mem>>) src(%arg9 : memref<16x128xf32, #tpu.memory_space<vmem>>) dst(%dma_wait3A_195 : memref<16x128xf32, #tpu.memory_space<hbm>>)
      } else {
      }
      %scan3A_179 = arith.constant 0 : i32
      %scan3A_180 = arith.constant 0 : i32
      %scan3A_181 = arith.constant 16 : i32
      %scan3A_182 = arith.addi %scan3A_180, %scan3A_181 : i32
      %scan3A_183 = arith.constant 1 : i32
      scf.for %scan3A_192 = %scan3A_180 to %scan3A_182 step %scan3A_183  : i32 {
        %mul3A_193 = arith.constant 20 : i32
        %mul3A_194 = arith.muli %scan3A_192, %mul3A_193 : i32
        %get3A = arith.index_cast %mul3A_194 : i32 to index
        %get3A_195 = arith.constant 0 : index
        %get3A_196 = tpu.vector_load %arg7[%get3A, %get3A_195] {strides = array<i32>} : memref<320x128xf32, #tpu.memory_space<vmem>>, vector<1x16xf32>,
        %get3A_197 = vector.shape_cast %get3A_196 : vector<1x16xf32> to vector<16xf32>
        %add3A_198 = arith.constant 1 : i32
        %add3A_199 = arith.addi %mul3A_194, %add3A_198 : i32
        %get3A_200 = arith.index_cast %add3A_199 : i32 to index
        %get3A_201 = arith.constant 0 : index
        %get3A_202 = tpu.vector_load %arg7[%get3A_200, %get3A_201] {strides = array<i32>} : memref<320x128xf32, #tpu.memory_space<vmem>>, vector<1x16xf32>,
        %get3A_203 = vector.shape_cast %get3A_202 : vector<1x16xf32> to vector<16xf32>
        %add3A_204 = arith.addf %get3A_197, %get3A_203 : vector<16xf32>
        %add3A_205 = arith.constant 2 : i32
        %add3A_206 = arith.addi %mul3A_194, %add3A_205 : i32
        %get3A_207 = arith.index_cast %add3A_206 : i32 to index
        %get3A_208 = arith.constant 0 : index
        %get3A_209 = tpu.vector_load %arg7[%get3A_207, %get3A_208] {strides = array<i32>} : memref<320x128xf32, #tpu.memory_space<vmem>>, vector<1x16xf32>,
        %get3A_210 = vector.shape_cast %get3A_209 : vector<1x16xf32> to vector<16xf32>
        %add3A_211 = arith.addf %add3A_204, %get3A_210 : vector<16xf32>
        %add3A_212 = arith.constant 3 : i32
        %add3A_213 = arith.addi %mul3A_194, %add3A_212 : i32
        %get3A_214 = arith.index_cast %add3A_213 : i32 to index
        %get3A_215 = arith.constant 0 : index
        %get3A_216 = tpu.vector_load %arg7[%get3A_214, %get3A_215] {strides = array<i32>} : memref<320x128xf32, #tpu.memory_space<vmem>>, vector<1x16xf32>,
        %get3A_217 = vector.shape_cast %get3A_216 : vector<1x16xf32> to vector<16xf32>
        %add3A_218 = arith.addf %add3A_211, %get3A_217 : vector<16xf32>
        %add3A_219 = arith.constant 4 : i32
        %add3A_220 = arith.addi %mul3A_194, %add3A_219 : i32
        %get3A_221 = arith.index_cast %add3A_220 : i32 to index
        %get3A_222 = arith.constant 0 : index
        %get3A_223 = tpu.vector_load %arg7[%get3A_221, %get3A_222] {strides = array<i32>} : memref<320x128xf32, #tpu.memory_space<vmem>>, vector<1x16xf32>,
        %get3A_224 = vector.shape_cast %get3A_223 : vector<1x16xf32> to vector<16xf32>
        %add3A_225 = arith.addf %add3A_218, %get3A_224 : vector<16xf32>
        %add3A_226 = arith.constant 5 : i32
        %add3A_227 = arith.addi %mul3A_194, %add3A_226 : i32
        %get3A_228 = arith.index_cast %add3A_227 : i32 to index
        %get3A_229 = arith.constant 0 : index
        %get3A_230 = tpu.vector_load %arg7[%get3A_228, %get3A_229] {strides = array<i32>} : memref<320x128xf32, #tpu.memory_space<vmem>>, vector<1x16xf32>,
        %get3A_231 = vector.shape_cast %get3A_230 : vector<1x16xf32> to vector<16xf32>
        %add3A_232 = arith.addf %add3A_225, %get3A_231 : vector<16xf32>
        %add3A_233 = arith.constant 6 : i32
        %add3A_234 = arith.addi %mul3A_194, %add3A_233 : i32
        %get3A_235 = arith.index_cast %add3A_234 : i32 to index
        %get3A_236 = arith.constant 0 : index
        %get3A_237 = tpu.vector_load %arg7[%get3A_235, %get3A_236] {strides = array<i32>} : memref<320x128xf32, #tpu.memory_space<vmem>>, vector<1x16xf32>,
        %get3A_238 = vector.shape_cast %get3A_237 : vector<1x16xf32> to vector<16xf32>
        %add3A_239 = arith.addf %add3A_232, %get3A_238 : vector<16xf32>
        %add3A_240 = arith.constant 7 : i32
        %add3A_241 = arith.addi %mul3A_194, %add3A_240 : i32
        %get3A_242 = arith.index_cast %add3A_241 : i32 to index
        %get3A_243 = arith.constant 0 : index
        %get3A_244 = tpu.vector_load %arg7[%get3A_242, %get3A_243] {strides = array<i32>} : memref<320x128xf32, #tpu.memory_space<vmem>>, vector<1x16xf32>,
        %get3A_245 = vector.shape_cast %get3A_244 : vector<1x16xf32> to vector<16xf32>
        %add3A_246 = arith.addf %add3A_239, %get3A_245 : vector<16xf32>
        %add3A_247 = arith.constant 8 : i32
        %add3A_248 = arith.addi %mul3A_194, %add3A_247 : i32
        %get3A_249 = arith.index_cast %add3A_248 : i32 to index
        %get3A_250 = arith.constant 0 : index
        %get3A_251 = tpu.vector_load %arg7[%get3A_249, %get3A_250] {strides = array<i32>} : memref<320x128xf32, #tpu.memory_space<vmem>>, vector<1x16xf32>,
        %get3A_252 = vector.shape_cast %get3A_251 : vector<1x16xf32> to vector<16xf32>
        %add3A_253 = arith.addf %add3A_246, %get3A_252 : vector<16xf32>
        %add3A_254 = arith.constant 9 : i32
        %add3A_255 = arith.addi %mul3A_194, %add3A_254 : i32
        %get3A_256 = arith.index_cast %add3A_255 : i32 to index
        %get3A_257 = arith.constant 0 : index
        %get3A_258 = tpu.vector_load %arg7[%get3A_256, %get3A_257] {strides = array<i32>} : memref<320x128xf32, #tpu.memory_space<vmem>>, vector<1x16xf32>,
        %get3A_259 = vector.shape_cast %get3A_258 : vector<1x16xf32> to vector<16xf32>
        %add3A_260 = arith.addf %add3A_253, %get3A_259 : vector<16xf32>
        %add3A_261 = arith.constant 10 : i32
        %add3A_262 = arith.addi %mul3A_194, %add3A_261 : i32
        %get3A_263 = arith.index_cast %add3A_262 : i32 to index
        %get3A_264 = arith.constant 0 : index
        %get3A_265 = tpu.vector_load %arg7[%get3A_263, %get3A_264] {strides = array<i32>} : memref<320x128xf32, #tpu.memory_space<vmem>>, vector<1x16xf32>,
        %get3A_266 = vector.shape_cast %get3A_265 : vector<1x16xf32> to vector<16xf32>
        %add3A_267 = arith.addf %add3A_260, %get3A_266 : vector<16xf32>
        %add3A_268 = arith.constant 11 : i32
        %add3A_269 = arith.addi %mul3A_194, %add3A_268 : i32
        %get3A_270 = arith.index_cast %add3A_269 : i32 to index
        %get3A_271 = arith.constant 0 : index
        %get3A_272 = tpu.vector_load %arg7[%get3A_270, %get3A_271] {strides = array<i32>} : memref<320x128xf32, #tpu.memory_space<vmem>>, vector<1x16xf32>,
        %get3A_273 = vector.shape_cast %get3A_272 : vector<1x16xf32> to vector<16xf32>
        %add3A_274 = arith.addf %add3A_267, %get3A_273 : vector<16xf32>
        %add3A_275 = arith.constant 12 : i32
        %add3A_276 = arith.addi %mul3A_194, %add3A_275 : i32
        %get3A_277 = arith.index_cast %add3A_276 : i32 to index
        %get3A_278 = arith.constant 0 : index
        %get3A_279 = tpu.vector_load %arg7[%get3A_277, %get3A_278] {strides = array<i32>} : memref<320x128xf32, #tpu.memory_space<vmem>>, vector<1x16xf32>,
        %get3A_280 = vector.shape_cast %get3A_279 : vector<1x16xf32> to vector<16xf32>
        %add3A_281 = arith.addf %add3A_274, %get3A_280 : vector<16xf32>
        %add3A_282 = arith.constant 13 : i32
        %add3A_283 = arith.addi %mul3A_194, %add3A_282 : i32
        %get3A_284 = arith.index_cast %add3A_283 : i32 to index
        %get3A_285 = arith.constant 0 : index
        %get3A_286 = tpu.vector_load %arg7[%get3A_284, %get3A_285] {strides = array<i32>} : memref<320x128xf32, #tpu.memory_space<vmem>>, vector<1x16xf32>,
        %get3A_287 = vector.shape_cast %get3A_286 : vector<1x16xf32> to vector<16xf32>
        %add3A_288 = arith.addf %add3A_281, %get3A_287 : vector<16xf32>
        %add3A_289 = arith.constant 14 : i32
        %add3A_290 = arith.addi %mul3A_194, %add3A_289 : i32
        %get3A_291 = arith.index_cast %add3A_290 : i32 to index
        %get3A_292 = arith.constant 0 : index
        %get3A_293 = tpu.vector_load %arg7[%get3A_291, %get3A_292] {strides = array<i32>} : memref<320x128xf32, #tpu.memory_space<vmem>>, vector<1x16xf32>,
        %get3A_294 = vector.shape_cast %get3A_293 : vector<1x16xf32> to vector<16xf32>
        %add3A_295 = arith.addf %add3A_288, %get3A_294 : vector<16xf32>
        %add3A_296 = arith.constant 15 : i32
        %add3A_297 = arith.addi %mul3A_194, %add3A_296 : i32
        %get3A_298 = arith.index_cast %add3A_297 : i32 to index
        %get3A_299 = arith.constant 0 : index
        %get3A_300 = tpu.vector_load %arg7[%get3A_298, %get3A_299] {strides = array<i32>} : memref<320x128xf32, #tpu.memory_space<vmem>>, vector<1x16xf32>,
        %get3A_301 = vector.shape_cast %get3A_300 : vector<1x16xf32> to vector<16xf32>
        %add3A_302 = arith.addf %add3A_295, %get3A_301 : vector<16xf32>
        %add3A_303 = arith.constant 16 : i32
        %add3A_304 = arith.addi %mul3A_194, %add3A_303 : i32
        %get3A_305 = arith.index_cast %add3A_304 : i32 to index
        %get3A_306 = arith.constant 0 : index
        %get3A_307 = tpu.vector_load %arg7[%get3A_305, %get3A_306] {strides = array<i32>} : memref<320x128xf32, #tpu.memory_space<vmem>>, vector<1x16xf32>,
        %get3A_308 = vector.shape_cast %get3A_307 : vector<1x16xf32> to vector<16xf32>
        %add3A_309 = arith.addf %add3A_302, %get3A_308 : vector<16xf32>
        %add3A_310 = arith.constant 17 : i32
        %add3A_311 = arith.addi %mul3A_194, %add3A_310 : i32
        %get3A_312 = arith.index_cast %add3A_311 : i32 to index
        %get3A_313 = arith.constant 0 : index
        %get3A_314 = tpu.vector_load %arg7[%get3A_312, %get3A_313] {strides = array<i32>} : memref<320x128xf32, #tpu.memory_space<vmem>>, vector<1x16xf32>,
        %get3A_315 = vector.shape_cast %get3A_314 : vector<1x16xf32> to vector<16xf32>
        %add3A_316 = arith.addf %add3A_309, %get3A_315 : vector<16xf32>
        %add3A_317 = arith.constant 18 : i32
        %add3A_318 = arith.addi %mul3A_194, %add3A_317 : i32
        %get3A_319 = arith.index_cast %add3A_318 : i32 to index
        %get3A_320 = arith.constant 0 : index
        %get3A_321 = tpu.vector_load %arg7[%get3A_319, %get3A_320] {strides = array<i32>} : memref<320x128xf32, #tpu.memory_space<vmem>>, vector<1x16xf32>,
        %get3A_322 = vector.shape_cast %get3A_321 : vector<1x16xf32> to vector<16xf32>
        %add3A_323 = arith.addf %add3A_316, %get3A_322 : vector<16xf32>
        %add3A_324 = arith.constant 19 : i32
        %add3A_325 = arith.addi %mul3A_194, %add3A_324 : i32
        %get3A_326 = arith.index_cast %add3A_325 : i32 to index
        %get3A_327 = arith.constant 0 : index
        %get3A_328 = tpu.vector_load %arg7[%get3A_326, %get3A_327] {strides = array<i32>} : memref<320x128xf32, #tpu.memory_space<vmem>>, vector<1x16xf32>,
        %get3A_329 = vector.shape_cast %get3A_328 : vector<1x16xf32> to vector<16xf32>
        %add3A_330 = arith.addf %add3A_323, %get3A_329 : vector<16xf32>
        %swap3A = arith.index_cast %scan3A_192 : i32 to index
        %swap3A_331 = arith.constant 0 : index
        %swap3A_332 = tpu.vector_load %arg9[%swap3A, %swap3A_331] {strides = array<i32>} : memref<16x128xf32, #tpu.memory_space<vmem>>, vector<1x16xf32>,
        %swap3A_333 = vector.shape_cast %swap3A_332 : vector<1x16xf32> to vector<16xf32>
        %swap3A_334 = vector.shape_cast %add3A_330 : vector<16xf32> to vector<1x16xf32>
        tpu.vector_store %arg9[%swap3A, %swap3A_331], %swap3A_334 {strides = array<i32>} : memref<16x128xf32, #tpu.memory_space<vmem>>, vector<1x16xf32>,
        %get3A_335 = arith.index_cast %mul3A_194 : i32 to index
        %get3A_336 = arith.constant 16 : index
        %get3A_337 = tpu.vector_load %arg7[%get3A_335, %get3A_336] {strides = array<i32>} : memref<320x128xf32, #tpu.memory_space<vmem>>, vector<1x16xf32>,
        %get3A_338 = vector.shape_cast %get3A_337 : vector<1x16xf32> to vector<16xf32>
        %add3A_339 = arith.constant 1 : i32
        %add3A_340 = arith.addi %mul3A_194, %add3A_339 : i32
        %get3A_341 = arith.index_cast %add3A_340 : i32 to index
        %get3A_342 = arith.constant 16 : index
        %get3A_343 = tpu.vector_load %arg7[%get3A_341, %get3A_342] {strides = array<i32>} : memref<320x128xf32, #tpu.memory_space<vmem>>, vector<1x16xf32>,
        %get3A_344 = vector.shape_cast %get3A_343 : vector<1x16xf32> to vector<16xf32>
        %add3A_345 = arith.addf %get3A_338, %get3A_344 : vector<16xf32>
        %add3A_346 = arith.constant 2 : i32
        %add3A_347 = arith.addi %mul3A_194, %add3A_346 : i32
        %get3A_348 = arith.index_cast %add3A_347 : i32 to index
        %get3A_349 = arith.constant 16 : index
        %get3A_350 = tpu.vector_load %arg7[%get3A_348, %get3A_349] {strides = array<i32>} : memref<320x128xf32, #tpu.memory_space<vmem>>, vector<1x16xf32>,
        %get3A_351 = vector.shape_cast %get3A_350 : vector<1x16xf32> to vector<16xf32>
        %add3A_352 = arith.addf %add3A_345, %get3A_351 : vector<16xf32>
        %add3A_353 = arith.constant 3 : i32
        %add3A_354 = arith.addi %mul3A_194, %add3A_353 : i32
        %get3A_355 = arith.index_cast %add3A_354 : i32 to index
        %get3A_356 = arith.constant 16 : index
        %get3A_357 = tpu.vector_load %arg7[%get3A_355, %get3A_356] {strides = array<i32>} : memref<320x128xf32, #tpu.memory_space<vmem>>, vector<1x16xf32>,
        %get3A_358 = vector.shape_cast %get3A_357 : vector<1x16xf32> to vector<16xf32>
        %add3A_359 = arith.addf %add3A_352, %get3A_358 : vector<16xf32>
        %add3A_360 = arith.constant 4 : i32
        %add3A_361 = arith.addi %mul3A_194, %add3A_360 : i32
        %get3A_362 = arith.index_cast %add3A_361 : i32 to index
        %get3A_363 = arith.constant 16 : index
        %get3A_364 = tpu.vector_load %arg7[%get3A_362, %get3A_363] {strides = array<i32>} : memref<320x128xf32, #tpu.memory_space<vmem>>, vector<1x16xf32>,
        %get3A_365 = vector.shape_cast %get3A_364 : vector<1x16xf32> to vector<16xf32>
        %add3A_366 = arith.addf %add3A_359, %get3A_365 : vector<16xf32>
        %add3A_367 = arith.constant 5 : i32
        %add3A_368 = arith.addi %mul3A_194, %add3A_367 : i32
        %get3A_369 = arith.index_cast %add3A_368 : i32 to index
        %get3A_370 = arith.constant 16 : index
        %get3A_371 = tpu.vector_load %arg7[%get3A_369, %get3A_370] {strides = array<i32>} : memref<320x128xf32, #tpu.memory_space<vmem>>, vector<1x16xf32>,
        %get3A_372 = vector.shape_cast %get3A_371 : vector<1x16xf32> to vector<16xf32>
        %add3A_373 = arith.addf %add3A_366, %get3A_372 : vector<16xf32>
        %add3A_374 = arith.constant 6 : i32
        %add3A_375 = arith.addi %mul3A_194, %add3A_374 : i32
        %get3A_376 = arith.index_cast %add3A_375 : i32 to index
        %get3A_377 = arith.constant 16 : index
        %get3A_378 = tpu.vector_load %arg7[%get3A_376, %get3A_377] {strides = array<i32>} : memref<320x128xf32, #tpu.memory_space<vmem>>, vector<1x16xf32>,
        %get3A_379 = vector.shape_cast %get3A_378 : vector<1x16xf32> to vector<16xf32>
        %add3A_380 = arith.addf %add3A_373, %get3A_379 : vector<16xf32>
        %add3A_381 = arith.constant 7 : i32
        %add3A_382 = arith.addi %mul3A_194, %add3A_381 : i32
        %get3A_383 = arith.index_cast %add3A_382 : i32 to index
        %get3A_384 = arith.constant 16 : index
        %get3A_385 = tpu.vector_load %arg7[%get3A_383, %get3A_384] {strides = array<i32>} : memref<320x128xf32, #tpu.memory_space<vmem>>, vector<1x16xf32>,
        %get3A_386 = vector.shape_cast %get3A_385 : vector<1x16xf32> to vector<16xf32>
        %add3A_387 = arith.addf %add3A_380, %get3A_386 : vector<16xf32>
        %add3A_388 = arith.constant 8 : i32
        %add3A_389 = arith.addi %mul3A_194, %add3A_388 : i32
        %get3A_390 = arith.index_cast %add3A_389 : i32 to index
        %get3A_391 = arith.constant 16 : index
        %get3A_392 = tpu.vector_load %arg7[%get3A_390, %get3A_391] {strides = array<i32>} : memref<320x128xf32, #tpu.memory_space<vmem>>, vector<1x16xf32>,
        %get3A_393 = vector.shape_cast %get3A_392 : vector<1x16xf32> to vector<16xf32>
        %add3A_394 = arith.addf %add3A_387, %get3A_393 : vector<16xf32>
        %add3A_395 = arith.constant 9 : i32
        %add3A_396 = arith.addi %mul3A_194, %add3A_395 : i32
        %get3A_397 = arith.index_cast %add3A_396 : i32 to index
        %get3A_398 = arith.constant 16 : index
        %get3A_399 = tpu.vector_load %arg7[%get3A_397, %get3A_398] {strides = array<i32>} : memref<320x128xf32, #tpu.memory_space<vmem>>, vector<1x16xf32>,
        %get3A_400 = vector.shape_cast %get3A_399 : vector<1x16xf32> to vector<16xf32>
        %add3A_401 = arith.addf %add3A_394, %get3A_400 : vector<16xf32>
        %add3A_402 = arith.constant 10 : i32
        %add3A_403 = arith.addi %mul3A_194, %add3A_402 : i32
        %get3A_404 = arith.index_cast %add3A_403 : i32 to index
        %get3A_405 = arith.constant 16 : index
        %get3A_406 = tpu.vector_load %arg7[%get3A_404, %get3A_405] {strides = array<i32>} : memref<320x128xf32, #tpu.memory_space<vmem>>, vector<1x16xf32>,
        %get3A_407 = vector.shape_cast %get3A_406 : vector<1x16xf32> to vector<16xf32>
        %add3A_408 = arith.addf %add3A_401, %get3A_407 : vector<16xf32>
        %add3A_409 = arith.constant 11 : i32
        %add3A_410 = arith.addi %mul3A_194, %add3A_409 : i32
        %get3A_411 = arith.index_cast %add3A_410 : i32 to index
        %get3A_412 = arith.constant 16 : index
        %get3A_413 = tpu.vector_load %arg7[%get3A_411, %get3A_412] {strides = array<i32>} : memref<320x128xf32, #tpu.memory_space<vmem>>, vector<1x16xf32>,
        %get3A_414 = vector.shape_cast %get3A_413 : vector<1x16xf32> to vector<16xf32>
        %add3A_415 = arith.addf %add3A_408, %get3A_414 : vector<16xf32>
        %add3A_416 = arith.constant 12 : i32
        %add3A_417 = arith.addi %mul3A_194, %add3A_416 : i32
        %get3A_418 = arith.index_cast %add3A_417 : i32 to index
        %get3A_419 = arith.constant 16 : index
        %get3A_420 = tpu.vector_load %arg7[%get3A_418, %get3A_419] {strides = array<i32>} : memref<320x128xf32, #tpu.memory_space<vmem>>, vector<1x16xf32>,
        %get3A_421 = vector.shape_cast %get3A_420 : vector<1x16xf32> to vector<16xf32>
        %add3A_422 = arith.addf %add3A_415, %get3A_421 : vector<16xf32>
        %add3A_423 = arith.constant 13 : i32
        %add3A_424 = arith.addi %mul3A_194, %add3A_423 : i32
        %get3A_425 = arith.index_cast %add3A_424 : i32 to index
        %get3A_426 = arith.constant 16 : index
        %get3A_427 = tpu.vector_load %arg7[%get3A_425, %get3A_426] {strides = array<i32>} : memref<320x128xf32, #tpu.memory_space<vmem>>, vector<1x16xf32>,
        %get3A_428 = vector.shape_cast %get3A_427 : vector<1x16xf32> to vector<16xf32>
        %add3A_429 = arith.addf %add3A_422, %get3A_428 : vector<16xf32>
        %add3A_430 = arith.constant 14 : i32
        %add3A_431 = arith.addi %mul3A_194, %add3A_430 : i32
        %get3A_432 = arith.index_cast %add3A_431 : i32 to index
        %get3A_433 = arith.constant 16 : index
        %get3A_434 = tpu.vector_load %arg7[%get3A_432, %get3A_433] {strides = array<i32>} : memref<320x128xf32, #tpu.memory_space<vmem>>, vector<1x16xf32>,
        %get3A_435 = vector.shape_cast %get3A_434 : vector<1x16xf32> to vector<16xf32>
        %add3A_436 = arith.addf %add3A_429, %get3A_435 : vector<16xf32>
        %add3A_437 = arith.constant 15 : i32
        %add3A_438 = arith.addi %mul3A_194, %add3A_437 : i32
        %get3A_439 = arith.index_cast %add3A_438 : i32 to index
        %get3A_440 = arith.constant 16 : index
        %get3A_441 = tpu.vector_load %arg7[%get3A_439, %get3A_440] {strides = array<i32>} : memref<320x128xf32, #tpu.memory_space<vmem>>, vector<1x16xf32>,
        %get3A_442 = vector.shape_cast %get3A_441 : vector<1x16xf32> to vector<16xf32>
        %add3A_443 = arith.addf %add3A_436, %get3A_442 : vector<16xf32>
        %add3A_444 = arith.constant 16 : i32
        %add3A_445 = arith.addi %mul3A_194, %add3A_444 : i32
        %get3A_446 = arith.index_cast %add3A_445 : i32 to index
        %get3A_447 = arith.constant 16 : index
        %get3A_448 = tpu.vector_load %arg7[%get3A_446, %get3A_447] {strides = array<i32>} : memref<320x128xf32, #tpu.memory_space<vmem>>, vector<1x16xf32>,
        %get3A_449 = vector.shape_cast %get3A_448 : vector<1x16xf32> to vector<16xf32>
        %add3A_450 = arith.addf %add3A_443, %get3A_449 : vector<16xf32>
        %add3A_451 = arith.constant 17 : i32
        %add3A_452 = arith.addi %mul3A_194, %add3A_451 : i32
        %get3A_453 = arith.index_cast %add3A_452 : i32 to index
        %get3A_454 = arith.constant 16 : index
        %get3A_455 = tpu.vector_load %arg7[%get3A_453, %get3A_454] {strides = array<i32>} : memref<320x128xf32, #tpu.memory_space<vmem>>, vector<1x16xf32>,
        %get3A_456 = vector.shape_cast %get3A_455 : vector<1x16xf32> to vector<16xf32>
        %add3A_457 = arith.addf %add3A_450, %get3A_456 : vector<16xf32>
        %add3A_458 = arith.constant 18 : i32
        %add3A_459 = arith.addi %mul3A_194, %add3A_458 : i32
        %get3A_460 = arith.index_cast %add3A_459 : i32 to index
        %get3A_461 = arith.constant 16 : index
        %get3A_462 = tpu.vector_load %arg7[%get3A_460, %get3A_461] {strides = array<i32>} : memref<320x128xf32, #tpu.memory_space<vmem>>, vector<1x16xf32>,
        %get3A_463 = vector.shape_cast %get3A_462 : vector<1x16xf32> to vector<16xf32>
        %add3A_464 = arith.addf %add3A_457, %get3A_463 : vector<16xf32>
        %add3A_465 = arith.constant 19 : i32
        %add3A_466 = arith.addi %mul3A_194, %add3A_465 : i32
        %get3A_467 = arith.index_cast %add3A_466 : i32 to index
        %get3A_468 = arith.constant 16 : index
        %get3A_469 = tpu.vector_load %arg7[%get3A_467, %get3A_468] {strides = array<i32>} : memref<320x128xf32, #tpu.memory_space<vmem>>, vector<1x16xf32>,
        %get3A_470 = vector.shape_cast %get3A_469 : vector<1x16xf32> to vector<16xf32>
        %add3A_471 = arith.addf %add3A_464, %get3A_470 : vector<16xf32>
        %swap3A_472 = arith.index_cast %scan3A_192 : i32 to index
        %swap3A_473 = arith.constant 16 : index
        %swap3A_474 = tpu.vector_load %arg9[%swap3A_472, %swap3A_473] {strides = array<i32>} : memref<16x128xf32, #tpu.memory_space<vmem>>, vector<1x16xf32>,
        %swap3A_475 = vector.shape_cast %swap3A_474 : vector<1x16xf32> to vector<16xf32>
        %swap3A_476 = vector.shape_cast %add3A_471 : vector<16xf32> to vector<1x16xf32>
        tpu.vector_store %arg9[%swap3A_472, %swap3A_473], %swap3A_476 {strides = array<i32>} : memref<16x128xf32, #tpu.memory_space<vmem>>, vector<1x16xf32>,
        %get3A_477 = arith.index_cast %mul3A_194 : i32 to index
        %get3A_478 = arith.constant 32 : index
        %get3A_479 = tpu.vector_load %arg7[%get3A_477, %get3A_478] {strides = array<i32>} : memref<320x128xf32, #tpu.memory_space<vmem>>, vector<1x16xf32>,
        %get3A_480 = vector.shape_cast %get3A_479 : vector<1x16xf32> to vector<16xf32>
        %add3A_481 = arith.constant 1 : i32
        %add3A_482 = arith.addi %mul3A_194, %add3A_481 : i32
        %get3A_483 = arith.index_cast %add3A_482 : i32 to index
        %get3A_484 = arith.constant 32 : index
        %get3A_485 = tpu.vector_load %arg7[%get3A_483, %get3A_484] {strides = array<i32>} : memref<320x128xf32, #tpu.memory_space<vmem>>, vector<1x16xf32>,
        %get3A_486 = vector.shape_cast %get3A_485 : vector<1x16xf32> to vector<16xf32>
        %add3A_487 = arith.addf %get3A_480, %get3A_486 : vector<16xf32>
        %add3A_488 = arith.constant 2 : i32
        %add3A_489 = arith.addi %mul3A_194, %add3A_488 : i32
        %get3A_490 = arith.index_cast %add3A_489 : i32 to index
        %get3A_491 = arith.constant 32 : index
        %get3A_492 = tpu.vector_load %arg7[%get3A_490, %get3A_491] {strides = array<i32>} : memref<320x128xf32, #tpu.memory_space<vmem>>, vector<1x16xf32>,
        %get3A_493 = vector.shape_cast %get3A_492 : vector<1x16xf32> to vector<16xf32>
        %add3A_494 = arith.addf %add3A_487, %get3A_493 : vector<16xf32>
        %add3A_495 = arith.constant 3 : i32
        %add3A_496 = arith.addi %mul3A_194, %add3A_495 : i32
        %get3A_497 = arith.index_cast %add3A_496 : i32 to index
        %get3A_498 = arith.constant 32 : index
        %get3A_499 = tpu.vector_load %arg7[%get3A_497, %get3A_498] {strides = array<i32>} : memref<320x128xf32, #tpu.memory_space<vmem>>, vector<1x16xf32>,
        %get3A_500 = vector.shape_cast %get3A_499 : vector<1x16xf32> to vector<16xf32>
        %add3A_501 = arith.addf %add3A_494, %get3A_500 : vector<16xf32>
        %add3A_502 = arith.constant 4 : i32
        %add3A_503 = arith.addi %mul3A_194, %add3A_502 : i32
        %get3A_504 = arith.index_cast %add3A_503 : i32 to index
        %get3A_505 = arith.constant 32 : index
        %get3A_506 = tpu.vector_load %arg7[%get3A_504, %get3A_505] {strides = array<i32>} : memref<320x128xf32, #tpu.memory_space<vmem>>, vector<1x16xf32>,
        %get3A_507 = vector.shape_cast %get3A_506 : vector<1x16xf32> to vector<16xf32>
        %add3A_508 = arith.addf %add3A_501, %get3A_507 : vector<16xf32>
        %add3A_509 = arith.constant 5 : i32
        %add3A_510 = arith.addi %mul3A_194, %add3A_509 : i32
        %get3A_511 = arith.index_cast %add3A_510 : i32 to index
        %get3A_512 = arith.constant 32 : index
        %get3A_513 = tpu.vector_load %arg7[%get3A_511, %get3A_512] {strides = array<i32>} : memref<320x128xf32, #tpu.memory_space<vmem>>, vector<1x16xf32>,
        %get3A_514 = vector.shape_cast %get3A_513 : vector<1x16xf32> to vector<16xf32>
        %add3A_515 = arith.addf %add3A_508, %get3A_514 : vector<16xf32>
        %add3A_516 = arith.constant 6 : i32
        %add3A_517 = arith.addi %mul3A_194, %add3A_516 : i32
        %get3A_518 = arith.index_cast %add3A_517 : i32 to index
        %get3A_519 = arith.constant 32 : index
        %get3A_520 = tpu.vector_load %arg7[%get3A_518, %get3A_519] {strides = array<i32>} : memref<320x128xf32, #tpu.memory_space<vmem>>, vector<1x16xf32>,
        %get3A_521 = vector.shape_cast %get3A_520 : vector<1x16xf32> to vector<16xf32>
        %add3A_522 = arith.addf %add3A_515, %get3A_521 : vector<16xf32>
        %add3A_523 = arith.constant 7 : i32
        %add3A_524 = arith.addi %mul3A_194, %add3A_523 : i32
        %get3A_525 = arith.index_cast %add3A_524 : i32 to index
        %get3A_526 = arith.constant 32 : index
        %get3A_527 = tpu.vector_load %arg7[%get3A_525, %get3A_526] {strides = array<i32>} : memref<320x128xf32, #tpu.memory_space<vmem>>, vector<1x16xf32>,
        %get3A_528 = vector.shape_cast %get3A_527 : vector<1x16xf32> to vector<16xf32>
        %add3A_529 = arith.addf %add3A_522, %get3A_528 : vector<16xf32>
        %add3A_530 = arith.constant 8 : i32
        %add3A_531 = arith.addi %mul3A_194, %add3A_530 : i32
        %get3A_532 = arith.index_cast %add3A_531 : i32 to index
        %get3A_533 = arith.constant 32 : index
        %get3A_534 = tpu.vector_load %arg7[%get3A_532, %get3A_533] {strides = array<i32>} : memref<320x128xf32, #tpu.memory_space<vmem>>, vector<1x16xf32>,
        %get3A_535 = vector.shape_cast %get3A_534 : vector<1x16xf32> to vector<16xf32>
        %add3A_536 = arith.addf %add3A_529, %get3A_535 : vector<16xf32>
        %add3A_537 = arith.constant 9 : i32
        %add3A_538 = arith.addi %mul3A_194, %add3A_537 : i32
        %get3A_539 = arith.index_cast %add3A_538 : i32 to index
        %get3A_540 = arith.constant 32 : index
        %get3A_541 = tpu.vector_load %arg7[%get3A_539, %get3A_540] {strides = array<i32>} : memref<320x128xf32, #tpu.memory_space<vmem>>, vector<1x16xf32>,
        %get3A_542 = vector.shape_cast %get3A_541 : vector<1x16xf32> to vector<16xf32>
        %add3A_543 = arith.addf %add3A_536, %get3A_542 : vector<16xf32>
        %add3A_544 = arith.constant 10 : i32
        %add3A_545 = arith.addi %mul3A_194, %add3A_544 : i32
        %get3A_546 = arith.index_cast %add3A_545 : i32 to index
        %get3A_547 = arith.constant 32 : index
        %get3A_548 = tpu.vector_load %arg7[%get3A_546, %get3A_547] {strides = array<i32>} : memref<320x128xf32, #tpu.memory_space<vmem>>, vector<1x16xf32>,
        %get3A_549 = vector.shape_cast %get3A_548 : vector<1x16xf32> to vector<16xf32>
        %add3A_550 = arith.addf %add3A_543, %get3A_549 : vector<16xf32>
        %add3A_551 = arith.constant 11 : i32
        %add3A_552 = arith.addi %mul3A_194, %add3A_551 : i32
        %get3A_553 = arith.index_cast %add3A_552 : i32 to index
        %get3A_554 = arith.constant 32 : index
        %get3A_555 = tpu.vector_load %arg7[%get3A_553, %get3A_554] {strides = array<i32>} : memref<320x128xf32, #tpu.memory_space<vmem>>, vector<1x16xf32>,
        %get3A_556 = vector.shape_cast %get3A_555 : vector<1x16xf32> to vector<16xf32>
        %add3A_557 = arith.addf %add3A_550, %get3A_556 : vector<16xf32>
        %add3A_558 = arith.constant 12 : i32
        %add3A_559 = arith.addi %mul3A_194, %add3A_558 : i32
        %get3A_560 = arith.index_cast %add3A_559 : i32 to index
        %get3A_561 = arith.constant 32 : index
        %get3A_562 = tpu.vector_load %arg7[%get3A_560, %get3A_561] {strides = array<i32>} : memref<320x128xf32, #tpu.memory_space<vmem>>, vector<1x16xf32>,
        %get3A_563 = vector.shape_cast %get3A_562 : vector<1x16xf32> to vector<16xf32>
        %add3A_564 = arith.addf %add3A_557, %get3A_563 : vector<16xf32>
        %add3A_565 = arith.constant 13 : i32
        %add3A_566 = arith.addi %mul3A_194, %add3A_565 : i32
        %get3A_567 = arith.index_cast %add3A_566 : i32 to index
        %get3A_568 = arith.constant 32 : index
        %get3A_569 = tpu.vector_load %arg7[%get3A_567, %get3A_568] {strides = array<i32>} : memref<320x128xf32, #tpu.memory_space<vmem>>, vector<1x16xf32>,
        %get3A_570 = vector.shape_cast %get3A_569 : vector<1x16xf32> to vector<16xf32>
        %add3A_571 = arith.addf %add3A_564, %get3A_570 : vector<16xf32>
        %add3A_572 = arith.constant 14 : i32
        %add3A_573 = arith.addi %mul3A_194, %add3A_572 : i32
        %get3A_574 = arith.index_cast %add3A_573 : i32 to index
        %get3A_575 = arith.constant 32 : index
        %get3A_576 = tpu.vector_load %arg7[%get3A_574, %get3A_575] {strides = array<i32>} : memref<320x128xf32, #tpu.memory_space<vmem>>, vector<1x16xf32>,
        %get3A_577 = vector.shape_cast %get3A_576 : vector<1x16xf32> to vector<16xf32>
        %add3A_578 = arith.addf %add3A_571, %get3A_577 : vector<16xf32>
        %add3A_579 = arith.constant 15 : i32
        %add3A_580 = arith.addi %mul3A_194, %add3A_579 : i32
        %get3A_581 = arith.index_cast %add3A_580 : i32 to index
        %get3A_582 = arith.constant 32 : index
        %get3A_583 = tpu.vector_load %arg7[%get3A_581, %get3A_582] {strides = array<i32>} : memref<320x128xf32, #tpu.memory_space<vmem>>, vector<1x16xf32>,
        %get3A_584 = vector.shape_cast %get3A_583 : vector<1x16xf32> to vector<16xf32>
        %add3A_585 = arith.addf %add3A_578, %get3A_584 : vector<16xf32>
        %add3A_586 = arith.constant 16 : i32
        %add3A_587 = arith.addi %mul3A_194, %add3A_586 : i32
        %get3A_588 = arith.index_cast %add3A_587 : i32 to index
        %get3A_589 = arith.constant 32 : index
        %get3A_590 = tpu.vector_load %arg7[%get3A_588, %get3A_589] {strides = array<i32>} : memref<320x128xf32, #tpu.memory_space<vmem>>, vector<1x16xf32>,
        %get3A_591 = vector.shape_cast %get3A_590 : vector<1x16xf32> to vector<16xf32>
        %add3A_592 = arith.addf %add3A_585, %get3A_591 : vector<16xf32>
        %add3A_593 = arith.constant 17 : i32
        %add3A_594 = arith.addi %mul3A_194, %add3A_593 : i32
        %get3A_595 = arith.index_cast %add3A_594 : i32 to index
        %get3A_596 = arith.constant 32 : index
        %get3A_597 = tpu.vector_load %arg7[%get3A_595, %get3A_596] {strides = array<i32>} : memref<320x128xf32, #tpu.memory_space<vmem>>, vector<1x16xf32>,
        %get3A_598 = vector.shape_cast %get3A_597 : vector<1x16xf32> to vector<16xf32>
        %add3A_599 = arith.addf %add3A_592, %get3A_598 : vector<16xf32>
        %add3A_600 = arith.constant 18 : i32
        %add3A_601 = arith.addi %mul3A_194, %add3A_600 : i32
        %get3A_602 = arith.index_cast %add3A_601 : i32 to index
        %get3A_603 = arith.constant 32 : index
        %get3A_604 = tpu.vector_load %arg7[%get3A_602, %get3A_603] {strides = array<i32>} : memref<320x128xf32, #tpu.memory_space<vmem>>, vector<1x16xf32>,
        %get3A_605 = vector.shape_cast %get3A_604 : vector<1x16xf32> to vector<16xf32>
        %add3A_606 = arith.addf %add3A_599, %get3A_605 : vector<16xf32>
        %add3A_607 = arith.constant 19 : i32
        %add3A_608 = arith.addi %mul3A_194, %add3A_607 : i32
        %get3A_609 = arith.index_cast %add3A_608 : i32 to index
        %get3A_610 = arith.constant 32 : index
        %get3A_611 = tpu.vector_load %arg7[%get3A_609, %get3A_610] {strides = array<i32>} : memref<320x128xf32, #tpu.memory_space<vmem>>, vector<1x16xf32>,
        %get3A_612 = vector.shape_cast %get3A_611 : vector<1x16xf32> to vector<16xf32>
        %add3A_613 = arith.addf %add3A_606, %get3A_612 : vector<16xf32>
        %swap3A_614 = arith.index_cast %scan3A_192 : i32 to index
        %swap3A_615 = arith.constant 32 : index
        %swap3A_616 = tpu.vector_load %arg9[%swap3A_614, %swap3A_615] {strides = array<i32>} : memref<16x128xf32, #tpu.memory_space<vmem>>, vector<1x16xf32>,
        %swap3A_617 = vector.shape_cast %swap3A_616 : vector<1x16xf32> to vector<16xf32>
        %swap3A_618 = vector.shape_cast %add3A_613 : vector<16xf32> to vector<1x16xf32>
        tpu.vector_store %arg9[%swap3A_614, %swap3A_615], %swap3A_618 {strides = array<i32>} : memref<16x128xf32, #tpu.memory_space<vmem>>, vector<1x16xf32>,
        %get3A_619 = arith.index_cast %mul3A_194 : i32 to index
        %get3A_620 = arith.constant 48 : index
        %get3A_621 = tpu.vector_load %arg7[%get3A_619, %get3A_620] {strides = array<i32>} : memref<320x128xf32, #tpu.memory_space<vmem>>, vector<1x16xf32>,
        %get3A_622 = vector.shape_cast %get3A_621 : vector<1x16xf32> to vector<16xf32>
        %add3A_623 = arith.constant 1 : i32
        %add3A_624 = arith.addi %mul3A_194, %add3A_623 : i32
        %get3A_625 = arith.index_cast %add3A_624 : i32 to index
        %get3A_626 = arith.constant 48 : index
        %get3A_627 = tpu.vector_load %arg7[%get3A_625, %get3A_626] {strides = array<i32>} : memref<320x128xf32, #tpu.memory_space<vmem>>, vector<1x16xf32>,
        %get3A_628 = vector.shape_cast %get3A_627 : vector<1x16xf32> to vector<16xf32>
        %add3A_629 = arith.addf %get3A_622, %get3A_628 : vector<16xf32>
        %add3A_630 = arith.constant 2 : i32
        %add3A_631 = arith.addi %mul3A_194, %add3A_630 : i32
        %get3A_632 = arith.index_cast %add3A_631 : i32 to index
        %get3A_633 = arith.constant 48 : index
        %get3A_634 = tpu.vector_load %arg7[%get3A_632, %get3A_633] {strides = array<i32>} : memref<320x128xf32, #tpu.memory_space<vmem>>, vector<1x16xf32>,
        %get3A_635 = vector.shape_cast %get3A_634 : vector<1x16xf32> to vector<16xf32>
        %add3A_636 = arith.addf %add3A_629, %get3A_635 : vector<16xf32>
        %add3A_637 = arith.constant 3 : i32
        %add3A_638 = arith.addi %mul3A_194, %add3A_637 : i32
        %get3A_639 = arith.index_cast %add3A_638 : i32 to index
        %get3A_640 = arith.constant 48 : index
        %get3A_641 = tpu.vector_load %arg7[%get3A_639, %get3A_640] {strides = array<i32>} : memref<320x128xf32, #tpu.memory_space<vmem>>, vector<1x16xf32>,
        %get3A_642 = vector.shape_cast %get3A_641 : vector<1x16xf32> to vector<16xf32>
        %add3A_643 = arith.addf %add3A_636, %get3A_642 : vector<16xf32>
        %add3A_644 = arith.constant 4 : i32
        %add3A_645 = arith.addi %mul3A_194, %add3A_644 : i32
        %get3A_646 = arith.index_cast %add3A_645 : i32 to index
        %get3A_647 = arith.constant 48 : index
        %get3A_648 = tpu.vector_load %arg7[%get3A_646, %get3A_647] {strides = array<i32>} : memref<320x128xf32, #tpu.memory_space<vmem>>, vector<1x16xf32>,
        %get3A_649 = vector.shape_cast %get3A_648 : vector<1x16xf32> to vector<16xf32>
        %add3A_650 = arith.addf %add3A_643, %get3A_649 : vector<16xf32>
        %add3A_651 = arith.constant 5 : i32
        %add3A_652 = arith.addi %mul3A_194, %add3A_651 : i32
        %get3A_653 = arith.index_cast %add3A_652 : i32 to index
        %get3A_654 = arith.constant 48 : index
        %get3A_655 = tpu.vector_load %arg7[%get3A_653, %get3A_654] {strides = array<i32>} : memref<320x128xf32, #tpu.memory_space<vmem>>, vector<1x16xf32>,
        %get3A_656 = vector.shape_cast %get3A_655 : vector<1x16xf32> to vector<16xf32>
        %add3A_657 = arith.addf %add3A_650, %get3A_656 : vector<16xf32>
        %add3A_658 = arith.constant 6 : i32
        %add3A_659 = arith.addi %mul3A_194, %add3A_658 : i32
        %get3A_660 = arith.index_cast %add3A_659 : i32 to index
        %get3A_661 = arith.constant 48 : index
        %get3A_662 = tpu.vector_load %arg7[%get3A_660, %get3A_661] {strides = array<i32>} : memref<320x128xf32, #tpu.memory_space<vmem>>, vector<1x16xf32>,
        %get3A_663 = vector.shape_cast %get3A_662 : vector<1x16xf32> to vector<16xf32>
        %add3A_664 = arith.addf %add3A_657, %get3A_663 : vector<16xf32>
        %add3A_665 = arith.constant 7 : i32
        %add3A_666 = arith.addi %mul3A_194, %add3A_665 : i32
        %get3A_667 = arith.index_cast %add3A_666 : i32 to index
        %get3A_668 = arith.constant 48 : index
        %get3A_669 = tpu.vector_load %arg7[%get3A_667, %get3A_668] {strides = array<i32>} : memref<320x128xf32, #tpu.memory_space<vmem>>, vector<1x16xf32>,
        %get3A_670 = vector.shape_cast %get3A_669 : vector<1x16xf32> to vector<16xf32>
        %add3A_671 = arith.addf %add3A_664, %get3A_670 : vector<16xf32>
        %add3A_672 = arith.constant 8 : i32
        %add3A_673 = arith.addi %mul3A_194, %add3A_672 : i32
        %get3A_674 = arith.index_cast %add3A_673 : i32 to index
        %get3A_675 = arith.constant 48 : index
        %get3A_676 = tpu.vector_load %arg7[%get3A_674, %get3A_675] {strides = array<i32>} : memref<320x128xf32, #tpu.memory_space<vmem>>, vector<1x16xf32>,
        %get3A_677 = vector.shape_cast %get3A_676 : vector<1x16xf32> to vector<16xf32>
        %add3A_678 = arith.addf %add3A_671, %get3A_677 : vector<16xf32>
        %add3A_679 = arith.constant 9 : i32
        %add3A_680 = arith.addi %mul3A_194, %add3A_679 : i32
        %get3A_681 = arith.index_cast %add3A_680 : i32 to index
        %get3A_682 = arith.constant 48 : index
        %get3A_683 = tpu.vector_load %arg7[%get3A_681, %get3A_682] {strides = array<i32>} : memref<320x128xf32, #tpu.memory_space<vmem>>, vector<1x16xf32>,
        %get3A_684 = vector.shape_cast %get3A_683 : vector<1x16xf32> to vector<16xf32>
        %add3A_685 = arith.addf %add3A_678, %get3A_684 : vector<16xf32>
        %add3A_686 = arith.constant 10 : i32
        %add3A_687 = arith.addi %mul3A_194, %add3A_686 : i32
        %get3A_688 = arith.index_cast %add3A_687 : i32 to index
        %get3A_689 = arith.constant 48 : index
        %get3A_690 = tpu.vector_load %arg7[%get3A_688, %get3A_689] {strides = array<i32>} : memref<320x128xf32, #tpu.memory_space<vmem>>, vector<1x16xf32>,
        %get3A_691 = vector.shape_cast %get3A_690 : vector<1x16xf32> to vector<16xf32>
        %add3A_692 = arith.addf %add3A_685, %get3A_691 : vector<16xf32>
        %add3A_693 = arith.constant 11 : i32
        %add3A_694 = arith.addi %mul3A_194, %add3A_693 : i32
        %get3A_695 = arith.index_cast %add3A_694 : i32 to index
        %get3A_696 = arith.constant 48 : index
        %get3A_697 = tpu.vector_load %arg7[%get3A_695, %get3A_696] {strides = array<i32>} : memref<320x128xf32, #tpu.memory_space<vmem>>, vector<1x16xf32>,
        %get3A_698 = vector.shape_cast %get3A_697 : vector<1x16xf32> to vector<16xf32>
        %add3A_699 = arith.addf %add3A_692, %get3A_698 : vector<16xf32>
        %add3A_700 = arith.constant 12 : i32
        %add3A_701 = arith.addi %mul3A_194, %add3A_700 : i32
        %get3A_702 = arith.index_cast %add3A_701 : i32 to index
        %get3A_703 = arith.constant 48 : index
        %get3A_704 = tpu.vector_load %arg7[%get3A_702, %get3A_703] {strides = array<i32>} : memref<320x128xf32, #tpu.memory_space<vmem>>, vector<1x16xf32>,
        %get3A_705 = vector.shape_cast %get3A_704 : vector<1x16xf32> to vector<16xf32>
        %add3A_706 = arith.addf %add3A_699, %get3A_705 : vector<16xf32>
        %add3A_707 = arith.constant 13 : i32
        %add3A_708 = arith.addi %mul3A_194, %add3A_707 : i32
        %get3A_709 = arith.index_cast %add3A_708 : i32 to index
        %get3A_710 = arith.constant 48 : index
        %get3A_711 = tpu.vector_load %arg7[%get3A_709, %get3A_710] {strides = array<i32>} : memref<320x128xf32, #tpu.memory_space<vmem>>, vector<1x16xf32>,
        %get3A_712 = vector.shape_cast %get3A_711 : vector<1x16xf32> to vector<16xf32>
        %add3A_713 = arith.addf %add3A_706, %get3A_712 : vector<16xf32>
        %add3A_714 = arith.constant 14 : i32
        %add3A_715 = arith.addi %mul3A_194, %add3A_714 : i32
        %get3A_716 = arith.index_cast %add3A_715 : i32 to index
        %get3A_717 = arith.constant 48 : index
        %get3A_718 = tpu.vector_load %arg7[%get3A_716, %get3A_717] {strides = array<i32>} : memref<320x128xf32, #tpu.memory_space<vmem>>, vector<1x16xf32>,
        %get3A_719 = vector.shape_cast %get3A_718 : vector<1x16xf32> to vector<16xf32>
        %add3A_720 = arith.addf %add3A_713, %get3A_719 : vector<16xf32>
        %add3A_721 = arith.constant 15 : i32
        %add3A_722 = arith.addi %mul3A_194, %add3A_721 : i32
        %get3A_723 = arith.index_cast %add3A_722 : i32 to index
        %get3A_724 = arith.constant 48 : index
        %get3A_725 = tpu.vector_load %arg7[%get3A_723, %get3A_724] {strides = array<i32>} : memref<320x128xf32, #tpu.memory_space<vmem>>, vector<1x16xf32>,
        %get3A_726 = vector.shape_cast %get3A_725 : vector<1x16xf32> to vector<16xf32>
        %add3A_727 = arith.addf %add3A_720, %get3A_726 : vector<16xf32>
        %add3A_728 = arith.constant 16 : i32
        %add3A_729 = arith.addi %mul3A_194, %add3A_728 : i32
        %get3A_730 = arith.index_cast %add3A_729 : i32 to index
        %get3A_731 = arith.constant 48 : index
        %get3A_732 = tpu.vector_load %arg7[%get3A_730, %get3A_731] {strides = array<i32>} : memref<320x128xf32, #tpu.memory_space<vmem>>, vector<1x16xf32>,
        %get3A_733 = vector.shape_cast %get3A_732 : vector<1x16xf32> to vector<16xf32>
        %add3A_734 = arith.addf %add3A_727, %get3A_733 : vector<16xf32>
        %add3A_735 = arith.constant 17 : i32
        %add3A_736 = arith.addi %mul3A_194, %add3A_735 : i32
        %get3A_737 = arith.index_cast %add3A_736 : i32 to index
        %get3A_738 = arith.constant 48 : index
        %get3A_739 = tpu.vector_load %arg7[%get3A_737, %get3A_738] {strides = array<i32>} : memref<320x128xf32, #tpu.memory_space<vmem>>, vector<1x16xf32>,
        %get3A_740 = vector.shape_cast %get3A_739 : vector<1x16xf32> to vector<16xf32>
        %add3A_741 = arith.addf %add3A_734, %get3A_740 : vector<16xf32>
        %add3A_742 = arith.constant 18 : i32
        %add3A_743 = arith.addi %mul3A_194, %add3A_742 : i32
        %get3A_744 = arith.index_cast %add3A_743 : i32 to index
        %get3A_745 = arith.constant 48 : index
        %get3A_746 = tpu.vector_load %arg7[%get3A_744, %get3A_745] {strides = array<i32>} : memref<320x128xf32, #tpu.memory_space<vmem>>, vector<1x16xf32>,
        %get3A_747 = vector.shape_cast %get3A_746 : vector<1x16xf32> to vector<16xf32>
        %add3A_748 = arith.addf %add3A_741, %get3A_747 : vector<16xf32>
        %add3A_749 = arith.constant 19 : i32
        %add3A_750 = arith.addi %mul3A_194, %add3A_749 : i32
        %get3A_751 = arith.index_cast %add3A_750 : i32 to index
        %get3A_752 = arith.constant 48 : index
        %get3A_753 = tpu.vector_load %arg7[%get3A_751, %get3A_752] {strides = array<i32>} : memref<320x128xf32, #tpu.memory_space<vmem>>, vector<1x16xf32>,
        %get3A_754 = vector.shape_cast %get3A_753 : vector<1x16xf32> to vector<16xf32>
        %add3A_755 = arith.addf %add3A_748, %get3A_754 : vector<16xf32>
        %swap3A_756 = arith.index_cast %scan3A_192 : i32 to index
        %swap3A_757 = arith.constant 48 : index
        %swap3A_758 = tpu.vector_load %arg9[%swap3A_756, %swap3A_757] {strides = array<i32>} : memref<16x128xf32, #tpu.memory_space<vmem>>, vector<1x16xf32>,
        %swap3A_759 = vector.shape_cast %swap3A_758 : vector<1x16xf32> to vector<16xf32>
        %swap3A_760 = vector.shape_cast %add3A_755 : vector<16xf32> to vector<1x16xf32>
        tpu.vector_store %arg9[%swap3A_756, %swap3A_757], %swap3A_760 {strides = array<i32>} : memref<16x128xf32, #tpu.memory_space<vmem>>, vector<1x16xf32>,
        %get3A_761 = arith.index_cast %mul3A_194 : i32 to index
        %get3A_762 = arith.constant 64 : index
        %get3A_763 = tpu.vector_load %arg7[%get3A_761, %get3A_762] {strides = array<i32>} : memref<320x128xf32, #tpu.memory_space<vmem>>, vector<1x16xf32>,
        %get3A_764 = vector.shape_cast %get3A_763 : vector<1x16xf32> to vector<16xf32>
        %add3A_765 = arith.constant 1 : i32
        %add3A_766 = arith.addi %mul3A_194, %add3A_765 : i32
        %get3A_767 = arith.index_cast %add3A_766 : i32 to index
        %get3A_768 = arith.constant 64 : index
        %get3A_769 = tpu.vector_load %arg7[%get3A_767, %get3A_768] {strides = array<i32>} : memref<320x128xf32, #tpu.memory_space<vmem>>, vector<1x16xf32>,
        %get3A_770 = vector.shape_cast %get3A_769 : vector<1x16xf32> to vector<16xf32>
        %add3A_771 = arith.addf %get3A_764, %get3A_770 : vector<16xf32>
        %add3A_772 = arith.constant 2 : i32
        %add3A_773 = arith.addi %mul3A_194, %add3A_772 : i32
        %get3A_774 = arith.index_cast %add3A_773 : i32 to index
        %get3A_775 = arith.constant 64 : index
        %get3A_776 = tpu.vector_load %arg7[%get3A_774, %get3A_775] {strides = array<i32>} : memref<320x128xf32, #tpu.memory_space<vmem>>, vector<1x16xf32>,
        %get3A_777 = vector.shape_cast %get3A_776 : vector<1x16xf32> to vector<16xf32>
        %add3A_778 = arith.addf %add3A_771, %get3A_777 : vector<16xf32>
        %add3A_779 = arith.constant 3 : i32
        %add3A_780 = arith.addi %mul3A_194, %add3A_779 : i32
        %get3A_781 = arith.index_cast %add3A_780 : i32 to index
        %get3A_782 = arith.constant 64 : index
        %get3A_783 = tpu.vector_load %arg7[%get3A_781, %get3A_782] {strides = array<i32>} : memref<320x128xf32, #tpu.memory_space<vmem>>, vector<1x16xf32>,
        %get3A_784 = vector.shape_cast %get3A_783 : vector<1x16xf32> to vector<16xf32>
        %add3A_785 = arith.addf %add3A_778, %get3A_784 : vector<16xf32>
        %add3A_786 = arith.constant 4 : i32
        %add3A_787 = arith.addi %mul3A_194, %add3A_786 : i32
        %get3A_788 = arith.index_cast %add3A_787 : i32 to index
        %get3A_789 = arith.constant 64 : index
        %get3A_790 = tpu.vector_load %arg7[%get3A_788, %get3A_789] {strides = array<i32>} : memref<320x128xf32, #tpu.memory_space<vmem>>, vector<1x16xf32>,
        %get3A_791 = vector.shape_cast %get3A_790 : vector<1x16xf32> to vector<16xf32>
        %add3A_792 = arith.addf %add3A_785, %get3A_791 : vector<16xf32>
        %add3A_793 = arith.constant 5 : i32
        %add3A_794 = arith.addi %mul3A_194, %add3A_793 : i32
        %get3A_795 = arith.index_cast %add3A_794 : i32 to index
        %get3A_796 = arith.constant 64 : index
        %get3A_797 = tpu.vector_load %arg7[%get3A_795, %get3A_796] {strides = array<i32>} : memref<320x128xf32, #tpu.memory_space<vmem>>, vector<1x16xf32>,
        %get3A_798 = vector.shape_cast %get3A_797 : vector<1x16xf32> to vector<16xf32>
        %add3A_799 = arith.addf %add3A_792, %get3A_798 : vector<16xf32>
        %add3A_800 = arith.constant 6 : i32
        %add3A_801 = arith.addi %mul3A_194, %add3A_800 : i32
        %get3A_802 = arith.index_cast %add3A_801 : i32 to index
        %get3A_803 = arith.constant 64 : index
        %get3A_804 = tpu.vector_load %arg7[%get3A_802, %get3A_803] {strides = array<i32>} : memref<320x128xf32, #tpu.memory_space<vmem>>, vector<1x16xf32>,
        %get3A_805 = vector.shape_cast %get3A_804 : vector<1x16xf32> to vector<16xf32>
        %add3A_806 = arith.addf %add3A_799, %get3A_805 : vector<16xf32>
        %add3A_807 = arith.constant 7 : i32
        %add3A_808 = arith.addi %mul3A_194, %add3A_807 : i32
        %get3A_809 = arith.index_cast %add3A_808 : i32 to index
        %get3A_810 = arith.constant 64 : index
        %get3A_811 = tpu.vector_load %arg7[%get3A_809, %get3A_810] {strides = array<i32>} : memref<320x128xf32, #tpu.memory_space<vmem>>, vector<1x16xf32>,
        %get3A_812 = vector.shape_cast %get3A_811 : vector<1x16xf32> to vector<16xf32>
        %add3A_813 = arith.addf %add3A_806, %get3A_812 : vector<16xf32>
        %add3A_814 = arith.constant 8 : i32
        %add3A_815 = arith.addi %mul3A_194, %add3A_814 : i32
        %get3A_816 = arith.index_cast %add3A_815 : i32 to index
        %get3A_817 = arith.constant 64 : index
        %get3A_818 = tpu.vector_load %arg7[%get3A_816, %get3A_817] {strides = array<i32>} : memref<320x128xf32, #tpu.memory_space<vmem>>, vector<1x16xf32>,
        %get3A_819 = vector.shape_cast %get3A_818 : vector<1x16xf32> to vector<16xf32>
        %add3A_820 = arith.addf %add3A_813, %get3A_819 : vector<16xf32>
        %add3A_821 = arith.constant 9 : i32
        %add3A_822 = arith.addi %mul3A_194, %add3A_821 : i32
        %get3A_823 = arith.index_cast %add3A_822 : i32 to index
        %get3A_824 = arith.constant 64 : index
        %get3A_825 = tpu.vector_load %arg7[%get3A_823, %get3A_824] {strides = array<i32>} : memref<320x128xf32, #tpu.memory_space<vmem>>, vector<1x16xf32>,
        %get3A_826 = vector.shape_cast %get3A_825 : vector<1x16xf32> to vector<16xf32>
        %add3A_827 = arith.addf %add3A_820, %get3A_826 : vector<16xf32>
        %add3A_828 = arith.constant 10 : i32
        %add3A_829 = arith.addi %mul3A_194, %add3A_828 : i32
        %get3A_830 = arith.index_cast %add3A_829 : i32 to index
        %get3A_831 = arith.constant 64 : index
        %get3A_832 = tpu.vector_load %arg7[%get3A_830, %get3A_831] {strides = array<i32>} : memref<320x128xf32, #tpu.memory_space<vmem>>, vector<1x16xf32>,
        %get3A_833 = vector.shape_cast %get3A_832 : vector<1x16xf32> to vector<16xf32>
        %add3A_834 = arith.addf %add3A_827, %get3A_833 : vector<16xf32>
        %add3A_835 = arith.constant 11 : i32
        %add3A_836 = arith.addi %mul3A_194, %add3A_835 : i32
        %get3A_837 = arith.index_cast %add3A_836 : i32 to index
        %get3A_838 = arith.constant 64 : index
        %get3A_839 = tpu.vector_load %arg7[%get3A_837, %get3A_838] {strides = array<i32>} : memref<320x128xf32, #tpu.memory_space<vmem>>, vector<1x16xf32>,
        %get3A_840 = vector.shape_cast %get3A_839 : vector<1x16xf32> to vector<16xf32>
        %add3A_841 = arith.addf %add3A_834, %get3A_840 : vector<16xf32>
        %add3A_842 = arith.constant 12 : i32
        %add3A_843 = arith.addi %mul3A_194, %add3A_842 : i32
        %get3A_844 = arith.index_cast %add3A_843 : i32 to index
        %get3A_845 = arith.constant 64 : index
        %get3A_846 = tpu.vector_load %arg7[%get3A_844, %get3A_845] {strides = array<i32>} : memref<320x128xf32, #tpu.memory_space<vmem>>, vector<1x16xf32>,
        %get3A_847 = vector.shape_cast %get3A_846 : vector<1x16xf32> to vector<16xf32>
        %add3A_848 = arith.addf %add3A_841, %get3A_847 : vector<16xf32>
        %add3A_849 = arith.constant 13 : i32
        %add3A_850 = arith.addi %mul3A_194, %add3A_849 : i32
        %get3A_851 = arith.index_cast %add3A_850 : i32 to index
        %get3A_852 = arith.constant 64 : index
        %get3A_853 = tpu.vector_load %arg7[%get3A_851, %get3A_852] {strides = array<i32>} : memref<320x128xf32, #tpu.memory_space<vmem>>, vector<1x16xf32>,
        %get3A_854 = vector.shape_cast %get3A_853 : vector<1x16xf32> to vector<16xf32>
        %add3A_855 = arith.addf %add3A_848, %get3A_854 : vector<16xf32>
        %add3A_856 = arith.constant 14 : i32
        %add3A_857 = arith.addi %mul3A_194, %add3A_856 : i32
        %get3A_858 = arith.index_cast %add3A_857 : i32 to index
        %get3A_859 = arith.constant 64 : index
        %get3A_860 = tpu.vector_load %arg7[%get3A_858, %get3A_859] {strides = array<i32>} : memref<320x128xf32, #tpu.memory_space<vmem>>, vector<1x16xf32>,
        %get3A_861 = vector.shape_cast %get3A_860 : vector<1x16xf32> to vector<16xf32>
        %add3A_862 = arith.addf %add3A_855, %get3A_861 : vector<16xf32>
        %add3A_863 = arith.constant 15 : i32
        %add3A_864 = arith.addi %mul3A_194, %add3A_863 : i32
        %get3A_865 = arith.index_cast %add3A_864 : i32 to index
        %get3A_866 = arith.constant 64 : index
        %get3A_867 = tpu.vector_load %arg7[%get3A_865, %get3A_866] {strides = array<i32>} : memref<320x128xf32, #tpu.memory_space<vmem>>, vector<1x16xf32>,
        %get3A_868 = vector.shape_cast %get3A_867 : vector<1x16xf32> to vector<16xf32>
        %add3A_869 = arith.addf %add3A_862, %get3A_868 : vector<16xf32>
        %add3A_870 = arith.constant 16 : i32
        %add3A_871 = arith.addi %mul3A_194, %add3A_870 : i32
        %get3A_872 = arith.index_cast %add3A_871 : i32 to index
        %get3A_873 = arith.constant 64 : index
        %get3A_874 = tpu.vector_load %arg7[%get3A_872, %get3A_873] {strides = array<i32>} : memref<320x128xf32, #tpu.memory_space<vmem>>, vector<1x16xf32>,
        %get3A_875 = vector.shape_cast %get3A_874 : vector<1x16xf32> to vector<16xf32>
        %add3A_876 = arith.addf %add3A_869, %get3A_875 : vector<16xf32>
        %add3A_877 = arith.constant 17 : i32
        %add3A_878 = arith.addi %mul3A_194, %add3A_877 : i32
        %get3A_879 = arith.index_cast %add3A_878 : i32 to index
        %get3A_880 = arith.constant 64 : index
        %get3A_881 = tpu.vector_load %arg7[%get3A_879, %get3A_880] {strides = array<i32>} : memref<320x128xf32, #tpu.memory_space<vmem>>, vector<1x16xf32>,
        %get3A_882 = vector.shape_cast %get3A_881 : vector<1x16xf32> to vector<16xf32>
        %add3A_883 = arith.addf %add3A_876, %get3A_882 : vector<16xf32>
        %add3A_884 = arith.constant 18 : i32
        %add3A_885 = arith.addi %mul3A_194, %add3A_884 : i32
        %get3A_886 = arith.index_cast %add3A_885 : i32 to index
        %get3A_887 = arith.constant 64 : index
        %get3A_888 = tpu.vector_load %arg7[%get3A_886, %get3A_887] {strides = array<i32>} : memref<320x128xf32, #tpu.memory_space<vmem>>, vector<1x16xf32>,
        %get3A_889 = vector.shape_cast %get3A_888 : vector<1x16xf32> to vector<16xf32>
        %add3A_890 = arith.addf %add3A_883, %get3A_889 : vector<16xf32>
        %add3A_891 = arith.constant 19 : i32
        %add3A_892 = arith.addi %mul3A_194, %add3A_891 : i32
        %get3A_893 = arith.index_cast %add3A_892 : i32 to index
        %get3A_894 = arith.constant 64 : index
        %get3A_895 = tpu.vector_load %arg7[%get3A_893, %get3A_894] {strides = array<i32>} : memref<320x128xf32, #tpu.memory_space<vmem>>, vector<1x16xf32>,
        %get3A_896 = vector.shape_cast %get3A_895 : vector<1x16xf32> to vector<16xf32>
        %add3A_897 = arith.addf %add3A_890, %get3A_896 : vector<16xf32>
        %swap3A_898 = arith.index_cast %scan3A_192 : i32 to index
        %swap3A_899 = arith.constant 64 : index
        %swap3A_900 = tpu.vector_load %arg9[%swap3A_898, %swap3A_899] {strides = array<i32>} : memref<16x128xf32, #tpu.memory_space<vmem>>, vector<1x16xf32>,
        %swap3A_901 = vector.shape_cast %swap3A_900 : vector<1x16xf32> to vector<16xf32>
        %swap3A_902 = vector.shape_cast %add3A_897 : vector<16xf32> to vector<1x16xf32>
        tpu.vector_store %arg9[%swap3A_898, %swap3A_899], %swap3A_902 {strides = array<i32>} : memref<16x128xf32, #tpu.memory_space<vmem>>, vector<1x16xf32>,
        %get3A_903 = arith.index_cast %mul3A_194 : i32 to index
        %get3A_904 = arith.constant 80 : index
        %get3A_905 = tpu.vector_load %arg7[%get3A_903, %get3A_904] {strides = array<i32>} : memref<320x128xf32, #tpu.memory_space<vmem>>, vector<1x16xf32>,
        %get3A_906 = vector.shape_cast %get3A_905 : vector<1x16xf32> to vector<16xf32>
        %add3A_907 = arith.constant 1 : i32
        %add3A_908 = arith.addi %mul3A_194, %add3A_907 : i32
        %get3A_909 = arith.index_cast %add3A_908 : i32 to index
        %get3A_910 = arith.constant 80 : index
        %get3A_911 = tpu.vector_load %arg7[%get3A_909, %get3A_910] {strides = array<i32>} : memref<320x128xf32, #tpu.memory_space<vmem>>, vector<1x16xf32>,
        %get3A_912 = vector.shape_cast %get3A_911 : vector<1x16xf32> to vector<16xf32>
        %add3A_913 = arith.addf %get3A_906, %get3A_912 : vector<16xf32>
        %add3A_914 = arith.constant 2 : i32
        %add3A_915 = arith.addi %mul3A_194, %add3A_914 : i32
        %get3A_916 = arith.index_cast %add3A_915 : i32 to index
        %get3A_917 = arith.constant 80 : index
        %get3A_918 = tpu.vector_load %arg7[%get3A_916, %get3A_917] {strides = array<i32>} : memref<320x128xf32, #tpu.memory_space<vmem>>, vector<1x16xf32>,
        %get3A_919 = vector.shape_cast %get3A_918 : vector<1x16xf32> to vector<16xf32>
        %add3A_920 = arith.addf %add3A_913, %get3A_919 : vector<16xf32>
        %add3A_921 = arith.constant 3 : i32
        %add3A_922 = arith.addi %mul3A_194, %add3A_921 : i32
        %get3A_923 = arith.index_cast %add3A_922 : i32 to index
        %get3A_924 = arith.constant 80 : index
        %get3A_925 = tpu.vector_load %arg7[%get3A_923, %get3A_924] {strides = array<i32>} : memref<320x128xf32, #tpu.memory_space<vmem>>, vector<1x16xf32>,
        %get3A_926 = vector.shape_cast %get3A_925 : vector<1x16xf32> to vector<16xf32>
        %add3A_927 = arith.addf %add3A_920, %get3A_926 : vector<16xf32>
        %add3A_928 = arith.constant 4 : i32
        %add3A_929 = arith.addi %mul3A_194, %add3A_928 : i32
        %get3A_930 = arith.index_cast %add3A_929 : i32 to index
        %get3A_931 = arith.constant 80 : index
        %get3A_932 = tpu.vector_load %arg7[%get3A_930, %get3A_931] {strides = array<i32>} : memref<320x128xf32, #tpu.memory_space<vmem>>, vector<1x16xf32>,
        %get3A_933 = vector.shape_cast %get3A_932 : vector<1x16xf32> to vector<16xf32>
        %add3A_934 = arith.addf %add3A_927, %get3A_933 : vector<16xf32>
        %add3A_935 = arith.constant 5 : i32
        %add3A_936 = arith.addi %mul3A_194, %add3A_935 : i32
        %get3A_937 = arith.index_cast %add3A_936 : i32 to index
        %get3A_938 = arith.constant 80 : index
        %get3A_939 = tpu.vector_load %arg7[%get3A_937, %get3A_938] {strides = array<i32>} : memref<320x128xf32, #tpu.memory_space<vmem>>, vector<1x16xf32>,
        %get3A_940 = vector.shape_cast %get3A_939 : vector<1x16xf32> to vector<16xf32>
        %add3A_941 = arith.addf %add3A_934, %get3A_940 : vector<16xf32>
        %add3A_942 = arith.constant 6 : i32
        %add3A_943 = arith.addi %mul3A_194, %add3A_942 : i32
        %get3A_944 = arith.index_cast %add3A_943 : i32 to index
        %get3A_945 = arith.constant 80 : index
        %get3A_946 = tpu.vector_load %arg7[%get3A_944, %get3A_945] {strides = array<i32>} : memref<320x128xf32, #tpu.memory_space<vmem>>, vector<1x16xf32>,
        %get3A_947 = vector.shape_cast %get3A_946 : vector<1x16xf32> to vector<16xf32>
        %add3A_948 = arith.addf %add3A_941, %get3A_947 : vector<16xf32>
        %add3A_949 = arith.constant 7 : i32
        %add3A_950 = arith.addi %mul3A_194, %add3A_949 : i32
        %get3A_951 = arith.index_cast %add3A_950 : i32 to index
        %get3A_952 = arith.constant 80 : index
        %get3A_953 = tpu.vector_load %arg7[%get3A_951, %get3A_952] {strides = array<i32>} : memref<320x128xf32, #tpu.memory_space<vmem>>, vector<1x16xf32>,
        %get3A_954 = vector.shape_cast %get3A_953 : vector<1x16xf32> to vector<16xf32>
        %add3A_955 = arith.addf %add3A_948, %get3A_954 : vector<16xf32>
        %add3A_956 = arith.constant 8 : i32
        %add3A_957 = arith.addi %mul3A_194, %add3A_956 : i32
        %get3A_958 = arith.index_cast %add3A_957 : i32 to index
        %get3A_959 = arith.constant 80 : index
        %get3A_960 = tpu.vector_load %arg7[%get3A_958, %get3A_959] {strides = array<i32>} : memref<320x128xf32, #tpu.memory_space<vmem>>, vector<1x16xf32>,
        %get3A_961 = vector.shape_cast %get3A_960 : vector<1x16xf32> to vector<16xf32>
        %add3A_962 = arith.addf %add3A_955, %get3A_961 : vector<16xf32>
        %add3A_963 = arith.constant 9 : i32
        %add3A_964 = arith.addi %mul3A_194, %add3A_963 : i32
        %get3A_965 = arith.index_cast %add3A_964 : i32 to index
        %get3A_966 = arith.constant 80 : index
        %get3A_967 = tpu.vector_load %arg7[%get3A_965, %get3A_966] {strides = array<i32>} : memref<320x128xf32, #tpu.memory_space<vmem>>, vector<1x16xf32>,
        %get3A_968 = vector.shape_cast %get3A_967 : vector<1x16xf32> to vector<16xf32>
        %add3A_969 = arith.addf %add3A_962, %get3A_968 : vector<16xf32>
        %add3A_970 = arith.constant 10 : i32
        %add3A_971 = arith.addi %mul3A_194, %add3A_970 : i32
        %get3A_972 = arith.index_cast %add3A_971 : i32 to index
        %get3A_973 = arith.constant 80 : index
        %get3A_974 = tpu.vector_load %arg7[%get3A_972, %get3A_973] {strides = array<i32>} : memref<320x128xf32, #tpu.memory_space<vmem>>, vector<1x16xf32>,
        %get3A_975 = vector.shape_cast %get3A_974 : vector<1x16xf32> to vector<16xf32>
        %add3A_976 = arith.addf %add3A_969, %get3A_975 : vector<16xf32>
        %add3A_977 = arith.constant 11 : i32
        %add3A_978 = arith.addi %mul3A_194, %add3A_977 : i32
        %get3A_979 = arith.index_cast %add3A_978 : i32 to index
        %get3A_980 = arith.constant 80 : index
        %get3A_981 = tpu.vector_load %arg7[%get3A_979, %get3A_980] {strides = array<i32>} : memref<320x128xf32, #tpu.memory_space<vmem>>, vector<1x16xf32>,
        %get3A_982 = vector.shape_cast %get3A_981 : vector<1x16xf32> to vector<16xf32>
        %add3A_983 = arith.addf %add3A_976, %get3A_982 : vector<16xf32>
        %add3A_984 = arith.constant 12 : i32
        %add3A_985 = arith.addi %mul3A_194, %add3A_984 : i32
        %get3A_986 = arith.index_cast %add3A_985 : i32 to index
        %get3A_987 = arith.constant 80 : index
        %get3A_988 = tpu.vector_load %arg7[%get3A_986, %get3A_987] {strides = array<i32>} : memref<320x128xf32, #tpu.memory_space<vmem>>, vector<1x16xf32>,
        %get3A_989 = vector.shape_cast %get3A_988 : vector<1x16xf32> to vector<16xf32>
        %add3A_990 = arith.addf %add3A_983, %get3A_989 : vector<16xf32>
        %add3A_991 = arith.constant 13 : i32
        %add3A_992 = arith.addi %mul3A_194, %add3A_991 : i32
        %get3A_993 = arith.index_cast %add3A_992 : i32 to index
        %get3A_994 = arith.constant 80 : index
        %get3A_995 = tpu.vector_load %arg7[%get3A_993, %get3A_994] {strides = array<i32>} : memref<320x128xf32, #tpu.memory_space<vmem>>, vector<1x16xf32>,
        %get3A_996 = vector.shape_cast %get3A_995 : vector<1x16xf32> to vector<16xf32>
        %add3A_997 = arith.addf %add3A_990, %get3A_996 : vector<16xf32>
        %add3A_998 = arith.constant 14 : i32
        %add3A_999 = arith.addi %mul3A_194, %add3A_998 : i32
        %get3A_1000 = arith.index_cast %add3A_999 : i32 to index
        %get3A_1001 = arith.constant 80 : index
        %get3A_1002 = tpu.vector_load %arg7[%get3A_1000, %get3A_1001] {strides = array<i32>} : memref<320x128xf32, #tpu.memory_space<vmem>>, vector<1x16xf32>,
        %get3A_1003 = vector.shape_cast %get3A_1002 : vector<1x16xf32> to vector<16xf32>
        %add3A_1004 = arith.addf %add3A_997, %get3A_1003 : vector<16xf32>
        %add3A_1005 = arith.constant 15 : i32
        %add3A_1006 = arith.addi %mul3A_194, %add3A_1005 : i32
        %get3A_1007 = arith.index_cast %add3A_1006 : i32 to index
        %get3A_1008 = arith.constant 80 : index
        %get3A_1009 = tpu.vector_load %arg7[%get3A_1007, %get3A_1008] {strides = array<i32>} : memref<320x128xf32, #tpu.memory_space<vmem>>, vector<1x16xf32>,
        %get3A_1010 = vector.shape_cast %get3A_1009 : vector<1x16xf32> to vector<16xf32>
        %add3A_1011 = arith.addf %add3A_1004, %get3A_1010 : vector<16xf32>
        %add3A_1012 = arith.constant 16 : i32
        %add3A_1013 = arith.addi %mul3A_194, %add3A_1012 : i32
        %get3A_1014 = arith.index_cast %add3A_1013 : i32 to index
        %get3A_1015 = arith.constant 80 : index
        %get3A_1016 = tpu.vector_load %arg7[%get3A_1014, %get3A_1015] {strides = array<i32>} : memref<320x128xf32, #tpu.memory_space<vmem>>, vector<1x16xf32>,
        %get3A_1017 = vector.shape_cast %get3A_1016 : vector<1x16xf32> to vector<16xf32>
        %add3A_1018 = arith.addf %add3A_1011, %get3A_1017 : vector<16xf32>
        %add3A_1019 = arith.constant 17 : i32
        %add3A_1020 = arith.addi %mul3A_194, %add3A_1019 : i32
        %get3A_1021 = arith.index_cast %add3A_1020 : i32 to index
        %get3A_1022 = arith.constant 80 : index
        %get3A_1023 = tpu.vector_load %arg7[%get3A_1021, %get3A_1022] {strides = array<i32>} : memref<320x128xf32, #tpu.memory_space<vmem>>, vector<1x16xf32>,
        %get3A_1024 = vector.shape_cast %get3A_1023 : vector<1x16xf32> to vector<16xf32>
        %add3A_1025 = arith.addf %add3A_1018, %get3A_1024 : vector<16xf32>
        %add3A_1026 = arith.constant 18 : i32
        %add3A_1027 = arith.addi %mul3A_194, %add3A_1026 : i32
        %get3A_1028 = arith.index_cast %add3A_1027 : i32 to index
        %get3A_1029 = arith.constant 80 : index
        %get3A_1030 = tpu.vector_load %arg7[%get3A_1028, %get3A_1029] {strides = array<i32>} : memref<320x128xf32, #tpu.memory_space<vmem>>, vector<1x16xf32>,
        %get3A_1031 = vector.shape_cast %get3A_1030 : vector<1x16xf32> to vector<16xf32>
        %add3A_1032 = arith.addf %add3A_1025, %get3A_1031 : vector<16xf32>
        %add3A_1033 = arith.constant 19 : i32
        %add3A_1034 = arith.addi %mul3A_194, %add3A_1033 : i32
        %get3A_1035 = arith.index_cast %add3A_1034 : i32 to index
        %get3A_1036 = arith.constant 80 : index
        %get3A_1037 = tpu.vector_load %arg7[%get3A_1035, %get3A_1036] {strides = array<i32>} : memref<320x128xf32, #tpu.memory_space<vmem>>, vector<1x16xf32>,
        %get3A_1038 = vector.shape_cast %get3A_1037 : vector<1x16xf32> to vector<16xf32>
        %add3A_1039 = arith.addf %add3A_1032, %get3A_1038 : vector<16xf32>
        %swap3A_1040 = arith.index_cast %scan3A_192 : i32 to index
        %swap3A_1041 = arith.constant 80 : index
        %swap3A_1042 = tpu.vector_load %arg9[%swap3A_1040, %swap3A_1041] {strides = array<i32>} : memref<16x128xf32, #tpu.memory_space<vmem>>, vector<1x16xf32>,
        %swap3A_1043 = vector.shape_cast %swap3A_1042 : vector<1x16xf32> to vector<16xf32>
        %swap3A_1044 = vector.shape_cast %add3A_1039 : vector<16xf32> to vector<1x16xf32>
        tpu.vector_store %arg9[%swap3A_1040, %swap3A_1041], %swap3A_1044 {strides = array<i32>} : memref<16x128xf32, #tpu.memory_space<vmem>>, vector<1x16xf32>,
        %get3A_1045 = arith.index_cast %mul3A_194 : i32 to index
        %get3A_1046 = arith.constant 96 : index
        %get3A_1047 = tpu.vector_load %arg7[%get3A_1045, %get3A_1046] {strides = array<i32>} : memref<320x128xf32, #tpu.memory_space<vmem>>, vector<1x16xf32>,
        %get3A_1048 = vector.shape_cast %get3A_1047 : vector<1x16xf32> to vector<16xf32>
        %add3A_1049 = arith.constant 1 : i32
        %add3A_1050 = arith.addi %mul3A_194, %add3A_1049 : i32
        %get3A_1051 = arith.index_cast %add3A_1050 : i32 to index
        %get3A_1052 = arith.constant 96 : index
        %get3A_1053 = tpu.vector_load %arg7[%get3A_1051, %get3A_1052] {strides = array<i32>} : memref<320x128xf32, #tpu.memory_space<vmem>>, vector<1x16xf32>,
        %get3A_1054 = vector.shape_cast %get3A_1053 : vector<1x16xf32> to vector<16xf32>
        %add3A_1055 = arith.addf %get3A_1048, %get3A_1054 : vector<16xf32>
        %add3A_1056 = arith.constant 2 : i32
        %add3A_1057 = arith.addi %mul3A_194, %add3A_1056 : i32
        %get3A_1058 = arith.index_cast %add3A_1057 : i32 to index
        %get3A_1059 = arith.constant 96 : index
        %get3A_1060 = tpu.vector_load %arg7[%get3A_1058, %get3A_1059] {strides = array<i32>} : memref<320x128xf32, #tpu.memory_space<vmem>>, vector<1x16xf32>,
        %get3A_1061 = vector.shape_cast %get3A_1060 : vector<1x16xf32> to vector<16xf32>
        %add3A_1062 = arith.addf %add3A_1055, %get3A_1061 : vector<16xf32>
        %add3A_1063 = arith.constant 3 : i32
        %add3A_1064 = arith.addi %mul3A_194, %add3A_1063 : i32
        %get3A_1065 = arith.index_cast %add3A_1064 : i32 to index
        %get3A_1066 = arith.constant 96 : index
        %get3A_1067 = tpu.vector_load %arg7[%get3A_1065, %get3A_1066] {strides = array<i32>} : memref<320x128xf32, #tpu.memory_space<vmem>>, vector<1x16xf32>,
        %get3A_1068 = vector.shape_cast %get3A_1067 : vector<1x16xf32> to vector<16xf32>
        %add3A_1069 = arith.addf %add3A_1062, %get3A_1068 : vector<16xf32>
        %add3A_1070 = arith.constant 4 : i32
        %add3A_1071 = arith.addi %mul3A_194, %add3A_1070 : i32
        %get3A_1072 = arith.index_cast %add3A_1071 : i32 to index
        %get3A_1073 = arith.constant 96 : index
        %get3A_1074 = tpu.vector_load %arg7[%get3A_1072, %get3A_1073] {strides = array<i32>} : memref<320x128xf32, #tpu.memory_space<vmem>>, vector<1x16xf32>,
        %get3A_1075 = vector.shape_cast %get3A_1074 : vector<1x16xf32> to vector<16xf32>
        %add3A_1076 = arith.addf %add3A_1069, %get3A_1075 : vector<16xf32>
        %add3A_1077 = arith.constant 5 : i32
        %add3A_1078 = arith.addi %mul3A_194, %add3A_1077 : i32
        %get3A_1079 = arith.index_cast %add3A_1078 : i32 to index
        %get3A_1080 = arith.constant 96 : index
        %get3A_1081 = tpu.vector_load %arg7[%get3A_1079, %get3A_1080] {strides = array<i32>} : memref<320x128xf32, #tpu.memory_space<vmem>>, vector<1x16xf32>,
        %get3A_1082 = vector.shape_cast %get3A_1081 : vector<1x16xf32> to vector<16xf32>
        %add3A_1083 = arith.addf %add3A_1076, %get3A_1082 : vector<16xf32>
        %add3A_1084 = arith.constant 6 : i32
        %add3A_1085 = arith.addi %mul3A_194, %add3A_1084 : i32
        %get3A_1086 = arith.index_cast %add3A_1085 : i32 to index
        %get3A_1087 = arith.constant 96 : index
        %get3A_1088 = tpu.vector_load %arg7[%get3A_1086, %get3A_1087] {strides = array<i32>} : memref<320x128xf32, #tpu.memory_space<vmem>>, vector<1x16xf32>,
        %get3A_1089 = vector.shape_cast %get3A_1088 : vector<1x16xf32> to vector<16xf32>
        %add3A_1090 = arith.addf %add3A_1083, %get3A_1089 : vector<16xf32>
        %add3A_1091 = arith.constant 7 : i32
        %add3A_1092 = arith.addi %mul3A_194, %add3A_1091 : i32
        %get3A_1093 = arith.index_cast %add3A_1092 : i32 to index
        %get3A_1094 = arith.constant 96 : index
        %get3A_1095 = tpu.vector_load %arg7[%get3A_1093, %get3A_1094] {strides = array<i32>} : memref<320x128xf32, #tpu.memory_space<vmem>>, vector<1x16xf32>,
        %get3A_1096 = vector.shape_cast %get3A_1095 : vector<1x16xf32> to vector<16xf32>
        %add3A_1097 = arith.addf %add3A_1090, %get3A_1096 : vector<16xf32>
        %add3A_1098 = arith.constant 8 : i32
        %add3A_1099 = arith.addi %mul3A_194, %add3A_1098 : i32
        %get3A_1100 = arith.index_cast %add3A_1099 : i32 to index
        %get3A_1101 = arith.constant 96 : index
        %get3A_1102 = tpu.vector_load %arg7[%get3A_1100, %get3A_1101] {strides = array<i32>} : memref<320x128xf32, #tpu.memory_space<vmem>>, vector<1x16xf32>,
        %get3A_1103 = vector.shape_cast %get3A_1102 : vector<1x16xf32> to vector<16xf32>
        %add3A_1104 = arith.addf %add3A_1097, %get3A_1103 : vector<16xf32>
        %add3A_1105 = arith.constant 9 : i32
        %add3A_1106 = arith.addi %mul3A_194, %add3A_1105 : i32
        %get3A_1107 = arith.index_cast %add3A_1106 : i32 to index
        %get3A_1108 = arith.constant 96 : index
        %get3A_1109 = tpu.vector_load %arg7[%get3A_1107, %get3A_1108] {strides = array<i32>} : memref<320x128xf32, #tpu.memory_space<vmem>>, vector<1x16xf32>,
        %get3A_1110 = vector.shape_cast %get3A_1109 : vector<1x16xf32> to vector<16xf32>
        %add3A_1111 = arith.addf %add3A_1104, %get3A_1110 : vector<16xf32>
        %add3A_1112 = arith.constant 10 : i32
        %add3A_1113 = arith.addi %mul3A_194, %add3A_1112 : i32
        %get3A_1114 = arith.index_cast %add3A_1113 : i32 to index
        %get3A_1115 = arith.constant 96 : index
        %get3A_1116 = tpu.vector_load %arg7[%get3A_1114, %get3A_1115] {strides = array<i32>} : memref<320x128xf32, #tpu.memory_space<vmem>>, vector<1x16xf32>,
        %get3A_1117 = vector.shape_cast %get3A_1116 : vector<1x16xf32> to vector<16xf32>
        %add3A_1118 = arith.addf %add3A_1111, %get3A_1117 : vector<16xf32>
        %add3A_1119 = arith.constant 11 : i32
        %add3A_1120 = arith.addi %mul3A_194, %add3A_1119 : i32
        %get3A_1121 = arith.index_cast %add3A_1120 : i32 to index
        %get3A_1122 = arith.constant 96 : index
        %get3A_1123 = tpu.vector_load %arg7[%get3A_1121, %get3A_1122] {strides = array<i32>} : memref<320x128xf32, #tpu.memory_space<vmem>>, vector<1x16xf32>,
        %get3A_1124 = vector.shape_cast %get3A_1123 : vector<1x16xf32> to vector<16xf32>
        %add3A_1125 = arith.addf %add3A_1118, %get3A_1124 : vector<16xf32>
        %add3A_1126 = arith.constant 12 : i32
        %add3A_1127 = arith.addi %mul3A_194, %add3A_1126 : i32
        %get3A_1128 = arith.index_cast %add3A_1127 : i32 to index
        %get3A_1129 = arith.constant 96 : index
        %get3A_1130 = tpu.vector_load %arg7[%get3A_1128, %get3A_1129] {strides = array<i32>} : memref<320x128xf32, #tpu.memory_space<vmem>>, vector<1x16xf32>,
        %get3A_1131 = vector.shape_cast %get3A_1130 : vector<1x16xf32> to vector<16xf32>
        %add3A_1132 = arith.addf %add3A_1125, %get3A_1131 : vector<16xf32>
        %add3A_1133 = arith.constant 13 : i32
        %add3A_1134 = arith.addi %mul3A_194, %add3A_1133 : i32
        %get3A_1135 = arith.index_cast %add3A_1134 : i32 to index
        %get3A_1136 = arith.constant 96 : index
        %get3A_1137 = tpu.vector_load %arg7[%get3A_1135, %get3A_1136] {strides = array<i32>} : memref<320x128xf32, #tpu.memory_space<vmem>>, vector<1x16xf32>,
        %get3A_1138 = vector.shape_cast %get3A_1137 : vector<1x16xf32> to vector<16xf32>
        %add3A_1139 = arith.addf %add3A_1132, %get3A_1138 : vector<16xf32>
        %add3A_1140 = arith.constant 14 : i32
        %add3A_1141 = arith.addi %mul3A_194, %add3A_1140 : i32
        %get3A_1142 = arith.index_cast %add3A_1141 : i32 to index
        %get3A_1143 = arith.constant 96 : index
        %get3A_1144 = tpu.vector_load %arg7[%get3A_1142, %get3A_1143] {strides = array<i32>} : memref<320x128xf32, #tpu.memory_space<vmem>>, vector<1x16xf32>,
        %get3A_1145 = vector.shape_cast %get3A_1144 : vector<1x16xf32> to vector<16xf32>
        %add3A_1146 = arith.addf %add3A_1139, %get3A_1145 : vector<16xf32>
        %add3A_1147 = arith.constant 15 : i32
        %add3A_1148 = arith.addi %mul3A_194, %add3A_1147 : i32
        %get3A_1149 = arith.index_cast %add3A_1148 : i32 to index
        %get3A_1150 = arith.constant 96 : index
        %get3A_1151 = tpu.vector_load %arg7[%get3A_1149, %get3A_1150] {strides = array<i32>} : memref<320x128xf32, #tpu.memory_space<vmem>>, vector<1x16xf32>,
        %get3A_1152 = vector.shape_cast %get3A_1151 : vector<1x16xf32> to vector<16xf32>
        %add3A_1153 = arith.addf %add3A_1146, %get3A_1152 : vector<16xf32>
        %add3A_1154 = arith.constant 16 : i32
        %add3A_1155 = arith.addi %mul3A_194, %add3A_1154 : i32
        %get3A_1156 = arith.index_cast %add3A_1155 : i32 to index
        %get3A_1157 = arith.constant 96 : index
        %get3A_1158 = tpu.vector_load %arg7[%get3A_1156, %get3A_1157] {strides = array<i32>} : memref<320x128xf32, #tpu.memory_space<vmem>>, vector<1x16xf32>,
        %get3A_1159 = vector.shape_cast %get3A_1158 : vector<1x16xf32> to vector<16xf32>
        %add3A_1160 = arith.addf %add3A_1153, %get3A_1159 : vector<16xf32>
        %add3A_1161 = arith.constant 17 : i32
        %add3A_1162 = arith.addi %mul3A_194, %add3A_1161 : i32
        %get3A_1163 = arith.index_cast %add3A_1162 : i32 to index
        %get3A_1164 = arith.constant 96 : index
        %get3A_1165 = tpu.vector_load %arg7[%get3A_1163, %get3A_1164] {strides = array<i32>} : memref<320x128xf32, #tpu.memory_space<vmem>>, vector<1x16xf32>,
        %get3A_1166 = vector.shape_cast %get3A_1165 : vector<1x16xf32> to vector<16xf32>
        %add3A_1167 = arith.addf %add3A_1160, %get3A_1166 : vector<16xf32>
        %add3A_1168 = arith.constant 18 : i32
        %add3A_1169 = arith.addi %mul3A_194, %add3A_1168 : i32
        %get3A_1170 = arith.index_cast %add3A_1169 : i32 to index
        %get3A_1171 = arith.constant 96 : index
        %get3A_1172 = tpu.vector_load %arg7[%get3A_1170, %get3A_1171] {strides = array<i32>} : memref<320x128xf32, #tpu.memory_space<vmem>>, vector<1x16xf32>,
        %get3A_1173 = vector.shape_cast %get3A_1172 : vector<1x16xf32> to vector<16xf32>
        %add3A_1174 = arith.addf %add3A_1167, %get3A_1173 : vector<16xf32>
        %add3A_1175 = arith.constant 19 : i32
        %add3A_1176 = arith.addi %mul3A_194, %add3A_1175 : i32
        %get3A_1177 = arith.index_cast %add3A_1176 : i32 to index
        %get3A_1178 = arith.constant 96 : index
        %get3A_1179 = tpu.vector_load %arg7[%get3A_1177, %get3A_1178] {strides = array<i32>} : memref<320x128xf32, #tpu.memory_space<vmem>>, vector<1x16xf32>,
        %get3A_1180 = vector.shape_cast %get3A_1179 : vector<1x16xf32> to vector<16xf32>
        %add3A_1181 = arith.addf %add3A_1174, %get3A_1180 : vector<16xf32>
        %swap3A_1182 = arith.index_cast %scan3A_192 : i32 to index
        %swap3A_1183 = arith.constant 96 : index
        %swap3A_1184 = tpu.vector_load %arg9[%swap3A_1182, %swap3A_1183] {strides = array<i32>} : memref<16x128xf32, #tpu.memory_space<vmem>>, vector<1x16xf32>,
        %swap3A_1185 = vector.shape_cast %swap3A_1184 : vector<1x16xf32> to vector<16xf32>
        %swap3A_1186 = vector.shape_cast %add3A_1181 : vector<16xf32> to vector<1x16xf32>
        tpu.vector_store %arg9[%swap3A_1182, %swap3A_1183], %swap3A_1186 {strides = array<i32>} : memref<16x128xf32, #tpu.memory_space<vmem>>, vector<1x16xf32>,
        %get3A_1187 = arith.index_cast %mul3A_194 : i32 to index
        %get3A_1188 = arith.constant 112 : index
        %get3A_1189 = tpu.vector_load %arg7[%get3A_1187, %get3A_1188] {strides = array<i32>} : memref<320x128xf32, #tpu.memory_space<vmem>>, vector<1x16xf32>,
        %get3A_1190 = vector.shape_cast %get3A_1189 : vector<1x16xf32> to vector<16xf32>
        %add3A_1191 = arith.constant 1 : i32
        %add3A_1192 = arith.addi %mul3A_194, %add3A_1191 : i32
        %get3A_1193 = arith.index_cast %add3A_1192 : i32 to index
        %get3A_1194 = arith.constant 112 : index
        %get3A_1195 = tpu.vector_load %arg7[%get3A_1193, %get3A_1194] {strides = array<i32>} : memref<320x128xf32, #tpu.memory_space<vmem>>, vector<1x16xf32>,
        %get3A_1196 = vector.shape_cast %get3A_1195 : vector<1x16xf32> to vector<16xf32>
        %add3A_1197 = arith.addf %get3A_1190, %get3A_1196 : vector<16xf32>
        %add3A_1198 = arith.constant 2 : i32
        %add3A_1199 = arith.addi %mul3A_194, %add3A_1198 : i32
        %get3A_1200 = arith.index_cast %add3A_1199 : i32 to index
        %get3A_1201 = arith.constant 112 : index
        %get3A_1202 = tpu.vector_load %arg7[%get3A_1200, %get3A_1201] {strides = array<i32>} : memref<320x128xf32, #tpu.memory_space<vmem>>, vector<1x16xf32>,
        %get3A_1203 = vector.shape_cast %get3A_1202 : vector<1x16xf32> to vector<16xf32>
        %add3A_1204 = arith.addf %add3A_1197, %get3A_1203 : vector<16xf32>
        %add3A_1205 = arith.constant 3 : i32
        %add3A_1206 = arith.addi %mul3A_194, %add3A_1205 : i32
        %get3A_1207 = arith.index_cast %add3A_1206 : i32 to index
        %get3A_1208 = arith.constant 112 : index
        %get3A_1209 = tpu.vector_load %arg7[%get3A_1207, %get3A_1208] {strides = array<i32>} : memref<320x128xf32, #tpu.memory_space<vmem>>, vector<1x16xf32>,
        %get3A_1210 = vector.shape_cast %get3A_1209 : vector<1x16xf32> to vector<16xf32>
        %add3A_1211 = arith.addf %add3A_1204, %get3A_1210 : vector<16xf32>
        %add3A_1212 = arith.constant 4 : i32
        %add3A_1213 = arith.addi %mul3A_194, %add3A_1212 : i32
        %get3A_1214 = arith.index_cast %add3A_1213 : i32 to index
        %get3A_1215 = arith.constant 112 : index
        %get3A_1216 = tpu.vector_load %arg7[%get3A_1214, %get3A_1215] {strides = array<i32>} : memref<320x128xf32, #tpu.memory_space<vmem>>, vector<1x16xf32>,
        %get3A_1217 = vector.shape_cast %get3A_1216 : vector<1x16xf32> to vector<16xf32>
        %add3A_1218 = arith.addf %add3A_1211, %get3A_1217 : vector<16xf32>
        %add3A_1219 = arith.constant 5 : i32
        %add3A_1220 = arith.addi %mul3A_194, %add3A_1219 : i32
        %get3A_1221 = arith.index_cast %add3A_1220 : i32 to index
        %get3A_1222 = arith.constant 112 : index
        %get3A_1223 = tpu.vector_load %arg7[%get3A_1221, %get3A_1222] {strides = array<i32>} : memref<320x128xf32, #tpu.memory_space<vmem>>, vector<1x16xf32>,
        %get3A_1224 = vector.shape_cast %get3A_1223 : vector<1x16xf32> to vector<16xf32>
        %add3A_1225 = arith.addf %add3A_1218, %get3A_1224 : vector<16xf32>
        %add3A_1226 = arith.constant 6 : i32
        %add3A_1227 = arith.addi %mul3A_194, %add3A_1226 : i32
        %get3A_1228 = arith.index_cast %add3A_1227 : i32 to index
        %get3A_1229 = arith.constant 112 : index
        %get3A_1230 = tpu.vector_load %arg7[%get3A_1228, %get3A_1229] {strides = array<i32>} : memref<320x128xf32, #tpu.memory_space<vmem>>, vector<1x16xf32>,
        %get3A_1231 = vector.shape_cast %get3A_1230 : vector<1x16xf32> to vector<16xf32>
        %add3A_1232 = arith.addf %add3A_1225, %get3A_1231 : vector<16xf32>
        %add3A_1233 = arith.constant 7 : i32
        %add3A_1234 = arith.addi %mul3A_194, %add3A_1233 : i32
        %get3A_1235 = arith.index_cast %add3A_1234 : i32 to index
        %get3A_1236 = arith.constant 112 : index
        %get3A_1237 = tpu.vector_load %arg7[%get3A_1235, %get3A_1236] {strides = array<i32>} : memref<320x128xf32, #tpu.memory_space<vmem>>, vector<1x16xf32>,
        %get3A_1238 = vector.shape_cast %get3A_1237 : vector<1x16xf32> to vector<16xf32>
        %add3A_1239 = arith.addf %add3A_1232, %get3A_1238 : vector<16xf32>
        %add3A_1240 = arith.constant 8 : i32
        %add3A_1241 = arith.addi %mul3A_194, %add3A_1240 : i32
        %get3A_1242 = arith.index_cast %add3A_1241 : i32 to index
        %get3A_1243 = arith.constant 112 : index
        %get3A_1244 = tpu.vector_load %arg7[%get3A_1242, %get3A_1243] {strides = array<i32>} : memref<320x128xf32, #tpu.memory_space<vmem>>, vector<1x16xf32>,
        %get3A_1245 = vector.shape_cast %get3A_1244 : vector<1x16xf32> to vector<16xf32>
        %add3A_1246 = arith.addf %add3A_1239, %get3A_1245 : vector<16xf32>
        %add3A_1247 = arith.constant 9 : i32
        %add3A_1248 = arith.addi %mul3A_194, %add3A_1247 : i32
        %get3A_1249 = arith.index_cast %add3A_1248 : i32 to index
        %get3A_1250 = arith.constant 112 : index
        %get3A_1251 = tpu.vector_load %arg7[%get3A_1249, %get3A_1250] {strides = array<i32>} : memref<320x128xf32, #tpu.memory_space<vmem>>, vector<1x16xf32>,
        %get3A_1252 = vector.shape_cast %get3A_1251 : vector<1x16xf32> to vector<16xf32>
        %add3A_1253 = arith.addf %add3A_1246, %get3A_1252 : vector<16xf32>
        %add3A_1254 = arith.constant 10 : i32
        %add3A_1255 = arith.addi %mul3A_194, %add3A_1254 : i32
        %get3A_1256 = arith.index_cast %add3A_1255 : i32 to index
        %get3A_1257 = arith.constant 112 : index
        %get3A_1258 = tpu.vector_load %arg7[%get3A_1256, %get3A_1257] {strides = array<i32>} : memref<320x128xf32, #tpu.memory_space<vmem>>, vector<1x16xf32>,
        %get3A_1259 = vector.shape_cast %get3A_1258 : vector<1x16xf32> to vector<16xf32>
        %add3A_1260 = arith.addf %add3A_1253, %get3A_1259 : vector<16xf32>
        %add3A_1261 = arith.constant 11 : i32
        %add3A_1262 = arith.addi %mul3A_194, %add3A_1261 : i32
        %get3A_1263 = arith.index_cast %add3A_1262 : i32 to index
        %get3A_1264 = arith.constant 112 : index
        %get3A_1265 = tpu.vector_load %arg7[%get3A_1263, %get3A_1264] {strides = array<i32>} : memref<320x128xf32, #tpu.memory_space<vmem>>, vector<1x16xf32>,
        %get3A_1266 = vector.shape_cast %get3A_1265 : vector<1x16xf32> to vector<16xf32>
        %add3A_1267 = arith.addf %add3A_1260, %get3A_1266 : vector<16xf32>
        %add3A_1268 = arith.constant 12 : i32
        %add3A_1269 = arith.addi %mul3A_194, %add3A_1268 : i32
        %get3A_1270 = arith.index_cast %add3A_1269 : i32 to index
        %get3A_1271 = arith.constant 112 : index
        %get3A_1272 = tpu.vector_load %arg7[%get3A_1270, %get3A_1271] {strides = array<i32>} : memref<320x128xf32, #tpu.memory_space<vmem>>, vector<1x16xf32>,
        %get3A_1273 = vector.shape_cast %get3A_1272 : vector<1x16xf32> to vector<16xf32>
        %add3A_1274 = arith.addf %add3A_1267, %get3A_1273 : vector<16xf32>
        %add3A_1275 = arith.constant 13 : i32
        %add3A_1276 = arith.addi %mul3A_194, %add3A_1275 : i32
        %get3A_1277 = arith.index_cast %add3A_1276 : i32 to index
        %get3A_1278 = arith.constant 112 : index
        %get3A_1279 = tpu.vector_load %arg7[%get3A_1277, %get3A_1278] {strides = array<i32>} : memref<320x128xf32, #tpu.memory_space<vmem>>, vector<1x16xf32>,
        %get3A_1280 = vector.shape_cast %get3A_1279 : vector<1x16xf32> to vector<16xf32>
        %add3A_1281 = arith.addf %add3A_1274, %get3A_1280 : vector<16xf32>
        %add3A_1282 = arith.constant 14 : i32
        %add3A_1283 = arith.addi %mul3A_194, %add3A_1282 : i32
        %get3A_1284 = arith.index_cast %add3A_1283 : i32 to index
        %get3A_1285 = arith.constant 112 : index
        %get3A_1286 = tpu.vector_load %arg7[%get3A_1284, %get3A_1285] {strides = array<i32>} : memref<320x128xf32, #tpu.memory_space<vmem>>, vector<1x16xf32>,
        %get3A_1287 = vector.shape_cast %get3A_1286 : vector<1x16xf32> to vector<16xf32>
        %add3A_1288 = arith.addf %add3A_1281, %get3A_1287 : vector<16xf32>
        %add3A_1289 = arith.constant 15 : i32
        %add3A_1290 = arith.addi %mul3A_194, %add3A_1289 : i32
        %get3A_1291 = arith.index_cast %add3A_1290 : i32 to index
        %get3A_1292 = arith.constant 112 : index
        %get3A_1293 = tpu.vector_load %arg7[%get3A_1291, %get3A_1292] {strides = array<i32>} : memref<320x128xf32, #tpu.memory_space<vmem>>, vector<1x16xf32>,
        %get3A_1294 = vector.shape_cast %get3A_1293 : vector<1x16xf32> to vector<16xf32>
        %add3A_1295 = arith.addf %add3A_1288, %get3A_1294 : vector<16xf32>
        %add3A_1296 = arith.constant 16 : i32
        %add3A_1297 = arith.addi %mul3A_194, %add3A_1296 : i32
        %get3A_1298 = arith.index_cast %add3A_1297 : i32 to index
        %get3A_1299 = arith.constant 112 : index
        %get3A_1300 = tpu.vector_load %arg7[%get3A_1298, %get3A_1299] {strides = array<i32>} : memref<320x128xf32, #tpu.memory_space<vmem>>, vector<1x16xf32>,
        %get3A_1301 = vector.shape_cast %get3A_1300 : vector<1x16xf32> to vector<16xf32>
        %add3A_1302 = arith.addf %add3A_1295, %get3A_1301 : vector<16xf32>
        %add3A_1303 = arith.constant 17 : i32
        %add3A_1304 = arith.addi %mul3A_194, %add3A_1303 : i32
        %get3A_1305 = arith.index_cast %add3A_1304 : i32 to index
        %get3A_1306 = arith.constant 112 : index
        %get3A_1307 = tpu.vector_load %arg7[%get3A_1305, %get3A_1306] {strides = array<i32>} : memref<320x128xf32, #tpu.memory_space<vmem>>, vector<1x16xf32>,
        %get3A_1308 = vector.shape_cast %get3A_1307 : vector<1x16xf32> to vector<16xf32>
        %add3A_1309 = arith.addf %add3A_1302, %get3A_1308 : vector<16xf32>
        %add3A_1310 = arith.constant 18 : i32
        %add3A_1311 = arith.addi %mul3A_194, %add3A_1310 : i32
        %get3A_1312 = arith.index_cast %add3A_1311 : i32 to index
        %get3A_1313 = arith.constant 112 : index
        %get3A_1314 = tpu.vector_load %arg7[%get3A_1312, %get3A_1313] {strides = array<i32>} : memref<320x128xf32, #tpu.memory_space<vmem>>, vector<1x16xf32>,
        %get3A_1315 = vector.shape_cast %get3A_1314 : vector<1x16xf32> to vector<16xf32>
        %add3A_1316 = arith.addf %add3A_1309, %get3A_1315 : vector<16xf32>
        %add3A_1317 = arith.constant 19 : i32
        %add3A_1318 = arith.addi %mul3A_194, %add3A_1317 : i32
        %get3A_1319 = arith.index_cast %add3A_1318 : i32 to index
        %get3A_1320 = arith.constant 112 : index
        %get3A_1321 = tpu.vector_load %arg7[%get3A_1319, %get3A_1320] {strides = array<i32>} : memref<320x128xf32, #tpu.memory_space<vmem>>, vector<1x16xf32>,
        %get3A_1322 = vector.shape_cast %get3A_1321 : vector<1x16xf32> to vector<16xf32>
        %add3A_1323 = arith.addf %add3A_1316, %get3A_1322 : vector<16xf32>
        %swap3A_1324 = arith.index_cast %scan3A_192 : i32 to index
        %swap3A_1325 = arith.constant 112 : index
        %swap3A_1326 = tpu.vector_load %arg9[%swap3A_1324, %swap3A_1325] {strides = array<i32>} : memref<16x128xf32, #tpu.memory_space<vmem>>, vector<1x16xf32>,
        %swap3A_1327 = vector.shape_cast %swap3A_1326 : vector<1x16xf32> to vector<16xf32>
        %swap3A_1328 = vector.shape_cast %add3A_1323 : vector<16xf32> to vector<1x16xf32>
        tpu.vector_store %arg9[%swap3A_1324, %swap3A_1325], %swap3A_1328 {strides = array<i32>} : memref<16x128xf32, #tpu.memory_space<vmem>>, vector<1x16xf32>,
      }
      %scan3A_184 = arith.constant 16 : i32
      %mul3A_185 = arith.constant 16 : i32
      %mul3A_186 = arith.muli %add3A_173, %mul3A_185 : i32
      %add3A_187 = arith.addi %select_n3A, %mul3A_186 : i32
      %dma_start3A_188 = arith.constant 0 : i32
      %dma_start3A_189 = tpu.memref_slice %arg4[%add3A_187, %dma_start3A_188] : memref<30208x128xf32, #tpu.memory_space<hbm>> -> memref<16x128xf32, #tpu.memory_space<hbm>>
      %dma_start3A_190 = arith.constant 0 : i32
      %dma_start3A_191 = tpu.memref_slice %arg4[%add3A_187, %dma_start3A_190] : memref<30208x128xf32, #tpu.memory_space<hbm>> -> memref<16x128xf32, #tpu.memory_space<hbm>>
      tpu.enqueue_dma source(%arg9 : memref<16x128xf32, #tpu.memory_space<vmem>>) target(%dma_start3A_191 : memref<16x128xf32, #tpu.memory_space<hbm>>) target_semaphore(%arg13 : memref<!tpu.dma_semaphore, #tpu.memory_space<semaphore_mem>>)
    }
    %while3A_61 = arith.constant 1 : i32
    scf.for %while3A_75 = %while3A_59 to %while3A_55 step %while3A_61  : i32 {
      %mul3A_76 = arith.constant 2 : i32
      %mul3A_77 = arith.muli %mul3A_76, %while3A_75 : i32
      %add3A_78 = arith.constant 1 : i32
      %add3A_79 = arith.addi %mul3A_77, %add3A_78 : i32
      %mul3A_80 = arith.constant 320 : i32
      %mul3A_81 = arith.muli %add3A_79, %mul3A_80 : i32
      %add3A_82 = arith.constant 0 : i32
      %add3A_83 = arith.addi %mul3A_81, %add3A_82 : i32
      %dma_start3A_84 = arith.constant 0 : i32
      %dma_start3A_85 = arith.constant 0 : i32
      %dma_start3A_86 = tpu.memref_slice %arg7[%dma_start3A_84, %dma_start3A_85] : memref<320x128xf32, #tpu.memory_space<vmem>> -> memref<128x128xf32, #tpu.memory_space<vmem>>
      %dma_start3A_87 = tpu.memref_slice %arg5[%add3A_83] : memref<19200xi32, #tpu.memory_space<vmem>> -> memref<128xi32, #tpu.memory_space<vmem>>
      %dma_start3A_88 = arith.constant 0 : i32
      %dma_start3A_89 = arith.constant 0 : i32
      %dma_start3A_90 = tpu.memref_slice %arg3[%dma_start3A_88, %dma_start3A_89] : memref<100000x128xf32, #tpu.memory_space<hbm>> -> memref<100000x128xf32, #tpu.memory_space<hbm>>
      tpu.enqueue_indirect_dma source(%dma_start3A_90 : memref<100000x128xf32, #tpu.memory_space<hbm>>) target(%dma_start3A_86 : memref<128x128xf32, #tpu.memory_space<vmem>>) offsets(%dma_start3A_87 : memref<128xi32, #tpu.memory_space<vmem>>) semaphore(%arg11 : memref<!tpu.dma_semaphore, #tpu.memory_space<semaphore_mem>>)
      %add3A_91 = arith.constant 128 : i32
      %add3A_92 = arith.addi %mul3A_81, %add3A_91 : i32
      %dma_start3A_93 = arith.constant 128 : i32
      %dma_start3A_94 = arith.constant 0 : i32
      %dma_start3A_95 = tpu.memref_slice %arg7[%dma_start3A_93, %dma_start3A_94] : memref<320x128xf32, #tpu.memory_space<vmem>> -> memref<128x128xf32, #tpu.memory_space<vmem>>
      %dma_start3A_96 = tpu.memref_slice %arg5[%add3A_92] : memref<19200xi32, #tpu.memory_space<vmem>> -> memref<128xi32, #tpu.memory_space<vmem>>
      %dma_start3A_97 = arith.constant 0 : i32
      %dma_start3A_98 = arith.constant 0 : i32
      %dma_start3A_99 = tpu.memref_slice %arg3[%dma_start3A_97, %dma_start3A_98] : memref<100000x128xf32, #tpu.memory_space<hbm>> -> memref<100000x128xf32, #tpu.memory_space<hbm>>
      tpu.enqueue_indirect_dma source(%dma_start3A_99 : memref<100000x128xf32, #tpu.memory_space<hbm>>) target(%dma_start3A_95 : memref<128x128xf32, #tpu.memory_space<vmem>>) offsets(%dma_start3A_96 : memref<128xi32, #tpu.memory_space<vmem>>) semaphore(%arg11 : memref<!tpu.dma_semaphore, #tpu.memory_space<semaphore_mem>>)
      %add3A_100 = arith.constant 256 : i32
      %add3A_101 = arith.addi %mul3A_81, %add3A_100 : i32
      %dma_start3A_102 = arith.constant 256 : i32
      %dma_start3A_103 = arith.constant 0 : i32
      %dma_start3A_104 = tpu.memref_slice %arg7[%dma_start3A_102, %dma_start3A_103] : memref<320x128xf32, #tpu.memory_space<vmem>> -> memref<64x128xf32, #tpu.memory_space<vmem>>
      %dma_start3A_105 = tpu.memref_slice %arg5[%add3A_101] : memref<19200xi32, #tpu.memory_space<vmem>> -> memref<64xi32, #tpu.memory_space<vmem>>
      %dma_start3A_106 = arith.constant 0 : i32
      %dma_start3A_107 = arith.constant 0 : i32
      %dma_start3A_108 = tpu.memref_slice %arg3[%dma_start3A_106, %dma_start3A_107] : memref<100000x128xf32, #tpu.memory_space<hbm>> -> memref<100000x128xf32, #tpu.memory_space<hbm>>
      tpu.enqueue_indirect_dma source(%dma_start3A_108 : memref<100000x128xf32, #tpu.memory_space<hbm>>) target(%dma_start3A_104 : memref<64x128xf32, #tpu.memory_space<vmem>>) offsets(%dma_start3A_105 : memref<64xi32, #tpu.memory_space<vmem>>) semaphore(%arg11 : memref<!tpu.dma_semaphore, #tpu.memory_space<semaphore_mem>>)
      %dma_wait3A_109 = arith.constant 0 : i32
      %dma_wait3A_110 = arith.constant 0 : i32
      %dma_wait3A_111 = tpu.memref_slice %arg3[%dma_wait3A_109, %dma_wait3A_110] : memref<100000x128xf32, #tpu.memory_space<hbm>> -> memref<320x128xf32, #tpu.memory_space<hbm>>
      %dma_wait3A_112 = arith.constant 0 : i32
      %dma_wait3A_113 = arith.constant 0 : i32
      %dma_wait3A_114 = tpu.memref_slice %arg3[%dma_wait3A_112, %dma_wait3A_113] : memref<100000x128xf32, #tpu.memory_space<hbm>> -> memref<320x128xf32, #tpu.memory_space<hbm>>
      tpu.wait_dma2 semaphore(%arg10 : memref<!tpu.dma_semaphore, #tpu.memory_space<semaphore_mem>>) src(%dma_wait3A_114 : memref<320x128xf32, #tpu.memory_space<hbm>>) dst(%arg6 : memref<320x128xf32, #tpu.memory_space<vmem>>)
      %gt3A = arith.constant 0 : i32
      %gt3A_115 = arith.cmpi sgt, %while3A_75, %gt3A : i32
      %convert_element_type3A_116 = arith.extui %gt3A_115 : i1 to i32
      %cond3A_117 = arith.constant 0 : i32
      %cond3A_118 = arith.cmpi ne, %convert_element_type3A_116, %cond3A_117 : i32
      scf.if %cond3A_118 {
        %dma_wait3A_192 = arith.constant 0 : i32
        %dma_wait3A_193 = tpu.memref_slice %arg4[%select_n3A, %dma_wait3A_192] : memref<30208x128xf32, #tpu.memory_space<hbm>> -> memref<16x128xf32, #tpu.memory_space<hbm>>
        %dma_wait3A_194 = arith.constant 0 : i32
        %dma_wait3A_195 = tpu.memref_slice %arg4[%select_n3A, %dma_wait3A_194] : memref<30208x128xf32, #tpu.memory_space<hbm>> -> memref<16x128xf32, #tpu.memory_space<hbm>>
        tpu.wait_dma2 semaphore(%arg12 : memref<!tpu.dma_semaphore, #tpu.memory_space<semaphore_mem>>) src(%arg8 : memref<16x128xf32, #tpu.memory_space<vmem>>) dst(%dma_wait3A_195 : memref<16x128xf32, #tpu.memory_space<hbm>>)
      } else {
      }
      %scan3A = arith.constant 0 : i32
      %scan3A_119 = arith.constant 0 : i32
      %scan3A_120 = arith.constant 16 : i32
      %scan3A_121 = arith.addi %scan3A_119, %scan3A_120 : i32
      %scan3A_122 = arith.constant 1 : i32
      scf.for %scan3A_192 = %scan3A_119 to %scan3A_121 step %scan3A_122  : i32 {
        %mul3A_193 = arith.constant 20 : i32
        %mul3A_194 = arith.muli %scan3A_192, %mul3A_193 : i32
        %get3A = arith.index_cast %mul3A_194 : i32 to index
        %get3A_195 = arith.constant 0 : index
        %get3A_196 = tpu.vector_load %arg6[%get3A, %get3A_195] {strides = array<i32>} : memref<320x128xf32, #tpu.memory_space<vmem>>, vector<1x16xf32>,
        %get3A_197 = vector.shape_cast %get3A_196 : vector<1x16xf32> to vector<16xf32>
        %add3A_198 = arith.constant 1 : i32
        %add3A_199 = arith.addi %mul3A_194, %add3A_198 : i32
        %get3A_200 = arith.index_cast %add3A_199 : i32 to index
        %get3A_201 = arith.constant 0 : index
        %get3A_202 = tpu.vector_load %arg6[%get3A_200, %get3A_201] {strides = array<i32>} : memref<320x128xf32, #tpu.memory_space<vmem>>, vector<1x16xf32>,
        %get3A_203 = vector.shape_cast %get3A_202 : vector<1x16xf32> to vector<16xf32>
        %add3A_204 = arith.addf %get3A_197, %get3A_203 : vector<16xf32>
        %add3A_205 = arith.constant 2 : i32
        %add3A_206 = arith.addi %mul3A_194, %add3A_205 : i32
        %get3A_207 = arith.index_cast %add3A_206 : i32 to index
        %get3A_208 = arith.constant 0 : index
        %get3A_209 = tpu.vector_load %arg6[%get3A_207, %get3A_208] {strides = array<i32>} : memref<320x128xf32, #tpu.memory_space<vmem>>, vector<1x16xf32>,
        %get3A_210 = vector.shape_cast %get3A_209 : vector<1x16xf32> to vector<16xf32>
        %add3A_211 = arith.addf %add3A_204, %get3A_210 : vector<16xf32>
        %add3A_212 = arith.constant 3 : i32
        %add3A_213 = arith.addi %mul3A_194, %add3A_212 : i32
        %get3A_214 = arith.index_cast %add3A_213 : i32 to index
        %get3A_215 = arith.constant 0 : index
        %get3A_216 = tpu.vector_load %arg6[%get3A_214, %get3A_215] {strides = array<i32>} : memref<320x128xf32, #tpu.memory_space<vmem>>, vector<1x16xf32>,
        %get3A_217 = vector.shape_cast %get3A_216 : vector<1x16xf32> to vector<16xf32>
        %add3A_218 = arith.addf %add3A_211, %get3A_217 : vector<16xf32>
        %add3A_219 = arith.constant 4 : i32
        %add3A_220 = arith.addi %mul3A_194, %add3A_219 : i32
        %get3A_221 = arith.index_cast %add3A_220 : i32 to index
        %get3A_222 = arith.constant 0 : index
        %get3A_223 = tpu.vector_load %arg6[%get3A_221, %get3A_222] {strides = array<i32>} : memref<320x128xf32, #tpu.memory_space<vmem>>, vector<1x16xf32>,
        %get3A_224 = vector.shape_cast %get3A_223 : vector<1x16xf32> to vector<16xf32>
        %add3A_225 = arith.addf %add3A_218, %get3A_224 : vector<16xf32>
        %add3A_226 = arith.constant 5 : i32
        %add3A_227 = arith.addi %mul3A_194, %add3A_226 : i32
        %get3A_228 = arith.index_cast %add3A_227 : i32 to index
        %get3A_229 = arith.constant 0 : index
        %get3A_230 = tpu.vector_load %arg6[%get3A_228, %get3A_229] {strides = array<i32>} : memref<320x128xf32, #tpu.memory_space<vmem>>, vector<1x16xf32>,
        %get3A_231 = vector.shape_cast %get3A_230 : vector<1x16xf32> to vector<16xf32>
        %add3A_232 = arith.addf %add3A_225, %get3A_231 : vector<16xf32>
        %add3A_233 = arith.constant 6 : i32
        %add3A_234 = arith.addi %mul3A_194, %add3A_233 : i32
        %get3A_235 = arith.index_cast %add3A_234 : i32 to index
        %get3A_236 = arith.constant 0 : index
        %get3A_237 = tpu.vector_load %arg6[%get3A_235, %get3A_236] {strides = array<i32>} : memref<320x128xf32, #tpu.memory_space<vmem>>, vector<1x16xf32>,
        %get3A_238 = vector.shape_cast %get3A_237 : vector<1x16xf32> to vector<16xf32>
        %add3A_239 = arith.addf %add3A_232, %get3A_238 : vector<16xf32>
        %add3A_240 = arith.constant 7 : i32
        %add3A_241 = arith.addi %mul3A_194, %add3A_240 : i32
        %get3A_242 = arith.index_cast %add3A_241 : i32 to index
        %get3A_243 = arith.constant 0 : index
        %get3A_244 = tpu.vector_load %arg6[%get3A_242, %get3A_243] {strides = array<i32>} : memref<320x128xf32, #tpu.memory_space<vmem>>, vector<1x16xf32>,
        %get3A_245 = vector.shape_cast %get3A_244 : vector<1x16xf32> to vector<16xf32>
        %add3A_246 = arith.addf %add3A_239, %get3A_245 : vector<16xf32>
        %add3A_247 = arith.constant 8 : i32
        %add3A_248 = arith.addi %mul3A_194, %add3A_247 : i32
        %get3A_249 = arith.index_cast %add3A_248 : i32 to index
        %get3A_250 = arith.constant 0 : index
        %get3A_251 = tpu.vector_load %arg6[%get3A_249, %get3A_250] {strides = array<i32>} : memref<320x128xf32, #tpu.memory_space<vmem>>, vector<1x16xf32>,
        %get3A_252 = vector.shape_cast %get3A_251 : vector<1x16xf32> to vector<16xf32>
        %add3A_253 = arith.addf %add3A_246, %get3A_252 : vector<16xf32>
        %add3A_254 = arith.constant 9 : i32
        %add3A_255 = arith.addi %mul3A_194, %add3A_254 : i32
        %get3A_256 = arith.index_cast %add3A_255 : i32 to index
        %get3A_257 = arith.constant 0 : index
        %get3A_258 = tpu.vector_load %arg6[%get3A_256, %get3A_257] {strides = array<i32>} : memref<320x128xf32, #tpu.memory_space<vmem>>, vector<1x16xf32>,
        %get3A_259 = vector.shape_cast %get3A_258 : vector<1x16xf32> to vector<16xf32>
        %add3A_260 = arith.addf %add3A_253, %get3A_259 : vector<16xf32>
        %add3A_261 = arith.constant 10 : i32
        %add3A_262 = arith.addi %mul3A_194, %add3A_261 : i32
        %get3A_263 = arith.index_cast %add3A_262 : i32 to index
        %get3A_264 = arith.constant 0 : index
        %get3A_265 = tpu.vector_load %arg6[%get3A_263, %get3A_264] {strides = array<i32>} : memref<320x128xf32, #tpu.memory_space<vmem>>, vector<1x16xf32>,
        %get3A_266 = vector.shape_cast %get3A_265 : vector<1x16xf32> to vector<16xf32>
        %add3A_267 = arith.addf %add3A_260, %get3A_266 : vector<16xf32>
        %add3A_268 = arith.constant 11 : i32
        %add3A_269 = arith.addi %mul3A_194, %add3A_268 : i32
        %get3A_270 = arith.index_cast %add3A_269 : i32 to index
        %get3A_271 = arith.constant 0 : index
        %get3A_272 = tpu.vector_load %arg6[%get3A_270, %get3A_271] {strides = array<i32>} : memref<320x128xf32, #tpu.memory_space<vmem>>, vector<1x16xf32>,
        %get3A_273 = vector.shape_cast %get3A_272 : vector<1x16xf32> to vector<16xf32>
        %add3A_274 = arith.addf %add3A_267, %get3A_273 : vector<16xf32>
        %add3A_275 = arith.constant 12 : i32
        %add3A_276 = arith.addi %mul3A_194, %add3A_275 : i32
        %get3A_277 = arith.index_cast %add3A_276 : i32 to index
        %get3A_278 = arith.constant 0 : index
        %get3A_279 = tpu.vector_load %arg6[%get3A_277, %get3A_278] {strides = array<i32>} : memref<320x128xf32, #tpu.memory_space<vmem>>, vector<1x16xf32>,
        %get3A_280 = vector.shape_cast %get3A_279 : vector<1x16xf32> to vector<16xf32>
        %add3A_281 = arith.addf %add3A_274, %get3A_280 : vector<16xf32>
        %add3A_282 = arith.constant 13 : i32
        %add3A_283 = arith.addi %mul3A_194, %add3A_282 : i32
        %get3A_284 = arith.index_cast %add3A_283 : i32 to index
        %get3A_285 = arith.constant 0 : index
        %get3A_286 = tpu.vector_load %arg6[%get3A_284, %get3A_285] {strides = array<i32>} : memref<320x128xf32, #tpu.memory_space<vmem>>, vector<1x16xf32>,
        %get3A_287 = vector.shape_cast %get3A_286 : vector<1x16xf32> to vector<16xf32>
        %add3A_288 = arith.addf %add3A_281, %get3A_287 : vector<16xf32>
        %add3A_289 = arith.constant 14 : i32
        %add3A_290 = arith.addi %mul3A_194, %add3A_289 : i32
        %get3A_291 = arith.index_cast %add3A_290 : i32 to index
        %get3A_292 = arith.constant 0 : index
        %get3A_293 = tpu.vector_load %arg6[%get3A_291, %get3A_292] {strides = array<i32>} : memref<320x128xf32, #tpu.memory_space<vmem>>, vector<1x16xf32>,
        %get3A_294 = vector.shape_cast %get3A_293 : vector<1x16xf32> to vector<16xf32>
        %add3A_295 = arith.addf %add3A_288, %get3A_294 : vector<16xf32>
        %add3A_296 = arith.constant 15 : i32
        %add3A_297 = arith.addi %mul3A_194, %add3A_296 : i32
        %get3A_298 = arith.index_cast %add3A_297 : i32 to index
        %get3A_299 = arith.constant 0 : index
        %get3A_300 = tpu.vector_load %arg6[%get3A_298, %get3A_299] {strides = array<i32>} : memref<320x128xf32, #tpu.memory_space<vmem>>, vector<1x16xf32>,
        %get3A_301 = vector.shape_cast %get3A_300 : vector<1x16xf32> to vector<16xf32>
        %add3A_302 = arith.addf %add3A_295, %get3A_301 : vector<16xf32>
        %add3A_303 = arith.constant 16 : i32
        %add3A_304 = arith.addi %mul3A_194, %add3A_303 : i32
        %get3A_305 = arith.index_cast %add3A_304 : i32 to index
        %get3A_306 = arith.constant 0 : index
        %get3A_307 = tpu.vector_load %arg6[%get3A_305, %get3A_306] {strides = array<i32>} : memref<320x128xf32, #tpu.memory_space<vmem>>, vector<1x16xf32>,
        %get3A_308 = vector.shape_cast %get3A_307 : vector<1x16xf32> to vector<16xf32>
        %add3A_309 = arith.addf %add3A_302, %get3A_308 : vector<16xf32>
        %add3A_310 = arith.constant 17 : i32
        %add3A_311 = arith.addi %mul3A_194, %add3A_310 : i32
        %get3A_312 = arith.index_cast %add3A_311 : i32 to index
        %get3A_313 = arith.constant 0 : index
        %get3A_314 = tpu.vector_load %arg6[%get3A_312, %get3A_313] {strides = array<i32>} : memref<320x128xf32, #tpu.memory_space<vmem>>, vector<1x16xf32>,
        %get3A_315 = vector.shape_cast %get3A_314 : vector<1x16xf32> to vector<16xf32>
        %add3A_316 = arith.addf %add3A_309, %get3A_315 : vector<16xf32>
        %add3A_317 = arith.constant 18 : i32
        %add3A_318 = arith.addi %mul3A_194, %add3A_317 : i32
        %get3A_319 = arith.index_cast %add3A_318 : i32 to index
        %get3A_320 = arith.constant 0 : index
        %get3A_321 = tpu.vector_load %arg6[%get3A_319, %get3A_320] {strides = array<i32>} : memref<320x128xf32, #tpu.memory_space<vmem>>, vector<1x16xf32>,
        %get3A_322 = vector.shape_cast %get3A_321 : vector<1x16xf32> to vector<16xf32>
        %add3A_323 = arith.addf %add3A_316, %get3A_322 : vector<16xf32>
        %add3A_324 = arith.constant 19 : i32
        %add3A_325 = arith.addi %mul3A_194, %add3A_324 : i32
        %get3A_326 = arith.index_cast %add3A_325 : i32 to index
        %get3A_327 = arith.constant 0 : index
        %get3A_328 = tpu.vector_load %arg6[%get3A_326, %get3A_327] {strides = array<i32>} : memref<320x128xf32, #tpu.memory_space<vmem>>, vector<1x16xf32>,
        %get3A_329 = vector.shape_cast %get3A_328 : vector<1x16xf32> to vector<16xf32>
        %add3A_330 = arith.addf %add3A_323, %get3A_329 : vector<16xf32>
        %swap3A = arith.index_cast %scan3A_192 : i32 to index
        %swap3A_331 = arith.constant 0 : index
        %swap3A_332 = tpu.vector_load %arg8[%swap3A, %swap3A_331] {strides = array<i32>} : memref<16x128xf32, #tpu.memory_space<vmem>>, vector<1x16xf32>,
        %swap3A_333 = vector.shape_cast %swap3A_332 : vector<1x16xf32> to vector<16xf32>
        %swap3A_334 = vector.shape_cast %add3A_330 : vector<16xf32> to vector<1x16xf32>
        tpu.vector_store %arg8[%swap3A, %swap3A_331], %swap3A_334 {strides = array<i32>} : memref<16x128xf32, #tpu.memory_space<vmem>>, vector<1x16xf32>,
        %get3A_335 = arith.index_cast %mul3A_194 : i32 to index
        %get3A_336 = arith.constant 16 : index
        %get3A_337 = tpu.vector_load %arg6[%get3A_335, %get3A_336] {strides = array<i32>} : memref<320x128xf32, #tpu.memory_space<vmem>>, vector<1x16xf32>,
        %get3A_338 = vector.shape_cast %get3A_337 : vector<1x16xf32> to vector<16xf32>
        %add3A_339 = arith.constant 1 : i32
        %add3A_340 = arith.addi %mul3A_194, %add3A_339 : i32
        %get3A_341 = arith.index_cast %add3A_340 : i32 to index
        %get3A_342 = arith.constant 16 : index
        %get3A_343 = tpu.vector_load %arg6[%get3A_341, %get3A_342] {strides = array<i32>} : memref<320x128xf32, #tpu.memory_space<vmem>>, vector<1x16xf32>,
        %get3A_344 = vector.shape_cast %get3A_343 : vector<1x16xf32> to vector<16xf32>
        %add3A_345 = arith.addf %get3A_338, %get3A_344 : vector<16xf32>
        %add3A_346 = arith.constant 2 : i32
        %add3A_347 = arith.addi %mul3A_194, %add3A_346 : i32
        %get3A_348 = arith.index_cast %add3A_347 : i32 to index
        %get3A_349 = arith.constant 16 : index
        %get3A_350 = tpu.vector_load %arg6[%get3A_348, %get3A_349] {strides = array<i32>} : memref<320x128xf32, #tpu.memory_space<vmem>>, vector<1x16xf32>,
        %get3A_351 = vector.shape_cast %get3A_350 : vector<1x16xf32> to vector<16xf32>
        %add3A_352 = arith.addf %add3A_345, %get3A_351 : vector<16xf32>
        %add3A_353 = arith.constant 3 : i32
        %add3A_354 = arith.addi %mul3A_194, %add3A_353 : i32
        %get3A_355 = arith.index_cast %add3A_354 : i32 to index
        %get3A_356 = arith.constant 16 : index
        %get3A_357 = tpu.vector_load %arg6[%get3A_355, %get3A_356] {strides = array<i32>} : memref<320x128xf32, #tpu.memory_space<vmem>>, vector<1x16xf32>,
        %get3A_358 = vector.shape_cast %get3A_357 : vector<1x16xf32> to vector<16xf32>
        %add3A_359 = arith.addf %add3A_352, %get3A_358 : vector<16xf32>
        %add3A_360 = arith.constant 4 : i32
        %add3A_361 = arith.addi %mul3A_194, %add3A_360 : i32
        %get3A_362 = arith.index_cast %add3A_361 : i32 to index
        %get3A_363 = arith.constant 16 : index
        %get3A_364 = tpu.vector_load %arg6[%get3A_362, %get3A_363] {strides = array<i32>} : memref<320x128xf32, #tpu.memory_space<vmem>>, vector<1x16xf32>,
        %get3A_365 = vector.shape_cast %get3A_364 : vector<1x16xf32> to vector<16xf32>
        %add3A_366 = arith.addf %add3A_359, %get3A_365 : vector<16xf32>
        %add3A_367 = arith.constant 5 : i32
        %add3A_368 = arith.addi %mul3A_194, %add3A_367 : i32
        %get3A_369 = arith.index_cast %add3A_368 : i32 to index
        %get3A_370 = arith.constant 16 : index
        %get3A_371 = tpu.vector_load %arg6[%get3A_369, %get3A_370] {strides = array<i32>} : memref<320x128xf32, #tpu.memory_space<vmem>>, vector<1x16xf32>,
        %get3A_372 = vector.shape_cast %get3A_371 : vector<1x16xf32> to vector<16xf32>
        %add3A_373 = arith.addf %add3A_366, %get3A_372 : vector<16xf32>
        %add3A_374 = arith.constant 6 : i32
        %add3A_375 = arith.addi %mul3A_194, %add3A_374 : i32
        %get3A_376 = arith.index_cast %add3A_375 : i32 to index
        %get3A_377 = arith.constant 16 : index
        %get3A_378 = tpu.vector_load %arg6[%get3A_376, %get3A_377] {strides = array<i32>} : memref<320x128xf32, #tpu.memory_space<vmem>>, vector<1x16xf32>,
        %get3A_379 = vector.shape_cast %get3A_378 : vector<1x16xf32> to vector<16xf32>
        %add3A_380 = arith.addf %add3A_373, %get3A_379 : vector<16xf32>
        %add3A_381 = arith.constant 7 : i32
        %add3A_382 = arith.addi %mul3A_194, %add3A_381 : i32
        %get3A_383 = arith.index_cast %add3A_382 : i32 to index
        %get3A_384 = arith.constant 16 : index
        %get3A_385 = tpu.vector_load %arg6[%get3A_383, %get3A_384] {strides = array<i32>} : memref<320x128xf32, #tpu.memory_space<vmem>>, vector<1x16xf32>,
        %get3A_386 = vector.shape_cast %get3A_385 : vector<1x16xf32> to vector<16xf32>
        %add3A_387 = arith.addf %add3A_380, %get3A_386 : vector<16xf32>
        %add3A_388 = arith.constant 8 : i32
        %add3A_389 = arith.addi %mul3A_194, %add3A_388 : i32
        %get3A_390 = arith.index_cast %add3A_389 : i32 to index
        %get3A_391 = arith.constant 16 : index
        %get3A_392 = tpu.vector_load %arg6[%get3A_390, %get3A_391] {strides = array<i32>} : memref<320x128xf32, #tpu.memory_space<vmem>>, vector<1x16xf32>,
        %get3A_393 = vector.shape_cast %get3A_392 : vector<1x16xf32> to vector<16xf32>
        %add3A_394 = arith.addf %add3A_387, %get3A_393 : vector<16xf32>
        %add3A_395 = arith.constant 9 : i32
        %add3A_396 = arith.addi %mul3A_194, %add3A_395 : i32
        %get3A_397 = arith.index_cast %add3A_396 : i32 to index
        %get3A_398 = arith.constant 16 : index
        %get3A_399 = tpu.vector_load %arg6[%get3A_397, %get3A_398] {strides = array<i32>} : memref<320x128xf32, #tpu.memory_space<vmem>>, vector<1x16xf32>,
        %get3A_400 = vector.shape_cast %get3A_399 : vector<1x16xf32> to vector<16xf32>
        %add3A_401 = arith.addf %add3A_394, %get3A_400 : vector<16xf32>
        %add3A_402 = arith.constant 10 : i32
        %add3A_403 = arith.addi %mul3A_194, %add3A_402 : i32
        %get3A_404 = arith.index_cast %add3A_403 : i32 to index
        %get3A_405 = arith.constant 16 : index
        %get3A_406 = tpu.vector_load %arg6[%get3A_404, %get3A_405] {strides = array<i32>} : memref<320x128xf32, #tpu.memory_space<vmem>>, vector<1x16xf32>,
        %get3A_407 = vector.shape_cast %get3A_406 : vector<1x16xf32> to vector<16xf32>
        %add3A_408 = arith.addf %add3A_401, %get3A_407 : vector<16xf32>
        %add3A_409 = arith.constant 11 : i32
        %add3A_410 = arith.addi %mul3A_194, %add3A_409 : i32
        %get3A_411 = arith.index_cast %add3A_410 : i32 to index
        %get3A_412 = arith.constant 16 : index
        %get3A_413 = tpu.vector_load %arg6[%get3A_411, %get3A_412] {strides = array<i32>} : memref<320x128xf32, #tpu.memory_space<vmem>>, vector<1x16xf32>,
        %get3A_414 = vector.shape_cast %get3A_413 : vector<1x16xf32> to vector<16xf32>
        %add3A_415 = arith.addf %add3A_408, %get3A_414 : vector<16xf32>
        %add3A_416 = arith.constant 12 : i32
        %add3A_417 = arith.addi %mul3A_194, %add3A_416 : i32
        %get3A_418 = arith.index_cast %add3A_417 : i32 to index
        %get3A_419 = arith.constant 16 : index
        %get3A_420 = tpu.vector_load %arg6[%get3A_418, %get3A_419] {strides = array<i32>} : memref<320x128xf32, #tpu.memory_space<vmem>>, vector<1x16xf32>,
        %get3A_421 = vector.shape_cast %get3A_420 : vector<1x16xf32> to vector<16xf32>
        %add3A_422 = arith.addf %add3A_415, %get3A_421 : vector<16xf32>
        %add3A_423 = arith.constant 13 : i32
        %add3A_424 = arith.addi %mul3A_194, %add3A_423 : i32
        %get3A_425 = arith.index_cast %add3A_424 : i32 to index
        %get3A_426 = arith.constant 16 : index
        %get3A_427 = tpu.vector_load %arg6[%get3A_425, %get3A_426] {strides = array<i32>} : memref<320x128xf32, #tpu.memory_space<vmem>>, vector<1x16xf32>,
        %get3A_428 = vector.shape_cast %get3A_427 : vector<1x16xf32> to vector<16xf32>
        %add3A_429 = arith.addf %add3A_422, %get3A_428 : vector<16xf32>
        %add3A_430 = arith.constant 14 : i32
        %add3A_431 = arith.addi %mul3A_194, %add3A_430 : i32
        %get3A_432 = arith.index_cast %add3A_431 : i32 to index
        %get3A_433 = arith.constant 16 : index
        %get3A_434 = tpu.vector_load %arg6[%get3A_432, %get3A_433] {strides = array<i32>} : memref<320x128xf32, #tpu.memory_space<vmem>>, vector<1x16xf32>,
        %get3A_435 = vector.shape_cast %get3A_434 : vector<1x16xf32> to vector<16xf32>
        %add3A_436 = arith.addf %add3A_429, %get3A_435 : vector<16xf32>
        %add3A_437 = arith.constant 15 : i32
        %add3A_438 = arith.addi %mul3A_194, %add3A_437 : i32
        %get3A_439 = arith.index_cast %add3A_438 : i32 to index
        %get3A_440 = arith.constant 16 : index
        %get3A_441 = tpu.vector_load %arg6[%get3A_439, %get3A_440] {strides = array<i32>} : memref<320x128xf32, #tpu.memory_space<vmem>>, vector<1x16xf32>,
        %get3A_442 = vector.shape_cast %get3A_441 : vector<1x16xf32> to vector<16xf32>
        %add3A_443 = arith.addf %add3A_436, %get3A_442 : vector<16xf32>
        %add3A_444 = arith.constant 16 : i32
        %add3A_445 = arith.addi %mul3A_194, %add3A_444 : i32
        %get3A_446 = arith.index_cast %add3A_445 : i32 to index
        %get3A_447 = arith.constant 16 : index
        %get3A_448 = tpu.vector_load %arg6[%get3A_446, %get3A_447] {strides = array<i32>} : memref<320x128xf32, #tpu.memory_space<vmem>>, vector<1x16xf32>,
        %get3A_449 = vector.shape_cast %get3A_448 : vector<1x16xf32> to vector<16xf32>
        %add3A_450 = arith.addf %add3A_443, %get3A_449 : vector<16xf32>
        %add3A_451 = arith.constant 17 : i32
        %add3A_452 = arith.addi %mul3A_194, %add3A_451 : i32
        %get3A_453 = arith.index_cast %add3A_452 : i32 to index
        %get3A_454 = arith.constant 16 : index
        %get3A_455 = tpu.vector_load %arg6[%get3A_453, %get3A_454] {strides = array<i32>} : memref<320x128xf32, #tpu.memory_space<vmem>>, vector<1x16xf32>,
        %get3A_456 = vector.shape_cast %get3A_455 : vector<1x16xf32> to vector<16xf32>
        %add3A_457 = arith.addf %add3A_450, %get3A_456 : vector<16xf32>
        %add3A_458 = arith.constant 18 : i32
        %add3A_459 = arith.addi %mul3A_194, %add3A_458 : i32
        %get3A_460 = arith.index_cast %add3A_459 : i32 to index
        %get3A_461 = arith.constant 16 : index
        %get3A_462 = tpu.vector_load %arg6[%get3A_460, %get3A_461] {strides = array<i32>} : memref<320x128xf32, #tpu.memory_space<vmem>>, vector<1x16xf32>,
        %get3A_463 = vector.shape_cast %get3A_462 : vector<1x16xf32> to vector<16xf32>
        %add3A_464 = arith.addf %add3A_457, %get3A_463 : vector<16xf32>
        %add3A_465 = arith.constant 19 : i32
        %add3A_466 = arith.addi %mul3A_194, %add3A_465 : i32
        %get3A_467 = arith.index_cast %add3A_466 : i32 to index
        %get3A_468 = arith.constant 16 : index
        %get3A_469 = tpu.vector_load %arg6[%get3A_467, %get3A_468] {strides = array<i32>} : memref<320x128xf32, #tpu.memory_space<vmem>>, vector<1x16xf32>,
        %get3A_470 = vector.shape_cast %get3A_469 : vector<1x16xf32> to vector<16xf32>
        %add3A_471 = arith.addf %add3A_464, %get3A_470 : vector<16xf32>
        %swap3A_472 = arith.index_cast %scan3A_192 : i32 to index
        %swap3A_473 = arith.constant 16 : index
        %swap3A_474 = tpu.vector_load %arg8[%swap3A_472, %swap3A_473] {strides = array<i32>} : memref<16x128xf32, #tpu.memory_space<vmem>>, vector<1x16xf32>,
        %swap3A_475 = vector.shape_cast %swap3A_474 : vector<1x16xf32> to vector<16xf32>
        %swap3A_476 = vector.shape_cast %add3A_471 : vector<16xf32> to vector<1x16xf32>
        tpu.vector_store %arg8[%swap3A_472, %swap3A_473], %swap3A_476 {strides = array<i32>} : memref<16x128xf32, #tpu.memory_space<vmem>>, vector<1x16xf32>,
        %get3A_477 = arith.index_cast %mul3A_194 : i32 to index
        %get3A_478 = arith.constant 32 : index
        %get3A_479 = tpu.vector_load %arg6[%get3A_477, %get3A_478] {strides = array<i32>} : memref<320x128xf32, #tpu.memory_space<vmem>>, vector<1x16xf32>,
        %get3A_480 = vector.shape_cast %get3A_479 : vector<1x16xf32> to vector<16xf32>
        %add3A_481 = arith.constant 1 : i32
        %add3A_482 = arith.addi %mul3A_194, %add3A_481 : i32
        %get3A_483 = arith.index_cast %add3A_482 : i32 to index
        %get3A_484 = arith.constant 32 : index
        %get3A_485 = tpu.vector_load %arg6[%get3A_483, %get3A_484] {strides = array<i32>} : memref<320x128xf32, #tpu.memory_space<vmem>>, vector<1x16xf32>,
        %get3A_486 = vector.shape_cast %get3A_485 : vector<1x16xf32> to vector<16xf32>
        %add3A_487 = arith.addf %get3A_480, %get3A_486 : vector<16xf32>
        %add3A_488 = arith.constant 2 : i32
        %add3A_489 = arith.addi %mul3A_194, %add3A_488 : i32
        %get3A_490 = arith.index_cast %add3A_489 : i32 to index
        %get3A_491 = arith.constant 32 : index
        %get3A_492 = tpu.vector_load %arg6[%get3A_490, %get3A_491] {strides = array<i32>} : memref<320x128xf32, #tpu.memory_space<vmem>>, vector<1x16xf32>,
        %get3A_493 = vector.shape_cast %get3A_492 : vector<1x16xf32> to vector<16xf32>
        %add3A_494 = arith.addf %add3A_487, %get3A_493 : vector<16xf32>
        %add3A_495 = arith.constant 3 : i32
        %add3A_496 = arith.addi %mul3A_194, %add3A_495 : i32
        %get3A_497 = arith.index_cast %add3A_496 : i32 to index
        %get3A_498 = arith.constant 32 : index
        %get3A_499 = tpu.vector_load %arg6[%get3A_497, %get3A_498] {strides = array<i32>} : memref<320x128xf32, #tpu.memory_space<vmem>>, vector<1x16xf32>,
        %get3A_500 = vector.shape_cast %get3A_499 : vector<1x16xf32> to vector<16xf32>
        %add3A_501 = arith.addf %add3A_494, %get3A_500 : vector<16xf32>
        %add3A_502 = arith.constant 4 : i32
        %add3A_503 = arith.addi %mul3A_194, %add3A_502 : i32
        %get3A_504 = arith.index_cast %add3A_503 : i32 to index
        %get3A_505 = arith.constant 32 : index
        %get3A_506 = tpu.vector_load %arg6[%get3A_504, %get3A_505] {strides = array<i32>} : memref<320x128xf32, #tpu.memory_space<vmem>>, vector<1x16xf32>,
        %get3A_507 = vector.shape_cast %get3A_506 : vector<1x16xf32> to vector<16xf32>
        %add3A_508 = arith.addf %add3A_501, %get3A_507 : vector<16xf32>
        %add3A_509 = arith.constant 5 : i32
        %add3A_510 = arith.addi %mul3A_194, %add3A_509 : i32
        %get3A_511 = arith.index_cast %add3A_510 : i32 to index
        %get3A_512 = arith.constant 32 : index
        %get3A_513 = tpu.vector_load %arg6[%get3A_511, %get3A_512] {strides = array<i32>} : memref<320x128xf32, #tpu.memory_space<vmem>>, vector<1x16xf32>,
        %get3A_514 = vector.shape_cast %get3A_513 : vector<1x16xf32> to vector<16xf32>
        %add3A_515 = arith.addf %add3A_508, %get3A_514 : vector<16xf32>
        %add3A_516 = arith.constant 6 : i32
        %add3A_517 = arith.addi %mul3A_194, %add3A_516 : i32
        %get3A_518 = arith.index_cast %add3A_517 : i32 to index
        %get3A_519 = arith.constant 32 : index
        %get3A_520 = tpu.vector_load %arg6[%get3A_518, %get3A_519] {strides = array<i32>} : memref<320x128xf32, #tpu.memory_space<vmem>>, vector<1x16xf32>,
        %get3A_521 = vector.shape_cast %get3A_520 : vector<1x16xf32> to vector<16xf32>
        %add3A_522 = arith.addf %add3A_515, %get3A_521 : vector<16xf32>
        %add3A_523 = arith.constant 7 : i32
        %add3A_524 = arith.addi %mul3A_194, %add3A_523 : i32
        %get3A_525 = arith.index_cast %add3A_524 : i32 to index
        %get3A_526 = arith.constant 32 : index
        %get3A_527 = tpu.vector_load %arg6[%get3A_525, %get3A_526] {strides = array<i32>} : memref<320x128xf32, #tpu.memory_space<vmem>>, vector<1x16xf32>,
        %get3A_528 = vector.shape_cast %get3A_527 : vector<1x16xf32> to vector<16xf32>
        %add3A_529 = arith.addf %add3A_522, %get3A_528 : vector<16xf32>
        %add3A_530 = arith.constant 8 : i32
        %add3A_531 = arith.addi %mul3A_194, %add3A_530 : i32
        %get3A_532 = arith.index_cast %add3A_531 : i32 to index
        %get3A_533 = arith.constant 32 : index
        %get3A_534 = tpu.vector_load %arg6[%get3A_532, %get3A_533] {strides = array<i32>} : memref<320x128xf32, #tpu.memory_space<vmem>>, vector<1x16xf32>,
        %get3A_535 = vector.shape_cast %get3A_534 : vector<1x16xf32> to vector<16xf32>
        %add3A_536 = arith.addf %add3A_529, %get3A_535 : vector<16xf32>
        %add3A_537 = arith.constant 9 : i32
        %add3A_538 = arith.addi %mul3A_194, %add3A_537 : i32
        %get3A_539 = arith.index_cast %add3A_538 : i32 to index
        %get3A_540 = arith.constant 32 : index
        %get3A_541 = tpu.vector_load %arg6[%get3A_539, %get3A_540] {strides = array<i32>} : memref<320x128xf32, #tpu.memory_space<vmem>>, vector<1x16xf32>,
        %get3A_542 = vector.shape_cast %get3A_541 : vector<1x16xf32> to vector<16xf32>
        %add3A_543 = arith.addf %add3A_536, %get3A_542 : vector<16xf32>
        %add3A_544 = arith.constant 10 : i32
        %add3A_545 = arith.addi %mul3A_194, %add3A_544 : i32
        %get3A_546 = arith.index_cast %add3A_545 : i32 to index
        %get3A_547 = arith.constant 32 : index
        %get3A_548 = tpu.vector_load %arg6[%get3A_546, %get3A_547] {strides = array<i32>} : memref<320x128xf32, #tpu.memory_space<vmem>>, vector<1x16xf32>,
        %get3A_549 = vector.shape_cast %get3A_548 : vector<1x16xf32> to vector<16xf32>
        %add3A_550 = arith.addf %add3A_543, %get3A_549 : vector<16xf32>
        %add3A_551 = arith.constant 11 : i32
        %add3A_552 = arith.addi %mul3A_194, %add3A_551 : i32
        %get3A_553 = arith.index_cast %add3A_552 : i32 to index
        %get3A_554 = arith.constant 32 : index
        %get3A_555 = tpu.vector_load %arg6[%get3A_553, %get3A_554] {strides = array<i32>} : memref<320x128xf32, #tpu.memory_space<vmem>>, vector<1x16xf32>,
        %get3A_556 = vector.shape_cast %get3A_555 : vector<1x16xf32> to vector<16xf32>
        %add3A_557 = arith.addf %add3A_550, %get3A_556 : vector<16xf32>
        %add3A_558 = arith.constant 12 : i32
        %add3A_559 = arith.addi %mul3A_194, %add3A_558 : i32
        %get3A_560 = arith.index_cast %add3A_559 : i32 to index
        %get3A_561 = arith.constant 32 : index
        %get3A_562 = tpu.vector_load %arg6[%get3A_560, %get3A_561] {strides = array<i32>} : memref<320x128xf32, #tpu.memory_space<vmem>>, vector<1x16xf32>,
        %get3A_563 = vector.shape_cast %get3A_562 : vector<1x16xf32> to vector<16xf32>
        %add3A_564 = arith.addf %add3A_557, %get3A_563 : vector<16xf32>
        %add3A_565 = arith.constant 13 : i32
        %add3A_566 = arith.addi %mul3A_194, %add3A_565 : i32
        %get3A_567 = arith.index_cast %add3A_566 : i32 to index
        %get3A_568 = arith.constant 32 : index
        %get3A_569 = tpu.vector_load %arg6[%get3A_567, %get3A_568] {strides = array<i32>} : memref<320x128xf32, #tpu.memory_space<vmem>>, vector<1x16xf32>,
        %get3A_570 = vector.shape_cast %get3A_569 : vector<1x16xf32> to vector<16xf32>
        %add3A_571 = arith.addf %add3A_564, %get3A_570 : vector<16xf32>
        %add3A_572 = arith.constant 14 : i32
        %add3A_573 = arith.addi %mul3A_194, %add3A_572 : i32
        %get3A_574 = arith.index_cast %add3A_573 : i32 to index
        %get3A_575 = arith.constant 32 : index
        %get3A_576 = tpu.vector_load %arg6[%get3A_574, %get3A_575] {strides = array<i32>} : memref<320x128xf32, #tpu.memory_space<vmem>>, vector<1x16xf32>,
        %get3A_577 = vector.shape_cast %get3A_576 : vector<1x16xf32> to vector<16xf32>
        %add3A_578 = arith.addf %add3A_571, %get3A_577 : vector<16xf32>
        %add3A_579 = arith.constant 15 : i32
        %add3A_580 = arith.addi %mul3A_194, %add3A_579 : i32
        %get3A_581 = arith.index_cast %add3A_580 : i32 to index
        %get3A_582 = arith.constant 32 : index
        %get3A_583 = tpu.vector_load %arg6[%get3A_581, %get3A_582] {strides = array<i32>} : memref<320x128xf32, #tpu.memory_space<vmem>>, vector<1x16xf32>,
        %get3A_584 = vector.shape_cast %get3A_583 : vector<1x16xf32> to vector<16xf32>
        %add3A_585 = arith.addf %add3A_578, %get3A_584 : vector<16xf32>
        %add3A_586 = arith.constant 16 : i32
        %add3A_587 = arith.addi %mul3A_194, %add3A_586 : i32
        %get3A_588 = arith.index_cast %add3A_587 : i32 to index
        %get3A_589 = arith.constant 32 : index
        %get3A_590 = tpu.vector_load %arg6[%get3A_588, %get3A_589] {strides = array<i32>} : memref<320x128xf32, #tpu.memory_space<vmem>>, vector<1x16xf32>,
        %get3A_591 = vector.shape_cast %get3A_590 : vector<1x16xf32> to vector<16xf32>
        %add3A_592 = arith.addf %add3A_585, %get3A_591 : vector<16xf32>
        %add3A_593 = arith.constant 17 : i32
        %add3A_594 = arith.addi %mul3A_194, %add3A_593 : i32
        %get3A_595 = arith.index_cast %add3A_594 : i32 to index
        %get3A_596 = arith.constant 32 : index
        %get3A_597 = tpu.vector_load %arg6[%get3A_595, %get3A_596] {strides = array<i32>} : memref<320x128xf32, #tpu.memory_space<vmem>>, vector<1x16xf32>,
        %get3A_598 = vector.shape_cast %get3A_597 : vector<1x16xf32> to vector<16xf32>
        %add3A_599 = arith.addf %add3A_592, %get3A_598 : vector<16xf32>
        %add3A_600 = arith.constant 18 : i32
        %add3A_601 = arith.addi %mul3A_194, %add3A_600 : i32
        %get3A_602 = arith.index_cast %add3A_601 : i32 to index
        %get3A_603 = arith.constant 32 : index
        %get3A_604 = tpu.vector_load %arg6[%get3A_602, %get3A_603] {strides = array<i32>} : memref<320x128xf32, #tpu.memory_space<vmem>>, vector<1x16xf32>,
        %get3A_605 = vector.shape_cast %get3A_604 : vector<1x16xf32> to vector<16xf32>
        %add3A_606 = arith.addf %add3A_599, %get3A_605 : vector<16xf32>
        %add3A_607 = arith.constant 19 : i32
        %add3A_608 = arith.addi %mul3A_194, %add3A_607 : i32
        %get3A_609 = arith.index_cast %add3A_608 : i32 to index
        %get3A_610 = arith.constant 32 : index
        %get3A_611 = tpu.vector_load %arg6[%get3A_609, %get3A_610] {strides = array<i32>} : memref<320x128xf32, #tpu.memory_space<vmem>>, vector<1x16xf32>,
        %get3A_612 = vector.shape_cast %get3A_611 : vector<1x16xf32> to vector<16xf32>
        %add3A_613 = arith.addf %add3A_606, %get3A_612 : vector<16xf32>
        %swap3A_614 = arith.index_cast %scan3A_192 : i32 to index
        %swap3A_615 = arith.constant 32 : index
        %swap3A_616 = tpu.vector_load %arg8[%swap3A_614, %swap3A_615] {strides = array<i32>} : memref<16x128xf32, #tpu.memory_space<vmem>>, vector<1x16xf32>,
        %swap3A_617 = vector.shape_cast %swap3A_616 : vector<1x16xf32> to vector<16xf32>
        %swap3A_618 = vector.shape_cast %add3A_613 : vector<16xf32> to vector<1x16xf32>
        tpu.vector_store %arg8[%swap3A_614, %swap3A_615], %swap3A_618 {strides = array<i32>} : memref<16x128xf32, #tpu.memory_space<vmem>>, vector<1x16xf32>,
        %get3A_619 = arith.index_cast %mul3A_194 : i32 to index
        %get3A_620 = arith.constant 48 : index
        %get3A_621 = tpu.vector_load %arg6[%get3A_619, %get3A_620] {strides = array<i32>} : memref<320x128xf32, #tpu.memory_space<vmem>>, vector<1x16xf32>,
        %get3A_622 = vector.shape_cast %get3A_621 : vector<1x16xf32> to vector<16xf32>
        %add3A_623 = arith.constant 1 : i32
        %add3A_624 = arith.addi %mul3A_194, %add3A_623 : i32
        %get3A_625 = arith.index_cast %add3A_624 : i32 to index
        %get3A_626 = arith.constant 48 : index
        %get3A_627 = tpu.vector_load %arg6[%get3A_625, %get3A_626] {strides = array<i32>} : memref<320x128xf32, #tpu.memory_space<vmem>>, vector<1x16xf32>,
        %get3A_628 = vector.shape_cast %get3A_627 : vector<1x16xf32> to vector<16xf32>
        %add3A_629 = arith.addf %get3A_622, %get3A_628 : vector<16xf32>
        %add3A_630 = arith.constant 2 : i32
        %add3A_631 = arith.addi %mul3A_194, %add3A_630 : i32
        %get3A_632 = arith.index_cast %add3A_631 : i32 to index
        %get3A_633 = arith.constant 48 : index
        %get3A_634 = tpu.vector_load %arg6[%get3A_632, %get3A_633] {strides = array<i32>} : memref<320x128xf32, #tpu.memory_space<vmem>>, vector<1x16xf32>,
        %get3A_635 = vector.shape_cast %get3A_634 : vector<1x16xf32> to vector<16xf32>
        %add3A_636 = arith.addf %add3A_629, %get3A_635 : vector<16xf32>
        %add3A_637 = arith.constant 3 : i32
        %add3A_638 = arith.addi %mul3A_194, %add3A_637 : i32
        %get3A_639 = arith.index_cast %add3A_638 : i32 to index
        %get3A_640 = arith.constant 48 : index
        %get3A_641 = tpu.vector_load %arg6[%get3A_639, %get3A_640] {strides = array<i32>} : memref<320x128xf32, #tpu.memory_space<vmem>>, vector<1x16xf32>,
        %get3A_642 = vector.shape_cast %get3A_641 : vector<1x16xf32> to vector<16xf32>
        %add3A_643 = arith.addf %add3A_636, %get3A_642 : vector<16xf32>
        %add3A_644 = arith.constant 4 : i32
        %add3A_645 = arith.addi %mul3A_194, %add3A_644 : i32
        %get3A_646 = arith.index_cast %add3A_645 : i32 to index
        %get3A_647 = arith.constant 48 : index
        %get3A_648 = tpu.vector_load %arg6[%get3A_646, %get3A_647] {strides = array<i32>} : memref<320x128xf32, #tpu.memory_space<vmem>>, vector<1x16xf32>,
        %get3A_649 = vector.shape_cast %get3A_648 : vector<1x16xf32> to vector<16xf32>
        %add3A_650 = arith.addf %add3A_643, %get3A_649 : vector<16xf32>
        %add3A_651 = arith.constant 5 : i32
        %add3A_652 = arith.addi %mul3A_194, %add3A_651 : i32
        %get3A_653 = arith.index_cast %add3A_652 : i32 to index
        %get3A_654 = arith.constant 48 : index
        %get3A_655 = tpu.vector_load %arg6[%get3A_653, %get3A_654] {strides = array<i32>} : memref<320x128xf32, #tpu.memory_space<vmem>>, vector<1x16xf32>,
        %get3A_656 = vector.shape_cast %get3A_655 : vector<1x16xf32> to vector<16xf32>
        %add3A_657 = arith.addf %add3A_650, %get3A_656 : vector<16xf32>
        %add3A_658 = arith.constant 6 : i32
        %add3A_659 = arith.addi %mul3A_194, %add3A_658 : i32
        %get3A_660 = arith.index_cast %add3A_659 : i32 to index
        %get3A_661 = arith.constant 48 : index
        %get3A_662 = tpu.vector_load %arg6[%get3A_660, %get3A_661] {strides = array<i32>} : memref<320x128xf32, #tpu.memory_space<vmem>>, vector<1x16xf32>,
        %get3A_663 = vector.shape_cast %get3A_662 : vector<1x16xf32> to vector<16xf32>
        %add3A_664 = arith.addf %add3A_657, %get3A_663 : vector<16xf32>
        %add3A_665 = arith.constant 7 : i32
        %add3A_666 = arith.addi %mul3A_194, %add3A_665 : i32
        %get3A_667 = arith.index_cast %add3A_666 : i32 to index
        %get3A_668 = arith.constant 48 : index
        %get3A_669 = tpu.vector_load %arg6[%get3A_667, %get3A_668] {strides = array<i32>} : memref<320x128xf32, #tpu.memory_space<vmem>>, vector<1x16xf32>,
        %get3A_670 = vector.shape_cast %get3A_669 : vector<1x16xf32> to vector<16xf32>
        %add3A_671 = arith.addf %add3A_664, %get3A_670 : vector<16xf32>
        %add3A_672 = arith.constant 8 : i32
        %add3A_673 = arith.addi %mul3A_194, %add3A_672 : i32
        %get3A_674 = arith.index_cast %add3A_673 : i32 to index
        %get3A_675 = arith.constant 48 : index
        %get3A_676 = tpu.vector_load %arg6[%get3A_674, %get3A_675] {strides = array<i32>} : memref<320x128xf32, #tpu.memory_space<vmem>>, vector<1x16xf32>,
        %get3A_677 = vector.shape_cast %get3A_676 : vector<1x16xf32> to vector<16xf32>
        %add3A_678 = arith.addf %add3A_671, %get3A_677 : vector<16xf32>
        %add3A_679 = arith.constant 9 : i32
        %add3A_680 = arith.addi %mul3A_194, %add3A_679 : i32
        %get3A_681 = arith.index_cast %add3A_680 : i32 to index
        %get3A_682 = arith.constant 48 : index
        %get3A_683 = tpu.vector_load %arg6[%get3A_681, %get3A_682] {strides = array<i32>} : memref<320x128xf32, #tpu.memory_space<vmem>>, vector<1x16xf32>,
        %get3A_684 = vector.shape_cast %get3A_683 : vector<1x16xf32> to vector<16xf32>
        %add3A_685 = arith.addf %add3A_678, %get3A_684 : vector<16xf32>
        %add3A_686 = arith.constant 10 : i32
        %add3A_687 = arith.addi %mul3A_194, %add3A_686 : i32
        %get3A_688 = arith.index_cast %add3A_687 : i32 to index
        %get3A_689 = arith.constant 48 : index
        %get3A_690 = tpu.vector_load %arg6[%get3A_688, %get3A_689] {strides = array<i32>} : memref<320x128xf32, #tpu.memory_space<vmem>>, vector<1x16xf32>,
        %get3A_691 = vector.shape_cast %get3A_690 : vector<1x16xf32> to vector<16xf32>
        %add3A_692 = arith.addf %add3A_685, %get3A_691 : vector<16xf32>
        %add3A_693 = arith.constant 11 : i32
        %add3A_694 = arith.addi %mul3A_194, %add3A_693 : i32
        %get3A_695 = arith.index_cast %add3A_694 : i32 to index
        %get3A_696 = arith.constant 48 : index
        %get3A_697 = tpu.vector_load %arg6[%get3A_695, %get3A_696] {strides = array<i32>} : memref<320x128xf32, #tpu.memory_space<vmem>>, vector<1x16xf32>,
        %get3A_698 = vector.shape_cast %get3A_697 : vector<1x16xf32> to vector<16xf32>
        %add3A_699 = arith.addf %add3A_692, %get3A_698 : vector<16xf32>
        %add3A_700 = arith.constant 12 : i32
        %add3A_701 = arith.addi %mul3A_194, %add3A_700 : i32
        %get3A_702 = arith.index_cast %add3A_701 : i32 to index
        %get3A_703 = arith.constant 48 : index
        %get3A_704 = tpu.vector_load %arg6[%get3A_702, %get3A_703] {strides = array<i32>} : memref<320x128xf32, #tpu.memory_space<vmem>>, vector<1x16xf32>,
        %get3A_705 = vector.shape_cast %get3A_704 : vector<1x16xf32> to vector<16xf32>
        %add3A_706 = arith.addf %add3A_699, %get3A_705 : vector<16xf32>
        %add3A_707 = arith.constant 13 : i32
        %add3A_708 = arith.addi %mul3A_194, %add3A_707 : i32
        %get3A_709 = arith.index_cast %add3A_708 : i32 to index
        %get3A_710 = arith.constant 48 : index
        %get3A_711 = tpu.vector_load %arg6[%get3A_709, %get3A_710] {strides = array<i32>} : memref<320x128xf32, #tpu.memory_space<vmem>>, vector<1x16xf32>,
        %get3A_712 = vector.shape_cast %get3A_711 : vector<1x16xf32> to vector<16xf32>
        %add3A_713 = arith.addf %add3A_706, %get3A_712 : vector<16xf32>
        %add3A_714 = arith.constant 14 : i32
        %add3A_715 = arith.addi %mul3A_194, %add3A_714 : i32
        %get3A_716 = arith.index_cast %add3A_715 : i32 to index
        %get3A_717 = arith.constant 48 : index
        %get3A_718 = tpu.vector_load %arg6[%get3A_716, %get3A_717] {strides = array<i32>} : memref<320x128xf32, #tpu.memory_space<vmem>>, vector<1x16xf32>,
        %get3A_719 = vector.shape_cast %get3A_718 : vector<1x16xf32> to vector<16xf32>
        %add3A_720 = arith.addf %add3A_713, %get3A_719 : vector<16xf32>
        %add3A_721 = arith.constant 15 : i32
        %add3A_722 = arith.addi %mul3A_194, %add3A_721 : i32
        %get3A_723 = arith.index_cast %add3A_722 : i32 to index
        %get3A_724 = arith.constant 48 : index
        %get3A_725 = tpu.vector_load %arg6[%get3A_723, %get3A_724] {strides = array<i32>} : memref<320x128xf32, #tpu.memory_space<vmem>>, vector<1x16xf32>,
        %get3A_726 = vector.shape_cast %get3A_725 : vector<1x16xf32> to vector<16xf32>
        %add3A_727 = arith.addf %add3A_720, %get3A_726 : vector<16xf32>
        %add3A_728 = arith.constant 16 : i32
        %add3A_729 = arith.addi %mul3A_194, %add3A_728 : i32
        %get3A_730 = arith.index_cast %add3A_729 : i32 to index
        %get3A_731 = arith.constant 48 : index
        %get3A_732 = tpu.vector_load %arg6[%get3A_730, %get3A_731] {strides = array<i32>} : memref<320x128xf32, #tpu.memory_space<vmem>>, vector<1x16xf32>,
        %get3A_733 = vector.shape_cast %get3A_732 : vector<1x16xf32> to vector<16xf32>
        %add3A_734 = arith.addf %add3A_727, %get3A_733 : vector<16xf32>
        %add3A_735 = arith.constant 17 : i32
        %add3A_736 = arith.addi %mul3A_194, %add3A_735 : i32
        %get3A_737 = arith.index_cast %add3A_736 : i32 to index
        %get3A_738 = arith.constant 48 : index
        %get3A_739 = tpu.vector_load %arg6[%get3A_737, %get3A_738] {strides = array<i32>} : memref<320x128xf32, #tpu.memory_space<vmem>>, vector<1x16xf32>,
        %get3A_740 = vector.shape_cast %get3A_739 : vector<1x16xf32> to vector<16xf32>
        %add3A_741 = arith.addf %add3A_734, %get3A_740 : vector<16xf32>
        %add3A_742 = arith.constant 18 : i32
        %add3A_743 = arith.addi %mul3A_194, %add3A_742 : i32
        %get3A_744 = arith.index_cast %add3A_743 : i32 to index
        %get3A_745 = arith.constant 48 : index
        %get3A_746 = tpu.vector_load %arg6[%get3A_744, %get3A_745] {strides = array<i32>} : memref<320x128xf32, #tpu.memory_space<vmem>>, vector<1x16xf32>,
        %get3A_747 = vector.shape_cast %get3A_746 : vector<1x16xf32> to vector<16xf32>
        %add3A_748 = arith.addf %add3A_741, %get3A_747 : vector<16xf32>
        %add3A_749 = arith.constant 19 : i32
        %add3A_750 = arith.addi %mul3A_194, %add3A_749 : i32
        %get3A_751 = arith.index_cast %add3A_750 : i32 to index
        %get3A_752 = arith.constant 48 : index
        %get3A_753 = tpu.vector_load %arg6[%get3A_751, %get3A_752] {strides = array<i32>} : memref<320x128xf32, #tpu.memory_space<vmem>>, vector<1x16xf32>,
        %get3A_754 = vector.shape_cast %get3A_753 : vector<1x16xf32> to vector<16xf32>
        %add3A_755 = arith.addf %add3A_748, %get3A_754 : vector<16xf32>
        %swap3A_756 = arith.index_cast %scan3A_192 : i32 to index
        %swap3A_757 = arith.constant 48 : index
        %swap3A_758 = tpu.vector_load %arg8[%swap3A_756, %swap3A_757] {strides = array<i32>} : memref<16x128xf32, #tpu.memory_space<vmem>>, vector<1x16xf32>,
        %swap3A_759 = vector.shape_cast %swap3A_758 : vector<1x16xf32> to vector<16xf32>
        %swap3A_760 = vector.shape_cast %add3A_755 : vector<16xf32> to vector<1x16xf32>
        tpu.vector_store %arg8[%swap3A_756, %swap3A_757], %swap3A_760 {strides = array<i32>} : memref<16x128xf32, #tpu.memory_space<vmem>>, vector<1x16xf32>,
        %get3A_761 = arith.index_cast %mul3A_194 : i32 to index
        %get3A_762 = arith.constant 64 : index
        %get3A_763 = tpu.vector_load %arg6[%get3A_761, %get3A_762] {strides = array<i32>} : memref<320x128xf32, #tpu.memory_space<vmem>>, vector<1x16xf32>,
        %get3A_764 = vector.shape_cast %get3A_763 : vector<1x16xf32> to vector<16xf32>
        %add3A_765 = arith.constant 1 : i32
        %add3A_766 = arith.addi %mul3A_194, %add3A_765 : i32
        %get3A_767 = arith.index_cast %add3A_766 : i32 to index
        %get3A_768 = arith.constant 64 : index
        %get3A_769 = tpu.vector_load %arg6[%get3A_767, %get3A_768] {strides = array<i32>} : memref<320x128xf32, #tpu.memory_space<vmem>>, vector<1x16xf32>,
        %get3A_770 = vector.shape_cast %get3A_769 : vector<1x16xf32> to vector<16xf32>
        %add3A_771 = arith.addf %get3A_764, %get3A_770 : vector<16xf32>
        %add3A_772 = arith.constant 2 : i32
        %add3A_773 = arith.addi %mul3A_194, %add3A_772 : i32
        %get3A_774 = arith.index_cast %add3A_773 : i32 to index
        %get3A_775 = arith.constant 64 : index
        %get3A_776 = tpu.vector_load %arg6[%get3A_774, %get3A_775] {strides = array<i32>} : memref<320x128xf32, #tpu.memory_space<vmem>>, vector<1x16xf32>,
        %get3A_777 = vector.shape_cast %get3A_776 : vector<1x16xf32> to vector<16xf32>
        %add3A_778 = arith.addf %add3A_771, %get3A_777 : vector<16xf32>
        %add3A_779 = arith.constant 3 : i32
        %add3A_780 = arith.addi %mul3A_194, %add3A_779 : i32
        %get3A_781 = arith.index_cast %add3A_780 : i32 to index
        %get3A_782 = arith.constant 64 : index
        %get3A_783 = tpu.vector_load %arg6[%get3A_781, %get3A_782] {strides = array<i32>} : memref<320x128xf32, #tpu.memory_space<vmem>>, vector<1x16xf32>,
        %get3A_784 = vector.shape_cast %get3A_783 : vector<1x16xf32> to vector<16xf32>
        %add3A_785 = arith.addf %add3A_778, %get3A_784 : vector<16xf32>
        %add3A_786 = arith.constant 4 : i32
        %add3A_787 = arith.addi %mul3A_194, %add3A_786 : i32
        %get3A_788 = arith.index_cast %add3A_787 : i32 to index
        %get3A_789 = arith.constant 64 : index
        %get3A_790 = tpu.vector_load %arg6[%get3A_788, %get3A_789] {strides = array<i32>} : memref<320x128xf32, #tpu.memory_space<vmem>>, vector<1x16xf32>,
        %get3A_791 = vector.shape_cast %get3A_790 : vector<1x16xf32> to vector<16xf32>
        %add3A_792 = arith.addf %add3A_785, %get3A_791 : vector<16xf32>
        %add3A_793 = arith.constant 5 : i32
        %add3A_794 = arith.addi %mul3A_194, %add3A_793 : i32
        %get3A_795 = arith.index_cast %add3A_794 : i32 to index
        %get3A_796 = arith.constant 64 : index
        %get3A_797 = tpu.vector_load %arg6[%get3A_795, %get3A_796] {strides = array<i32>} : memref<320x128xf32, #tpu.memory_space<vmem>>, vector<1x16xf32>,
        %get3A_798 = vector.shape_cast %get3A_797 : vector<1x16xf32> to vector<16xf32>
        %add3A_799 = arith.addf %add3A_792, %get3A_798 : vector<16xf32>
        %add3A_800 = arith.constant 6 : i32
        %add3A_801 = arith.addi %mul3A_194, %add3A_800 : i32
        %get3A_802 = arith.index_cast %add3A_801 : i32 to index
        %get3A_803 = arith.constant 64 : index
        %get3A_804 = tpu.vector_load %arg6[%get3A_802, %get3A_803] {strides = array<i32>} : memref<320x128xf32, #tpu.memory_space<vmem>>, vector<1x16xf32>,
        %get3A_805 = vector.shape_cast %get3A_804 : vector<1x16xf32> to vector<16xf32>
        %add3A_806 = arith.addf %add3A_799, %get3A_805 : vector<16xf32>
        %add3A_807 = arith.constant 7 : i32
        %add3A_808 = arith.addi %mul3A_194, %add3A_807 : i32
        %get3A_809 = arith.index_cast %add3A_808 : i32 to index
        %get3A_810 = arith.constant 64 : index
        %get3A_811 = tpu.vector_load %arg6[%get3A_809, %get3A_810] {strides = array<i32>} : memref<320x128xf32, #tpu.memory_space<vmem>>, vector<1x16xf32>,
        %get3A_812 = vector.shape_cast %get3A_811 : vector<1x16xf32> to vector<16xf32>
        %add3A_813 = arith.addf %add3A_806, %get3A_812 : vector<16xf32>
        %add3A_814 = arith.constant 8 : i32
        %add3A_815 = arith.addi %mul3A_194, %add3A_814 : i32
        %get3A_816 = arith.index_cast %add3A_815 : i32 to index
        %get3A_817 = arith.constant 64 : index
        %get3A_818 = tpu.vector_load %arg6[%get3A_816, %get3A_817] {strides = array<i32>} : memref<320x128xf32, #tpu.memory_space<vmem>>, vector<1x16xf32>,
        %get3A_819 = vector.shape_cast %get3A_818 : vector<1x16xf32> to vector<16xf32>
        %add3A_820 = arith.addf %add3A_813, %get3A_819 : vector<16xf32>
        %add3A_821 = arith.constant 9 : i32
        %add3A_822 = arith.addi %mul3A_194, %add3A_821 : i32
        %get3A_823 = arith.index_cast %add3A_822 : i32 to index
        %get3A_824 = arith.constant 64 : index
        %get3A_825 = tpu.vector_load %arg6[%get3A_823, %get3A_824] {strides = array<i32>} : memref<320x128xf32, #tpu.memory_space<vmem>>, vector<1x16xf32>,
        %get3A_826 = vector.shape_cast %get3A_825 : vector<1x16xf32> to vector<16xf32>
        %add3A_827 = arith.addf %add3A_820, %get3A_826 : vector<16xf32>
        %add3A_828 = arith.constant 10 : i32
        %add3A_829 = arith.addi %mul3A_194, %add3A_828 : i32
        %get3A_830 = arith.index_cast %add3A_829 : i32 to index
        %get3A_831 = arith.constant 64 : index
        %get3A_832 = tpu.vector_load %arg6[%get3A_830, %get3A_831] {strides = array<i32>} : memref<320x128xf32, #tpu.memory_space<vmem>>, vector<1x16xf32>,
        %get3A_833 = vector.shape_cast %get3A_832 : vector<1x16xf32> to vector<16xf32>
        %add3A_834 = arith.addf %add3A_827, %get3A_833 : vector<16xf32>
        %add3A_835 = arith.constant 11 : i32
        %add3A_836 = arith.addi %mul3A_194, %add3A_835 : i32
        %get3A_837 = arith.index_cast %add3A_836 : i32 to index
        %get3A_838 = arith.constant 64 : index
        %get3A_839 = tpu.vector_load %arg6[%get3A_837, %get3A_838] {strides = array<i32>} : memref<320x128xf32, #tpu.memory_space<vmem>>, vector<1x16xf32>,
        %get3A_840 = vector.shape_cast %get3A_839 : vector<1x16xf32> to vector<16xf32>
        %add3A_841 = arith.addf %add3A_834, %get3A_840 : vector<16xf32>
        %add3A_842 = arith.constant 12 : i32
        %add3A_843 = arith.addi %mul3A_194, %add3A_842 : i32
        %get3A_844 = arith.index_cast %add3A_843 : i32 to index
        %get3A_845 = arith.constant 64 : index
        %get3A_846 = tpu.vector_load %arg6[%get3A_844, %get3A_845] {strides = array<i32>} : memref<320x128xf32, #tpu.memory_space<vmem>>, vector<1x16xf32>,
        %get3A_847 = vector.shape_cast %get3A_846 : vector<1x16xf32> to vector<16xf32>
        %add3A_848 = arith.addf %add3A_841, %get3A_847 : vector<16xf32>
        %add3A_849 = arith.constant 13 : i32
        %add3A_850 = arith.addi %mul3A_194, %add3A_849 : i32
        %get3A_851 = arith.index_cast %add3A_850 : i32 to index
        %get3A_852 = arith.constant 64 : index
        %get3A_853 = tpu.vector_load %arg6[%get3A_851, %get3A_852] {strides = array<i32>} : memref<320x128xf32, #tpu.memory_space<vmem>>, vector<1x16xf32>,
        %get3A_854 = vector.shape_cast %get3A_853 : vector<1x16xf32> to vector<16xf32>
        %add3A_855 = arith.addf %add3A_848, %get3A_854 : vector<16xf32>
        %add3A_856 = arith.constant 14 : i32
        %add3A_857 = arith.addi %mul3A_194, %add3A_856 : i32
        %get3A_858 = arith.index_cast %add3A_857 : i32 to index
        %get3A_859 = arith.constant 64 : index
        %get3A_860 = tpu.vector_load %arg6[%get3A_858, %get3A_859] {strides = array<i32>} : memref<320x128xf32, #tpu.memory_space<vmem>>, vector<1x16xf32>,
        %get3A_861 = vector.shape_cast %get3A_860 : vector<1x16xf32> to vector<16xf32>
        %add3A_862 = arith.addf %add3A_855, %get3A_861 : vector<16xf32>
        %add3A_863 = arith.constant 15 : i32
        %add3A_864 = arith.addi %mul3A_194, %add3A_863 : i32
        %get3A_865 = arith.index_cast %add3A_864 : i32 to index
        %get3A_866 = arith.constant 64 : index
        %get3A_867 = tpu.vector_load %arg6[%get3A_865, %get3A_866] {strides = array<i32>} : memref<320x128xf32, #tpu.memory_space<vmem>>, vector<1x16xf32>,
        %get3A_868 = vector.shape_cast %get3A_867 : vector<1x16xf32> to vector<16xf32>
        %add3A_869 = arith.addf %add3A_862, %get3A_868 : vector<16xf32>
        %add3A_870 = arith.constant 16 : i32
        %add3A_871 = arith.addi %mul3A_194, %add3A_870 : i32
        %get3A_872 = arith.index_cast %add3A_871 : i32 to index
        %get3A_873 = arith.constant 64 : index
        %get3A_874 = tpu.vector_load %arg6[%get3A_872, %get3A_873] {strides = array<i32>} : memref<320x128xf32, #tpu.memory_space<vmem>>, vector<1x16xf32>,
        %get3A_875 = vector.shape_cast %get3A_874 : vector<1x16xf32> to vector<16xf32>
        %add3A_876 = arith.addf %add3A_869, %get3A_875 : vector<16xf32>
        %add3A_877 = arith.constant 17 : i32
        %add3A_878 = arith.addi %mul3A_194, %add3A_877 : i32
        %get3A_879 = arith.index_cast %add3A_878 : i32 to index
        %get3A_880 = arith.constant 64 : index
        %get3A_881 = tpu.vector_load %arg6[%get3A_879, %get3A_880] {strides = array<i32>} : memref<320x128xf32, #tpu.memory_space<vmem>>, vector<1x16xf32>,
        %get3A_882 = vector.shape_cast %get3A_881 : vector<1x16xf32> to vector<16xf32>
        %add3A_883 = arith.addf %add3A_876, %get3A_882 : vector<16xf32>
        %add3A_884 = arith.constant 18 : i32
        %add3A_885 = arith.addi %mul3A_194, %add3A_884 : i32
        %get3A_886 = arith.index_cast %add3A_885 : i32 to index
        %get3A_887 = arith.constant 64 : index
        %get3A_888 = tpu.vector_load %arg6[%get3A_886, %get3A_887] {strides = array<i32>} : memref<320x128xf32, #tpu.memory_space<vmem>>, vector<1x16xf32>,
        %get3A_889 = vector.shape_cast %get3A_888 : vector<1x16xf32> to vector<16xf32>
        %add3A_890 = arith.addf %add3A_883, %get3A_889 : vector<16xf32>
        %add3A_891 = arith.constant 19 : i32
        %add3A_892 = arith.addi %mul3A_194, %add3A_891 : i32
        %get3A_893 = arith.index_cast %add3A_892 : i32 to index
        %get3A_894 = arith.constant 64 : index
        %get3A_895 = tpu.vector_load %arg6[%get3A_893, %get3A_894] {strides = array<i32>} : memref<320x128xf32, #tpu.memory_space<vmem>>, vector<1x16xf32>,
        %get3A_896 = vector.shape_cast %get3A_895 : vector<1x16xf32> to vector<16xf32>
        %add3A_897 = arith.addf %add3A_890, %get3A_896 : vector<16xf32>
        %swap3A_898 = arith.index_cast %scan3A_192 : i32 to index
        %swap3A_899 = arith.constant 64 : index
        %swap3A_900 = tpu.vector_load %arg8[%swap3A_898, %swap3A_899] {strides = array<i32>} : memref<16x128xf32, #tpu.memory_space<vmem>>, vector<1x16xf32>,
        %swap3A_901 = vector.shape_cast %swap3A_900 : vector<1x16xf32> to vector<16xf32>
        %swap3A_902 = vector.shape_cast %add3A_897 : vector<16xf32> to vector<1x16xf32>
        tpu.vector_store %arg8[%swap3A_898, %swap3A_899], %swap3A_902 {strides = array<i32>} : memref<16x128xf32, #tpu.memory_space<vmem>>, vector<1x16xf32>,
        %get3A_903 = arith.index_cast %mul3A_194 : i32 to index
        %get3A_904 = arith.constant 80 : index
        %get3A_905 = tpu.vector_load %arg6[%get3A_903, %get3A_904] {strides = array<i32>} : memref<320x128xf32, #tpu.memory_space<vmem>>, vector<1x16xf32>,
        %get3A_906 = vector.shape_cast %get3A_905 : vector<1x16xf32> to vector<16xf32>
        %add3A_907 = arith.constant 1 : i32
        %add3A_908 = arith.addi %mul3A_194, %add3A_907 : i32
        %get3A_909 = arith.index_cast %add3A_908 : i32 to index
        %get3A_910 = arith.constant 80 : index
        %get3A_911 = tpu.vector_load %arg6[%get3A_909, %get3A_910] {strides = array<i32>} : memref<320x128xf32, #tpu.memory_space<vmem>>, vector<1x16xf32>,
        %get3A_912 = vector.shape_cast %get3A_911 : vector<1x16xf32> to vector<16xf32>
        %add3A_913 = arith.addf %get3A_906, %get3A_912 : vector<16xf32>
        %add3A_914 = arith.constant 2 : i32
        %add3A_915 = arith.addi %mul3A_194, %add3A_914 : i32
        %get3A_916 = arith.index_cast %add3A_915 : i32 to index
        %get3A_917 = arith.constant 80 : index
        %get3A_918 = tpu.vector_load %arg6[%get3A_916, %get3A_917] {strides = array<i32>} : memref<320x128xf32, #tpu.memory_space<vmem>>, vector<1x16xf32>,
        %get3A_919 = vector.shape_cast %get3A_918 : vector<1x16xf32> to vector<16xf32>
        %add3A_920 = arith.addf %add3A_913, %get3A_919 : vector<16xf32>
        %add3A_921 = arith.constant 3 : i32
        %add3A_922 = arith.addi %mul3A_194, %add3A_921 : i32
        %get3A_923 = arith.index_cast %add3A_922 : i32 to index
        %get3A_924 = arith.constant 80 : index
        %get3A_925 = tpu.vector_load %arg6[%get3A_923, %get3A_924] {strides = array<i32>} : memref<320x128xf32, #tpu.memory_space<vmem>>, vector<1x16xf32>,
        %get3A_926 = vector.shape_cast %get3A_925 : vector<1x16xf32> to vector<16xf32>
        %add3A_927 = arith.addf %add3A_920, %get3A_926 : vector<16xf32>
        %add3A_928 = arith.constant 4 : i32
        %add3A_929 = arith.addi %mul3A_194, %add3A_928 : i32
        %get3A_930 = arith.index_cast %add3A_929 : i32 to index
        %get3A_931 = arith.constant 80 : index
        %get3A_932 = tpu.vector_load %arg6[%get3A_930, %get3A_931] {strides = array<i32>} : memref<320x128xf32, #tpu.memory_space<vmem>>, vector<1x16xf32>,
        %get3A_933 = vector.shape_cast %get3A_932 : vector<1x16xf32> to vector<16xf32>
        %add3A_934 = arith.addf %add3A_927, %get3A_933 : vector<16xf32>
        %add3A_935 = arith.constant 5 : i32
        %add3A_936 = arith.addi %mul3A_194, %add3A_935 : i32
        %get3A_937 = arith.index_cast %add3A_936 : i32 to index
        %get3A_938 = arith.constant 80 : index
        %get3A_939 = tpu.vector_load %arg6[%get3A_937, %get3A_938] {strides = array<i32>} : memref<320x128xf32, #tpu.memory_space<vmem>>, vector<1x16xf32>,
        %get3A_940 = vector.shape_cast %get3A_939 : vector<1x16xf32> to vector<16xf32>
        %add3A_941 = arith.addf %add3A_934, %get3A_940 : vector<16xf32>
        %add3A_942 = arith.constant 6 : i32
        %add3A_943 = arith.addi %mul3A_194, %add3A_942 : i32
        %get3A_944 = arith.index_cast %add3A_943 : i32 to index
        %get3A_945 = arith.constant 80 : index
        %get3A_946 = tpu.vector_load %arg6[%get3A_944, %get3A_945] {strides = array<i32>} : memref<320x128xf32, #tpu.memory_space<vmem>>, vector<1x16xf32>,
        %get3A_947 = vector.shape_cast %get3A_946 : vector<1x16xf32> to vector<16xf32>
        %add3A_948 = arith.addf %add3A_941, %get3A_947 : vector<16xf32>
        %add3A_949 = arith.constant 7 : i32
        %add3A_950 = arith.addi %mul3A_194, %add3A_949 : i32
        %get3A_951 = arith.index_cast %add3A_950 : i32 to index
        %get3A_952 = arith.constant 80 : index
        %get3A_953 = tpu.vector_load %arg6[%get3A_951, %get3A_952] {strides = array<i32>} : memref<320x128xf32, #tpu.memory_space<vmem>>, vector<1x16xf32>,
        %get3A_954 = vector.shape_cast %get3A_953 : vector<1x16xf32> to vector<16xf32>
        %add3A_955 = arith.addf %add3A_948, %get3A_954 : vector<16xf32>
        %add3A_956 = arith.constant 8 : i32
        %add3A_957 = arith.addi %mul3A_194, %add3A_956 : i32
        %get3A_958 = arith.index_cast %add3A_957 : i32 to index
        %get3A_959 = arith.constant 80 : index
        %get3A_960 = tpu.vector_load %arg6[%get3A_958, %get3A_959] {strides = array<i32>} : memref<320x128xf32, #tpu.memory_space<vmem>>, vector<1x16xf32>,
        %get3A_961 = vector.shape_cast %get3A_960 : vector<1x16xf32> to vector<16xf32>
        %add3A_962 = arith.addf %add3A_955, %get3A_961 : vector<16xf32>
        %add3A_963 = arith.constant 9 : i32
        %add3A_964 = arith.addi %mul3A_194, %add3A_963 : i32
        %get3A_965 = arith.index_cast %add3A_964 : i32 to index
        %get3A_966 = arith.constant 80 : index
        %get3A_967 = tpu.vector_load %arg6[%get3A_965, %get3A_966] {strides = array<i32>} : memref<320x128xf32, #tpu.memory_space<vmem>>, vector<1x16xf32>,
        %get3A_968 = vector.shape_cast %get3A_967 : vector<1x16xf32> to vector<16xf32>
        %add3A_969 = arith.addf %add3A_962, %get3A_968 : vector<16xf32>
        %add3A_970 = arith.constant 10 : i32
        %add3A_971 = arith.addi %mul3A_194, %add3A_970 : i32
        %get3A_972 = arith.index_cast %add3A_971 : i32 to index
        %get3A_973 = arith.constant 80 : index
        %get3A_974 = tpu.vector_load %arg6[%get3A_972, %get3A_973] {strides = array<i32>} : memref<320x128xf32, #tpu.memory_space<vmem>>, vector<1x16xf32>,
        %get3A_975 = vector.shape_cast %get3A_974 : vector<1x16xf32> to vector<16xf32>
        %add3A_976 = arith.addf %add3A_969, %get3A_975 : vector<16xf32>
        %add3A_977 = arith.constant 11 : i32
        %add3A_978 = arith.addi %mul3A_194, %add3A_977 : i32
        %get3A_979 = arith.index_cast %add3A_978 : i32 to index
        %get3A_980 = arith.constant 80 : index
        %get3A_981 = tpu.vector_load %arg6[%get3A_979, %get3A_980] {strides = array<i32>} : memref<320x128xf32, #tpu.memory_space<vmem>>, vector<1x16xf32>,
        %get3A_982 = vector.shape_cast %get3A_981 : vector<1x16xf32> to vector<16xf32>
        %add3A_983 = arith.addf %add3A_976, %get3A_982 : vector<16xf32>
        %add3A_984 = arith.constant 12 : i32
        %add3A_985 = arith.addi %mul3A_194, %add3A_984 : i32
        %get3A_986 = arith.index_cast %add3A_985 : i32 to index
        %get3A_987 = arith.constant 80 : index
        %get3A_988 = tpu.vector_load %arg6[%get3A_986, %get3A_987] {strides = array<i32>} : memref<320x128xf32, #tpu.memory_space<vmem>>, vector<1x16xf32>,
        %get3A_989 = vector.shape_cast %get3A_988 : vector<1x16xf32> to vector<16xf32>
        %add3A_990 = arith.addf %add3A_983, %get3A_989 : vector<16xf32>
        %add3A_991 = arith.constant 13 : i32
        %add3A_992 = arith.addi %mul3A_194, %add3A_991 : i32
        %get3A_993 = arith.index_cast %add3A_992 : i32 to index
        %get3A_994 = arith.constant 80 : index
        %get3A_995 = tpu.vector_load %arg6[%get3A_993, %get3A_994] {strides = array<i32>} : memref<320x128xf32, #tpu.memory_space<vmem>>, vector<1x16xf32>,
        %get3A_996 = vector.shape_cast %get3A_995 : vector<1x16xf32> to vector<16xf32>
        %add3A_997 = arith.addf %add3A_990, %get3A_996 : vector<16xf32>
        %add3A_998 = arith.constant 14 : i32
        %add3A_999 = arith.addi %mul3A_194, %add3A_998 : i32
        %get3A_1000 = arith.index_cast %add3A_999 : i32 to index
        %get3A_1001 = arith.constant 80 : index
        %get3A_1002 = tpu.vector_load %arg6[%get3A_1000, %get3A_1001] {strides = array<i32>} : memref<320x128xf32, #tpu.memory_space<vmem>>, vector<1x16xf32>,
        %get3A_1003 = vector.shape_cast %get3A_1002 : vector<1x16xf32> to vector<16xf32>
        %add3A_1004 = arith.addf %add3A_997, %get3A_1003 : vector<16xf32>
        %add3A_1005 = arith.constant 15 : i32
        %add3A_1006 = arith.addi %mul3A_194, %add3A_1005 : i32
        %get3A_1007 = arith.index_cast %add3A_1006 : i32 to index
        %get3A_1008 = arith.constant 80 : index
        %get3A_1009 = tpu.vector_load %arg6[%get3A_1007, %get3A_1008] {strides = array<i32>} : memref<320x128xf32, #tpu.memory_space<vmem>>, vector<1x16xf32>,
        %get3A_1010 = vector.shape_cast %get3A_1009 : vector<1x16xf32> to vector<16xf32>
        %add3A_1011 = arith.addf %add3A_1004, %get3A_1010 : vector<16xf32>
        %add3A_1012 = arith.constant 16 : i32
        %add3A_1013 = arith.addi %mul3A_194, %add3A_1012 : i32
        %get3A_1014 = arith.index_cast %add3A_1013 : i32 to index
        %get3A_1015 = arith.constant 80 : index
        %get3A_1016 = tpu.vector_load %arg6[%get3A_1014, %get3A_1015] {strides = array<i32>} : memref<320x128xf32, #tpu.memory_space<vmem>>, vector<1x16xf32>,
        %get3A_1017 = vector.shape_cast %get3A_1016 : vector<1x16xf32> to vector<16xf32>
        %add3A_1018 = arith.addf %add3A_1011, %get3A_1017 : vector<16xf32>
        %add3A_1019 = arith.constant 17 : i32
        %add3A_1020 = arith.addi %mul3A_194, %add3A_1019 : i32
        %get3A_1021 = arith.index_cast %add3A_1020 : i32 to index
        %get3A_1022 = arith.constant 80 : index
        %get3A_1023 = tpu.vector_load %arg6[%get3A_1021, %get3A_1022] {strides = array<i32>} : memref<320x128xf32, #tpu.memory_space<vmem>>, vector<1x16xf32>,
        %get3A_1024 = vector.shape_cast %get3A_1023 : vector<1x16xf32> to vector<16xf32>
        %add3A_1025 = arith.addf %add3A_1018, %get3A_1024 : vector<16xf32>
        %add3A_1026 = arith.constant 18 : i32
        %add3A_1027 = arith.addi %mul3A_194, %add3A_1026 : i32
        %get3A_1028 = arith.index_cast %add3A_1027 : i32 to index
        %get3A_1029 = arith.constant 80 : index
        %get3A_1030 = tpu.vector_load %arg6[%get3A_1028, %get3A_1029] {strides = array<i32>} : memref<320x128xf32, #tpu.memory_space<vmem>>, vector<1x16xf32>,
        %get3A_1031 = vector.shape_cast %get3A_1030 : vector<1x16xf32> to vector<16xf32>
        %add3A_1032 = arith.addf %add3A_1025, %get3A_1031 : vector<16xf32>
        %add3A_1033 = arith.constant 19 : i32
        %add3A_1034 = arith.addi %mul3A_194, %add3A_1033 : i32
        %get3A_1035 = arith.index_cast %add3A_1034 : i32 to index
        %get3A_1036 = arith.constant 80 : index
        %get3A_1037 = tpu.vector_load %arg6[%get3A_1035, %get3A_1036] {strides = array<i32>} : memref<320x128xf32, #tpu.memory_space<vmem>>, vector<1x16xf32>,
        %get3A_1038 = vector.shape_cast %get3A_1037 : vector<1x16xf32> to vector<16xf32>
        %add3A_1039 = arith.addf %add3A_1032, %get3A_1038 : vector<16xf32>
        %swap3A_1040 = arith.index_cast %scan3A_192 : i32 to index
        %swap3A_1041 = arith.constant 80 : index
        %swap3A_1042 = tpu.vector_load %arg8[%swap3A_1040, %swap3A_1041] {strides = array<i32>} : memref<16x128xf32, #tpu.memory_space<vmem>>, vector<1x16xf32>,
        %swap3A_1043 = vector.shape_cast %swap3A_1042 : vector<1x16xf32> to vector<16xf32>
        %swap3A_1044 = vector.shape_cast %add3A_1039 : vector<16xf32> to vector<1x16xf32>
        tpu.vector_store %arg8[%swap3A_1040, %swap3A_1041], %swap3A_1044 {strides = array<i32>} : memref<16x128xf32, #tpu.memory_space<vmem>>, vector<1x16xf32>,
        %get3A_1045 = arith.index_cast %mul3A_194 : i32 to index
        %get3A_1046 = arith.constant 96 : index
        %get3A_1047 = tpu.vector_load %arg6[%get3A_1045, %get3A_1046] {strides = array<i32>} : memref<320x128xf32, #tpu.memory_space<vmem>>, vector<1x16xf32>,
        %get3A_1048 = vector.shape_cast %get3A_1047 : vector<1x16xf32> to vector<16xf32>
        %add3A_1049 = arith.constant 1 : i32
        %add3A_1050 = arith.addi %mul3A_194, %add3A_1049 : i32
        %get3A_1051 = arith.index_cast %add3A_1050 : i32 to index
        %get3A_1052 = arith.constant 96 : index
        %get3A_1053 = tpu.vector_load %arg6[%get3A_1051, %get3A_1052] {strides = array<i32>} : memref<320x128xf32, #tpu.memory_space<vmem>>, vector<1x16xf32>,
        %get3A_1054 = vector.shape_cast %get3A_1053 : vector<1x16xf32> to vector<16xf32>
        %add3A_1055 = arith.addf %get3A_1048, %get3A_1054 : vector<16xf32>
        %add3A_1056 = arith.constant 2 : i32
        %add3A_1057 = arith.addi %mul3A_194, %add3A_1056 : i32
        %get3A_1058 = arith.index_cast %add3A_1057 : i32 to index
        %get3A_1059 = arith.constant 96 : index
        %get3A_1060 = tpu.vector_load %arg6[%get3A_1058, %get3A_1059] {strides = array<i32>} : memref<320x128xf32, #tpu.memory_space<vmem>>, vector<1x16xf32>,
        %get3A_1061 = vector.shape_cast %get3A_1060 : vector<1x16xf32> to vector<16xf32>
        %add3A_1062 = arith.addf %add3A_1055, %get3A_1061 : vector<16xf32>
        %add3A_1063 = arith.constant 3 : i32
        %add3A_1064 = arith.addi %mul3A_194, %add3A_1063 : i32
        %get3A_1065 = arith.index_cast %add3A_1064 : i32 to index
        %get3A_1066 = arith.constant 96 : index
        %get3A_1067 = tpu.vector_load %arg6[%get3A_1065, %get3A_1066] {strides = array<i32>} : memref<320x128xf32, #tpu.memory_space<vmem>>, vector<1x16xf32>,
        %get3A_1068 = vector.shape_cast %get3A_1067 : vector<1x16xf32> to vector<16xf32>
        %add3A_1069 = arith.addf %add3A_1062, %get3A_1068 : vector<16xf32>
        %add3A_1070 = arith.constant 4 : i32
        %add3A_1071 = arith.addi %mul3A_194, %add3A_1070 : i32
        %get3A_1072 = arith.index_cast %add3A_1071 : i32 to index
        %get3A_1073 = arith.constant 96 : index
        %get3A_1074 = tpu.vector_load %arg6[%get3A_1072, %get3A_1073] {strides = array<i32>} : memref<320x128xf32, #tpu.memory_space<vmem>>, vector<1x16xf32>,
        %get3A_1075 = vector.shape_cast %get3A_1074 : vector<1x16xf32> to vector<16xf32>
        %add3A_1076 = arith.addf %add3A_1069, %get3A_1075 : vector<16xf32>
        %add3A_1077 = arith.constant 5 : i32
        %add3A_1078 = arith.addi %mul3A_194, %add3A_1077 : i32
        %get3A_1079 = arith.index_cast %add3A_1078 : i32 to index
        %get3A_1080 = arith.constant 96 : index
        %get3A_1081 = tpu.vector_load %arg6[%get3A_1079, %get3A_1080] {strides = array<i32>} : memref<320x128xf32, #tpu.memory_space<vmem>>, vector<1x16xf32>,
        %get3A_1082 = vector.shape_cast %get3A_1081 : vector<1x16xf32> to vector<16xf32>
        %add3A_1083 = arith.addf %add3A_1076, %get3A_1082 : vector<16xf32>
        %add3A_1084 = arith.constant 6 : i32
        %add3A_1085 = arith.addi %mul3A_194, %add3A_1084 : i32
        %get3A_1086 = arith.index_cast %add3A_1085 : i32 to index
        %get3A_1087 = arith.constant 96 : index
        %get3A_1088 = tpu.vector_load %arg6[%get3A_1086, %get3A_1087] {strides = array<i32>} : memref<320x128xf32, #tpu.memory_space<vmem>>, vector<1x16xf32>,
        %get3A_1089 = vector.shape_cast %get3A_1088 : vector<1x16xf32> to vector<16xf32>
        %add3A_1090 = arith.addf %add3A_1083, %get3A_1089 : vector<16xf32>
        %add3A_1091 = arith.constant 7 : i32
        %add3A_1092 = arith.addi %mul3A_194, %add3A_1091 : i32
        %get3A_1093 = arith.index_cast %add3A_1092 : i32 to index
        %get3A_1094 = arith.constant 96 : index
        %get3A_1095 = tpu.vector_load %arg6[%get3A_1093, %get3A_1094] {strides = array<i32>} : memref<320x128xf32, #tpu.memory_space<vmem>>, vector<1x16xf32>,
        %get3A_1096 = vector.shape_cast %get3A_1095 : vector<1x16xf32> to vector<16xf32>
        %add3A_1097 = arith.addf %add3A_1090, %get3A_1096 : vector<16xf32>
        %add3A_1098 = arith.constant 8 : i32
        %add3A_1099 = arith.addi %mul3A_194, %add3A_1098 : i32
        %get3A_1100 = arith.index_cast %add3A_1099 : i32 to index
        %get3A_1101 = arith.constant 96 : index
        %get3A_1102 = tpu.vector_load %arg6[%get3A_1100, %get3A_1101] {strides = array<i32>} : memref<320x128xf32, #tpu.memory_space<vmem>>, vector<1x16xf32>,
        %get3A_1103 = vector.shape_cast %get3A_1102 : vector<1x16xf32> to vector<16xf32>
        %add3A_1104 = arith.addf %add3A_1097, %get3A_1103 : vector<16xf32>
        %add3A_1105 = arith.constant 9 : i32
        %add3A_1106 = arith.addi %mul3A_194, %add3A_1105 : i32
        %get3A_1107 = arith.index_cast %add3A_1106 : i32 to index
        %get3A_1108 = arith.constant 96 : index
        %get3A_1109 = tpu.vector_load %arg6[%get3A_1107, %get3A_1108] {strides = array<i32>} : memref<320x128xf32, #tpu.memory_space<vmem>>, vector<1x16xf32>,
        %get3A_1110 = vector.shape_cast %get3A_1109 : vector<1x16xf32> to vector<16xf32>
        %add3A_1111 = arith.addf %add3A_1104, %get3A_1110 : vector<16xf32>
        %add3A_1112 = arith.constant 10 : i32
        %add3A_1113 = arith.addi %mul3A_194, %add3A_1112 : i32
        %get3A_1114 = arith.index_cast %add3A_1113 : i32 to index
        %get3A_1115 = arith.constant 96 : index
        %get3A_1116 = tpu.vector_load %arg6[%get3A_1114, %get3A_1115] {strides = array<i32>} : memref<320x128xf32, #tpu.memory_space<vmem>>, vector<1x16xf32>,
        %get3A_1117 = vector.shape_cast %get3A_1116 : vector<1x16xf32> to vector<16xf32>
        %add3A_1118 = arith.addf %add3A_1111, %get3A_1117 : vector<16xf32>
        %add3A_1119 = arith.constant 11 : i32
        %add3A_1120 = arith.addi %mul3A_194, %add3A_1119 : i32
        %get3A_1121 = arith.index_cast %add3A_1120 : i32 to index
        %get3A_1122 = arith.constant 96 : index
        %get3A_1123 = tpu.vector_load %arg6[%get3A_1121, %get3A_1122] {strides = array<i32>} : memref<320x128xf32, #tpu.memory_space<vmem>>, vector<1x16xf32>,
        %get3A_1124 = vector.shape_cast %get3A_1123 : vector<1x16xf32> to vector<16xf32>
        %add3A_1125 = arith.addf %add3A_1118, %get3A_1124 : vector<16xf32>
        %add3A_1126 = arith.constant 12 : i32
        %add3A_1127 = arith.addi %mul3A_194, %add3A_1126 : i32
        %get3A_1128 = arith.index_cast %add3A_1127 : i32 to index
        %get3A_1129 = arith.constant 96 : index
        %get3A_1130 = tpu.vector_load %arg6[%get3A_1128, %get3A_1129] {strides = array<i32>} : memref<320x128xf32, #tpu.memory_space<vmem>>, vector<1x16xf32>,
        %get3A_1131 = vector.shape_cast %get3A_1130 : vector<1x16xf32> to vector<16xf32>
        %add3A_1132 = arith.addf %add3A_1125, %get3A_1131 : vector<16xf32>
        %add3A_1133 = arith.constant 13 : i32
        %add3A_1134 = arith.addi %mul3A_194, %add3A_1133 : i32
        %get3A_1135 = arith.index_cast %add3A_1134 : i32 to index
        %get3A_1136 = arith.constant 96 : index
        %get3A_1137 = tpu.vector_load %arg6[%get3A_1135, %get3A_1136] {strides = array<i32>} : memref<320x128xf32, #tpu.memory_space<vmem>>, vector<1x16xf32>,
        %get3A_1138 = vector.shape_cast %get3A_1137 : vector<1x16xf32> to vector<16xf32>
        %add3A_1139 = arith.addf %add3A_1132, %get3A_1138 : vector<16xf32>
        %add3A_1140 = arith.constant 14 : i32
        %add3A_1141 = arith.addi %mul3A_194, %add3A_1140 : i32
        %get3A_1142 = arith.index_cast %add3A_1141 : i32 to index
        %get3A_1143 = arith.constant 96 : index
        %get3A_1144 = tpu.vector_load %arg6[%get3A_1142, %get3A_1143] {strides = array<i32>} : memref<320x128xf32, #tpu.memory_space<vmem>>, vector<1x16xf32>,
        %get3A_1145 = vector.shape_cast %get3A_1144 : vector<1x16xf32> to vector<16xf32>
        %add3A_1146 = arith.addf %add3A_1139, %get3A_1145 : vector<16xf32>
        %add3A_1147 = arith.constant 15 : i32
        %add3A_1148 = arith.addi %mul3A_194, %add3A_1147 : i32
        %get3A_1149 = arith.index_cast %add3A_1148 : i32 to index
        %get3A_1150 = arith.constant 96 : index
        %get3A_1151 = tpu.vector_load %arg6[%get3A_1149, %get3A_1150] {strides = array<i32>} : memref<320x128xf32, #tpu.memory_space<vmem>>, vector<1x16xf32>,
        %get3A_1152 = vector.shape_cast %get3A_1151 : vector<1x16xf32> to vector<16xf32>
        %add3A_1153 = arith.addf %add3A_1146, %get3A_1152 : vector<16xf32>
        %add3A_1154 = arith.constant 16 : i32
        %add3A_1155 = arith.addi %mul3A_194, %add3A_1154 : i32
        %get3A_1156 = arith.index_cast %add3A_1155 : i32 to index
        %get3A_1157 = arith.constant 96 : index
        %get3A_1158 = tpu.vector_load %arg6[%get3A_1156, %get3A_1157] {strides = array<i32>} : memref<320x128xf32, #tpu.memory_space<vmem>>, vector<1x16xf32>,
        %get3A_1159 = vector.shape_cast %get3A_1158 : vector<1x16xf32> to vector<16xf32>
        %add3A_1160 = arith.addf %add3A_1153, %get3A_1159 : vector<16xf32>
        %add3A_1161 = arith.constant 17 : i32
        %add3A_1162 = arith.addi %mul3A_194, %add3A_1161 : i32
        %get3A_1163 = arith.index_cast %add3A_1162 : i32 to index
        %get3A_1164 = arith.constant 96 : index
        %get3A_1165 = tpu.vector_load %arg6[%get3A_1163, %get3A_1164] {strides = array<i32>} : memref<320x128xf32, #tpu.memory_space<vmem>>, vector<1x16xf32>,
        %get3A_1166 = vector.shape_cast %get3A_1165 : vector<1x16xf32> to vector<16xf32>
        %add3A_1167 = arith.addf %add3A_1160, %get3A_1166 : vector<16xf32>
        %add3A_1168 = arith.constant 18 : i32
        %add3A_1169 = arith.addi %mul3A_194, %add3A_1168 : i32
        %get3A_1170 = arith.index_cast %add3A_1169 : i32 to index
        %get3A_1171 = arith.constant 96 : index
        %get3A_1172 = tpu.vector_load %arg6[%get3A_1170, %get3A_1171] {strides = array<i32>} : memref<320x128xf32, #tpu.memory_space<vmem>>, vector<1x16xf32>,
        %get3A_1173 = vector.shape_cast %get3A_1172 : vector<1x16xf32> to vector<16xf32>
        %add3A_1174 = arith.addf %add3A_1167, %get3A_1173 : vector<16xf32>
        %add3A_1175 = arith.constant 19 : i32
        %add3A_1176 = arith.addi %mul3A_194, %add3A_1175 : i32
        %get3A_1177 = arith.index_cast %add3A_1176 : i32 to index
        %get3A_1178 = arith.constant 96 : index
        %get3A_1179 = tpu.vector_load %arg6[%get3A_1177, %get3A_1178] {strides = array<i32>} : memref<320x128xf32, #tpu.memory_space<vmem>>, vector<1x16xf32>,
        %get3A_1180 = vector.shape_cast %get3A_1179 : vector<1x16xf32> to vector<16xf32>
        %add3A_1181 = arith.addf %add3A_1174, %get3A_1180 : vector<16xf32>
        %swap3A_1182 = arith.index_cast %scan3A_192 : i32 to index
        %swap3A_1183 = arith.constant 96 : index
        %swap3A_1184 = tpu.vector_load %arg8[%swap3A_1182, %swap3A_1183] {strides = array<i32>} : memref<16x128xf32, #tpu.memory_space<vmem>>, vector<1x16xf32>,
        %swap3A_1185 = vector.shape_cast %swap3A_1184 : vector<1x16xf32> to vector<16xf32>
        %swap3A_1186 = vector.shape_cast %add3A_1181 : vector<16xf32> to vector<1x16xf32>
        tpu.vector_store %arg8[%swap3A_1182, %swap3A_1183], %swap3A_1186 {strides = array<i32>} : memref<16x128xf32, #tpu.memory_space<vmem>>, vector<1x16xf32>,
        %get3A_1187 = arith.index_cast %mul3A_194 : i32 to index
        %get3A_1188 = arith.constant 112 : index
        %get3A_1189 = tpu.vector_load %arg6[%get3A_1187, %get3A_1188] {strides = array<i32>} : memref<320x128xf32, #tpu.memory_space<vmem>>, vector<1x16xf32>,
        %get3A_1190 = vector.shape_cast %get3A_1189 : vector<1x16xf32> to vector<16xf32>
        %add3A_1191 = arith.constant 1 : i32
        %add3A_1192 = arith.addi %mul3A_194, %add3A_1191 : i32
        %get3A_1193 = arith.index_cast %add3A_1192 : i32 to index
        %get3A_1194 = arith.constant 112 : index
        %get3A_1195 = tpu.vector_load %arg6[%get3A_1193, %get3A_1194] {strides = array<i32>} : memref<320x128xf32, #tpu.memory_space<vmem>>, vector<1x16xf32>,
        %get3A_1196 = vector.shape_cast %get3A_1195 : vector<1x16xf32> to vector<16xf32>
        %add3A_1197 = arith.addf %get3A_1190, %get3A_1196 : vector<16xf32>
        %add3A_1198 = arith.constant 2 : i32
        %add3A_1199 = arith.addi %mul3A_194, %add3A_1198 : i32
        %get3A_1200 = arith.index_cast %add3A_1199 : i32 to index
        %get3A_1201 = arith.constant 112 : index
        %get3A_1202 = tpu.vector_load %arg6[%get3A_1200, %get3A_1201] {strides = array<i32>} : memref<320x128xf32, #tpu.memory_space<vmem>>, vector<1x16xf32>,
        %get3A_1203 = vector.shape_cast %get3A_1202 : vector<1x16xf32> to vector<16xf32>
        %add3A_1204 = arith.addf %add3A_1197, %get3A_1203 : vector<16xf32>
        %add3A_1205 = arith.constant 3 : i32
        %add3A_1206 = arith.addi %mul3A_194, %add3A_1205 : i32
        %get3A_1207 = arith.index_cast %add3A_1206 : i32 to index
        %get3A_1208 = arith.constant 112 : index
        %get3A_1209 = tpu.vector_load %arg6[%get3A_1207, %get3A_1208] {strides = array<i32>} : memref<320x128xf32, #tpu.memory_space<vmem>>, vector<1x16xf32>,
        %get3A_1210 = vector.shape_cast %get3A_1209 : vector<1x16xf32> to vector<16xf32>
        %add3A_1211 = arith.addf %add3A_1204, %get3A_1210 : vector<16xf32>
        %add3A_1212 = arith.constant 4 : i32
        %add3A_1213 = arith.addi %mul3A_194, %add3A_1212 : i32
        %get3A_1214 = arith.index_cast %add3A_1213 : i32 to index
        %get3A_1215 = arith.constant 112 : index
        %get3A_1216 = tpu.vector_load %arg6[%get3A_1214, %get3A_1215] {strides = array<i32>} : memref<320x128xf32, #tpu.memory_space<vmem>>, vector<1x16xf32>,
        %get3A_1217 = vector.shape_cast %get3A_1216 : vector<1x16xf32> to vector<16xf32>
        %add3A_1218 = arith.addf %add3A_1211, %get3A_1217 : vector<16xf32>
        %add3A_1219 = arith.constant 5 : i32
        %add3A_1220 = arith.addi %mul3A_194, %add3A_1219 : i32
        %get3A_1221 = arith.index_cast %add3A_1220 : i32 to index
        %get3A_1222 = arith.constant 112 : index
        %get3A_1223 = tpu.vector_load %arg6[%get3A_1221, %get3A_1222] {strides = array<i32>} : memref<320x128xf32, #tpu.memory_space<vmem>>, vector<1x16xf32>,
        %get3A_1224 = vector.shape_cast %get3A_1223 : vector<1x16xf32> to vector<16xf32>
        %add3A_1225 = arith.addf %add3A_1218, %get3A_1224 : vector<16xf32>
        %add3A_1226 = arith.constant 6 : i32
        %add3A_1227 = arith.addi %mul3A_194, %add3A_1226 : i32
        %get3A_1228 = arith.index_cast %add3A_1227 : i32 to index
        %get3A_1229 = arith.constant 112 : index
        %get3A_1230 = tpu.vector_load %arg6[%get3A_1228, %get3A_1229] {strides = array<i32>} : memref<320x128xf32, #tpu.memory_space<vmem>>, vector<1x16xf32>,
        %get3A_1231 = vector.shape_cast %get3A_1230 : vector<1x16xf32> to vector<16xf32>
        %add3A_1232 = arith.addf %add3A_1225, %get3A_1231 : vector<16xf32>
        %add3A_1233 = arith.constant 7 : i32
        %add3A_1234 = arith.addi %mul3A_194, %add3A_1233 : i32
        %get3A_1235 = arith.index_cast %add3A_1234 : i32 to index
        %get3A_1236 = arith.constant 112 : index
        %get3A_1237 = tpu.vector_load %arg6[%get3A_1235, %get3A_1236] {strides = array<i32>} : memref<320x128xf32, #tpu.memory_space<vmem>>, vector<1x16xf32>,
        %get3A_1238 = vector.shape_cast %get3A_1237 : vector<1x16xf32> to vector<16xf32>
        %add3A_1239 = arith.addf %add3A_1232, %get3A_1238 : vector<16xf32>
        %add3A_1240 = arith.constant 8 : i32
        %add3A_1241 = arith.addi %mul3A_194, %add3A_1240 : i32
        %get3A_1242 = arith.index_cast %add3A_1241 : i32 to index
        %get3A_1243 = arith.constant 112 : index
        %get3A_1244 = tpu.vector_load %arg6[%get3A_1242, %get3A_1243] {strides = array<i32>} : memref<320x128xf32, #tpu.memory_space<vmem>>, vector<1x16xf32>,
        %get3A_1245 = vector.shape_cast %get3A_1244 : vector<1x16xf32> to vector<16xf32>
        %add3A_1246 = arith.addf %add3A_1239, %get3A_1245 : vector<16xf32>
        %add3A_1247 = arith.constant 9 : i32
        %add3A_1248 = arith.addi %mul3A_194, %add3A_1247 : i32
        %get3A_1249 = arith.index_cast %add3A_1248 : i32 to index
        %get3A_1250 = arith.constant 112 : index
        %get3A_1251 = tpu.vector_load %arg6[%get3A_1249, %get3A_1250] {strides = array<i32>} : memref<320x128xf32, #tpu.memory_space<vmem>>, vector<1x16xf32>,
        %get3A_1252 = vector.shape_cast %get3A_1251 : vector<1x16xf32> to vector<16xf32>
        %add3A_1253 = arith.addf %add3A_1246, %get3A_1252 : vector<16xf32>
        %add3A_1254 = arith.constant 10 : i32
        %add3A_1255 = arith.addi %mul3A_194, %add3A_1254 : i32
        %get3A_1256 = arith.index_cast %add3A_1255 : i32 to index
        %get3A_1257 = arith.constant 112 : index
        %get3A_1258 = tpu.vector_load %arg6[%get3A_1256, %get3A_1257] {strides = array<i32>} : memref<320x128xf32, #tpu.memory_space<vmem>>, vector<1x16xf32>,
        %get3A_1259 = vector.shape_cast %get3A_1258 : vector<1x16xf32> to vector<16xf32>
        %add3A_1260 = arith.addf %add3A_1253, %get3A_1259 : vector<16xf32>
        %add3A_1261 = arith.constant 11 : i32
        %add3A_1262 = arith.addi %mul3A_194, %add3A_1261 : i32
        %get3A_1263 = arith.index_cast %add3A_1262 : i32 to index
        %get3A_1264 = arith.constant 112 : index
        %get3A_1265 = tpu.vector_load %arg6[%get3A_1263, %get3A_1264] {strides = array<i32>} : memref<320x128xf32, #tpu.memory_space<vmem>>, vector<1x16xf32>,
        %get3A_1266 = vector.shape_cast %get3A_1265 : vector<1x16xf32> to vector<16xf32>
        %add3A_1267 = arith.addf %add3A_1260, %get3A_1266 : vector<16xf32>
        %add3A_1268 = arith.constant 12 : i32
        %add3A_1269 = arith.addi %mul3A_194, %add3A_1268 : i32
        %get3A_1270 = arith.index_cast %add3A_1269 : i32 to index
        %get3A_1271 = arith.constant 112 : index
        %get3A_1272 = tpu.vector_load %arg6[%get3A_1270, %get3A_1271] {strides = array<i32>} : memref<320x128xf32, #tpu.memory_space<vmem>>, vector<1x16xf32>,
        %get3A_1273 = vector.shape_cast %get3A_1272 : vector<1x16xf32> to vector<16xf32>
        %add3A_1274 = arith.addf %add3A_1267, %get3A_1273 : vector<16xf32>
        %add3A_1275 = arith.constant 13 : i32
        %add3A_1276 = arith.addi %mul3A_194, %add3A_1275 : i32
        %get3A_1277 = arith.index_cast %add3A_1276 : i32 to index
        %get3A_1278 = arith.constant 112 : index
        %get3A_1279 = tpu.vector_load %arg6[%get3A_1277, %get3A_1278] {strides = array<i32>} : memref<320x128xf32, #tpu.memory_space<vmem>>, vector<1x16xf32>,
        %get3A_1280 = vector.shape_cast %get3A_1279 : vector<1x16xf32> to vector<16xf32>
        %add3A_1281 = arith.addf %add3A_1274, %get3A_1280 : vector<16xf32>
        %add3A_1282 = arith.constant 14 : i32
        %add3A_1283 = arith.addi %mul3A_194, %add3A_1282 : i32
        %get3A_1284 = arith.index_cast %add3A_1283 : i32 to index
        %get3A_1285 = arith.constant 112 : index
        %get3A_1286 = tpu.vector_load %arg6[%get3A_1284, %get3A_1285] {strides = array<i32>} : memref<320x128xf32, #tpu.memory_space<vmem>>, vector<1x16xf32>,
        %get3A_1287 = vector.shape_cast %get3A_1286 : vector<1x16xf32> to vector<16xf32>
        %add3A_1288 = arith.addf %add3A_1281, %get3A_1287 : vector<16xf32>
        %add3A_1289 = arith.constant 15 : i32
        %add3A_1290 = arith.addi %mul3A_194, %add3A_1289 : i32
        %get3A_1291 = arith.index_cast %add3A_1290 : i32 to index
        %get3A_1292 = arith.constant 112 : index
        %get3A_1293 = tpu.vector_load %arg6[%get3A_1291, %get3A_1292] {strides = array<i32>} : memref<320x128xf32, #tpu.memory_space<vmem>>, vector<1x16xf32>,
        %get3A_1294 = vector.shape_cast %get3A_1293 : vector<1x16xf32> to vector<16xf32>
        %add3A_1295 = arith.addf %add3A_1288, %get3A_1294 : vector<16xf32>
        %add3A_1296 = arith.constant 16 : i32
        %add3A_1297 = arith.addi %mul3A_194, %add3A_1296 : i32
        %get3A_1298 = arith.index_cast %add3A_1297 : i32 to index
        %get3A_1299 = arith.constant 112 : index
        %get3A_1300 = tpu.vector_load %arg6[%get3A_1298, %get3A_1299] {strides = array<i32>} : memref<320x128xf32, #tpu.memory_space<vmem>>, vector<1x16xf32>,
        %get3A_1301 = vector.shape_cast %get3A_1300 : vector<1x16xf32> to vector<16xf32>
        %add3A_1302 = arith.addf %add3A_1295, %get3A_1301 : vector<16xf32>
        %add3A_1303 = arith.constant 17 : i32
        %add3A_1304 = arith.addi %mul3A_194, %add3A_1303 : i32
        %get3A_1305 = arith.index_cast %add3A_1304 : i32 to index
        %get3A_1306 = arith.constant 112 : index
        %get3A_1307 = tpu.vector_load %arg6[%get3A_1305, %get3A_1306] {strides = array<i32>} : memref<320x128xf32, #tpu.memory_space<vmem>>, vector<1x16xf32>,
        %get3A_1308 = vector.shape_cast %get3A_1307 : vector<1x16xf32> to vector<16xf32>
        %add3A_1309 = arith.addf %add3A_1302, %get3A_1308 : vector<16xf32>
        %add3A_1310 = arith.constant 18 : i32
        %add3A_1311 = arith.addi %mul3A_194, %add3A_1310 : i32
        %get3A_1312 = arith.index_cast %add3A_1311 : i32 to index
        %get3A_1313 = arith.constant 112 : index
        %get3A_1314 = tpu.vector_load %arg6[%get3A_1312, %get3A_1313] {strides = array<i32>} : memref<320x128xf32, #tpu.memory_space<vmem>>, vector<1x16xf32>,
        %get3A_1315 = vector.shape_cast %get3A_1314 : vector<1x16xf32> to vector<16xf32>
        %add3A_1316 = arith.addf %add3A_1309, %get3A_1315 : vector<16xf32>
        %add3A_1317 = arith.constant 19 : i32
        %add3A_1318 = arith.addi %mul3A_194, %add3A_1317 : i32
        %get3A_1319 = arith.index_cast %add3A_1318 : i32 to index
        %get3A_1320 = arith.constant 112 : index
        %get3A_1321 = tpu.vector_load %arg6[%get3A_1319, %get3A_1320] {strides = array<i32>} : memref<320x128xf32, #tpu.memory_space<vmem>>, vector<1x16xf32>,
        %get3A_1322 = vector.shape_cast %get3A_1321 : vector<1x16xf32> to vector<16xf32>
        %add3A_1323 = arith.addf %add3A_1316, %get3A_1322 : vector<16xf32>
        %swap3A_1324 = arith.index_cast %scan3A_192 : i32 to index
        %swap3A_1325 = arith.constant 112 : index
        %swap3A_1326 = tpu.vector_load %arg8[%swap3A_1324, %swap3A_1325] {strides = array<i32>} : memref<16x128xf32, #tpu.memory_space<vmem>>, vector<1x16xf32>,
        %swap3A_1327 = vector.shape_cast %swap3A_1326 : vector<1x16xf32> to vector<16xf32>
        %swap3A_1328 = vector.shape_cast %add3A_1323 : vector<16xf32> to vector<1x16xf32>
        tpu.vector_store %arg8[%swap3A_1324, %swap3A_1325], %swap3A_1328 {strides = array<i32>} : memref<16x128xf32, #tpu.memory_space<vmem>>, vector<1x16xf32>,
      }
      %scan3A_123 = arith.constant 16 : i32
      %mul3A_124 = arith.constant 16 : i32
      %mul3A_125 = arith.muli %mul3A_77, %mul3A_124 : i32
      %add3A_126 = arith.addi %select_n3A, %mul3A_125 : i32
      %dma_start3A_127 = arith.constant 0 : i32
      %dma_start3A_128 = tpu.memref_slice %arg4[%add3A_126, %dma_start3A_127] : memref<30208x128xf32, #tpu.memory_space<hbm>> -> memref<16x128xf32, #tpu.memory_space<hbm>>
      %dma_start3A_129 = arith.constant 0 : i32
      %dma_start3A_130 = tpu.memref_slice %arg4[%add3A_126, %dma_start3A_129] : memref<30208x128xf32, #tpu.memory_space<hbm>> -> memref<16x128xf32, #tpu.memory_space<hbm>>
      tpu.enqueue_dma source(%arg8 : memref<16x128xf32, #tpu.memory_space<vmem>>) target(%dma_start3A_130 : memref<16x128xf32, #tpu.memory_space<hbm>>) target_semaphore(%arg12 : memref<!tpu.dma_semaphore, #tpu.memory_space<semaphore_mem>>)
      %add3A_131 = arith.constant 2 : i32
      %add3A_132 = arith.addi %mul3A_77, %add3A_131 : i32
      %lt3A = arith.cmpi slt, %add3A_132, %select_n3A_6 : i32
      %add3A_133 = arith.constant 2 : i32
      %add3A_134 = arith.addi %mul3A_77, %add3A_133 : i32
      %jit3A_135 = arith.constant 0 : i32
      %select_n3A_136 = arith.select %lt3A, %add3A_134, %jit3A_135 : i32
      %mul3A_137 = arith.constant 320 : i32
      %mul3A_138 = arith.muli %select_n3A_136, %mul3A_137 : i32
      %add3A_139 = arith.constant 0 : i32
      %add3A_140 = arith.addi %mul3A_138, %add3A_139 : i32
      %dma_start3A_141 = arith.constant 0 : i32
      %dma_start3A_142 = arith.constant 0 : i32
      %dma_start3A_143 = tpu.memref_slice %arg6[%dma_start3A_141, %dma_start3A_142] : memref<320x128xf32, #tpu.memory_space<vmem>> -> memref<128x128xf32, #tpu.memory_space<vmem>>
      %dma_start3A_144 = tpu.memref_slice %arg5[%add3A_140] : memref<19200xi32, #tpu.memory_space<vmem>> -> memref<128xi32, #tpu.memory_space<vmem>>
      %dma_start3A_145 = arith.constant 0 : i32
      %dma_start3A_146 = arith.constant 0 : i32
      %dma_start3A_147 = tpu.memref_slice %arg3[%dma_start3A_145, %dma_start3A_146] : memref<100000x128xf32, #tpu.memory_space<hbm>> -> memref<100000x128xf32, #tpu.memory_space<hbm>>
      tpu.enqueue_indirect_dma source(%dma_start3A_147 : memref<100000x128xf32, #tpu.memory_space<hbm>>) target(%dma_start3A_143 : memref<128x128xf32, #tpu.memory_space<vmem>>) offsets(%dma_start3A_144 : memref<128xi32, #tpu.memory_space<vmem>>) semaphore(%arg10 : memref<!tpu.dma_semaphore, #tpu.memory_space<semaphore_mem>>)
      %add3A_148 = arith.constant 128 : i32
      %add3A_149 = arith.addi %mul3A_138, %add3A_148 : i32
      %dma_start3A_150 = arith.constant 128 : i32
      %dma_start3A_151 = arith.constant 0 : i32
      %dma_start3A_152 = tpu.memref_slice %arg6[%dma_start3A_150, %dma_start3A_151] : memref<320x128xf32, #tpu.memory_space<vmem>> -> memref<128x128xf32, #tpu.memory_space<vmem>>
      %dma_start3A_153 = tpu.memref_slice %arg5[%add3A_149] : memref<19200xi32, #tpu.memory_space<vmem>> -> memref<128xi32, #tpu.memory_space<vmem>>
      %dma_start3A_154 = arith.constant 0 : i32
      %dma_start3A_155 = arith.constant 0 : i32
      %dma_start3A_156 = tpu.memref_slice %arg3[%dma_start3A_154, %dma_start3A_155] : memref<100000x128xf32, #tpu.memory_space<hbm>> -> memref<100000x128xf32, #tpu.memory_space<hbm>>
      tpu.enqueue_indirect_dma source(%dma_start3A_156 : memref<100000x128xf32, #tpu.memory_space<hbm>>) target(%dma_start3A_152 : memref<128x128xf32, #tpu.memory_space<vmem>>) offsets(%dma_start3A_153 : memref<128xi32, #tpu.memory_space<vmem>>) semaphore(%arg10 : memref<!tpu.dma_semaphore, #tpu.memory_space<semaphore_mem>>)
      %add3A_157 = arith.constant 256 : i32
      %add3A_158 = arith.addi %mul3A_138, %add3A_157 : i32
      %dma_start3A_159 = arith.constant 256 : i32
      %dma_start3A_160 = arith.constant 0 : i32
      %dma_start3A_161 = tpu.memref_slice %arg6[%dma_start3A_159, %dma_start3A_160] : memref<320x128xf32, #tpu.memory_space<vmem>> -> memref<64x128xf32, #tpu.memory_space<vmem>>
      %dma_start3A_162 = tpu.memref_slice %arg5[%add3A_158] : memref<19200xi32, #tpu.memory_space<vmem>> -> memref<64xi32, #tpu.memory_space<vmem>>
      %dma_start3A_163 = arith.constant 0 : i32
      %dma_start3A_164 = arith.constant 0 : i32
      %dma_start3A_165 = tpu.memref_slice %arg3[%dma_start3A_163, %dma_start3A_164] : memref<100000x128xf32, #tpu.memory_space<hbm>> -> memref<100000x128xf32, #tpu.memory_space<hbm>>
      tpu.enqueue_indirect_dma source(%dma_start3A_165 : memref<100000x128xf32, #tpu.memory_space<hbm>>) target(%dma_start3A_161 : memref<64x128xf32, #tpu.memory_space<vmem>>) offsets(%dma_start3A_162 : memref<64xi32, #tpu.memory_space<vmem>>) semaphore(%arg10 : memref<!tpu.dma_semaphore, #tpu.memory_space<semaphore_mem>>)
      %dma_wait3A_166 = arith.constant 0 : i32
      %dma_wait3A_167 = arith.constant 0 : i32
      %dma_wait3A_168 = tpu.memref_slice %arg3[%dma_wait3A_166, %dma_wait3A_167] : memref<100000x128xf32, #tpu.memory_space<hbm>> -> memref<320x128xf32, #tpu.memory_space<hbm>>
      %dma_wait3A_169 = arith.constant 0 : i32
      %dma_wait3A_170 = arith.constant 0 : i32
      %dma_wait3A_171 = tpu.memref_slice %arg3[%dma_wait3A_169, %dma_wait3A_170] : memref<100000x128xf32, #tpu.memory_space<hbm>> -> memref<320x128xf32, #tpu.memory_space<hbm>>
      tpu.wait_dma2 semaphore(%arg11 : memref<!tpu.dma_semaphore, #tpu.memory_space<semaphore_mem>>) src(%dma_wait3A_171 : memref<320x128xf32, #tpu.memory_space<hbm>>) dst(%arg7 : memref<320x128xf32, #tpu.memory_space<vmem>>)
      %add3A_172 = arith.constant 1 : i32
      %add3A_173 = arith.addi %mul3A_77, %add3A_172 : i32
      %gt3A_174 = arith.constant 0 : i32
      %gt3A_175 = arith.cmpi sgt, %while3A_75, %gt3A_174 : i32
      %convert_element_type3A_176 = arith.extui %gt3A_175 : i1 to i32
      %cond3A_177 = arith.constant 0 : i32
      %cond3A_178 = arith.cmpi ne, %convert_element_type3A_176, %cond3A_177 : i32
      scf.if %cond3A_178 {
        %dma_wait3A_192 = arith.constant 0 : i32
        %dma_wait3A_193 = tpu.memref_slice %arg4[%select_n3A, %dma_wait3A_192] : memref<30208x128xf32, #tpu.memory_space<hbm>> -> memref<16x128xf32, #tpu.memory_space<hbm>>
        %dma_wait3A_194 = arith.constant 0 : i32
        %dma_wait3A_195 = tpu.memref_slice %arg4[%select_n3A, %dma_wait3A_194] : memref<30208x128xf32, #tpu.memory_space<hbm>> -> memref<16x128xf32, #tpu.memory_space<hbm>>
        tpu.wait_dma2 semaphore(%arg13 : memref<!tpu.dma_semaphore, #tpu.memory_space<semaphore_mem>>) src(%arg9 : memref<16x128xf32, #tpu.memory_space<vmem>>) dst(%dma_wait3A_195 : memref<16x128xf32, #tpu.memory_space<hbm>>)
      } else {
      }
      %scan3A_179 = arith.constant 0 : i32
      %scan3A_180 = arith.constant 0 : i32
      %scan3A_181 = arith.constant 16 : i32
      %scan3A_182 = arith.addi %scan3A_180, %scan3A_181 : i32
      %scan3A_183 = arith.constant 1 : i32
      scf.for %scan3A_192 = %scan3A_180 to %scan3A_182 step %scan3A_183  : i32 {
        %mul3A_193 = arith.constant 20 : i32
        %mul3A_194 = arith.muli %scan3A_192, %mul3A_193 : i32
        %get3A = arith.index_cast %mul3A_194 : i32 to index
        %get3A_195 = arith.constant 0 : index
        %get3A_196 = tpu.vector_load %arg7[%get3A, %get3A_195] {strides = array<i32>} : memref<320x128xf32, #tpu.memory_space<vmem>>, vector<1x16xf32>,
        %get3A_197 = vector.shape_cast %get3A_196 : vector<1x16xf32> to vector<16xf32>
        %add3A_198 = arith.constant 1 : i32
        %add3A_199 = arith.addi %mul3A_194, %add3A_198 : i32
        %get3A_200 = arith.index_cast %add3A_199 : i32 to index
        %get3A_201 = arith.constant 0 : index
        %get3A_202 = tpu.vector_load %arg7[%get3A_200, %get3A_201] {strides = array<i32>} : memref<320x128xf32, #tpu.memory_space<vmem>>, vector<1x16xf32>,
        %get3A_203 = vector.shape_cast %get3A_202 : vector<1x16xf32> to vector<16xf32>
        %add3A_204 = arith.addf %get3A_197, %get3A_203 : vector<16xf32>
        %add3A_205 = arith.constant 2 : i32
        %add3A_206 = arith.addi %mul3A_194, %add3A_205 : i32
        %get3A_207 = arith.index_cast %add3A_206 : i32 to index
        %get3A_208 = arith.constant 0 : index
        %get3A_209 = tpu.vector_load %arg7[%get3A_207, %get3A_208] {strides = array<i32>} : memref<320x128xf32, #tpu.memory_space<vmem>>, vector<1x16xf32>,
        %get3A_210 = vector.shape_cast %get3A_209 : vector<1x16xf32> to vector<16xf32>
        %add3A_211 = arith.addf %add3A_204, %get3A_210 : vector<16xf32>
        %add3A_212 = arith.constant 3 : i32
        %add3A_213 = arith.addi %mul3A_194, %add3A_212 : i32
        %get3A_214 = arith.index_cast %add3A_213 : i32 to index
        %get3A_215 = arith.constant 0 : index
        %get3A_216 = tpu.vector_load %arg7[%get3A_214, %get3A_215] {strides = array<i32>} : memref<320x128xf32, #tpu.memory_space<vmem>>, vector<1x16xf32>,
        %get3A_217 = vector.shape_cast %get3A_216 : vector<1x16xf32> to vector<16xf32>
        %add3A_218 = arith.addf %add3A_211, %get3A_217 : vector<16xf32>
        %add3A_219 = arith.constant 4 : i32
        %add3A_220 = arith.addi %mul3A_194, %add3A_219 : i32
        %get3A_221 = arith.index_cast %add3A_220 : i32 to index
        %get3A_222 = arith.constant 0 : index
        %get3A_223 = tpu.vector_load %arg7[%get3A_221, %get3A_222] {strides = array<i32>} : memref<320x128xf32, #tpu.memory_space<vmem>>, vector<1x16xf32>,
        %get3A_224 = vector.shape_cast %get3A_223 : vector<1x16xf32> to vector<16xf32>
        %add3A_225 = arith.addf %add3A_218, %get3A_224 : vector<16xf32>
        %add3A_226 = arith.constant 5 : i32
        %add3A_227 = arith.addi %mul3A_194, %add3A_226 : i32
        %get3A_228 = arith.index_cast %add3A_227 : i32 to index
        %get3A_229 = arith.constant 0 : index
        %get3A_230 = tpu.vector_load %arg7[%get3A_228, %get3A_229] {strides = array<i32>} : memref<320x128xf32, #tpu.memory_space<vmem>>, vector<1x16xf32>,
        %get3A_231 = vector.shape_cast %get3A_230 : vector<1x16xf32> to vector<16xf32>
        %add3A_232 = arith.addf %add3A_225, %get3A_231 : vector<16xf32>
        %add3A_233 = arith.constant 6 : i32
        %add3A_234 = arith.addi %mul3A_194, %add3A_233 : i32
        %get3A_235 = arith.index_cast %add3A_234 : i32 to index
        %get3A_236 = arith.constant 0 : index
        %get3A_237 = tpu.vector_load %arg7[%get3A_235, %get3A_236] {strides = array<i32>} : memref<320x128xf32, #tpu.memory_space<vmem>>, vector<1x16xf32>,
        %get3A_238 = vector.shape_cast %get3A_237 : vector<1x16xf32> to vector<16xf32>
        %add3A_239 = arith.addf %add3A_232, %get3A_238 : vector<16xf32>
        %add3A_240 = arith.constant 7 : i32
        %add3A_241 = arith.addi %mul3A_194, %add3A_240 : i32
        %get3A_242 = arith.index_cast %add3A_241 : i32 to index
        %get3A_243 = arith.constant 0 : index
        %get3A_244 = tpu.vector_load %arg7[%get3A_242, %get3A_243] {strides = array<i32>} : memref<320x128xf32, #tpu.memory_space<vmem>>, vector<1x16xf32>,
        %get3A_245 = vector.shape_cast %get3A_244 : vector<1x16xf32> to vector<16xf32>
        %add3A_246 = arith.addf %add3A_239, %get3A_245 : vector<16xf32>
        %add3A_247 = arith.constant 8 : i32
        %add3A_248 = arith.addi %mul3A_194, %add3A_247 : i32
        %get3A_249 = arith.index_cast %add3A_248 : i32 to index
        %get3A_250 = arith.constant 0 : index
        %get3A_251 = tpu.vector_load %arg7[%get3A_249, %get3A_250] {strides = array<i32>} : memref<320x128xf32, #tpu.memory_space<vmem>>, vector<1x16xf32>,
        %get3A_252 = vector.shape_cast %get3A_251 : vector<1x16xf32> to vector<16xf32>
        %add3A_253 = arith.addf %add3A_246, %get3A_252 : vector<16xf32>
        %add3A_254 = arith.constant 9 : i32
        %add3A_255 = arith.addi %mul3A_194, %add3A_254 : i32
        %get3A_256 = arith.index_cast %add3A_255 : i32 to index
        %get3A_257 = arith.constant 0 : index
        %get3A_258 = tpu.vector_load %arg7[%get3A_256, %get3A_257] {strides = array<i32>} : memref<320x128xf32, #tpu.memory_space<vmem>>, vector<1x16xf32>,
        %get3A_259 = vector.shape_cast %get3A_258 : vector<1x16xf32> to vector<16xf32>
        %add3A_260 = arith.addf %add3A_253, %get3A_259 : vector<16xf32>
        %add3A_261 = arith.constant 10 : i32
        %add3A_262 = arith.addi %mul3A_194, %add3A_261 : i32
        %get3A_263 = arith.index_cast %add3A_262 : i32 to index
        %get3A_264 = arith.constant 0 : index
        %get3A_265 = tpu.vector_load %arg7[%get3A_263, %get3A_264] {strides = array<i32>} : memref<320x128xf32, #tpu.memory_space<vmem>>, vector<1x16xf32>,
        %get3A_266 = vector.shape_cast %get3A_265 : vector<1x16xf32> to vector<16xf32>
        %add3A_267 = arith.addf %add3A_260, %get3A_266 : vector<16xf32>
        %add3A_268 = arith.constant 11 : i32
        %add3A_269 = arith.addi %mul3A_194, %add3A_268 : i32
        %get3A_270 = arith.index_cast %add3A_269 : i32 to index
        %get3A_271 = arith.constant 0 : index
        %get3A_272 = tpu.vector_load %arg7[%get3A_270, %get3A_271] {strides = array<i32>} : memref<320x128xf32, #tpu.memory_space<vmem>>, vector<1x16xf32>,
        %get3A_273 = vector.shape_cast %get3A_272 : vector<1x16xf32> to vector<16xf32>
        %add3A_274 = arith.addf %add3A_267, %get3A_273 : vector<16xf32>
        %add3A_275 = arith.constant 12 : i32
        %add3A_276 = arith.addi %mul3A_194, %add3A_275 : i32
        %get3A_277 = arith.index_cast %add3A_276 : i32 to index
        %get3A_278 = arith.constant 0 : index
        %get3A_279 = tpu.vector_load %arg7[%get3A_277, %get3A_278] {strides = array<i32>} : memref<320x128xf32, #tpu.memory_space<vmem>>, vector<1x16xf32>,
        %get3A_280 = vector.shape_cast %get3A_279 : vector<1x16xf32> to vector<16xf32>
        %add3A_281 = arith.addf %add3A_274, %get3A_280 : vector<16xf32>
        %add3A_282 = arith.constant 13 : i32
        %add3A_283 = arith.addi %mul3A_194, %add3A_282 : i32
        %get3A_284 = arith.index_cast %add3A_283 : i32 to index
        %get3A_285 = arith.constant 0 : index
        %get3A_286 = tpu.vector_load %arg7[%get3A_284, %get3A_285] {strides = array<i32>} : memref<320x128xf32, #tpu.memory_space<vmem>>, vector<1x16xf32>,
        %get3A_287 = vector.shape_cast %get3A_286 : vector<1x16xf32> to vector<16xf32>
        %add3A_288 = arith.addf %add3A_281, %get3A_287 : vector<16xf32>
        %add3A_289 = arith.constant 14 : i32
        %add3A_290 = arith.addi %mul3A_194, %add3A_289 : i32
        %get3A_291 = arith.index_cast %add3A_290 : i32 to index
        %get3A_292 = arith.constant 0 : index
        %get3A_293 = tpu.vector_load %arg7[%get3A_291, %get3A_292] {strides = array<i32>} : memref<320x128xf32, #tpu.memory_space<vmem>>, vector<1x16xf32>,
        %get3A_294 = vector.shape_cast %get3A_293 : vector<1x16xf32> to vector<16xf32>
        %add3A_295 = arith.addf %add3A_288, %get3A_294 : vector<16xf32>
        %add3A_296 = arith.constant 15 : i32
        %add3A_297 = arith.addi %mul3A_194, %add3A_296 : i32
        %get3A_298 = arith.index_cast %add3A_297 : i32 to index
        %get3A_299 = arith.constant 0 : index
        %get3A_300 = tpu.vector_load %arg7[%get3A_298, %get3A_299] {strides = array<i32>} : memref<320x128xf32, #tpu.memory_space<vmem>>, vector<1x16xf32>,
        %get3A_301 = vector.shape_cast %get3A_300 : vector<1x16xf32> to vector<16xf32>
        %add3A_302 = arith.addf %add3A_295, %get3A_301 : vector<16xf32>
        %add3A_303 = arith.constant 16 : i32
        %add3A_304 = arith.addi %mul3A_194, %add3A_303 : i32
        %get3A_305 = arith.index_cast %add3A_304 : i32 to index
        %get3A_306 = arith.constant 0 : index
        %get3A_307 = tpu.vector_load %arg7[%get3A_305, %get3A_306] {strides = array<i32>} : memref<320x128xf32, #tpu.memory_space<vmem>>, vector<1x16xf32>,
        %get3A_308 = vector.shape_cast %get3A_307 : vector<1x16xf32> to vector<16xf32>
        %add3A_309 = arith.addf %add3A_302, %get3A_308 : vector<16xf32>
        %add3A_310 = arith.constant 17 : i32
        %add3A_311 = arith.addi %mul3A_194, %add3A_310 : i32
        %get3A_312 = arith.index_cast %add3A_311 : i32 to index
        %get3A_313 = arith.constant 0 : index
        %get3A_314 = tpu.vector_load %arg7[%get3A_312, %get3A_313] {strides = array<i32>} : memref<320x128xf32, #tpu.memory_space<vmem>>, vector<1x16xf32>,
        %get3A_315 = vector.shape_cast %get3A_314 : vector<1x16xf32> to vector<16xf32>
        %add3A_316 = arith.addf %add3A_309, %get3A_315 : vector<16xf32>
        %add3A_317 = arith.constant 18 : i32
        %add3A_318 = arith.addi %mul3A_194, %add3A_317 : i32
        %get3A_319 = arith.index_cast %add3A_318 : i32 to index
        %get3A_320 = arith.constant 0 : index
        %get3A_321 = tpu.vector_load %arg7[%get3A_319, %get3A_320] {strides = array<i32>} : memref<320x128xf32, #tpu.memory_space<vmem>>, vector<1x16xf32>,
        %get3A_322 = vector.shape_cast %get3A_321 : vector<1x16xf32> to vector<16xf32>
        %add3A_323 = arith.addf %add3A_316, %get3A_322 : vector<16xf32>
        %add3A_324 = arith.constant 19 : i32
        %add3A_325 = arith.addi %mul3A_194, %add3A_324 : i32
        %get3A_326 = arith.index_cast %add3A_325 : i32 to index
        %get3A_327 = arith.constant 0 : index
        %get3A_328 = tpu.vector_load %arg7[%get3A_326, %get3A_327] {strides = array<i32>} : memref<320x128xf32, #tpu.memory_space<vmem>>, vector<1x16xf32>,
        %get3A_329 = vector.shape_cast %get3A_328 : vector<1x16xf32> to vector<16xf32>
        %add3A_330 = arith.addf %add3A_323, %get3A_329 : vector<16xf32>
        %swap3A = arith.index_cast %scan3A_192 : i32 to index
        %swap3A_331 = arith.constant 0 : index
        %swap3A_332 = tpu.vector_load %arg9[%swap3A, %swap3A_331] {strides = array<i32>} : memref<16x128xf32, #tpu.memory_space<vmem>>, vector<1x16xf32>,
        %swap3A_333 = vector.shape_cast %swap3A_332 : vector<1x16xf32> to vector<16xf32>
        %swap3A_334 = vector.shape_cast %add3A_330 : vector<16xf32> to vector<1x16xf32>
        tpu.vector_store %arg9[%swap3A, %swap3A_331], %swap3A_334 {strides = array<i32>} : memref<16x128xf32, #tpu.memory_space<vmem>>, vector<1x16xf32>,
        %get3A_335 = arith.index_cast %mul3A_194 : i32 to index
        %get3A_336 = arith.constant 16 : index
        %get3A_337 = tpu.vector_load %arg7[%get3A_335, %get3A_336] {strides = array<i32>} : memref<320x128xf32, #tpu.memory_space<vmem>>, vector<1x16xf32>,
        %get3A_338 = vector.shape_cast %get3A_337 : vector<1x16xf32> to vector<16xf32>
        %add3A_339 = arith.constant 1 : i32
        %add3A_340 = arith.addi %mul3A_194, %add3A_339 : i32
        %get3A_341 = arith.index_cast %add3A_340 : i32 to index
        %get3A_342 = arith.constant 16 : index
        %get3A_343 = tpu.vector_load %arg7[%get3A_341, %get3A_342] {strides = array<i32>} : memref<320x128xf32, #tpu.memory_space<vmem>>, vector<1x16xf32>,
        %get3A_344 = vector.shape_cast %get3A_343 : vector<1x16xf32> to vector<16xf32>
        %add3A_345 = arith.addf %get3A_338, %get3A_344 : vector<16xf32>
        %add3A_346 = arith.constant 2 : i32
        %add3A_347 = arith.addi %mul3A_194, %add3A_346 : i32
        %get3A_348 = arith.index_cast %add3A_347 : i32 to index
        %get3A_349 = arith.constant 16 : index
        %get3A_350 = tpu.vector_load %arg7[%get3A_348, %get3A_349] {strides = array<i32>} : memref<320x128xf32, #tpu.memory_space<vmem>>, vector<1x16xf32>,
        %get3A_351 = vector.shape_cast %get3A_350 : vector<1x16xf32> to vector<16xf32>
        %add3A_352 = arith.addf %add3A_345, %get3A_351 : vector<16xf32>
        %add3A_353 = arith.constant 3 : i32
        %add3A_354 = arith.addi %mul3A_194, %add3A_353 : i32
        %get3A_355 = arith.index_cast %add3A_354 : i32 to index
        %get3A_356 = arith.constant 16 : index
        %get3A_357 = tpu.vector_load %arg7[%get3A_355, %get3A_356] {strides = array<i32>} : memref<320x128xf32, #tpu.memory_space<vmem>>, vector<1x16xf32>,
        %get3A_358 = vector.shape_cast %get3A_357 : vector<1x16xf32> to vector<16xf32>
        %add3A_359 = arith.addf %add3A_352, %get3A_358 : vector<16xf32>
        %add3A_360 = arith.constant 4 : i32
        %add3A_361 = arith.addi %mul3A_194, %add3A_360 : i32
        %get3A_362 = arith.index_cast %add3A_361 : i32 to index
        %get3A_363 = arith.constant 16 : index
        %get3A_364 = tpu.vector_load %arg7[%get3A_362, %get3A_363] {strides = array<i32>} : memref<320x128xf32, #tpu.memory_space<vmem>>, vector<1x16xf32>,
        %get3A_365 = vector.shape_cast %get3A_364 : vector<1x16xf32> to vector<16xf32>
        %add3A_366 = arith.addf %add3A_359, %get3A_365 : vector<16xf32>
        %add3A_367 = arith.constant 5 : i32
        %add3A_368 = arith.addi %mul3A_194, %add3A_367 : i32
        %get3A_369 = arith.index_cast %add3A_368 : i32 to index
        %get3A_370 = arith.constant 16 : index
        %get3A_371 = tpu.vector_load %arg7[%get3A_369, %get3A_370] {strides = array<i32>} : memref<320x128xf32, #tpu.memory_space<vmem>>, vector<1x16xf32>,
        %get3A_372 = vector.shape_cast %get3A_371 : vector<1x16xf32> to vector<16xf32>
        %add3A_373 = arith.addf %add3A_366, %get3A_372 : vector<16xf32>
        %add3A_374 = arith.constant 6 : i32
        %add3A_375 = arith.addi %mul3A_194, %add3A_374 : i32
        %get3A_376 = arith.index_cast %add3A_375 : i32 to index
        %get3A_377 = arith.constant 16 : index
        %get3A_378 = tpu.vector_load %arg7[%get3A_376, %get3A_377] {strides = array<i32>} : memref<320x128xf32, #tpu.memory_space<vmem>>, vector<1x16xf32>,
        %get3A_379 = vector.shape_cast %get3A_378 : vector<1x16xf32> to vector<16xf32>
        %add3A_380 = arith.addf %add3A_373, %get3A_379 : vector<16xf32>
        %add3A_381 = arith.constant 7 : i32
        %add3A_382 = arith.addi %mul3A_194, %add3A_381 : i32
        %get3A_383 = arith.index_cast %add3A_382 : i32 to index
        %get3A_384 = arith.constant 16 : index
        %get3A_385 = tpu.vector_load %arg7[%get3A_383, %get3A_384] {strides = array<i32>} : memref<320x128xf32, #tpu.memory_space<vmem>>, vector<1x16xf32>,
        %get3A_386 = vector.shape_cast %get3A_385 : vector<1x16xf32> to vector<16xf32>
        %add3A_387 = arith.addf %add3A_380, %get3A_386 : vector<16xf32>
        %add3A_388 = arith.constant 8 : i32
        %add3A_389 = arith.addi %mul3A_194, %add3A_388 : i32
        %get3A_390 = arith.index_cast %add3A_389 : i32 to index
        %get3A_391 = arith.constant 16 : index
        %get3A_392 = tpu.vector_load %arg7[%get3A_390, %get3A_391] {strides = array<i32>} : memref<320x128xf32, #tpu.memory_space<vmem>>, vector<1x16xf32>,
        %get3A_393 = vector.shape_cast %get3A_392 : vector<1x16xf32> to vector<16xf32>
        %add3A_394 = arith.addf %add3A_387, %get3A_393 : vector<16xf32>
        %add3A_395 = arith.constant 9 : i32
        %add3A_396 = arith.addi %mul3A_194, %add3A_395 : i32
        %get3A_397 = arith.index_cast %add3A_396 : i32 to index
        %get3A_398 = arith.constant 16 : index
        %get3A_399 = tpu.vector_load %arg7[%get3A_397, %get3A_398] {strides = array<i32>} : memref<320x128xf32, #tpu.memory_space<vmem>>, vector<1x16xf32>,
        %get3A_400 = vector.shape_cast %get3A_399 : vector<1x16xf32> to vector<16xf32>
        %add3A_401 = arith.addf %add3A_394, %get3A_400 : vector<16xf32>
        %add3A_402 = arith.constant 10 : i32
        %add3A_403 = arith.addi %mul3A_194, %add3A_402 : i32
        %get3A_404 = arith.index_cast %add3A_403 : i32 to index
        %get3A_405 = arith.constant 16 : index
        %get3A_406 = tpu.vector_load %arg7[%get3A_404, %get3A_405] {strides = array<i32>} : memref<320x128xf32, #tpu.memory_space<vmem>>, vector<1x16xf32>,
        %get3A_407 = vector.shape_cast %get3A_406 : vector<1x16xf32> to vector<16xf32>
        %add3A_408 = arith.addf %add3A_401, %get3A_407 : vector<16xf32>
        %add3A_409 = arith.constant 11 : i32
        %add3A_410 = arith.addi %mul3A_194, %add3A_409 : i32
        %get3A_411 = arith.index_cast %add3A_410 : i32 to index
        %get3A_412 = arith.constant 16 : index
        %get3A_413 = tpu.vector_load %arg7[%get3A_411, %get3A_412] {strides = array<i32>} : memref<320x128xf32, #tpu.memory_space<vmem>>, vector<1x16xf32>,
        %get3A_414 = vector.shape_cast %get3A_413 : vector<1x16xf32> to vector<16xf32>
        %add3A_415 = arith.addf %add3A_408, %get3A_414 : vector<16xf32>
        %add3A_416 = arith.constant 12 : i32
        %add3A_417 = arith.addi %mul3A_194, %add3A_416 : i32
        %get3A_418 = arith.index_cast %add3A_417 : i32 to index
        %get3A_419 = arith.constant 16 : index
        %get3A_420 = tpu.vector_load %arg7[%get3A_418, %get3A_419] {strides = array<i32>} : memref<320x128xf32, #tpu.memory_space<vmem>>, vector<1x16xf32>,
        %get3A_421 = vector.shape_cast %get3A_420 : vector<1x16xf32> to vector<16xf32>
        %add3A_422 = arith.addf %add3A_415, %get3A_421 : vector<16xf32>
        %add3A_423 = arith.constant 13 : i32
        %add3A_424 = arith.addi %mul3A_194, %add3A_423 : i32
        %get3A_425 = arith.index_cast %add3A_424 : i32 to index
        %get3A_426 = arith.constant 16 : index
        %get3A_427 = tpu.vector_load %arg7[%get3A_425, %get3A_426] {strides = array<i32>} : memref<320x128xf32, #tpu.memory_space<vmem>>, vector<1x16xf32>,
        %get3A_428 = vector.shape_cast %get3A_427 : vector<1x16xf32> to vector<16xf32>
        %add3A_429 = arith.addf %add3A_422, %get3A_428 : vector<16xf32>
        %add3A_430 = arith.constant 14 : i32
        %add3A_431 = arith.addi %mul3A_194, %add3A_430 : i32
        %get3A_432 = arith.index_cast %add3A_431 : i32 to index
        %get3A_433 = arith.constant 16 : index
        %get3A_434 = tpu.vector_load %arg7[%get3A_432, %get3A_433] {strides = array<i32>} : memref<320x128xf32, #tpu.memory_space<vmem>>, vector<1x16xf32>,
        %get3A_435 = vector.shape_cast %get3A_434 : vector<1x16xf32> to vector<16xf32>
        %add3A_436 = arith.addf %add3A_429, %get3A_435 : vector<16xf32>
        %add3A_437 = arith.constant 15 : i32
        %add3A_438 = arith.addi %mul3A_194, %add3A_437 : i32
        %get3A_439 = arith.index_cast %add3A_438 : i32 to index
        %get3A_440 = arith.constant 16 : index
        %get3A_441 = tpu.vector_load %arg7[%get3A_439, %get3A_440] {strides = array<i32>} : memref<320x128xf32, #tpu.memory_space<vmem>>, vector<1x16xf32>,
        %get3A_442 = vector.shape_cast %get3A_441 : vector<1x16xf32> to vector<16xf32>
        %add3A_443 = arith.addf %add3A_436, %get3A_442 : vector<16xf32>
        %add3A_444 = arith.constant 16 : i32
        %add3A_445 = arith.addi %mul3A_194, %add3A_444 : i32
        %get3A_446 = arith.index_cast %add3A_445 : i32 to index
        %get3A_447 = arith.constant 16 : index
        %get3A_448 = tpu.vector_load %arg7[%get3A_446, %get3A_447] {strides = array<i32>} : memref<320x128xf32, #tpu.memory_space<vmem>>, vector<1x16xf32>,
        %get3A_449 = vector.shape_cast %get3A_448 : vector<1x16xf32> to vector<16xf32>
        %add3A_450 = arith.addf %add3A_443, %get3A_449 : vector<16xf32>
        %add3A_451 = arith.constant 17 : i32
        %add3A_452 = arith.addi %mul3A_194, %add3A_451 : i32
        %get3A_453 = arith.index_cast %add3A_452 : i32 to index
        %get3A_454 = arith.constant 16 : index
        %get3A_455 = tpu.vector_load %arg7[%get3A_453, %get3A_454] {strides = array<i32>} : memref<320x128xf32, #tpu.memory_space<vmem>>, vector<1x16xf32>,
        %get3A_456 = vector.shape_cast %get3A_455 : vector<1x16xf32> to vector<16xf32>
        %add3A_457 = arith.addf %add3A_450, %get3A_456 : vector<16xf32>
        %add3A_458 = arith.constant 18 : i32
        %add3A_459 = arith.addi %mul3A_194, %add3A_458 : i32
        %get3A_460 = arith.index_cast %add3A_459 : i32 to index
        %get3A_461 = arith.constant 16 : index
        %get3A_462 = tpu.vector_load %arg7[%get3A_460, %get3A_461] {strides = array<i32>} : memref<320x128xf32, #tpu.memory_space<vmem>>, vector<1x16xf32>,
        %get3A_463 = vector.shape_cast %get3A_462 : vector<1x16xf32> to vector<16xf32>
        %add3A_464 = arith.addf %add3A_457, %get3A_463 : vector<16xf32>
        %add3A_465 = arith.constant 19 : i32
        %add3A_466 = arith.addi %mul3A_194, %add3A_465 : i32
        %get3A_467 = arith.index_cast %add3A_466 : i32 to index
        %get3A_468 = arith.constant 16 : index
        %get3A_469 = tpu.vector_load %arg7[%get3A_467, %get3A_468] {strides = array<i32>} : memref<320x128xf32, #tpu.memory_space<vmem>>, vector<1x16xf32>,
        %get3A_470 = vector.shape_cast %get3A_469 : vector<1x16xf32> to vector<16xf32>
        %add3A_471 = arith.addf %add3A_464, %get3A_470 : vector<16xf32>
        %swap3A_472 = arith.index_cast %scan3A_192 : i32 to index
        %swap3A_473 = arith.constant 16 : index
        %swap3A_474 = tpu.vector_load %arg9[%swap3A_472, %swap3A_473] {strides = array<i32>} : memref<16x128xf32, #tpu.memory_space<vmem>>, vector<1x16xf32>,
        %swap3A_475 = vector.shape_cast %swap3A_474 : vector<1x16xf32> to vector<16xf32>
        %swap3A_476 = vector.shape_cast %add3A_471 : vector<16xf32> to vector<1x16xf32>
        tpu.vector_store %arg9[%swap3A_472, %swap3A_473], %swap3A_476 {strides = array<i32>} : memref<16x128xf32, #tpu.memory_space<vmem>>, vector<1x16xf32>,
        %get3A_477 = arith.index_cast %mul3A_194 : i32 to index
        %get3A_478 = arith.constant 32 : index
        %get3A_479 = tpu.vector_load %arg7[%get3A_477, %get3A_478] {strides = array<i32>} : memref<320x128xf32, #tpu.memory_space<vmem>>, vector<1x16xf32>,
        %get3A_480 = vector.shape_cast %get3A_479 : vector<1x16xf32> to vector<16xf32>
        %add3A_481 = arith.constant 1 : i32
        %add3A_482 = arith.addi %mul3A_194, %add3A_481 : i32
        %get3A_483 = arith.index_cast %add3A_482 : i32 to index
        %get3A_484 = arith.constant 32 : index
        %get3A_485 = tpu.vector_load %arg7[%get3A_483, %get3A_484] {strides = array<i32>} : memref<320x128xf32, #tpu.memory_space<vmem>>, vector<1x16xf32>,
        %get3A_486 = vector.shape_cast %get3A_485 : vector<1x16xf32> to vector<16xf32>
        %add3A_487 = arith.addf %get3A_480, %get3A_486 : vector<16xf32>
        %add3A_488 = arith.constant 2 : i32
        %add3A_489 = arith.addi %mul3A_194, %add3A_488 : i32
        %get3A_490 = arith.index_cast %add3A_489 : i32 to index
        %get3A_491 = arith.constant 32 : index
        %get3A_492 = tpu.vector_load %arg7[%get3A_490, %get3A_491] {strides = array<i32>} : memref<320x128xf32, #tpu.memory_space<vmem>>, vector<1x16xf32>,
        %get3A_493 = vector.shape_cast %get3A_492 : vector<1x16xf32> to vector<16xf32>
        %add3A_494 = arith.addf %add3A_487, %get3A_493 : vector<16xf32>
        %add3A_495 = arith.constant 3 : i32
        %add3A_496 = arith.addi %mul3A_194, %add3A_495 : i32
        %get3A_497 = arith.index_cast %add3A_496 : i32 to index
        %get3A_498 = arith.constant 32 : index
        %get3A_499 = tpu.vector_load %arg7[%get3A_497, %get3A_498] {strides = array<i32>} : memref<320x128xf32, #tpu.memory_space<vmem>>, vector<1x16xf32>,
        %get3A_500 = vector.shape_cast %get3A_499 : vector<1x16xf32> to vector<16xf32>
        %add3A_501 = arith.addf %add3A_494, %get3A_500 : vector<16xf32>
        %add3A_502 = arith.constant 4 : i32
        %add3A_503 = arith.addi %mul3A_194, %add3A_502 : i32
        %get3A_504 = arith.index_cast %add3A_503 : i32 to index
        %get3A_505 = arith.constant 32 : index
        %get3A_506 = tpu.vector_load %arg7[%get3A_504, %get3A_505] {strides = array<i32>} : memref<320x128xf32, #tpu.memory_space<vmem>>, vector<1x16xf32>,
        %get3A_507 = vector.shape_cast %get3A_506 : vector<1x16xf32> to vector<16xf32>
        %add3A_508 = arith.addf %add3A_501, %get3A_507 : vector<16xf32>
        %add3A_509 = arith.constant 5 : i32
        %add3A_510 = arith.addi %mul3A_194, %add3A_509 : i32
        %get3A_511 = arith.index_cast %add3A_510 : i32 to index
        %get3A_512 = arith.constant 32 : index
        %get3A_513 = tpu.vector_load %arg7[%get3A_511, %get3A_512] {strides = array<i32>} : memref<320x128xf32, #tpu.memory_space<vmem>>, vector<1x16xf32>,
        %get3A_514 = vector.shape_cast %get3A_513 : vector<1x16xf32> to vector<16xf32>
        %add3A_515 = arith.addf %add3A_508, %get3A_514 : vector<16xf32>
        %add3A_516 = arith.constant 6 : i32
        %add3A_517 = arith.addi %mul3A_194, %add3A_516 : i32
        %get3A_518 = arith.index_cast %add3A_517 : i32 to index
        %get3A_519 = arith.constant 32 : index
        %get3A_520 = tpu.vector_load %arg7[%get3A_518, %get3A_519] {strides = array<i32>} : memref<320x128xf32, #tpu.memory_space<vmem>>, vector<1x16xf32>,
        %get3A_521 = vector.shape_cast %get3A_520 : vector<1x16xf32> to vector<16xf32>
        %add3A_522 = arith.addf %add3A_515, %get3A_521 : vector<16xf32>
        %add3A_523 = arith.constant 7 : i32
        %add3A_524 = arith.addi %mul3A_194, %add3A_523 : i32
        %get3A_525 = arith.index_cast %add3A_524 : i32 to index
        %get3A_526 = arith.constant 32 : index
        %get3A_527 = tpu.vector_load %arg7[%get3A_525, %get3A_526] {strides = array<i32>} : memref<320x128xf32, #tpu.memory_space<vmem>>, vector<1x16xf32>,
        %get3A_528 = vector.shape_cast %get3A_527 : vector<1x16xf32> to vector<16xf32>
        %add3A_529 = arith.addf %add3A_522, %get3A_528 : vector<16xf32>
        %add3A_530 = arith.constant 8 : i32
        %add3A_531 = arith.addi %mul3A_194, %add3A_530 : i32
        %get3A_532 = arith.index_cast %add3A_531 : i32 to index
        %get3A_533 = arith.constant 32 : index
        %get3A_534 = tpu.vector_load %arg7[%get3A_532, %get3A_533] {strides = array<i32>} : memref<320x128xf32, #tpu.memory_space<vmem>>, vector<1x16xf32>,
        %get3A_535 = vector.shape_cast %get3A_534 : vector<1x16xf32> to vector<16xf32>
        %add3A_536 = arith.addf %add3A_529, %get3A_535 : vector<16xf32>
        %add3A_537 = arith.constant 9 : i32
        %add3A_538 = arith.addi %mul3A_194, %add3A_537 : i32
        %get3A_539 = arith.index_cast %add3A_538 : i32 to index
        %get3A_540 = arith.constant 32 : index
        %get3A_541 = tpu.vector_load %arg7[%get3A_539, %get3A_540] {strides = array<i32>} : memref<320x128xf32, #tpu.memory_space<vmem>>, vector<1x16xf32>,
        %get3A_542 = vector.shape_cast %get3A_541 : vector<1x16xf32> to vector<16xf32>
        %add3A_543 = arith.addf %add3A_536, %get3A_542 : vector<16xf32>
        %add3A_544 = arith.constant 10 : i32
        %add3A_545 = arith.addi %mul3A_194, %add3A_544 : i32
        %get3A_546 = arith.index_cast %add3A_545 : i32 to index
        %get3A_547 = arith.constant 32 : index
        %get3A_548 = tpu.vector_load %arg7[%get3A_546, %get3A_547] {strides = array<i32>} : memref<320x128xf32, #tpu.memory_space<vmem>>, vector<1x16xf32>,
        %get3A_549 = vector.shape_cast %get3A_548 : vector<1x16xf32> to vector<16xf32>
        %add3A_550 = arith.addf %add3A_543, %get3A_549 : vector<16xf32>
        %add3A_551 = arith.constant 11 : i32
        %add3A_552 = arith.addi %mul3A_194, %add3A_551 : i32
        %get3A_553 = arith.index_cast %add3A_552 : i32 to index
        %get3A_554 = arith.constant 32 : index
        %get3A_555 = tpu.vector_load %arg7[%get3A_553, %get3A_554] {strides = array<i32>} : memref<320x128xf32, #tpu.memory_space<vmem>>, vector<1x16xf32>,
        %get3A_556 = vector.shape_cast %get3A_555 : vector<1x16xf32> to vector<16xf32>
        %add3A_557 = arith.addf %add3A_550, %get3A_556 : vector<16xf32>
        %add3A_558 = arith.constant 12 : i32
        %add3A_559 = arith.addi %mul3A_194, %add3A_558 : i32
        %get3A_560 = arith.index_cast %add3A_559 : i32 to index
        %get3A_561 = arith.constant 32 : index
        %get3A_562 = tpu.vector_load %arg7[%get3A_560, %get3A_561] {strides = array<i32>} : memref<320x128xf32, #tpu.memory_space<vmem>>, vector<1x16xf32>,
        %get3A_563 = vector.shape_cast %get3A_562 : vector<1x16xf32> to vector<16xf32>
        %add3A_564 = arith.addf %add3A_557, %get3A_563 : vector<16xf32>
        %add3A_565 = arith.constant 13 : i32
        %add3A_566 = arith.addi %mul3A_194, %add3A_565 : i32
        %get3A_567 = arith.index_cast %add3A_566 : i32 to index
        %get3A_568 = arith.constant 32 : index
        %get3A_569 = tpu.vector_load %arg7[%get3A_567, %get3A_568] {strides = array<i32>} : memref<320x128xf32, #tpu.memory_space<vmem>>, vector<1x16xf32>,
        %get3A_570 = vector.shape_cast %get3A_569 : vector<1x16xf32> to vector<16xf32>
        %add3A_571 = arith.addf %add3A_564, %get3A_570 : vector<16xf32>
        %add3A_572 = arith.constant 14 : i32
        %add3A_573 = arith.addi %mul3A_194, %add3A_572 : i32
        %get3A_574 = arith.index_cast %add3A_573 : i32 to index
        %get3A_575 = arith.constant 32 : index
        %get3A_576 = tpu.vector_load %arg7[%get3A_574, %get3A_575] {strides = array<i32>} : memref<320x128xf32, #tpu.memory_space<vmem>>, vector<1x16xf32>,
        %get3A_577 = vector.shape_cast %get3A_576 : vector<1x16xf32> to vector<16xf32>
        %add3A_578 = arith.addf %add3A_571, %get3A_577 : vector<16xf32>
        %add3A_579 = arith.constant 15 : i32
        %add3A_580 = arith.addi %mul3A_194, %add3A_579 : i32
        %get3A_581 = arith.index_cast %add3A_580 : i32 to index
        %get3A_582 = arith.constant 32 : index
        %get3A_583 = tpu.vector_load %arg7[%get3A_581, %get3A_582] {strides = array<i32>} : memref<320x128xf32, #tpu.memory_space<vmem>>, vector<1x16xf32>,
        %get3A_584 = vector.shape_cast %get3A_583 : vector<1x16xf32> to vector<16xf32>
        %add3A_585 = arith.addf %add3A_578, %get3A_584 : vector<16xf32>
        %add3A_586 = arith.constant 16 : i32
        %add3A_587 = arith.addi %mul3A_194, %add3A_586 : i32
        %get3A_588 = arith.index_cast %add3A_587 : i32 to index
        %get3A_589 = arith.constant 32 : index
        %get3A_590 = tpu.vector_load %arg7[%get3A_588, %get3A_589] {strides = array<i32>} : memref<320x128xf32, #tpu.memory_space<vmem>>, vector<1x16xf32>,
        %get3A_591 = vector.shape_cast %get3A_590 : vector<1x16xf32> to vector<16xf32>
        %add3A_592 = arith.addf %add3A_585, %get3A_591 : vector<16xf32>
        %add3A_593 = arith.constant 17 : i32
        %add3A_594 = arith.addi %mul3A_194, %add3A_593 : i32
        %get3A_595 = arith.index_cast %add3A_594 : i32 to index
        %get3A_596 = arith.constant 32 : index
        %get3A_597 = tpu.vector_load %arg7[%get3A_595, %get3A_596] {strides = array<i32>} : memref<320x128xf32, #tpu.memory_space<vmem>>, vector<1x16xf32>,
        %get3A_598 = vector.shape_cast %get3A_597 : vector<1x16xf32> to vector<16xf32>
        %add3A_599 = arith.addf %add3A_592, %get3A_598 : vector<16xf32>
        %add3A_600 = arith.constant 18 : i32
        %add3A_601 = arith.addi %mul3A_194, %add3A_600 : i32
        %get3A_602 = arith.index_cast %add3A_601 : i32 to index
        %get3A_603 = arith.constant 32 : index
        %get3A_604 = tpu.vector_load %arg7[%get3A_602, %get3A_603] {strides = array<i32>} : memref<320x128xf32, #tpu.memory_space<vmem>>, vector<1x16xf32>,
        %get3A_605 = vector.shape_cast %get3A_604 : vector<1x16xf32> to vector<16xf32>
        %add3A_606 = arith.addf %add3A_599, %get3A_605 : vector<16xf32>
        %add3A_607 = arith.constant 19 : i32
        %add3A_608 = arith.addi %mul3A_194, %add3A_607 : i32
        %get3A_609 = arith.index_cast %add3A_608 : i32 to index
        %get3A_610 = arith.constant 32 : index
        %get3A_611 = tpu.vector_load %arg7[%get3A_609, %get3A_610] {strides = array<i32>} : memref<320x128xf32, #tpu.memory_space<vmem>>, vector<1x16xf32>,
        %get3A_612 = vector.shape_cast %get3A_611 : vector<1x16xf32> to vector<16xf32>
        %add3A_613 = arith.addf %add3A_606, %get3A_612 : vector<16xf32>
        %swap3A_614 = arith.index_cast %scan3A_192 : i32 to index
        %swap3A_615 = arith.constant 32 : index
        %swap3A_616 = tpu.vector_load %arg9[%swap3A_614, %swap3A_615] {strides = array<i32>} : memref<16x128xf32, #tpu.memory_space<vmem>>, vector<1x16xf32>,
        %swap3A_617 = vector.shape_cast %swap3A_616 : vector<1x16xf32> to vector<16xf32>
        %swap3A_618 = vector.shape_cast %add3A_613 : vector<16xf32> to vector<1x16xf32>
        tpu.vector_store %arg9[%swap3A_614, %swap3A_615], %swap3A_618 {strides = array<i32>} : memref<16x128xf32, #tpu.memory_space<vmem>>, vector<1x16xf32>,
        %get3A_619 = arith.index_cast %mul3A_194 : i32 to index
        %get3A_620 = arith.constant 48 : index
        %get3A_621 = tpu.vector_load %arg7[%get3A_619, %get3A_620] {strides = array<i32>} : memref<320x128xf32, #tpu.memory_space<vmem>>, vector<1x16xf32>,
        %get3A_622 = vector.shape_cast %get3A_621 : vector<1x16xf32> to vector<16xf32>
        %add3A_623 = arith.constant 1 : i32
        %add3A_624 = arith.addi %mul3A_194, %add3A_623 : i32
        %get3A_625 = arith.index_cast %add3A_624 : i32 to index
        %get3A_626 = arith.constant 48 : index
        %get3A_627 = tpu.vector_load %arg7[%get3A_625, %get3A_626] {strides = array<i32>} : memref<320x128xf32, #tpu.memory_space<vmem>>, vector<1x16xf32>,
        %get3A_628 = vector.shape_cast %get3A_627 : vector<1x16xf32> to vector<16xf32>
        %add3A_629 = arith.addf %get3A_622, %get3A_628 : vector<16xf32>
        %add3A_630 = arith.constant 2 : i32
        %add3A_631 = arith.addi %mul3A_194, %add3A_630 : i32
        %get3A_632 = arith.index_cast %add3A_631 : i32 to index
        %get3A_633 = arith.constant 48 : index
        %get3A_634 = tpu.vector_load %arg7[%get3A_632, %get3A_633] {strides = array<i32>} : memref<320x128xf32, #tpu.memory_space<vmem>>, vector<1x16xf32>,
        %get3A_635 = vector.shape_cast %get3A_634 : vector<1x16xf32> to vector<16xf32>
        %add3A_636 = arith.addf %add3A_629, %get3A_635 : vector<16xf32>
        %add3A_637 = arith.constant 3 : i32
        %add3A_638 = arith.addi %mul3A_194, %add3A_637 : i32
        %get3A_639 = arith.index_cast %add3A_638 : i32 to index
        %get3A_640 = arith.constant 48 : index
        %get3A_641 = tpu.vector_load %arg7[%get3A_639, %get3A_640] {strides = array<i32>} : memref<320x128xf32, #tpu.memory_space<vmem>>, vector<1x16xf32>,
        %get3A_642 = vector.shape_cast %get3A_641 : vector<1x16xf32> to vector<16xf32>
        %add3A_643 = arith.addf %add3A_636, %get3A_642 : vector<16xf32>
        %add3A_644 = arith.constant 4 : i32
        %add3A_645 = arith.addi %mul3A_194, %add3A_644 : i32
        %get3A_646 = arith.index_cast %add3A_645 : i32 to index
        %get3A_647 = arith.constant 48 : index
        %get3A_648 = tpu.vector_load %arg7[%get3A_646, %get3A_647] {strides = array<i32>} : memref<320x128xf32, #tpu.memory_space<vmem>>, vector<1x16xf32>,
        %get3A_649 = vector.shape_cast %get3A_648 : vector<1x16xf32> to vector<16xf32>
        %add3A_650 = arith.addf %add3A_643, %get3A_649 : vector<16xf32>
        %add3A_651 = arith.constant 5 : i32
        %add3A_652 = arith.addi %mul3A_194, %add3A_651 : i32
        %get3A_653 = arith.index_cast %add3A_652 : i32 to index
        %get3A_654 = arith.constant 48 : index
        %get3A_655 = tpu.vector_load %arg7[%get3A_653, %get3A_654] {strides = array<i32>} : memref<320x128xf32, #tpu.memory_space<vmem>>, vector<1x16xf32>,
        %get3A_656 = vector.shape_cast %get3A_655 : vector<1x16xf32> to vector<16xf32>
        %add3A_657 = arith.addf %add3A_650, %get3A_656 : vector<16xf32>
        %add3A_658 = arith.constant 6 : i32
        %add3A_659 = arith.addi %mul3A_194, %add3A_658 : i32
        %get3A_660 = arith.index_cast %add3A_659 : i32 to index
        %get3A_661 = arith.constant 48 : index
        %get3A_662 = tpu.vector_load %arg7[%get3A_660, %get3A_661] {strides = array<i32>} : memref<320x128xf32, #tpu.memory_space<vmem>>, vector<1x16xf32>,
        %get3A_663 = vector.shape_cast %get3A_662 : vector<1x16xf32> to vector<16xf32>
        %add3A_664 = arith.addf %add3A_657, %get3A_663 : vector<16xf32>
        %add3A_665 = arith.constant 7 : i32
        %add3A_666 = arith.addi %mul3A_194, %add3A_665 : i32
        %get3A_667 = arith.index_cast %add3A_666 : i32 to index
        %get3A_668 = arith.constant 48 : index
        %get3A_669 = tpu.vector_load %arg7[%get3A_667, %get3A_668] {strides = array<i32>} : memref<320x128xf32, #tpu.memory_space<vmem>>, vector<1x16xf32>,
        %get3A_670 = vector.shape_cast %get3A_669 : vector<1x16xf32> to vector<16xf32>
        %add3A_671 = arith.addf %add3A_664, %get3A_670 : vector<16xf32>
        %add3A_672 = arith.constant 8 : i32
        %add3A_673 = arith.addi %mul3A_194, %add3A_672 : i32
        %get3A_674 = arith.index_cast %add3A_673 : i32 to index
        %get3A_675 = arith.constant 48 : index
        %get3A_676 = tpu.vector_load %arg7[%get3A_674, %get3A_675] {strides = array<i32>} : memref<320x128xf32, #tpu.memory_space<vmem>>, vector<1x16xf32>,
        %get3A_677 = vector.shape_cast %get3A_676 : vector<1x16xf32> to vector<16xf32>
        %add3A_678 = arith.addf %add3A_671, %get3A_677 : vector<16xf32>
        %add3A_679 = arith.constant 9 : i32
        %add3A_680 = arith.addi %mul3A_194, %add3A_679 : i32
        %get3A_681 = arith.index_cast %add3A_680 : i32 to index
        %get3A_682 = arith.constant 48 : index
        %get3A_683 = tpu.vector_load %arg7[%get3A_681, %get3A_682] {strides = array<i32>} : memref<320x128xf32, #tpu.memory_space<vmem>>, vector<1x16xf32>,
        %get3A_684 = vector.shape_cast %get3A_683 : vector<1x16xf32> to vector<16xf32>
        %add3A_685 = arith.addf %add3A_678, %get3A_684 : vector<16xf32>
        %add3A_686 = arith.constant 10 : i32
        %add3A_687 = arith.addi %mul3A_194, %add3A_686 : i32
        %get3A_688 = arith.index_cast %add3A_687 : i32 to index
        %get3A_689 = arith.constant 48 : index
        %get3A_690 = tpu.vector_load %arg7[%get3A_688, %get3A_689] {strides = array<i32>} : memref<320x128xf32, #tpu.memory_space<vmem>>, vector<1x16xf32>,
        %get3A_691 = vector.shape_cast %get3A_690 : vector<1x16xf32> to vector<16xf32>
        %add3A_692 = arith.addf %add3A_685, %get3A_691 : vector<16xf32>
        %add3A_693 = arith.constant 11 : i32
        %add3A_694 = arith.addi %mul3A_194, %add3A_693 : i32
        %get3A_695 = arith.index_cast %add3A_694 : i32 to index
        %get3A_696 = arith.constant 48 : index
        %get3A_697 = tpu.vector_load %arg7[%get3A_695, %get3A_696] {strides = array<i32>} : memref<320x128xf32, #tpu.memory_space<vmem>>, vector<1x16xf32>,
        %get3A_698 = vector.shape_cast %get3A_697 : vector<1x16xf32> to vector<16xf32>
        %add3A_699 = arith.addf %add3A_692, %get3A_698 : vector<16xf32>
        %add3A_700 = arith.constant 12 : i32
        %add3A_701 = arith.addi %mul3A_194, %add3A_700 : i32
        %get3A_702 = arith.index_cast %add3A_701 : i32 to index
        %get3A_703 = arith.constant 48 : index
        %get3A_704 = tpu.vector_load %arg7[%get3A_702, %get3A_703] {strides = array<i32>} : memref<320x128xf32, #tpu.memory_space<vmem>>, vector<1x16xf32>,
        %get3A_705 = vector.shape_cast %get3A_704 : vector<1x16xf32> to vector<16xf32>
        %add3A_706 = arith.addf %add3A_699, %get3A_705 : vector<16xf32>
        %add3A_707 = arith.constant 13 : i32
        %add3A_708 = arith.addi %mul3A_194, %add3A_707 : i32
        %get3A_709 = arith.index_cast %add3A_708 : i32 to index
        %get3A_710 = arith.constant 48 : index
        %get3A_711 = tpu.vector_load %arg7[%get3A_709, %get3A_710] {strides = array<i32>} : memref<320x128xf32, #tpu.memory_space<vmem>>, vector<1x16xf32>,
        %get3A_712 = vector.shape_cast %get3A_711 : vector<1x16xf32> to vector<16xf32>
        %add3A_713 = arith.addf %add3A_706, %get3A_712 : vector<16xf32>
        %add3A_714 = arith.constant 14 : i32
        %add3A_715 = arith.addi %mul3A_194, %add3A_714 : i32
        %get3A_716 = arith.index_cast %add3A_715 : i32 to index
        %get3A_717 = arith.constant 48 : index
        %get3A_718 = tpu.vector_load %arg7[%get3A_716, %get3A_717] {strides = array<i32>} : memref<320x128xf32, #tpu.memory_space<vmem>>, vector<1x16xf32>,
        %get3A_719 = vector.shape_cast %get3A_718 : vector<1x16xf32> to vector<16xf32>
        %add3A_720 = arith.addf %add3A_713, %get3A_719 : vector<16xf32>
        %add3A_721 = arith.constant 15 : i32
        %add3A_722 = arith.addi %mul3A_194, %add3A_721 : i32
        %get3A_723 = arith.index_cast %add3A_722 : i32 to index
        %get3A_724 = arith.constant 48 : index
        %get3A_725 = tpu.vector_load %arg7[%get3A_723, %get3A_724] {strides = array<i32>} : memref<320x128xf32, #tpu.memory_space<vmem>>, vector<1x16xf32>,
        %get3A_726 = vector.shape_cast %get3A_725 : vector<1x16xf32> to vector<16xf32>
        %add3A_727 = arith.addf %add3A_720, %get3A_726 : vector<16xf32>
        %add3A_728 = arith.constant 16 : i32
        %add3A_729 = arith.addi %mul3A_194, %add3A_728 : i32
        %get3A_730 = arith.index_cast %add3A_729 : i32 to index
        %get3A_731 = arith.constant 48 : index
        %get3A_732 = tpu.vector_load %arg7[%get3A_730, %get3A_731] {strides = array<i32>} : memref<320x128xf32, #tpu.memory_space<vmem>>, vector<1x16xf32>,
        %get3A_733 = vector.shape_cast %get3A_732 : vector<1x16xf32> to vector<16xf32>
        %add3A_734 = arith.addf %add3A_727, %get3A_733 : vector<16xf32>
        %add3A_735 = arith.constant 17 : i32
        %add3A_736 = arith.addi %mul3A_194, %add3A_735 : i32
        %get3A_737 = arith.index_cast %add3A_736 : i32 to index
        %get3A_738 = arith.constant 48 : index
        %get3A_739 = tpu.vector_load %arg7[%get3A_737, %get3A_738] {strides = array<i32>} : memref<320x128xf32, #tpu.memory_space<vmem>>, vector<1x16xf32>,
        %get3A_740 = vector.shape_cast %get3A_739 : vector<1x16xf32> to vector<16xf32>
        %add3A_741 = arith.addf %add3A_734, %get3A_740 : vector<16xf32>
        %add3A_742 = arith.constant 18 : i32
        %add3A_743 = arith.addi %mul3A_194, %add3A_742 : i32
        %get3A_744 = arith.index_cast %add3A_743 : i32 to index
        %get3A_745 = arith.constant 48 : index
        %get3A_746 = tpu.vector_load %arg7[%get3A_744, %get3A_745] {strides = array<i32>} : memref<320x128xf32, #tpu.memory_space<vmem>>, vector<1x16xf32>,
        %get3A_747 = vector.shape_cast %get3A_746 : vector<1x16xf32> to vector<16xf32>
        %add3A_748 = arith.addf %add3A_741, %get3A_747 : vector<16xf32>
        %add3A_749 = arith.constant 19 : i32
        %add3A_750 = arith.addi %mul3A_194, %add3A_749 : i32
        %get3A_751 = arith.index_cast %add3A_750 : i32 to index
        %get3A_752 = arith.constant 48 : index
        %get3A_753 = tpu.vector_load %arg7[%get3A_751, %get3A_752] {strides = array<i32>} : memref<320x128xf32, #tpu.memory_space<vmem>>, vector<1x16xf32>,
        %get3A_754 = vector.shape_cast %get3A_753 : vector<1x16xf32> to vector<16xf32>
        %add3A_755 = arith.addf %add3A_748, %get3A_754 : vector<16xf32>
        %swap3A_756 = arith.index_cast %scan3A_192 : i32 to index
        %swap3A_757 = arith.constant 48 : index
        %swap3A_758 = tpu.vector_load %arg9[%swap3A_756, %swap3A_757] {strides = array<i32>} : memref<16x128xf32, #tpu.memory_space<vmem>>, vector<1x16xf32>,
        %swap3A_759 = vector.shape_cast %swap3A_758 : vector<1x16xf32> to vector<16xf32>
        %swap3A_760 = vector.shape_cast %add3A_755 : vector<16xf32> to vector<1x16xf32>
        tpu.vector_store %arg9[%swap3A_756, %swap3A_757], %swap3A_760 {strides = array<i32>} : memref<16x128xf32, #tpu.memory_space<vmem>>, vector<1x16xf32>,
        %get3A_761 = arith.index_cast %mul3A_194 : i32 to index
        %get3A_762 = arith.constant 64 : index
        %get3A_763 = tpu.vector_load %arg7[%get3A_761, %get3A_762] {strides = array<i32>} : memref<320x128xf32, #tpu.memory_space<vmem>>, vector<1x16xf32>,
        %get3A_764 = vector.shape_cast %get3A_763 : vector<1x16xf32> to vector<16xf32>
        %add3A_765 = arith.constant 1 : i32
        %add3A_766 = arith.addi %mul3A_194, %add3A_765 : i32
        %get3A_767 = arith.index_cast %add3A_766 : i32 to index
        %get3A_768 = arith.constant 64 : index
        %get3A_769 = tpu.vector_load %arg7[%get3A_767, %get3A_768] {strides = array<i32>} : memref<320x128xf32, #tpu.memory_space<vmem>>, vector<1x16xf32>,
        %get3A_770 = vector.shape_cast %get3A_769 : vector<1x16xf32> to vector<16xf32>
        %add3A_771 = arith.addf %get3A_764, %get3A_770 : vector<16xf32>
        %add3A_772 = arith.constant 2 : i32
        %add3A_773 = arith.addi %mul3A_194, %add3A_772 : i32
        %get3A_774 = arith.index_cast %add3A_773 : i32 to index
        %get3A_775 = arith.constant 64 : index
        %get3A_776 = tpu.vector_load %arg7[%get3A_774, %get3A_775] {strides = array<i32>} : memref<320x128xf32, #tpu.memory_space<vmem>>, vector<1x16xf32>,
        %get3A_777 = vector.shape_cast %get3A_776 : vector<1x16xf32> to vector<16xf32>
        %add3A_778 = arith.addf %add3A_771, %get3A_777 : vector<16xf32>
        %add3A_779 = arith.constant 3 : i32
        %add3A_780 = arith.addi %mul3A_194, %add3A_779 : i32
        %get3A_781 = arith.index_cast %add3A_780 : i32 to index
        %get3A_782 = arith.constant 64 : index
        %get3A_783 = tpu.vector_load %arg7[%get3A_781, %get3A_782] {strides = array<i32>} : memref<320x128xf32, #tpu.memory_space<vmem>>, vector<1x16xf32>,
        %get3A_784 = vector.shape_cast %get3A_783 : vector<1x16xf32> to vector<16xf32>
        %add3A_785 = arith.addf %add3A_778, %get3A_784 : vector<16xf32>
        %add3A_786 = arith.constant 4 : i32
        %add3A_787 = arith.addi %mul3A_194, %add3A_786 : i32
        %get3A_788 = arith.index_cast %add3A_787 : i32 to index
        %get3A_789 = arith.constant 64 : index
        %get3A_790 = tpu.vector_load %arg7[%get3A_788, %get3A_789] {strides = array<i32>} : memref<320x128xf32, #tpu.memory_space<vmem>>, vector<1x16xf32>,
        %get3A_791 = vector.shape_cast %get3A_790 : vector<1x16xf32> to vector<16xf32>
        %add3A_792 = arith.addf %add3A_785, %get3A_791 : vector<16xf32>
        %add3A_793 = arith.constant 5 : i32
        %add3A_794 = arith.addi %mul3A_194, %add3A_793 : i32
        %get3A_795 = arith.index_cast %add3A_794 : i32 to index
        %get3A_796 = arith.constant 64 : index
        %get3A_797 = tpu.vector_load %arg7[%get3A_795, %get3A_796] {strides = array<i32>} : memref<320x128xf32, #tpu.memory_space<vmem>>, vector<1x16xf32>,
        %get3A_798 = vector.shape_cast %get3A_797 : vector<1x16xf32> to vector<16xf32>
        %add3A_799 = arith.addf %add3A_792, %get3A_798 : vector<16xf32>
        %add3A_800 = arith.constant 6 : i32
        %add3A_801 = arith.addi %mul3A_194, %add3A_800 : i32
        %get3A_802 = arith.index_cast %add3A_801 : i32 to index
        %get3A_803 = arith.constant 64 : index
        %get3A_804 = tpu.vector_load %arg7[%get3A_802, %get3A_803] {strides = array<i32>} : memref<320x128xf32, #tpu.memory_space<vmem>>, vector<1x16xf32>,
        %get3A_805 = vector.shape_cast %get3A_804 : vector<1x16xf32> to vector<16xf32>
        %add3A_806 = arith.addf %add3A_799, %get3A_805 : vector<16xf32>
        %add3A_807 = arith.constant 7 : i32
        %add3A_808 = arith.addi %mul3A_194, %add3A_807 : i32
        %get3A_809 = arith.index_cast %add3A_808 : i32 to index
        %get3A_810 = arith.constant 64 : index
        %get3A_811 = tpu.vector_load %arg7[%get3A_809, %get3A_810] {strides = array<i32>} : memref<320x128xf32, #tpu.memory_space<vmem>>, vector<1x16xf32>,
        %get3A_812 = vector.shape_cast %get3A_811 : vector<1x16xf32> to vector<16xf32>
        %add3A_813 = arith.addf %add3A_806, %get3A_812 : vector<16xf32>
        %add3A_814 = arith.constant 8 : i32
        %add3A_815 = arith.addi %mul3A_194, %add3A_814 : i32
        %get3A_816 = arith.index_cast %add3A_815 : i32 to index
        %get3A_817 = arith.constant 64 : index
        %get3A_818 = tpu.vector_load %arg7[%get3A_816, %get3A_817] {strides = array<i32>} : memref<320x128xf32, #tpu.memory_space<vmem>>, vector<1x16xf32>,
        %get3A_819 = vector.shape_cast %get3A_818 : vector<1x16xf32> to vector<16xf32>
        %add3A_820 = arith.addf %add3A_813, %get3A_819 : vector<16xf32>
        %add3A_821 = arith.constant 9 : i32
        %add3A_822 = arith.addi %mul3A_194, %add3A_821 : i32
        %get3A_823 = arith.index_cast %add3A_822 : i32 to index
        %get3A_824 = arith.constant 64 : index
        %get3A_825 = tpu.vector_load %arg7[%get3A_823, %get3A_824] {strides = array<i32>} : memref<320x128xf32, #tpu.memory_space<vmem>>, vector<1x16xf32>,
        %get3A_826 = vector.shape_cast %get3A_825 : vector<1x16xf32> to vector<16xf32>
        %add3A_827 = arith.addf %add3A_820, %get3A_826 : vector<16xf32>
        %add3A_828 = arith.constant 10 : i32
        %add3A_829 = arith.addi %mul3A_194, %add3A_828 : i32
        %get3A_830 = arith.index_cast %add3A_829 : i32 to index
        %get3A_831 = arith.constant 64 : index
        %get3A_832 = tpu.vector_load %arg7[%get3A_830, %get3A_831] {strides = array<i32>} : memref<320x128xf32, #tpu.memory_space<vmem>>, vector<1x16xf32>,
        %get3A_833 = vector.shape_cast %get3A_832 : vector<1x16xf32> to vector<16xf32>
        %add3A_834 = arith.addf %add3A_827, %get3A_833 : vector<16xf32>
        %add3A_835 = arith.constant 11 : i32
        %add3A_836 = arith.addi %mul3A_194, %add3A_835 : i32
        %get3A_837 = arith.index_cast %add3A_836 : i32 to index
        %get3A_838 = arith.constant 64 : index
        %get3A_839 = tpu.vector_load %arg7[%get3A_837, %get3A_838] {strides = array<i32>} : memref<320x128xf32, #tpu.memory_space<vmem>>, vector<1x16xf32>,
        %get3A_840 = vector.shape_cast %get3A_839 : vector<1x16xf32> to vector<16xf32>
        %add3A_841 = arith.addf %add3A_834, %get3A_840 : vector<16xf32>
        %add3A_842 = arith.constant 12 : i32
        %add3A_843 = arith.addi %mul3A_194, %add3A_842 : i32
        %get3A_844 = arith.index_cast %add3A_843 : i32 to index
        %get3A_845 = arith.constant 64 : index
        %get3A_846 = tpu.vector_load %arg7[%get3A_844, %get3A_845] {strides = array<i32>} : memref<320x128xf32, #tpu.memory_space<vmem>>, vector<1x16xf32>,
        %get3A_847 = vector.shape_cast %get3A_846 : vector<1x16xf32> to vector<16xf32>
        %add3A_848 = arith.addf %add3A_841, %get3A_847 : vector<16xf32>
        %add3A_849 = arith.constant 13 : i32
        %add3A_850 = arith.addi %mul3A_194, %add3A_849 : i32
        %get3A_851 = arith.index_cast %add3A_850 : i32 to index
        %get3A_852 = arith.constant 64 : index
        %get3A_853 = tpu.vector_load %arg7[%get3A_851, %get3A_852] {strides = array<i32>} : memref<320x128xf32, #tpu.memory_space<vmem>>, vector<1x16xf32>,
        %get3A_854 = vector.shape_cast %get3A_853 : vector<1x16xf32> to vector<16xf32>
        %add3A_855 = arith.addf %add3A_848, %get3A_854 : vector<16xf32>
        %add3A_856 = arith.constant 14 : i32
        %add3A_857 = arith.addi %mul3A_194, %add3A_856 : i32
        %get3A_858 = arith.index_cast %add3A_857 : i32 to index
        %get3A_859 = arith.constant 64 : index
        %get3A_860 = tpu.vector_load %arg7[%get3A_858, %get3A_859] {strides = array<i32>} : memref<320x128xf32, #tpu.memory_space<vmem>>, vector<1x16xf32>,
        %get3A_861 = vector.shape_cast %get3A_860 : vector<1x16xf32> to vector<16xf32>
        %add3A_862 = arith.addf %add3A_855, %get3A_861 : vector<16xf32>
        %add3A_863 = arith.constant 15 : i32
        %add3A_864 = arith.addi %mul3A_194, %add3A_863 : i32
        %get3A_865 = arith.index_cast %add3A_864 : i32 to index
        %get3A_866 = arith.constant 64 : index
        %get3A_867 = tpu.vector_load %arg7[%get3A_865, %get3A_866] {strides = array<i32>} : memref<320x128xf32, #tpu.memory_space<vmem>>, vector<1x16xf32>,
        %get3A_868 = vector.shape_cast %get3A_867 : vector<1x16xf32> to vector<16xf32>
        %add3A_869 = arith.addf %add3A_862, %get3A_868 : vector<16xf32>
        %add3A_870 = arith.constant 16 : i32
        %add3A_871 = arith.addi %mul3A_194, %add3A_870 : i32
        %get3A_872 = arith.index_cast %add3A_871 : i32 to index
        %get3A_873 = arith.constant 64 : index
        %get3A_874 = tpu.vector_load %arg7[%get3A_872, %get3A_873] {strides = array<i32>} : memref<320x128xf32, #tpu.memory_space<vmem>>, vector<1x16xf32>,
        %get3A_875 = vector.shape_cast %get3A_874 : vector<1x16xf32> to vector<16xf32>
        %add3A_876 = arith.addf %add3A_869, %get3A_875 : vector<16xf32>
        %add3A_877 = arith.constant 17 : i32
        %add3A_878 = arith.addi %mul3A_194, %add3A_877 : i32
        %get3A_879 = arith.index_cast %add3A_878 : i32 to index
        %get3A_880 = arith.constant 64 : index
        %get3A_881 = tpu.vector_load %arg7[%get3A_879, %get3A_880] {strides = array<i32>} : memref<320x128xf32, #tpu.memory_space<vmem>>, vector<1x16xf32>,
        %get3A_882 = vector.shape_cast %get3A_881 : vector<1x16xf32> to vector<16xf32>
        %add3A_883 = arith.addf %add3A_876, %get3A_882 : vector<16xf32>
        %add3A_884 = arith.constant 18 : i32
        %add3A_885 = arith.addi %mul3A_194, %add3A_884 : i32
        %get3A_886 = arith.index_cast %add3A_885 : i32 to index
        %get3A_887 = arith.constant 64 : index
        %get3A_888 = tpu.vector_load %arg7[%get3A_886, %get3A_887] {strides = array<i32>} : memref<320x128xf32, #tpu.memory_space<vmem>>, vector<1x16xf32>,
        %get3A_889 = vector.shape_cast %get3A_888 : vector<1x16xf32> to vector<16xf32>
        %add3A_890 = arith.addf %add3A_883, %get3A_889 : vector<16xf32>
        %add3A_891 = arith.constant 19 : i32
        %add3A_892 = arith.addi %mul3A_194, %add3A_891 : i32
        %get3A_893 = arith.index_cast %add3A_892 : i32 to index
        %get3A_894 = arith.constant 64 : index
        %get3A_895 = tpu.vector_load %arg7[%get3A_893, %get3A_894] {strides = array<i32>} : memref<320x128xf32, #tpu.memory_space<vmem>>, vector<1x16xf32>,
        %get3A_896 = vector.shape_cast %get3A_895 : vector<1x16xf32> to vector<16xf32>
        %add3A_897 = arith.addf %add3A_890, %get3A_896 : vector<16xf32>
        %swap3A_898 = arith.index_cast %scan3A_192 : i32 to index
        %swap3A_899 = arith.constant 64 : index
        %swap3A_900 = tpu.vector_load %arg9[%swap3A_898, %swap3A_899] {strides = array<i32>} : memref<16x128xf32, #tpu.memory_space<vmem>>, vector<1x16xf32>,
        %swap3A_901 = vector.shape_cast %swap3A_900 : vector<1x16xf32> to vector<16xf32>
        %swap3A_902 = vector.shape_cast %add3A_897 : vector<16xf32> to vector<1x16xf32>
        tpu.vector_store %arg9[%swap3A_898, %swap3A_899], %swap3A_902 {strides = array<i32>} : memref<16x128xf32, #tpu.memory_space<vmem>>, vector<1x16xf32>,
        %get3A_903 = arith.index_cast %mul3A_194 : i32 to index
        %get3A_904 = arith.constant 80 : index
        %get3A_905 = tpu.vector_load %arg7[%get3A_903, %get3A_904] {strides = array<i32>} : memref<320x128xf32, #tpu.memory_space<vmem>>, vector<1x16xf32>,
        %get3A_906 = vector.shape_cast %get3A_905 : vector<1x16xf32> to vector<16xf32>
        %add3A_907 = arith.constant 1 : i32
        %add3A_908 = arith.addi %mul3A_194, %add3A_907 : i32
        %get3A_909 = arith.index_cast %add3A_908 : i32 to index
        %get3A_910 = arith.constant 80 : index
        %get3A_911 = tpu.vector_load %arg7[%get3A_909, %get3A_910] {strides = array<i32>} : memref<320x128xf32, #tpu.memory_space<vmem>>, vector<1x16xf32>,
        %get3A_912 = vector.shape_cast %get3A_911 : vector<1x16xf32> to vector<16xf32>
        %add3A_913 = arith.addf %get3A_906, %get3A_912 : vector<16xf32>
        %add3A_914 = arith.constant 2 : i32
        %add3A_915 = arith.addi %mul3A_194, %add3A_914 : i32
        %get3A_916 = arith.index_cast %add3A_915 : i32 to index
        %get3A_917 = arith.constant 80 : index
        %get3A_918 = tpu.vector_load %arg7[%get3A_916, %get3A_917] {strides = array<i32>} : memref<320x128xf32, #tpu.memory_space<vmem>>, vector<1x16xf32>,
        %get3A_919 = vector.shape_cast %get3A_918 : vector<1x16xf32> to vector<16xf32>
        %add3A_920 = arith.addf %add3A_913, %get3A_919 : vector<16xf32>
        %add3A_921 = arith.constant 3 : i32
        %add3A_922 = arith.addi %mul3A_194, %add3A_921 : i32
        %get3A_923 = arith.index_cast %add3A_922 : i32 to index
        %get3A_924 = arith.constant 80 : index
        %get3A_925 = tpu.vector_load %arg7[%get3A_923, %get3A_924] {strides = array<i32>} : memref<320x128xf32, #tpu.memory_space<vmem>>, vector<1x16xf32>,
        %get3A_926 = vector.shape_cast %get3A_925 : vector<1x16xf32> to vector<16xf32>
        %add3A_927 = arith.addf %add3A_920, %get3A_926 : vector<16xf32>
        %add3A_928 = arith.constant 4 : i32
        %add3A_929 = arith.addi %mul3A_194, %add3A_928 : i32
        %get3A_930 = arith.index_cast %add3A_929 : i32 to index
        %get3A_931 = arith.constant 80 : index
        %get3A_932 = tpu.vector_load %arg7[%get3A_930, %get3A_931] {strides = array<i32>} : memref<320x128xf32, #tpu.memory_space<vmem>>, vector<1x16xf32>,
        %get3A_933 = vector.shape_cast %get3A_932 : vector<1x16xf32> to vector<16xf32>
        %add3A_934 = arith.addf %add3A_927, %get3A_933 : vector<16xf32>
        %add3A_935 = arith.constant 5 : i32
        %add3A_936 = arith.addi %mul3A_194, %add3A_935 : i32
        %get3A_937 = arith.index_cast %add3A_936 : i32 to index
        %get3A_938 = arith.constant 80 : index
        %get3A_939 = tpu.vector_load %arg7[%get3A_937, %get3A_938] {strides = array<i32>} : memref<320x128xf32, #tpu.memory_space<vmem>>, vector<1x16xf32>,
        %get3A_940 = vector.shape_cast %get3A_939 : vector<1x16xf32> to vector<16xf32>
        %add3A_941 = arith.addf %add3A_934, %get3A_940 : vector<16xf32>
        %add3A_942 = arith.constant 6 : i32
        %add3A_943 = arith.addi %mul3A_194, %add3A_942 : i32
        %get3A_944 = arith.index_cast %add3A_943 : i32 to index
        %get3A_945 = arith.constant 80 : index
        %get3A_946 = tpu.vector_load %arg7[%get3A_944, %get3A_945] {strides = array<i32>} : memref<320x128xf32, #tpu.memory_space<vmem>>, vector<1x16xf32>,
        %get3A_947 = vector.shape_cast %get3A_946 : vector<1x16xf32> to vector<16xf32>
        %add3A_948 = arith.addf %add3A_941, %get3A_947 : vector<16xf32>
        %add3A_949 = arith.constant 7 : i32
        %add3A_950 = arith.addi %mul3A_194, %add3A_949 : i32
        %get3A_951 = arith.index_cast %add3A_950 : i32 to index
        %get3A_952 = arith.constant 80 : index
        %get3A_953 = tpu.vector_load %arg7[%get3A_951, %get3A_952] {strides = array<i32>} : memref<320x128xf32, #tpu.memory_space<vmem>>, vector<1x16xf32>,
        %get3A_954 = vector.shape_cast %get3A_953 : vector<1x16xf32> to vector<16xf32>
        %add3A_955 = arith.addf %add3A_948, %get3A_954 : vector<16xf32>
        %add3A_956 = arith.constant 8 : i32
        %add3A_957 = arith.addi %mul3A_194, %add3A_956 : i32
        %get3A_958 = arith.index_cast %add3A_957 : i32 to index
        %get3A_959 = arith.constant 80 : index
        %get3A_960 = tpu.vector_load %arg7[%get3A_958, %get3A_959] {strides = array<i32>} : memref<320x128xf32, #tpu.memory_space<vmem>>, vector<1x16xf32>,
        %get3A_961 = vector.shape_cast %get3A_960 : vector<1x16xf32> to vector<16xf32>
        %add3A_962 = arith.addf %add3A_955, %get3A_961 : vector<16xf32>
        %add3A_963 = arith.constant 9 : i32
        %add3A_964 = arith.addi %mul3A_194, %add3A_963 : i32
        %get3A_965 = arith.index_cast %add3A_964 : i32 to index
        %get3A_966 = arith.constant 80 : index
        %get3A_967 = tpu.vector_load %arg7[%get3A_965, %get3A_966] {strides = array<i32>} : memref<320x128xf32, #tpu.memory_space<vmem>>, vector<1x16xf32>,
        %get3A_968 = vector.shape_cast %get3A_967 : vector<1x16xf32> to vector<16xf32>
        %add3A_969 = arith.addf %add3A_962, %get3A_968 : vector<16xf32>
        %add3A_970 = arith.constant 10 : i32
        %add3A_971 = arith.addi %mul3A_194, %add3A_970 : i32
        %get3A_972 = arith.index_cast %add3A_971 : i32 to index
        %get3A_973 = arith.constant 80 : index
        %get3A_974 = tpu.vector_load %arg7[%get3A_972, %get3A_973] {strides = array<i32>} : memref<320x128xf32, #tpu.memory_space<vmem>>, vector<1x16xf32>,
        %get3A_975 = vector.shape_cast %get3A_974 : vector<1x16xf32> to vector<16xf32>
        %add3A_976 = arith.addf %add3A_969, %get3A_975 : vector<16xf32>
        %add3A_977 = arith.constant 11 : i32
        %add3A_978 = arith.addi %mul3A_194, %add3A_977 : i32
        %get3A_979 = arith.index_cast %add3A_978 : i32 to index
        %get3A_980 = arith.constant 80 : index
        %get3A_981 = tpu.vector_load %arg7[%get3A_979, %get3A_980] {strides = array<i32>} : memref<320x128xf32, #tpu.memory_space<vmem>>, vector<1x16xf32>,
        %get3A_982 = vector.shape_cast %get3A_981 : vector<1x16xf32> to vector<16xf32>
        %add3A_983 = arith.addf %add3A_976, %get3A_982 : vector<16xf32>
        %add3A_984 = arith.constant 12 : i32
        %add3A_985 = arith.addi %mul3A_194, %add3A_984 : i32
        %get3A_986 = arith.index_cast %add3A_985 : i32 to index
        %get3A_987 = arith.constant 80 : index
        %get3A_988 = tpu.vector_load %arg7[%get3A_986, %get3A_987] {strides = array<i32>} : memref<320x128xf32, #tpu.memory_space<vmem>>, vector<1x16xf32>,
        %get3A_989 = vector.shape_cast %get3A_988 : vector<1x16xf32> to vector<16xf32>
        %add3A_990 = arith.addf %add3A_983, %get3A_989 : vector<16xf32>
        %add3A_991 = arith.constant 13 : i32
        %add3A_992 = arith.addi %mul3A_194, %add3A_991 : i32
        %get3A_993 = arith.index_cast %add3A_992 : i32 to index
        %get3A_994 = arith.constant 80 : index
        %get3A_995 = tpu.vector_load %arg7[%get3A_993, %get3A_994] {strides = array<i32>} : memref<320x128xf32, #tpu.memory_space<vmem>>, vector<1x16xf32>,
        %get3A_996 = vector.shape_cast %get3A_995 : vector<1x16xf32> to vector<16xf32>
        %add3A_997 = arith.addf %add3A_990, %get3A_996 : vector<16xf32>
        %add3A_998 = arith.constant 14 : i32
        %add3A_999 = arith.addi %mul3A_194, %add3A_998 : i32
        %get3A_1000 = arith.index_cast %add3A_999 : i32 to index
        %get3A_1001 = arith.constant 80 : index
        %get3A_1002 = tpu.vector_load %arg7[%get3A_1000, %get3A_1001] {strides = array<i32>} : memref<320x128xf32, #tpu.memory_space<vmem>>, vector<1x16xf32>,
        %get3A_1003 = vector.shape_cast %get3A_1002 : vector<1x16xf32> to vector<16xf32>
        %add3A_1004 = arith.addf %add3A_997, %get3A_1003 : vector<16xf32>
        %add3A_1005 = arith.constant 15 : i32
        %add3A_1006 = arith.addi %mul3A_194, %add3A_1005 : i32
        %get3A_1007 = arith.index_cast %add3A_1006 : i32 to index
        %get3A_1008 = arith.constant 80 : index
        %get3A_1009 = tpu.vector_load %arg7[%get3A_1007, %get3A_1008] {strides = array<i32>} : memref<320x128xf32, #tpu.memory_space<vmem>>, vector<1x16xf32>,
        %get3A_1010 = vector.shape_cast %get3A_1009 : vector<1x16xf32> to vector<16xf32>
        %add3A_1011 = arith.addf %add3A_1004, %get3A_1010 : vector<16xf32>
        %add3A_1012 = arith.constant 16 : i32
        %add3A_1013 = arith.addi %mul3A_194, %add3A_1012 : i32
        %get3A_1014 = arith.index_cast %add3A_1013 : i32 to index
        %get3A_1015 = arith.constant 80 : index
        %get3A_1016 = tpu.vector_load %arg7[%get3A_1014, %get3A_1015] {strides = array<i32>} : memref<320x128xf32, #tpu.memory_space<vmem>>, vector<1x16xf32>,
        %get3A_1017 = vector.shape_cast %get3A_1016 : vector<1x16xf32> to vector<16xf32>
        %add3A_1018 = arith.addf %add3A_1011, %get3A_1017 : vector<16xf32>
        %add3A_1019 = arith.constant 17 : i32
        %add3A_1020 = arith.addi %mul3A_194, %add3A_1019 : i32
        %get3A_1021 = arith.index_cast %add3A_1020 : i32 to index
        %get3A_1022 = arith.constant 80 : index
        %get3A_1023 = tpu.vector_load %arg7[%get3A_1021, %get3A_1022] {strides = array<i32>} : memref<320x128xf32, #tpu.memory_space<vmem>>, vector<1x16xf32>,
        %get3A_1024 = vector.shape_cast %get3A_1023 : vector<1x16xf32> to vector<16xf32>
        %add3A_1025 = arith.addf %add3A_1018, %get3A_1024 : vector<16xf32>
        %add3A_1026 = arith.constant 18 : i32
        %add3A_1027 = arith.addi %mul3A_194, %add3A_1026 : i32
        %get3A_1028 = arith.index_cast %add3A_1027 : i32 to index
        %get3A_1029 = arith.constant 80 : index
        %get3A_1030 = tpu.vector_load %arg7[%get3A_1028, %get3A_1029] {strides = array<i32>} : memref<320x128xf32, #tpu.memory_space<vmem>>, vector<1x16xf32>,
        %get3A_1031 = vector.shape_cast %get3A_1030 : vector<1x16xf32> to vector<16xf32>
        %add3A_1032 = arith.addf %add3A_1025, %get3A_1031 : vector<16xf32>
        %add3A_1033 = arith.constant 19 : i32
        %add3A_1034 = arith.addi %mul3A_194, %add3A_1033 : i32
        %get3A_1035 = arith.index_cast %add3A_1034 : i32 to index
        %get3A_1036 = arith.constant 80 : index
        %get3A_1037 = tpu.vector_load %arg7[%get3A_1035, %get3A_1036] {strides = array<i32>} : memref<320x128xf32, #tpu.memory_space<vmem>>, vector<1x16xf32>,
        %get3A_1038 = vector.shape_cast %get3A_1037 : vector<1x16xf32> to vector<16xf32>
        %add3A_1039 = arith.addf %add3A_1032, %get3A_1038 : vector<16xf32>
        %swap3A_1040 = arith.index_cast %scan3A_192 : i32 to index
        %swap3A_1041 = arith.constant 80 : index
        %swap3A_1042 = tpu.vector_load %arg9[%swap3A_1040, %swap3A_1041] {strides = array<i32>} : memref<16x128xf32, #tpu.memory_space<vmem>>, vector<1x16xf32>,
        %swap3A_1043 = vector.shape_cast %swap3A_1042 : vector<1x16xf32> to vector<16xf32>
        %swap3A_1044 = vector.shape_cast %add3A_1039 : vector<16xf32> to vector<1x16xf32>
        tpu.vector_store %arg9[%swap3A_1040, %swap3A_1041], %swap3A_1044 {strides = array<i32>} : memref<16x128xf32, #tpu.memory_space<vmem>>, vector<1x16xf32>,
        %get3A_1045 = arith.index_cast %mul3A_194 : i32 to index
        %get3A_1046 = arith.constant 96 : index
        %get3A_1047 = tpu.vector_load %arg7[%get3A_1045, %get3A_1046] {strides = array<i32>} : memref<320x128xf32, #tpu.memory_space<vmem>>, vector<1x16xf32>,
        %get3A_1048 = vector.shape_cast %get3A_1047 : vector<1x16xf32> to vector<16xf32>
        %add3A_1049 = arith.constant 1 : i32
        %add3A_1050 = arith.addi %mul3A_194, %add3A_1049 : i32
        %get3A_1051 = arith.index_cast %add3A_1050 : i32 to index
        %get3A_1052 = arith.constant 96 : index
        %get3A_1053 = tpu.vector_load %arg7[%get3A_1051, %get3A_1052] {strides = array<i32>} : memref<320x128xf32, #tpu.memory_space<vmem>>, vector<1x16xf32>,
        %get3A_1054 = vector.shape_cast %get3A_1053 : vector<1x16xf32> to vector<16xf32>
        %add3A_1055 = arith.addf %get3A_1048, %get3A_1054 : vector<16xf32>
        %add3A_1056 = arith.constant 2 : i32
        %add3A_1057 = arith.addi %mul3A_194, %add3A_1056 : i32
        %get3A_1058 = arith.index_cast %add3A_1057 : i32 to index
        %get3A_1059 = arith.constant 96 : index
        %get3A_1060 = tpu.vector_load %arg7[%get3A_1058, %get3A_1059] {strides = array<i32>} : memref<320x128xf32, #tpu.memory_space<vmem>>, vector<1x16xf32>,
        %get3A_1061 = vector.shape_cast %get3A_1060 : vector<1x16xf32> to vector<16xf32>
        %add3A_1062 = arith.addf %add3A_1055, %get3A_1061 : vector<16xf32>
        %add3A_1063 = arith.constant 3 : i32
        %add3A_1064 = arith.addi %mul3A_194, %add3A_1063 : i32
        %get3A_1065 = arith.index_cast %add3A_1064 : i32 to index
        %get3A_1066 = arith.constant 96 : index
        %get3A_1067 = tpu.vector_load %arg7[%get3A_1065, %get3A_1066] {strides = array<i32>} : memref<320x128xf32, #tpu.memory_space<vmem>>, vector<1x16xf32>,
        %get3A_1068 = vector.shape_cast %get3A_1067 : vector<1x16xf32> to vector<16xf32>
        %add3A_1069 = arith.addf %add3A_1062, %get3A_1068 : vector<16xf32>
        %add3A_1070 = arith.constant 4 : i32
        %add3A_1071 = arith.addi %mul3A_194, %add3A_1070 : i32
        %get3A_1072 = arith.index_cast %add3A_1071 : i32 to index
        %get3A_1073 = arith.constant 96 : index
        %get3A_1074 = tpu.vector_load %arg7[%get3A_1072, %get3A_1073] {strides = array<i32>} : memref<320x128xf32, #tpu.memory_space<vmem>>, vector<1x16xf32>,
        %get3A_1075 = vector.shape_cast %get3A_1074 : vector<1x16xf32> to vector<16xf32>
        %add3A_1076 = arith.addf %add3A_1069, %get3A_1075 : vector<16xf32>
        %add3A_1077 = arith.constant 5 : i32
        %add3A_1078 = arith.addi %mul3A_194, %add3A_1077 : i32
        %get3A_1079 = arith.index_cast %add3A_1078 : i32 to index
        %get3A_1080 = arith.constant 96 : index
        %get3A_1081 = tpu.vector_load %arg7[%get3A_1079, %get3A_1080] {strides = array<i32>} : memref<320x128xf32, #tpu.memory_space<vmem>>, vector<1x16xf32>,
        %get3A_1082 = vector.shape_cast %get3A_1081 : vector<1x16xf32> to vector<16xf32>
        %add3A_1083 = arith.addf %add3A_1076, %get3A_1082 : vector<16xf32>
        %add3A_1084 = arith.constant 6 : i32
        %add3A_1085 = arith.addi %mul3A_194, %add3A_1084 : i32
        %get3A_1086 = arith.index_cast %add3A_1085 : i32 to index
        %get3A_1087 = arith.constant 96 : index
        %get3A_1088 = tpu.vector_load %arg7[%get3A_1086, %get3A_1087] {strides = array<i32>} : memref<320x128xf32, #tpu.memory_space<vmem>>, vector<1x16xf32>,
        %get3A_1089 = vector.shape_cast %get3A_1088 : vector<1x16xf32> to vector<16xf32>
        %add3A_1090 = arith.addf %add3A_1083, %get3A_1089 : vector<16xf32>
        %add3A_1091 = arith.constant 7 : i32
        %add3A_1092 = arith.addi %mul3A_194, %add3A_1091 : i32
        %get3A_1093 = arith.index_cast %add3A_1092 : i32 to index
        %get3A_1094 = arith.constant 96 : index
        %get3A_1095 = tpu.vector_load %arg7[%get3A_1093, %get3A_1094] {strides = array<i32>} : memref<320x128xf32, #tpu.memory_space<vmem>>, vector<1x16xf32>,
        %get3A_1096 = vector.shape_cast %get3A_1095 : vector<1x16xf32> to vector<16xf32>
        %add3A_1097 = arith.addf %add3A_1090, %get3A_1096 : vector<16xf32>
        %add3A_1098 = arith.constant 8 : i32
        %add3A_1099 = arith.addi %mul3A_194, %add3A_1098 : i32
        %get3A_1100 = arith.index_cast %add3A_1099 : i32 to index
        %get3A_1101 = arith.constant 96 : index
        %get3A_1102 = tpu.vector_load %arg7[%get3A_1100, %get3A_1101] {strides = array<i32>} : memref<320x128xf32, #tpu.memory_space<vmem>>, vector<1x16xf32>,
        %get3A_1103 = vector.shape_cast %get3A_1102 : vector<1x16xf32> to vector<16xf32>
        %add3A_1104 = arith.addf %add3A_1097, %get3A_1103 : vector<16xf32>
        %add3A_1105 = arith.constant 9 : i32
        %add3A_1106 = arith.addi %mul3A_194, %add3A_1105 : i32
        %get3A_1107 = arith.index_cast %add3A_1106 : i32 to index
        %get3A_1108 = arith.constant 96 : index
        %get3A_1109 = tpu.vector_load %arg7[%get3A_1107, %get3A_1108] {strides = array<i32>} : memref<320x128xf32, #tpu.memory_space<vmem>>, vector<1x16xf32>,
        %get3A_1110 = vector.shape_cast %get3A_1109 : vector<1x16xf32> to vector<16xf32>
        %add3A_1111 = arith.addf %add3A_1104, %get3A_1110 : vector<16xf32>
        %add3A_1112 = arith.constant 10 : i32
        %add3A_1113 = arith.addi %mul3A_194, %add3A_1112 : i32
        %get3A_1114 = arith.index_cast %add3A_1113 : i32 to index
        %get3A_1115 = arith.constant 96 : index
        %get3A_1116 = tpu.vector_load %arg7[%get3A_1114, %get3A_1115] {strides = array<i32>} : memref<320x128xf32, #tpu.memory_space<vmem>>, vector<1x16xf32>,
        %get3A_1117 = vector.shape_cast %get3A_1116 : vector<1x16xf32> to vector<16xf32>
        %add3A_1118 = arith.addf %add3A_1111, %get3A_1117 : vector<16xf32>
        %add3A_1119 = arith.constant 11 : i32
        %add3A_1120 = arith.addi %mul3A_194, %add3A_1119 : i32
        %get3A_1121 = arith.index_cast %add3A_1120 : i32 to index
        %get3A_1122 = arith.constant 96 : index
        %get3A_1123 = tpu.vector_load %arg7[%get3A_1121, %get3A_1122] {strides = array<i32>} : memref<320x128xf32, #tpu.memory_space<vmem>>, vector<1x16xf32>,
        %get3A_1124 = vector.shape_cast %get3A_1123 : vector<1x16xf32> to vector<16xf32>
        %add3A_1125 = arith.addf %add3A_1118, %get3A_1124 : vector<16xf32>
        %add3A_1126 = arith.constant 12 : i32
        %add3A_1127 = arith.addi %mul3A_194, %add3A_1126 : i32
        %get3A_1128 = arith.index_cast %add3A_1127 : i32 to index
        %get3A_1129 = arith.constant 96 : index
        %get3A_1130 = tpu.vector_load %arg7[%get3A_1128, %get3A_1129] {strides = array<i32>} : memref<320x128xf32, #tpu.memory_space<vmem>>, vector<1x16xf32>,
        %get3A_1131 = vector.shape_cast %get3A_1130 : vector<1x16xf32> to vector<16xf32>
        %add3A_1132 = arith.addf %add3A_1125, %get3A_1131 : vector<16xf32>
        %add3A_1133 = arith.constant 13 : i32
        %add3A_1134 = arith.addi %mul3A_194, %add3A_1133 : i32
        %get3A_1135 = arith.index_cast %add3A_1134 : i32 to index
        %get3A_1136 = arith.constant 96 : index
        %get3A_1137 = tpu.vector_load %arg7[%get3A_1135, %get3A_1136] {strides = array<i32>} : memref<320x128xf32, #tpu.memory_space<vmem>>, vector<1x16xf32>,
        %get3A_1138 = vector.shape_cast %get3A_1137 : vector<1x16xf32> to vector<16xf32>
        %add3A_1139 = arith.addf %add3A_1132, %get3A_1138 : vector<16xf32>
        %add3A_1140 = arith.constant 14 : i32
        %add3A_1141 = arith.addi %mul3A_194, %add3A_1140 : i32
        %get3A_1142 = arith.index_cast %add3A_1141 : i32 to index
        %get3A_1143 = arith.constant 96 : index
        %get3A_1144 = tpu.vector_load %arg7[%get3A_1142, %get3A_1143] {strides = array<i32>} : memref<320x128xf32, #tpu.memory_space<vmem>>, vector<1x16xf32>,
        %get3A_1145 = vector.shape_cast %get3A_1144 : vector<1x16xf32> to vector<16xf32>
        %add3A_1146 = arith.addf %add3A_1139, %get3A_1145 : vector<16xf32>
        %add3A_1147 = arith.constant 15 : i32
        %add3A_1148 = arith.addi %mul3A_194, %add3A_1147 : i32
        %get3A_1149 = arith.index_cast %add3A_1148 : i32 to index
        %get3A_1150 = arith.constant 96 : index
        %get3A_1151 = tpu.vector_load %arg7[%get3A_1149, %get3A_1150] {strides = array<i32>} : memref<320x128xf32, #tpu.memory_space<vmem>>, vector<1x16xf32>,
        %get3A_1152 = vector.shape_cast %get3A_1151 : vector<1x16xf32> to vector<16xf32>
        %add3A_1153 = arith.addf %add3A_1146, %get3A_1152 : vector<16xf32>
        %add3A_1154 = arith.constant 16 : i32
        %add3A_1155 = arith.addi %mul3A_194, %add3A_1154 : i32
        %get3A_1156 = arith.index_cast %add3A_1155 : i32 to index
        %get3A_1157 = arith.constant 96 : index
        %get3A_1158 = tpu.vector_load %arg7[%get3A_1156, %get3A_1157] {strides = array<i32>} : memref<320x128xf32, #tpu.memory_space<vmem>>, vector<1x16xf32>,
        %get3A_1159 = vector.shape_cast %get3A_1158 : vector<1x16xf32> to vector<16xf32>
        %add3A_1160 = arith.addf %add3A_1153, %get3A_1159 : vector<16xf32>
        %add3A_1161 = arith.constant 17 : i32
        %add3A_1162 = arith.addi %mul3A_194, %add3A_1161 : i32
        %get3A_1163 = arith.index_cast %add3A_1162 : i32 to index
        %get3A_1164 = arith.constant 96 : index
        %get3A_1165 = tpu.vector_load %arg7[%get3A_1163, %get3A_1164] {strides = array<i32>} : memref<320x128xf32, #tpu.memory_space<vmem>>, vector<1x16xf32>,
        %get3A_1166 = vector.shape_cast %get3A_1165 : vector<1x16xf32> to vector<16xf32>
        %add3A_1167 = arith.addf %add3A_1160, %get3A_1166 : vector<16xf32>
        %add3A_1168 = arith.constant 18 : i32
        %add3A_1169 = arith.addi %mul3A_194, %add3A_1168 : i32
        %get3A_1170 = arith.index_cast %add3A_1169 : i32 to index
        %get3A_1171 = arith.constant 96 : index
        %get3A_1172 = tpu.vector_load %arg7[%get3A_1170, %get3A_1171] {strides = array<i32>} : memref<320x128xf32, #tpu.memory_space<vmem>>, vector<1x16xf32>,
        %get3A_1173 = vector.shape_cast %get3A_1172 : vector<1x16xf32> to vector<16xf32>
        %add3A_1174 = arith.addf %add3A_1167, %get3A_1173 : vector<16xf32>
        %add3A_1175 = arith.constant 19 : i32
        %add3A_1176 = arith.addi %mul3A_194, %add3A_1175 : i32
        %get3A_1177 = arith.index_cast %add3A_1176 : i32 to index
        %get3A_1178 = arith.constant 96 : index
        %get3A_1179 = tpu.vector_load %arg7[%get3A_1177, %get3A_1178] {strides = array<i32>} : memref<320x128xf32, #tpu.memory_space<vmem>>, vector<1x16xf32>,
        %get3A_1180 = vector.shape_cast %get3A_1179 : vector<1x16xf32> to vector<16xf32>
        %add3A_1181 = arith.addf %add3A_1174, %get3A_1180 : vector<16xf32>
        %swap3A_1182 = arith.index_cast %scan3A_192 : i32 to index
        %swap3A_1183 = arith.constant 96 : index
        %swap3A_1184 = tpu.vector_load %arg9[%swap3A_1182, %swap3A_1183] {strides = array<i32>} : memref<16x128xf32, #tpu.memory_space<vmem>>, vector<1x16xf32>,
        %swap3A_1185 = vector.shape_cast %swap3A_1184 : vector<1x16xf32> to vector<16xf32>
        %swap3A_1186 = vector.shape_cast %add3A_1181 : vector<16xf32> to vector<1x16xf32>
        tpu.vector_store %arg9[%swap3A_1182, %swap3A_1183], %swap3A_1186 {strides = array<i32>} : memref<16x128xf32, #tpu.memory_space<vmem>>, vector<1x16xf32>,
        %get3A_1187 = arith.index_cast %mul3A_194 : i32 to index
        %get3A_1188 = arith.constant 112 : index
        %get3A_1189 = tpu.vector_load %arg7[%get3A_1187, %get3A_1188] {strides = array<i32>} : memref<320x128xf32, #tpu.memory_space<vmem>>, vector<1x16xf32>,
        %get3A_1190 = vector.shape_cast %get3A_1189 : vector<1x16xf32> to vector<16xf32>
        %add3A_1191 = arith.constant 1 : i32
        %add3A_1192 = arith.addi %mul3A_194, %add3A_1191 : i32
        %get3A_1193 = arith.index_cast %add3A_1192 : i32 to index
        %get3A_1194 = arith.constant 112 : index
        %get3A_1195 = tpu.vector_load %arg7[%get3A_1193, %get3A_1194] {strides = array<i32>} : memref<320x128xf32, #tpu.memory_space<vmem>>, vector<1x16xf32>,
        %get3A_1196 = vector.shape_cast %get3A_1195 : vector<1x16xf32> to vector<16xf32>
        %add3A_1197 = arith.addf %get3A_1190, %get3A_1196 : vector<16xf32>
        %add3A_1198 = arith.constant 2 : i32
        %add3A_1199 = arith.addi %mul3A_194, %add3A_1198 : i32
        %get3A_1200 = arith.index_cast %add3A_1199 : i32 to index
        %get3A_1201 = arith.constant 112 : index
        %get3A_1202 = tpu.vector_load %arg7[%get3A_1200, %get3A_1201] {strides = array<i32>} : memref<320x128xf32, #tpu.memory_space<vmem>>, vector<1x16xf32>,
        %get3A_1203 = vector.shape_cast %get3A_1202 : vector<1x16xf32> to vector<16xf32>
        %add3A_1204 = arith.addf %add3A_1197, %get3A_1203 : vector<16xf32>
        %add3A_1205 = arith.constant 3 : i32
        %add3A_1206 = arith.addi %mul3A_194, %add3A_1205 : i32
        %get3A_1207 = arith.index_cast %add3A_1206 : i32 to index
        %get3A_1208 = arith.constant 112 : index
        %get3A_1209 = tpu.vector_load %arg7[%get3A_1207, %get3A_1208] {strides = array<i32>} : memref<320x128xf32, #tpu.memory_space<vmem>>, vector<1x16xf32>,
        %get3A_1210 = vector.shape_cast %get3A_1209 : vector<1x16xf32> to vector<16xf32>
        %add3A_1211 = arith.addf %add3A_1204, %get3A_1210 : vector<16xf32>
        %add3A_1212 = arith.constant 4 : i32
        %add3A_1213 = arith.addi %mul3A_194, %add3A_1212 : i32
        %get3A_1214 = arith.index_cast %add3A_1213 : i32 to index
        %get3A_1215 = arith.constant 112 : index
        %get3A_1216 = tpu.vector_load %arg7[%get3A_1214, %get3A_1215] {strides = array<i32>} : memref<320x128xf32, #tpu.memory_space<vmem>>, vector<1x16xf32>,
        %get3A_1217 = vector.shape_cast %get3A_1216 : vector<1x16xf32> to vector<16xf32>
        %add3A_1218 = arith.addf %add3A_1211, %get3A_1217 : vector<16xf32>
        %add3A_1219 = arith.constant 5 : i32
        %add3A_1220 = arith.addi %mul3A_194, %add3A_1219 : i32
        %get3A_1221 = arith.index_cast %add3A_1220 : i32 to index
        %get3A_1222 = arith.constant 112 : index
        %get3A_1223 = tpu.vector_load %arg7[%get3A_1221, %get3A_1222] {strides = array<i32>} : memref<320x128xf32, #tpu.memory_space<vmem>>, vector<1x16xf32>,
        %get3A_1224 = vector.shape_cast %get3A_1223 : vector<1x16xf32> to vector<16xf32>
        %add3A_1225 = arith.addf %add3A_1218, %get3A_1224 : vector<16xf32>
        %add3A_1226 = arith.constant 6 : i32
        %add3A_1227 = arith.addi %mul3A_194, %add3A_1226 : i32
        %get3A_1228 = arith.index_cast %add3A_1227 : i32 to index
        %get3A_1229 = arith.constant 112 : index
        %get3A_1230 = tpu.vector_load %arg7[%get3A_1228, %get3A_1229] {strides = array<i32>} : memref<320x128xf32, #tpu.memory_space<vmem>>, vector<1x16xf32>,
        %get3A_1231 = vector.shape_cast %get3A_1230 : vector<1x16xf32> to vector<16xf32>
        %add3A_1232 = arith.addf %add3A_1225, %get3A_1231 : vector<16xf32>
        %add3A_1233 = arith.constant 7 : i32
        %add3A_1234 = arith.addi %mul3A_194, %add3A_1233 : i32
        %get3A_1235 = arith.index_cast %add3A_1234 : i32 to index
        %get3A_1236 = arith.constant 112 : index
        %get3A_1237 = tpu.vector_load %arg7[%get3A_1235, %get3A_1236] {strides = array<i32>} : memref<320x128xf32, #tpu.memory_space<vmem>>, vector<1x16xf32>,
        %get3A_1238 = vector.shape_cast %get3A_1237 : vector<1x16xf32> to vector<16xf32>
        %add3A_1239 = arith.addf %add3A_1232, %get3A_1238 : vector<16xf32>
        %add3A_1240 = arith.constant 8 : i32
        %add3A_1241 = arith.addi %mul3A_194, %add3A_1240 : i32
        %get3A_1242 = arith.index_cast %add3A_1241 : i32 to index
        %get3A_1243 = arith.constant 112 : index
        %get3A_1244 = tpu.vector_load %arg7[%get3A_1242, %get3A_1243] {strides = array<i32>} : memref<320x128xf32, #tpu.memory_space<vmem>>, vector<1x16xf32>,
        %get3A_1245 = vector.shape_cast %get3A_1244 : vector<1x16xf32> to vector<16xf32>
        %add3A_1246 = arith.addf %add3A_1239, %get3A_1245 : vector<16xf32>
        %add3A_1247 = arith.constant 9 : i32
        %add3A_1248 = arith.addi %mul3A_194, %add3A_1247 : i32
        %get3A_1249 = arith.index_cast %add3A_1248 : i32 to index
        %get3A_1250 = arith.constant 112 : index
        %get3A_1251 = tpu.vector_load %arg7[%get3A_1249, %get3A_1250] {strides = array<i32>} : memref<320x128xf32, #tpu.memory_space<vmem>>, vector<1x16xf32>,
        %get3A_1252 = vector.shape_cast %get3A_1251 : vector<1x16xf32> to vector<16xf32>
        %add3A_1253 = arith.addf %add3A_1246, %get3A_1252 : vector<16xf32>
        %add3A_1254 = arith.constant 10 : i32
        %add3A_1255 = arith.addi %mul3A_194, %add3A_1254 : i32
        %get3A_1256 = arith.index_cast %add3A_1255 : i32 to index
        %get3A_1257 = arith.constant 112 : index
        %get3A_1258 = tpu.vector_load %arg7[%get3A_1256, %get3A_1257] {strides = array<i32>} : memref<320x128xf32, #tpu.memory_space<vmem>>, vector<1x16xf32>,
        %get3A_1259 = vector.shape_cast %get3A_1258 : vector<1x16xf32> to vector<16xf32>
        %add3A_1260 = arith.addf %add3A_1253, %get3A_1259 : vector<16xf32>
        %add3A_1261 = arith.constant 11 : i32
        %add3A_1262 = arith.addi %mul3A_194, %add3A_1261 : i32
        %get3A_1263 = arith.index_cast %add3A_1262 : i32 to index
        %get3A_1264 = arith.constant 112 : index
        %get3A_1265 = tpu.vector_load %arg7[%get3A_1263, %get3A_1264] {strides = array<i32>} : memref<320x128xf32, #tpu.memory_space<vmem>>, vector<1x16xf32>,
        %get3A_1266 = vector.shape_cast %get3A_1265 : vector<1x16xf32> to vector<16xf32>
        %add3A_1267 = arith.addf %add3A_1260, %get3A_1266 : vector<16xf32>
        %add3A_1268 = arith.constant 12 : i32
        %add3A_1269 = arith.addi %mul3A_194, %add3A_1268 : i32
        %get3A_1270 = arith.index_cast %add3A_1269 : i32 to index
        %get3A_1271 = arith.constant 112 : index
        %get3A_1272 = tpu.vector_load %arg7[%get3A_1270, %get3A_1271] {strides = array<i32>} : memref<320x128xf32, #tpu.memory_space<vmem>>, vector<1x16xf32>,
        %get3A_1273 = vector.shape_cast %get3A_1272 : vector<1x16xf32> to vector<16xf32>
        %add3A_1274 = arith.addf %add3A_1267, %get3A_1273 : vector<16xf32>
        %add3A_1275 = arith.constant 13 : i32
        %add3A_1276 = arith.addi %mul3A_194, %add3A_1275 : i32
        %get3A_1277 = arith.index_cast %add3A_1276 : i32 to index
        %get3A_1278 = arith.constant 112 : index
        %get3A_1279 = tpu.vector_load %arg7[%get3A_1277, %get3A_1278] {strides = array<i32>} : memref<320x128xf32, #tpu.memory_space<vmem>>, vector<1x16xf32>,
        %get3A_1280 = vector.shape_cast %get3A_1279 : vector<1x16xf32> to vector<16xf32>
        %add3A_1281 = arith.addf %add3A_1274, %get3A_1280 : vector<16xf32>
        %add3A_1282 = arith.constant 14 : i32
        %add3A_1283 = arith.addi %mul3A_194, %add3A_1282 : i32
        %get3A_1284 = arith.index_cast %add3A_1283 : i32 to index
        %get3A_1285 = arith.constant 112 : index
        %get3A_1286 = tpu.vector_load %arg7[%get3A_1284, %get3A_1285] {strides = array<i32>} : memref<320x128xf32, #tpu.memory_space<vmem>>, vector<1x16xf32>,
        %get3A_1287 = vector.shape_cast %get3A_1286 : vector<1x16xf32> to vector<16xf32>
        %add3A_1288 = arith.addf %add3A_1281, %get3A_1287 : vector<16xf32>
        %add3A_1289 = arith.constant 15 : i32
        %add3A_1290 = arith.addi %mul3A_194, %add3A_1289 : i32
        %get3A_1291 = arith.index_cast %add3A_1290 : i32 to index
        %get3A_1292 = arith.constant 112 : index
        %get3A_1293 = tpu.vector_load %arg7[%get3A_1291, %get3A_1292] {strides = array<i32>} : memref<320x128xf32, #tpu.memory_space<vmem>>, vector<1x16xf32>,
        %get3A_1294 = vector.shape_cast %get3A_1293 : vector<1x16xf32> to vector<16xf32>
        %add3A_1295 = arith.addf %add3A_1288, %get3A_1294 : vector<16xf32>
        %add3A_1296 = arith.constant 16 : i32
        %add3A_1297 = arith.addi %mul3A_194, %add3A_1296 : i32
        %get3A_1298 = arith.index_cast %add3A_1297 : i32 to index
        %get3A_1299 = arith.constant 112 : index
        %get3A_1300 = tpu.vector_load %arg7[%get3A_1298, %get3A_1299] {strides = array<i32>} : memref<320x128xf32, #tpu.memory_space<vmem>>, vector<1x16xf32>,
        %get3A_1301 = vector.shape_cast %get3A_1300 : vector<1x16xf32> to vector<16xf32>
        %add3A_1302 = arith.addf %add3A_1295, %get3A_1301 : vector<16xf32>
        %add3A_1303 = arith.constant 17 : i32
        %add3A_1304 = arith.addi %mul3A_194, %add3A_1303 : i32
        %get3A_1305 = arith.index_cast %add3A_1304 : i32 to index
        %get3A_1306 = arith.constant 112 : index
        %get3A_1307 = tpu.vector_load %arg7[%get3A_1305, %get3A_1306] {strides = array<i32>} : memref<320x128xf32, #tpu.memory_space<vmem>>, vector<1x16xf32>,
        %get3A_1308 = vector.shape_cast %get3A_1307 : vector<1x16xf32> to vector<16xf32>
        %add3A_1309 = arith.addf %add3A_1302, %get3A_1308 : vector<16xf32>
        %add3A_1310 = arith.constant 18 : i32
        %add3A_1311 = arith.addi %mul3A_194, %add3A_1310 : i32
        %get3A_1312 = arith.index_cast %add3A_1311 : i32 to index
        %get3A_1313 = arith.constant 112 : index
        %get3A_1314 = tpu.vector_load %arg7[%get3A_1312, %get3A_1313] {strides = array<i32>} : memref<320x128xf32, #tpu.memory_space<vmem>>, vector<1x16xf32>,
        %get3A_1315 = vector.shape_cast %get3A_1314 : vector<1x16xf32> to vector<16xf32>
        %add3A_1316 = arith.addf %add3A_1309, %get3A_1315 : vector<16xf32>
        %add3A_1317 = arith.constant 19 : i32
        %add3A_1318 = arith.addi %mul3A_194, %add3A_1317 : i32
        %get3A_1319 = arith.index_cast %add3A_1318 : i32 to index
        %get3A_1320 = arith.constant 112 : index
        %get3A_1321 = tpu.vector_load %arg7[%get3A_1319, %get3A_1320] {strides = array<i32>} : memref<320x128xf32, #tpu.memory_space<vmem>>, vector<1x16xf32>,
        %get3A_1322 = vector.shape_cast %get3A_1321 : vector<1x16xf32> to vector<16xf32>
        %add3A_1323 = arith.addf %add3A_1316, %get3A_1322 : vector<16xf32>
        %swap3A_1324 = arith.index_cast %scan3A_192 : i32 to index
        %swap3A_1325 = arith.constant 112 : index
        %swap3A_1326 = tpu.vector_load %arg9[%swap3A_1324, %swap3A_1325] {strides = array<i32>} : memref<16x128xf32, #tpu.memory_space<vmem>>, vector<1x16xf32>,
        %swap3A_1327 = vector.shape_cast %swap3A_1326 : vector<1x16xf32> to vector<16xf32>
        %swap3A_1328 = vector.shape_cast %add3A_1323 : vector<16xf32> to vector<1x16xf32>
        tpu.vector_store %arg9[%swap3A_1324, %swap3A_1325], %swap3A_1328 {strides = array<i32>} : memref<16x128xf32, #tpu.memory_space<vmem>>, vector<1x16xf32>,
      }
      %scan3A_184 = arith.constant 16 : i32
      %mul3A_185 = arith.constant 16 : i32
      %mul3A_186 = arith.muli %add3A_173, %mul3A_185 : i32
      %add3A_187 = arith.addi %select_n3A, %mul3A_186 : i32
      %dma_start3A_188 = arith.constant 0 : i32
      %dma_start3A_189 = tpu.memref_slice %arg4[%add3A_187, %dma_start3A_188] : memref<30208x128xf32, #tpu.memory_space<hbm>> -> memref<16x128xf32, #tpu.memory_space<hbm>>
      %dma_start3A_190 = arith.constant 0 : i32
      %dma_start3A_191 = tpu.memref_slice %arg4[%add3A_187, %dma_start3A_190] : memref<30208x128xf32, #tpu.memory_space<hbm>> -> memref<16x128xf32, #tpu.memory_space<hbm>>
      tpu.enqueue_dma source(%arg9 : memref<16x128xf32, #tpu.memory_space<vmem>>) target(%dma_start3A_191 : memref<16x128xf32, #tpu.memory_space<hbm>>) target_semaphore(%arg13 : memref<!tpu.dma_semaphore, #tpu.memory_space<semaphore_mem>>)
    }
    %dma_wait3A = arith.constant 0 : i32
    %dma_wait3A_62 = arith.constant 0 : i32
    %dma_wait3A_63 = tpu.memref_slice %arg3[%dma_wait3A, %dma_wait3A_62] : memref<100000x128xf32, #tpu.memory_space<hbm>> -> memref<320x128xf32, #tpu.memory_space<hbm>>
    %dma_wait3A_64 = arith.constant 0 : i32
    %dma_wait3A_65 = arith.constant 0 : i32
    %dma_wait3A_66 = tpu.memref_slice %arg3[%dma_wait3A_64, %dma_wait3A_65] : memref<100000x128xf32, #tpu.memory_space<hbm>> -> memref<320x128xf32, #tpu.memory_space<hbm>>
    tpu.wait_dma2 semaphore(%arg10 : memref<!tpu.dma_semaphore, #tpu.memory_space<semaphore_mem>>) src(%dma_wait3A_66 : memref<320x128xf32, #tpu.memory_space<hbm>>) dst(%arg6 : memref<320x128xf32, #tpu.memory_space<vmem>>)
    %dma_wait3A_67 = arith.constant 0 : i32
    %dma_wait3A_68 = tpu.memref_slice %arg4[%select_n3A, %dma_wait3A_67] : memref<30208x128xf32, #tpu.memory_space<hbm>> -> memref<16x128xf32, #tpu.memory_space<hbm>>
    %dma_wait3A_69 = arith.constant 0 : i32
    %dma_wait3A_70 = tpu.memref_slice %arg4[%select_n3A, %dma_wait3A_69] : memref<30208x128xf32, #tpu.memory_space<hbm>> -> memref<16x128xf32, #tpu.memory_space<hbm>>
    tpu.wait_dma2 semaphore(%arg12 : memref<!tpu.dma_semaphore, #tpu.memory_space<semaphore_mem>>) src(%arg8 : memref<16x128xf32, #tpu.memory_space<vmem>>) dst(%dma_wait3A_70 : memref<16x128xf32, #tpu.memory_space<hbm>>)
    %dma_wait3A_71 = arith.constant 0 : i32
    %dma_wait3A_72 = tpu.memref_slice %arg4[%select_n3A, %dma_wait3A_71] : memref<30208x128xf32, #tpu.memory_space<hbm>> -> memref<16x128xf32, #tpu.memory_space<hbm>>
    %dma_wait3A_73 = arith.constant 0 : i32
    %dma_wait3A_74 = tpu.memref_slice %arg4[%select_n3A, %dma_wait3A_73] : memref<30208x128xf32, #tpu.memory_space<hbm>> -> memref<16x128xf32, #tpu.memory_space<hbm>>
    tpu.wait_dma2 semaphore(%arg13 : memref<!tpu.dma_semaphore, #tpu.memory_space<semaphore_mem>>) src(%arg9 : memref<16x128xf32, #tpu.memory_space<vmem>>) dst(%dma_wait3A_74 : memref<16x128xf32, #tpu.memory_space<hbm>>)
    return
  }
}

module attributes {stable_mosaic.version = 14 : i64} {
  func.func @_msg_body(%arg0: i32, %arg1: memref<1024x256xf32, #tpu.memory_space<vmem>>, %arg2: memref<256x128xf32, #tpu.memory_space<vmem>>, %arg3: memref<1x128xf32, #tpu.memory_space<vmem>>, %arg4: memref<1024x128xf32, #tpu.memory_space<vmem>>) attributes {dimension_semantics = [#tpu.dimension_semantics<arbitrary>], iteration_bounds = array<i64: 30>, scalar_prefetch = 0 : i64, scratch_operands = 0 : i64, tpu.core_type = #tpu.core_type<tc>, window_params = [{transform_indices = @transform_0, window_bounds = array<i64: 1024, 256>}, {pipeline_mode = #tpu.pipeline_mode<synchronous>, transform_indices = @transform_1, window_bounds = array<i64: 256, 128>}, {pipeline_mode = #tpu.pipeline_mode<synchronous>, transform_indices = @transform_2, window_bounds = array<i64: 1, 128>}, {transform_indices = @transform_3, window_bounds = array<i64: 1024, 128>}]} {
    %get3A = arith.constant 0 : index
    %get3A_0 = arith.constant 0 : index
    %get3A_1 = vector.load %arg1[%get3A, %get3A_0] : memref<1024x256xf32, #tpu.memory_space<vmem>>, vector<1024x256xf32>
    %get3A_2 = arith.constant 0 : index
    %get3A_3 = arith.constant 0 : index
    %get3A_4 = vector.load %arg2[%get3A_2, %get3A_3] : memref<256x128xf32, #tpu.memory_space<vmem>>, vector<256x128xf32>
    %dot_general3A = arith.constant dense<0.000000e+00> : vector<1024x128xf32>
    %dot_general3A_5 = tpu.matmul %get3A_1, %get3A_4, %dot_general3A {dimension_numbers = #tpu.dot_dimension_numbers<[1], [0], [0], [1], [0, 0, 1, 1], [], []>, transpose_lhs_hint = false} : vector<1024x256xf32>, vector<256x128xf32>, vector<1024x128xf32> -> vector<1024x128xf32>
    %get3A_6 = arith.constant 0 : index
    %get3A_7 = arith.constant 0 : index
    %get3A_8 = vector.load %arg3[%get3A_6, %get3A_7] : memref<1x128xf32, #tpu.memory_space<vmem>>, vector<1x128xf32>
    %add3A = vector.broadcast %get3A_8 : vector<1x128xf32> to vector<1024x128xf32>
    %add3A_9 = arith.addf %dot_general3A_5, %add3A : vector<1024x128xf32>
    %swap3A = arith.constant 0 : index
    %swap3A_10 = arith.constant 0 : index
    %swap3A_11 = vector.load %arg4[%swap3A, %swap3A_10] : memref<1024x128xf32, #tpu.memory_space<vmem>>, vector<1024x128xf32>
    tpu.vector_store %arg4[%swap3A, %swap3A_10], %add3A_9 {strides = array<i32>} : memref<1024x128xf32, #tpu.memory_space<vmem>>, vector<1024x128xf32>,
    return
  }
  func.func @transform_0(%arg0: i32) -> (i32, i32) {
    %c0_i32 = arith.constant 0 : i32
    %c0_i32_0 = arith.constant 0 : i32
    return %arg0, %c0_i32 : i32, i32
  }
  func.func @transform_1(%arg0: i32) -> (i32, i32) {
    %c0_i32 = arith.constant 0 : i32
    %c0_i32_0 = arith.constant 0 : i32
    %c0_i32_1 = arith.constant 0 : i32
    return %c0_i32, %c0_i32_0 : i32, i32
  }
  func.func @transform_2(%arg0: i32) -> (i32, i32) {
    %c0_i32 = arith.constant 0 : i32
    %c0_i32_0 = arith.constant 0 : i32
    %c0_i32_1 = arith.constant 0 : i32
    return %c0_i32, %c0_i32_0 : i32, i32
  }
  func.func @transform_3(%arg0: i32) -> (i32, i32) {
    %c0_i32 = arith.constant 0 : i32
    %c0_i32_0 = arith.constant 0 : i32
    return %arg0, %c0_i32 : i32, i32
  }
}

module attributes {stable_mosaic.version = 14 : i64} {
  func.func @_combine_body(%arg0: i32, %arg1: memref<1024x128xf32, #tpu.memory_space<vmem>>, %arg2: memref<1024x128xf32, #tpu.memory_space<vmem>>, %arg3: memref<128x128xf32, #tpu.memory_space<vmem>>, %arg4: memref<1024x128xf32, #tpu.memory_space<vmem>>) attributes {dimension_semantics = [#tpu.dimension_semantics<arbitrary>], iteration_bounds = array<i64: 30>, scalar_prefetch = 0 : i64, scratch_operands = 0 : i64, tpu.core_type = #tpu.core_type<tc>, window_params = [{transform_indices = @transform_0, window_bounds = array<i64: 1024, 128>}, {transform_indices = @transform_1, window_bounds = array<i64: 1024, 128>}, {pipeline_mode = #tpu.pipeline_mode<synchronous>, transform_indices = @transform_2, window_bounds = array<i64: 128, 128>}, {transform_indices = @transform_3, window_bounds = array<i64: 1024, 128>}]} {
    %get3A = arith.constant 0 : index
    %get3A_0 = arith.constant 0 : index
    %get3A_1 = vector.load %arg1[%get3A, %get3A_0] : memref<1024x128xf32, #tpu.memory_space<vmem>>, vector<1024x128xf32>
    %get3A_2 = arith.constant 0 : index
    %get3A_3 = arith.constant 0 : index
    %get3A_4 = vector.load %arg2[%get3A_2, %get3A_3] : memref<1024x128xf32, #tpu.memory_space<vmem>>, vector<1024x128xf32>
    %get3A_5 = arith.constant 0 : index
    %get3A_6 = arith.constant 0 : index
    %get3A_7 = vector.load %arg3[%get3A_5, %get3A_6] : memref<128x128xf32, #tpu.memory_space<vmem>>, vector<128x128xf32>
    %dot_general3A = arith.constant dense<0.000000e+00> : vector<1024x128xf32>
    %dot_general3A_8 = tpu.matmul %get3A_4, %get3A_7, %dot_general3A {dimension_numbers = #tpu.dot_dimension_numbers<[1], [0], [0], [1], [0, 0, 1, 1], [], []>, transpose_lhs_hint = false} : vector<1024x128xf32>, vector<128x128xf32>, vector<1024x128xf32> -> vector<1024x128xf32>
    %add3A = arith.addf %get3A_1, %dot_general3A_8 : vector<1024x128xf32>
    %max3A = arith.constant 0.000000e+00 : f32
    %max3A_9 = vector.broadcast %max3A : f32 to vector<1024x128xf32>
    %max3A_10 = arith.maximumf %add3A, %max3A_9 : vector<1024x128xf32>
    %swap3A = arith.constant 0 : index
    %swap3A_11 = arith.constant 0 : index
    %swap3A_12 = vector.load %arg4[%swap3A, %swap3A_11] : memref<1024x128xf32, #tpu.memory_space<vmem>>, vector<1024x128xf32>
    tpu.vector_store %arg4[%swap3A, %swap3A_11], %max3A_10 {strides = array<i32>} : memref<1024x128xf32, #tpu.memory_space<vmem>>, vector<1024x128xf32>,
    return
  }
  func.func @transform_0(%arg0: i32) -> (i32, i32) {
    %c0_i32 = arith.constant 0 : i32
    %c0_i32_0 = arith.constant 0 : i32
    return %arg0, %c0_i32 : i32, i32
  }
  func.func @transform_1(%arg0: i32) -> (i32, i32) {
    %c0_i32 = arith.constant 0 : i32
    %c0_i32_0 = arith.constant 0 : i32
    return %arg0, %c0_i32 : i32, i32
  }
  func.func @transform_2(%arg0: i32) -> (i32, i32) {
    %c0_i32 = arith.constant 0 : i32
    %c0_i32_0 = arith.constant 0 : i32
    %c0_i32_1 = arith.constant 0 : i32
    return %c0_i32, %c0_i32_0 : i32, i32
  }
  func.func @transform_3(%arg0: i32) -> (i32, i32) {
    %c0_i32 = arith.constant 0 : i32
    %c0_i32_0 = arith.constant 0 : i32
    return %arg0, %c0_i32 : i32, i32
  }
}

</mosaic_0001>

<sc_bundles>
// kernel: kernel.5.cloned.1.call-start
scs
__scs_entry_jumppad:
0x0: {  	(pc) =	sbr.rel $0x88, $3  }
0x1: {  	(tag) =	ssettag $0x0;
	lr =	simm.s32 $0x1  }
0x2: {  	[smem:$0x3F9A] =	sst lr;
	_ =	strace $0xD0000000  }
0x3: {  	_ = 	snop  }
0x4: {  	_ = 	snop  }
0x5: {  	_ = 	snop  }
0x6: {  	_ = 	snop  }
0x7: {  	_ = 	snop  }
__scs_overlays_trampoline_lowered:
0x8: {  	[smem:$0x3FA9] =	sst s0  }
0x9: {  	[smem:$0x3FAA] =	sst s1  }
0xa: {  	[smem:$0x3FAB] =	sst s2  }
0xb: {  	[smem:$0x3FAC] =	sst s3  }
0xc: {  	[smem:$0x3FAD] =	sst s4  }
0xd: {  	[smem:$0x3FAE] =	sst s5  }
0xe: {  	[smem:$0x3FAF] =	sst s6  }
0xf: {  	[smem:$0x3FB0] =	sst s7  }
0x10: {  	[smem:$0x3FB1] =	sst s8  }
0x11: {  	[smem:$0x3FB2] =	sst s9;
	s0 =	simm.s32 @!p0 $0x0  }
0x12: {  	s1 =	sld [smem:$0x3F98];
	s0 =	simm.s32 @p0 $0x1  }
0x13: {  	[smem:$0x3FB3] =	sst s0;
	s0 =	simm.s32 @!p1 $0x0  }
0x14: {  	s2 =	sld [smem:$0x3F97];
	s0 =	simm.s32 @p1 $0x1  }
0x15: {  	[smem:$0x3FB4] =	sst s0;
	s0 =	simm.s32 @!p2 $0x0  }
0x16: {  	s3 =	sld [smem:$0x3FDB];
	s0 =	simm.s32 @p2 $0x1  }
0x17: {  	s4 =	simm.s32 $0x1BF5;
	[smem:$0x3FB6] =	sst s0  }
0x18: {  	s0 =	sld [smem:$0x3F99];
	_ =	swait.ge [sflag:s4], $0x0  }
0x19: {  	s7 =	sld [smem:$0x3F9A]  }
0x1a: {  	s8 =	sadd.s32 $0xFFFFE003, lr  }
0x1b: {  	s9 =	sadd.s32 $0xFFFFFEF7, lr;
	s5 =	simm.s32 $0xFFFFFFFF;
	p2 =	slt.u32 s8, $0xFFFFF086  }
0x1c: {  	p1 =	slt.u32 s9, $0xF7A;
	s5 =	simm.s32 @!p2 $0x0  }
0x1d: {  	s5 =	simm.s32 @p1 $0x1;
	p0 =	seq.s32 s7, s2  }
0x1e: {  	s7 =	smul.u32 @!p0 $0xF7A, s2;
	p2 =	seq.s32 @!p0 s5, $0x0  }
0x1f: {  	s9 =	smul.u32 $0xF7A, s1;
	s8 =	simm.s32 @!p0 $0x1BF5;
	p2 =	por !p2, p0  }
0x20: {  	[sflag:s8] =	ssyncset.s32 @!p0 $0xFFFFF086;
	s6 =	sadd.s32 @!p0 s3, s7;
	s7 =	simm.s32 @!p0 $0x108  }
0x21: {  	s3 =	sadd.s32 s3, s9;
	s6 =	sadd.s32 @!p0 $0x88, s6;
	s7 =	simm.s32 @p2 $0x1082  }
0x22: {  	[simem:s7], [sflag:s8] =	dma.local @!p0 [hbm:s6], $0xF7A  }
0x23: {  	s9 =	sor.u32 $0xD0000000, s2;
	s6 =	simm.s32 $0x108;
	_ =	swait.ge @!p0 [sflag:s8], $0x0  }
0x24: {  	s3 =	sadd.s32 $0x88, s3;
	s6 =	simm.s32 @!p1 $0x1082;
	[sflag:s4] =	ssyncset.s32 $0xFFFFF086  }
0x25: {  	[simem:s6], [sflag:s4] =	dma.local [hbm:s3], $0xF7A  }
0x26: {  	[smem:$0x3F9A] =	sst s1;
	(tag) =	ssettag s2;
	_ =	strace s9  }
0x27: {  	s1 =	sld [smem:$0x3FAA]  }
0x28: {  	s2 =	sld [smem:$0x3FAB]  }
0x29: {  	s4 =	sld [smem:$0x3FAD]  }
0x2a: {  	p0 =	seq.s32 s5, $0x0;
	s5 =	sld [smem:$0x3FAE]  }
0x2b: {  	s6 =	sld [smem:$0x3FAF]  }
0x2c: {  	s7 =	sld [smem:$0x3FB0]  }
0x2d: {  	s3 =	simm.s32 $0x108;
	s8 =	sld [smem:$0x3FB1]  }
0x2e: {  	s3 =	simm.s32 @!p0 $0x1082;
	s9 =	sld [smem:$0x3FB2]  }
0x2f: {  	lr =	sadd.s32 s0, s3;
	s0 =	sld [smem:$0x3FA9]  }
0x30: {  	s3 =	sld [smem:$0x3FAC]  }
0x31: {  	[smem:$0x3FB5] =	sst s10  }
0x32: {  	s10 =	sld [smem:$0x3FB3];
	_ =	sdelay $0x3  }
0x33: {  	p0 =	seq.s32 s10, $0x1;
	s10 =	sld [smem:$0x3FB5];
	_ =	sdelay $0x3  }
0x34: {  	[smem:$0x3FB5] =	sst s10  }
0x35: {  	s10 =	sld [smem:$0x3FB4];
	_ =	sdelay $0x3  }
0x36: {  	p1 =	seq.s32 s10, $0x1;
	s10 =	sld [smem:$0x3FB5];
	_ =	sdelay $0x3  }
0x37: {  	[smem:$0x3FB5] =	sst s10  }
0x38: {  	s10 =	sld [smem:$0x3FB6]  }
0x39: {  	_ = 	snop;
	(pc) =	sbr.ind lr, $3  }
0x3a: {  	_ = 	snop  }
0x3b: {  	_ = 	snop  }
0x3c: {  	p2 =	seq.s32 s10, $0x1;
	s10 =	sld [smem:$0x3FB5]  }
0x3d: {  	_ =	shalt  }
0x3e: {  	_ =	shalt  }
0x3f: {  	_ =	shalt  }
0x40: {  	_ =	shalt  }
0x41: {  	_ =	shalt  }
0x42: {  	_ =	shalt  }
0x43: {  	_ =	shalt  }
0x44: {  	_ =	shalt  }
0x45: {  	_ =	shalt  }
0x46: {  	_ =	shalt  }
0x47: {  	_ =	shalt  }
0x48: {  	_ =	shalt  }
0x49: {  	_ =	shalt  }
0x4a: {  	_ =	shalt  }
0x4b: {  	_ =	shalt  }
0x4c: {  	_ =	shalt  }
0x4d: {  	_ =	shalt  }
0x4e: {  	_ =	shalt  }
0x4f: {  	_ =	shalt  }
0x50: {  	_ =	shalt  }
0x51: {  	_ =	shalt  }
0x52: {  	_ =	shalt  }
0x53: {  	_ =	shalt  }
0x54: {  	_ =	shalt  }
0x55: {  	_ =	shalt  }
0x56: {  	_ =	shalt  }
0x57: {  	_ =	shalt  }
0x58: {  	_ =	shalt  }
0x59: {  	_ =	shalt  }
0x5a: {  	_ =	shalt  }
0x5b: {  	_ =	shalt  }
0x5c: {  	_ =	shalt  }
0x5d: {  	_ =	shalt  }
0x5e: {  	_ =	shalt  }
0x5f: {  	_ =	shalt  }
0x60: {  	_ =	shalt  }
0x61: {  	_ =	shalt  }
0x62: {  	_ =	shalt  }
0x63: {  	_ =	shalt  }
0x64: {  	_ =	shalt  }
0x65: {  	_ =	shalt  }
0x66: {  	_ =	shalt  }
0x67: {  	_ =	shalt  }
0x68: {  	_ =	shalt  }
0x69: {  	_ =	shalt  }
0x6a: {  	_ =	shalt  }
0x6b: {  	_ =	shalt  }
0x6c: {  	_ =	shalt  }
0x6d: {  	_ =	shalt  }
0x6e: {  	_ =	shalt  }
0x6f: {  	_ =	shalt  }
0x70: {  	_ =	shalt  }
0x71: {  	_ =	shalt  }
0x72: {  	_ =	shalt  }
0x73: {  	_ =	shalt  }
0x74: {  	_ =	shalt  }
0x75: {  	_ =	shalt  }
0x76: {  	_ =	shalt  }
0x77: {  	_ =	shalt  }
0x78: {  	_ =	shalt  }
0x79: {  	_ =	shalt  }
0x7a: {  	_ =	shalt  }
0x7b: {  	_ =	shalt  }
0x7c: {  	_ =	shalt  }
0x7d: {  	_ =	shalt  }
0x7e: {  	_ =	shalt  }
0x7f: {  	_ =	shalt  }
0x80: {  	_ =	shalt  }
0x81: {  	_ =	shalt  }
0x82: {  	_ =	shalt  }
0x83: {  	_ =	shalt  }
0x84: {  	_ =	shalt  }
0x85: {  	_ =	shalt  }
0x86: {  	_ =	shalt  }
0x87: {  	_ =	shalt  }
.Lfunc_end0:
.L_simem_size_0:
called_computation_lowered:
.L_overlay_start_0:
0x88: {  	s2 =	sld [smem:$0x3FD9]  }
0x89: {  	s3 =	sld [smem:$0x3FFE];
	_ =	sdelay $0x1  }
0x8a: {  	s1 =	srdreg.scid  }
0x8b: {  	s0 =	sand.u32 $0x1, s1  }
0x8c: {  	s17 =	sshll.u32 s0, $0xA;
	s2 =	sadd.s32 s3, s2  }
0x8d: {  	s2 =	sadd.s32 s2, s17  }
0x8e: {  	[smem:$0x3FC1] =	sst s2  }
0x8f: {  	_ = 	snop  }
0x90: {  	s2 =	sld [smem:$0x3FC7]  }
0x91: {  	s18 =	sld [smem:$0x3FD0];
	(tm) =	ssettm $0x1  }
0x92: {  	s4 =	sld [smem:$0x3FFB];
	_ =	sdelay $0x3  }
0x93: {  	_ =	strace s4  }
0x94: {  	s4 =	sld [smem:$0x3FFC];
	_ =	sdelay $0x3  }
0x95: {  	_ =	strace s4  }
0x96: {  	s4 =	sld [smem:$0x3FFD];
	_ =	sdelay $0x3  }
0x97: {  	_ =	strace s4  }
0x98: {  	_ =	strace $0x8FFFFFFF  }
0x99: {  	s19 =	sld [smem:$0x3FDB];
	_ =	sdelay $0x1  }
0x9a: {  	s5 =	simm.s32 $_scs_section_size  }
0x9b: {  	s6 =	simm.s32 $_size__tile_overlayer_lowered;
	s7 =	simm.s32 $_tile_overlayer_lowered  }
0x9c: {  	s22 =	simm.s32 $0x1BFF;
	s21 =	sshll.u32 s7, $0x1;
	s4 =	sadd.s32 s5, s19  }
0x9d: {  	s8 =	simm.s32 $0x0;
	s20 =	sshll.u32 s6, $0x1;
	s6 =	sadd.s32 s21, s4  }
0x9e: {  	[timem:s8], [sflag:s22] =	dma.local [hbm:s6], s20  }
0x9f: {  	_ =	swait.ge [sflag:s22], s20  }
0xa0: {  	s5 =	ssub.s32 $0x0, s20;
	[sflag:s22] =	ssyncset.done $0x0  }
0xa1: {  	[sflag:s22] =	ssyncadd.s32 s5;
	_ =	sdelay $0x1  }
0xa2: {  	s23 =	simm.s32 $0x1B8B  }
0xa3: {  	_ =	swait.ge [sflag:s23], $0x1  }
0xa4: {  	[sflag:s23] =	ssyncset.done $0x0  }
0xa5: {  	s25 =	simm.s32 $0x1B8E;
	s24 =	sld [smem:$0x3FFE];
	[sflag:s23] =	ssyncadd.s32 $0xFFFFFFFF  }
0xa6: {  	s26 =	simm.s32 $execute0_lowered;
	[smem:$0x3FD2] =	sst s25  }
0xa7: {  	s6 =	sshll.u32 s26, $0x1;
	_ =	strace $0x80000046;
	[dreg:$0x1] =	wrdreg $0xFFFFFFFF  }
0xa8: {  	s28 =	simm.s32 $_size_execute0_lowered;
	s4 =	sadd.s32 s4, s6;
	[dreg:$0x0] =	wrdreg $0x0  }
0xa9: {  	s6 =	sshll.u32 s28, $0x1;
	[dreg:$0x2] =	wrdreg s4  }
0xaa: {  	[dreg:$0x3] =	wrdreg s6  }
0xab: {  	[dreg:$0x4] =	wrdreg $0xC0  }
0xac: {  	_ =	task [dreg:s8], $0x5FFFF  }
0xad: {  	[dreg:$0x1] =	wrdreg $0xFFFFFFFF  }
0xae: {  	[dreg:$0x0] =	wrdreg $0x60  }
0xaf: {  	[dreg:$0x2] =	wrdreg s18  }
0xb0: {  	[dreg:$0x3] =	wrdreg s2  }
0xb1: {  	[dreg:$0x4] =	wrdreg s24  }
0xb2: {  	[dreg:$0x5] =	wrdreg $0x9  }
0xb3: {  	_ =	task.clear_ibuf [dreg:s8], $0x6FFFF;
	_ =	strace $0x90000046  }
0xb4: {  	s29 =	simm.s32 $0x9;
	_ =	strace $0x80000048  }
0xb5: {  	_ =	swait.ge [sflag:s29], $0x1  }
0xb6: {  	[sflag:s29] =	ssyncadd.s32 $0xFFFFFFFF  }
0xb7: {  	_ =	strace $0x90000048  }
0xb8: {  	_ =	sfence  }
0xb9: {  	s30 =	sld [smem:$0x0];
	_ =	sdelay $0x2  }
0xba: {  	s31 =	sshll.u32 s1, $0xD;
	s1 =	sshrl.u32 s1, $0x2  }
0xbb: {  	s3 =	sand.u32 $0x4000, s31;
	s1 =	sadd.s32 s1, s30  }
0xbc: {  	s0 =	sor.u32 s3, s0;
	s1 =	sshll.u32 s1, $0x11  }
0xbd: {  	s0 =	sor.u32 s1, s0  }
0xbe: {  	s0 =	sadd.s32 $0x8F2B, s0  }
0xbf: {  	[sflag:s0] =	ssyncadd.remote.s32 $0x1  }
0xc0: {  	_ =	sfence.sel $0xFFFF  }
0xc1: {  	[dreg:$0x0] =	wrdreg $0xFFFFFFFF;
	(pc) =	sbr.abs _section_cstart, $3  }
0xc2: {  	[dreg:$0x1] =	wrdreg $0xFFFFFFFF  }
0xc3: {  	_ =	task.clear_ibuf [dreg:s8], $0x2FFFF;
	_ =	strace $0x9FFFFFFF  }
0xc4: {  	(tm) =	ssettm $0x7FFFFFFF  }
0xc5: {  	_ =	shalt  }
tec
execute0_lowered:
.L_overlay_start_1:
0x0: {  	(tag) =	ssettag $0x1  }
0x1: {  	s0 =	rddreg [dreg:$0x0]  }
0x2: {  	s2 =	rddreg [dreg:$0x1]  }
0x3: {  	s1 =	rddreg [dreg:$0x2];
	s8 =	stileid.u32;
	s3 =	simm.s32 $0x0  }
0x4: {  	s4 =	srdreg.scid;
	s12 =	simm.s32 $0x4B00;
	s13 =	simm.s32 $0x8B00  }
0x5: {  	s14 =	simm.s32 $0x40;
	s16 =	simm.s32 $0xCB00;
	s17 =	simm.s32 $0xEB00  }
0x6: {  	s18 =	simm.s32 $0x12B00;
	s19 =	simm.s32 $0x16B00;
	s20 =	simm.s32 $0x1  }
0x7: {  	s21 =	simm.s32 $0x18B00;
	s22 =	simm.s32 $0x2;
	s23 =	simm.s32 $0x19300  }
0x8: {  	s24 =	simm.s32 $0x3;
	s25 =	simm.s32 $0x4;
	s5 =	smul.u32 $0x3C0, s8  }
0x9: {  	s26 =	simm.s32 $0x0;
	[smem:$0x7FF] =	sst s3;
	s11 =	sand.u32 $0x1, s4  }
0xa: {  	s4 =	sadd.s32 $0xC00, s1;
	s6 =	ssub.s32 $0x2, s11;
	s9 =	sadd.s32 $0x3A00, s5  }
0xb: {  	p0 =	seq.s32 s11, $0x0;
	s31 =	sshrl.u32 s6, $0x1;
	s7 =	smul.u32 $0x14, s9  }
0xc: {  	s5 =	simm.s32 $0x3A;
	s1 =	ssub.s32 s6, s31;
	s6 =	smul.u32 $0x3A0, s8  }
0xd: {  	_ =	strace $0x80000047;
	s8 =	smul.u32 $0x910, s8;
	s5 =	simm.s32 @!p0 $0x3C  }
0xe: {  	s10 =	smax.u32 s1, $0x1;
	s7 =	sshrl.u32 s7, $0x3;
	s9 =	smov.u32 @p0 s6  }
0xf: {  	p0 =	sne.s32 s11, $0x0;
	s11 =	simm.s32 $0x80;
	s6 =	sadd.s32 s0, s7  }
0x10: {  	s7 =	sadd.s32 s0, s8;
	s8 =	sshrl.u32 s5, $0x1;
	s9 =	sshll.u32 s9, $0x7  }
.LBB2_1:
0x11: {  	s0 =	simm.s32 @p0 $0x0  }
0x12: {  	[tilespmem:s0], [sflag:$0x5] =	stream.linear.gather @p0 [hbm4b:s6+s0], $0x4B00, $0x38;
	[tilespmem:$0x19B00] =	vst v63  }
0x13: {  	s0 =	simm.s32 @p0 $0x5  }
0x14: {  	_ =	swait.ge @p0 [sflag:s0], $0x4B00  }
0x15: {  	[sflag:s0] =	ssyncset.done @p0 $0x0  }
0x16: {  	[sflag:s0] =	ssyncadd.s32 @p0 $0xFFFFB500;
	s0 =	simm.s32 @!p0 $0x0  }
0x17: {  	[tilespmem:s0], [sflag:$0x5] =	stream.linear.gather @!p0 [hbm4b:s7+s0], $0x4880, $0x38;
	[tilespmem:$0x19B00] =	vst v63  }
0x18: {  	s0 =	simm.s32 @!p0 $0x5  }
0x19: {  	_ =	swait.ge @!p0 [sflag:s0], $0x4880  }
0x1a: {  	[sflag:s0] =	ssyncset.done @!p0 $0x0  }
0x1b: {  	[sflag:s0] =	ssyncadd.s32 @!p0 $0xFFFFB780  }
0x1c: {  	[tilespmem:s12], [sflag:$0x1] =	stream.indirect.gather [hbm4b:s2+s11], $0x80, s3, s11, $0xb8;
	[tilespmem:$0x19B00] =	vst v63  }
0x1d: {  	_ = 	snop  }
0x1e: {  	[tilespmem:s13], [sflag:$0x1] =	stream.indirect.gather [hbm4b:s2+s11], $0x80, s11, s11, $0xb8;
	[tilespmem:$0x19B00] =	vst v63  }
0x1f: {  	s31 =	simm.s32 $0x100;
	s28 =	simm.s32 $0x0  }
0x20: {  	[tilespmem:s16], [sflag:$0x1] =	stream.indirect.gather [hbm4b:s2+s14], $0x80, s31, s14, $0xb8;
	[tilespmem:$0x19B00] =	vst v63  }
.LBB2_2:
0x21: {  	s29 =	sshllo.u32 s28, $0x1  }
0x22: {  	s0 =	smul.u32 $0x500, s29;
	_ =	sdelay $0x1  }
0x23: {  	s0 =	sshra.s32 s0, $0x2  }
0x24: {  	[tilespmem:s17], [sflag:$0x2] =	stream.indirect.gather [hbm4b:s2+s11], $0x80, s0, s11, $0xb8;
	[tilespmem:$0x19B00] =	vst v63  }
0x25: {  	s1 =	sadd.s32 $0x80, s0  }
0x26: {  	[tilespmem:s18], [sflag:$0x2] =	stream.indirect.gather [hbm4b:s2+s11], $0x80, s1, s11, $0xb8;
	[tilespmem:$0x19B00] =	vst v63  }
0x27: {  	s0 =	sadd.s32 $0x100, s0  }
0x28: {  	[tilespmem:s19], [sflag:$0x2] =	stream.indirect.gather [hbm4b:s2+s14], $0x80, s0, s14, $0xb8;
	[tilespmem:$0x19B00] =	vst v63  }
0x29: {  	_ =	swait.ge [sflag:s20], $0xA000  }
0x2a: {  	p1 =	seq.s32 s28, $0x0;
	[sflag:s20] =	ssyncset.done $0x0  }
0x2b: {  	s0 =	simm.s32 @!p1 $0x3;
	[sflag:s20] =	ssyncadd.s32 $0xFFFF6000  }
0x2c: {  	_ =	swait.ge @!p1 [sflag:s0], $0x800  }
0x2d: {  	[sflag:s0] =	ssyncset.done @!p1 $0x0  }
0x2e: {  	s30 =	simm.s32 $0x5000;
	[sflag:s0] =	ssyncadd.s32 @!p1 $0xFFFFF800  }
0x2f: {  	v0 =	vld [tilespmem:s30+$0xFFFFFB80]  }
0x30: {  	v1 =	vld [tilespmem:s30+$0xFFFFFB00];
	_ =	sdelay $0x1  }
0x31: {  	v2 =	vld [tilespmem:s30+$0xFFFFFC00];
	_ =	sdelay $0x1  }
0x32: {  	v3 =	vld [tilespmem:s30+$0xFFFFFC80]  }
0x33: {  	v0 =	vadd.f32 v0, v1  }
0x34: {  	v1 =	vld [tilespmem:s30+$0xFFFFFD00]  }
0x35: {  	v0 =	vadd.f32 v2, v0  }
0x36: {  	v2 =	vld [tilespmem:s30+$0xFFFFFD80]  }
0x37: {  	v0 =	vadd.f32 v3, v0  }
0x38: {  	v3 =	vld [tilespmem:s30+$0xFFFFFE00]  }
0x39: {  	v0 =	vadd.f32 v1, v0  }
0x3a: {  	v1 =	vld [tilespmem:s30+$0xFFFFFE80]  }
0x3b: {  	v0 =	vadd.f32 v2, v0  }
0x3c: {  	v2 =	vld [tilespmem:s30+$0xFFFFFF00]  }
0x3d: {  	v0 =	vadd.f32 v3, v0  }
0x3e: {  	v3 =	vld [tilespmem:s30+$0xFFFFFF80]  }
0x3f: {  	v0 =	vadd.f32 v1, v0  }
0x40: {  	v1 =	vld [tilespmem:s30+$0x0]  }
0x41: {  	v0 =	vadd.f32 v2, v0  }
0x42: {  	v2 =	vld [tilespmem:s30+$0x80]  }
0x43: {  	v0 =	vadd.f32 v3, v0  }
0x44: {  	v3 =	vld [tilespmem:s30+$0x100]  }
0x45: {  	v0 =	vadd.f32 v1, v0  }
0x46: {  	v1 =	vld [tilespmem:s30+$0x180]  }
0x47: {  	v0 =	vadd.f32 v2, v0  }
0x48: {  	v2 =	vld [tilespmem:s30+$0x200]  }
0x49: {  	v0 =	vadd.f32 v3, v0  }
0x4a: {  	v3 =	vld [tilespmem:s30+$0x280]  }
0x4b: {  	v0 =	vadd.f32 v1, v0  }
0x4c: {  	v1 =	vld [tilespmem:s30+$0x300]  }
0x4d: {  	v0 =	vadd.f32 v2, v0  }
0x4e: {  	v2 =	vld [tilespmem:s30+$0x380]  }
0x4f: {  	v0 =	vadd.f32 v3, v0  }
0x50: {  	v3 =	vld [tilespmem:s30+$0x400]  }
0x51: {  	v0 =	vadd.f32 v1, v0  }
0x52: {  	v1 =	vld [tilespmem:s30+$0x480]  }
0x53: {  	v0 =	vadd.f32 v2, v0;
	_ =	sdelay $0x1  }
0x54: {  	v0 =	vadd.f32 v3, v0;
	_ =	sdelay $0x1  }
0x55: {  	v0 =	vadd.f32 v1, v0  }
0x56: {  	s31 =	simm.s32 $0x0  }
0x57: {  	[tilespmem:s31+$0x18B00] =	vst v0  }
0x58: {  	v0 =	vld [tilespmem:s30+$0xFFFFFB10]  }
0x59: {  	v1 =	vld [tilespmem:s30+$0xFFFFFB90];
	_ =	sdelay $0x1  }
0x5a: {  	v2 =	vld [tilespmem:s30+$0xFFFFFC10];
	_ =	sdelay $0x1  }
0x5b: {  	v3 =	vld [tilespmem:s30+$0xFFFFFC90]  }
0x5c: {  	v0 =	vadd.f32 v1, v0  }
0x5d: {  	v1 =	vld [tilespmem:s30+$0xFFFFFD10]  }
0x5e: {  	v0 =	vadd.f32 v2, v0  }
0x5f: {  	v2 =	vld [tilespmem:s30+$0xFFFFFD90]  }
0x60: {  	v0 =	vadd.f32 v3, v0  }
0x61: {  	v3 =	vld [tilespmem:s30+$0xFFFFFE10]  }
0x62: {  	v0 =	vadd.f32 v1, v0  }
0x63: {  	v1 =	vld [tilespmem:s30+$0xFFFFFE90]  }
0x64: {  	v0 =	vadd.f32 v2, v0  }
0x65: {  	v2 =	vld [tilespmem:s30+$0xFFFFFF10]  }
0x66: {  	v0 =	vadd.f32 v3, v0  }
0x67: {  	v3 =	vld [tilespmem:s30+$0xFFFFFF90]  }
0x68: {  	v0 =	vadd.f32 v1, v0  }
0x69: {  	v1 =	vld [tilespmem:s30+$0x10]  }
0x6a: {  	v0 =	vadd.f32 v2, v0  }
0x6b: {  	v2 =	vld [tilespmem:s30+$0x90]  }
0x6c: {  	v0 =	vadd.f32 v3, v0  }
0x6d: {  	v3 =	vld [tilespmem:s30+$0x110]  }
0x6e: {  	v0 =	vadd.f32 v1, v0  }
0x6f: {  	v1 =	vld [tilespmem:s30+$0x190]  }
0x70: {  	v0 =	vadd.f32 v2, v0  }
0x71: {  	v2 =	vld [tilespmem:s30+$0x210]  }
0x72: {  	v0 =	vadd.f32 v3, v0  }
0x73: {  	v3 =	vld [tilespmem:s30+$0x290]  }
0x74: {  	v0 =	vadd.f32 v1, v0  }
0x75: {  	v1 =	vld [tilespmem:s30+$0x310]  }
0x76: {  	v0 =	vadd.f32 v2, v0  }
0x77: {  	v2 =	vld [tilespmem:s30+$0x390]  }
0x78: {  	v0 =	vadd.f32 v3, v0  }
0x79: {  	v3 =	vld [tilespmem:s30+$0x410]  }
0x7a: {  	v0 =	vadd.f32 v1, v0  }
0x7b: {  	v1 =	vld [tilespmem:s30+$0x490]  }
0x7c: {  	v0 =	vadd.f32 v2, v0;
	_ =	sdelay $0x1  }
0x7d: {  	v0 =	vadd.f32 v3, v0;
	_ =	sdelay $0x1  }
0x7e: {  	v0 =	vadd.f32 v1, v0;
	_ =	sdelay $0x1  }
0x7f: {  	[tilespmem:s31+$0x18B10] =	vst v0  }
0x80: {  	v0 =	vld [tilespmem:s30+$0xFFFFFB20]  }
0x81: {  	v1 =	vld [tilespmem:s30+$0xFFFFFBA0];
	_ =	sdelay $0x1  }
0x82: {  	v2 =	vld [tilespmem:s30+$0xFFFFFC20];
	_ =	sdelay $0x1  }
0x83: {  	v3 =	vld [tilespmem:s30+$0xFFFFFCA0]  }
0x84: {  	v0 =	vadd.f32 v1, v0  }
0x85: {  	v1 =	vld [tilespmem:s30+$0xFFFFFD20]  }
0x86: {  	v0 =	vadd.f32 v2, v0  }
0x87: {  	v2 =	vld [tilespmem:s30+$0xFFFFFDA0]  }
0x88: {  	v0 =	vadd.f32 v3, v0  }
0x89: {  	v3 =	vld [tilespmem:s30+$0xFFFFFE20]  }
0x8a: {  	v0 =	vadd.f32 v1, v0  }
0x8b: {  	v1 =	vld [tilespmem:s30+$0xFFFFFEA0]  }
0x8c: {  	v0 =	vadd.f32 v2, v0  }
0x8d: {  	v2 =	vld [tilespmem:s30+$0xFFFFFF20]  }
0x8e: {  	v0 =	vadd.f32 v3, v0  }
0x8f: {  	v3 =	vld [tilespmem:s30+$0xFFFFFFA0]  }
0x90: {  	v0 =	vadd.f32 v1, v0  }
0x91: {  	v1 =	vld [tilespmem:s30+$0x20]  }
0x92: {  	v0 =	vadd.f32 v2, v0  }
0x93: {  	v2 =	vld [tilespmem:s30+$0xA0]  }
0x94: {  	v0 =	vadd.f32 v3, v0  }
0x95: {  	v3 =	vld [tilespmem:s30+$0x120]  }
0x96: {  	v0 =	vadd.f32 v1, v0  }
0x97: {  	v1 =	vld [tilespmem:s30+$0x1A0]  }
0x98: {  	v0 =	vadd.f32 v2, v0  }
0x99: {  	v2 =	vld [tilespmem:s30+$0x220]  }
0x9a: {  	v0 =	vadd.f32 v3, v0  }
0x9b: {  	v3 =	vld [tilespmem:s30+$0x2A0]  }
0x9c: {  	v0 =	vadd.f32 v1, v0  }
0x9d: {  	v1 =	vld [tilespmem:s30+$0x320]  }
0x9e: {  	v0 =	vadd.f32 v2, v0  }
0x9f: {  	v2 =	vld [tilespmem:s30+$0x3A0]  }
0xa0: {  	v0 =	vadd.f32 v3, v0  }
0xa1: {  	v3 =	vld [tilespmem:s30+$0x420]  }
0xa2: {  	v0 =	vadd.f32 v1, v0  }
0xa3: {  	v1 =	vld [tilespmem:s30+$0x4A0]  }
0xa4: {  	v0 =	vadd.f32 v2, v0;
	_ =	sdelay $0x1  }
0xa5: {  	v0 =	vadd.f32 v3, v0;
	_ =	sdelay $0x1  }
0xa6: {  	v0 =	vadd.f32 v1, v0;
	_ =	sdelay $0x1  }
0xa7: {  	[tilespmem:s31+$0x18B20] =	vst v0  }
0xa8: {  	v0 =	vld [tilespmem:s30+$0xFFFFFB30]  }
0xa9: {  	v1 =	vld [tilespmem:s30+$0xFFFFFBB0];
	_ =	sdelay $0x1  }
0xaa: {  	v2 =	vld [tilespmem:s30+$0xFFFFFC30];
	_ =	sdelay $0x1  }
0xab: {  	v3 =	vld [tilespmem:s30+$0xFFFFFCB0]  }
0xac: {  	v0 =	vadd.f32 v1, v0  }
0xad: {  	v1 =	vld [tilespmem:s30+$0xFFFFFD30]  }
0xae: {  	v0 =	vadd.f32 v2, v0  }
0xaf: {  	v2 =	vld [tilespmem:s30+$0xFFFFFDB0]  }
0xb0: {  	v0 =	vadd.f32 v3, v0  }
0xb1: {  	v3 =	vld [tilespmem:s30+$0xFFFFFE30]  }
0xb2: {  	v0 =	vadd.f32 v1, v0  }
0xb3: {  	v1 =	vld [tilespmem:s30+$0xFFFFFEB0]  }
0xb4: {  	v0 =	vadd.f32 v2, v0  }
0xb5: {  	v2 =	vld [tilespmem:s30+$0xFFFFFF30]  }
0xb6: {  	v0 =	vadd.f32 v3, v0  }
0xb7: {  	v3 =	vld [tilespmem:s30+$0xFFFFFFB0]  }
0xb8: {  	v0 =	vadd.f32 v1, v0  }
0xb9: {  	v1 =	vld [tilespmem:s30+$0x30]  }
0xba: {  	v0 =	vadd.f32 v2, v0  }
0xbb: {  	v2 =	vld [tilespmem:s30+$0xB0]  }
0xbc: {  	v0 =	vadd.f32 v3, v0  }
0xbd: {  	v3 =	vld [tilespmem:s30+$0x130]  }
0xbe: {  	v0 =	vadd.f32 v1, v0  }
0xbf: {  	v1 =	vld [tilespmem:s30+$0x1B0]  }
0xc0: {  	v0 =	vadd.f32 v2, v0  }
0xc1: {  	v2 =	vld [tilespmem:s30+$0x230]  }
0xc2: {  	v0 =	vadd.f32 v3, v0  }
0xc3: {  	v3 =	vld [tilespmem:s30+$0x2B0]  }
0xc4: {  	v0 =	vadd.f32 v1, v0  }
0xc5: {  	v1 =	vld [tilespmem:s30+$0x330]  }
0xc6: {  	v0 =	vadd.f32 v2, v0  }
0xc7: {  	v2 =	vld [tilespmem:s30+$0x3B0]  }
0xc8: {  	v0 =	vadd.f32 v3, v0  }
0xc9: {  	v3 =	vld [tilespmem:s30+$0x430]  }
0xca: {  	v0 =	vadd.f32 v1, v0  }
0xcb: {  	v1 =	vld [tilespmem:s30+$0x4B0]  }
0xcc: {  	v0 =	vadd.f32 v2, v0;
	_ =	sdelay $0x1  }
0xcd: {  	v0 =	vadd.f32 v3, v0;
	_ =	sdelay $0x1  }
0xce: {  	v0 =	vadd.f32 v1, v0;
	_ =	sdelay $0x1  }
0xcf: {  	[tilespmem:s31+$0x18B30] =	vst v0  }
0xd0: {  	v0 =	vld [tilespmem:s30+$0xFFFFFB40]  }
0xd1: {  	v1 =	vld [tilespmem:s30+$0xFFFFFBC0];
	_ =	sdelay $0x1  }
0xd2: {  	v2 =	vld [tilespmem:s30+$0xFFFFFC40];
	_ =	sdelay $0x1  }
0xd3: {  	v3 =	vld [tilespmem:s30+$0xFFFFFCC0]  }
0xd4: {  	v0 =	vadd.f32 v1, v0  }
0xd5: {  	v1 =	vld [tilespmem:s30+$0xFFFFFD40]  }
0xd6: {  	v0 =	vadd.f32 v2, v0  }
0xd7: {  	v2 =	vld [tilespmem:s30+$0xFFFFFDC0]  }
0xd8: {  	v0 =	vadd.f32 v3, v0  }
0xd9: {  	v3 =	vld [tilespmem:s30+$0xFFFFFE40]  }
0xda: {  	v0 =	vadd.f32 v1, v0  }
0xdb: {  	v1 =	vld [tilespmem:s30+$0xFFFFFEC0]  }
0xdc: {  	v0 =	vadd.f32 v2, v0  }
0xdd: {  	v2 =	vld [tilespmem:s30+$0xFFFFFF40]  }
0xde: {  	v0 =	vadd.f32 v3, v0  }
0xdf: {  	v3 =	vld [tilespmem:s30+$0xFFFFFFC0]  }
0xe0: {  	v0 =	vadd.f32 v1, v0  }
0xe1: {  	v1 =	vld [tilespmem:s30+$0x40]  }
0xe2: {  	v0 =	vadd.f32 v2, v0  }
0xe3: {  	v2 =	vld [tilespmem:s30+$0xC0]  }
0xe4: {  	v0 =	vadd.f32 v3, v0  }
0xe5: {  	v3 =	vld [tilespmem:s30+$0x140]  }
0xe6: {  	v0 =	vadd.f32 v1, v0  }
0xe7: {  	v1 =	vld [tilespmem:s30+$0x1C0]  }
0xe8: {  	v0 =	vadd.f32 v2, v0  }
0xe9: {  	v2 =	vld [tilespmem:s30+$0x240]  }
0xea: {  	v0 =	vadd.f32 v3, v0  }
0xeb: {  	v3 =	vld [tilespmem:s30+$0x2C0]  }
0xec: {  	v0 =	vadd.f32 v1, v0  }
0xed: {  	v1 =	vld [tilespmem:s30+$0x340]  }
0xee: {  	v0 =	vadd.f32 v2, v0  }
0xef: {  	v2 =	vld [tilespmem:s30+$0x3C0]  }
0xf0: {  	v0 =	vadd.f32 v3, v0  }
0xf1: {  	v3 =	vld [tilespmem:s30+$0x440]  }
0xf2: {  	v0 =	vadd.f32 v1, v0  }
0xf3: {  	v1 =	vld [tilespmem:s30+$0x4C0]  }
0xf4: {  	v0 =	vadd.f32 v2, v0;
	_ =	sdelay $0x1  }
0xf5: {  	v0 =	vadd.f32 v3, v0;
	_ =	sdelay $0x1  }
0xf6: {  	v0 =	vadd.f32 v1, v0;
	_ =	sdelay $0x1  }
0xf7: {  	[tilespmem:s31+$0x18B40] =	vst v0  }
0xf8: {  	v0 =	vld [tilespmem:s30+$0xFFFFFB50]  }
0xf9: {  	v1 =	vld [tilespmem:s30+$0xFFFFFBD0];
	_ =	sdelay $0x1  }
0xfa: {  	v2 =	vld [tilespmem:s30+$0xFFFFFC50];
	_ =	sdelay $0x1  }
0xfb: {  	v3 =	vld [tilespmem:s30+$0xFFFFFCD0]  }
0xfc: {  	v0 =	vadd.f32 v1, v0  }
0xfd: {  	v1 =	vld [tilespmem:s30+$0xFFFFFD50]  }
0xfe: {  	v0 =	vadd.f32 v2, v0  }
0xff: {  	v2 =	vld [tilespmem:s30+$0xFFFFFDD0]  }
0x100: {  	v0 =	vadd.f32 v3, v0  }
0x101: {  	v3 =	vld [tilespmem:s30+$0xFFFFFE50]  }
0x102: {  	v0 =	vadd.f32 v1, v0  }
0x103: {  	v1 =	vld [tilespmem:s30+$0xFFFFFED0]  }
0x104: {  	v0 =	vadd.f32 v2, v0  }
0x105: {  	v2 =	vld [tilespmem:s30+$0xFFFFFF50]  }
0x106: {  	v0 =	vadd.f32 v3, v0  }
0x107: {  	v3 =	vld [tilespmem:s30+$0xFFFFFFD0]  }
0x108: {  	v0 =	vadd.f32 v1, v0  }
0x109: {  	v1 =	vld [tilespmem:s30+$0x50]  }
0x10a: {  	v0 =	vadd.f32 v2, v0  }
0x10b: {  	v2 =	vld [tilespmem:s30+$0xD0]  }
0x10c: {  	v0 =	vadd.f32 v3, v0  }
0x10d: {  	v3 =	vld [tilespmem:s30+$0x150]  }
0x10e: {  	v0 =	vadd.f32 v1, v0  }
0x10f: {  	v1 =	vld [tilespmem:s30+$0x1D0]  }
0x110: {  	v0 =	vadd.f32 v2, v0  }
0x111: {  	v2 =	vld [tilespmem:s30+$0x250]  }
0x112: {  	v0 =	vadd.f32 v3, v0  }
0x113: {  	v3 =	vld [tilespmem:s30+$0x2D0]  }
0x114: {  	v0 =	vadd.f32 v1, v0  }
0x115: {  	v1 =	vld [tilespmem:s30+$0x350]  }
0x116: {  	v0 =	vadd.f32 v2, v0  }
0x117: {  	v2 =	vld [tilespmem:s30+$0x3D0]  }
0x118: {  	v0 =	vadd.f32 v3, v0  }
0x119: {  	v3 =	vld [tilespmem:s30+$0x450]  }
0x11a: {  	v0 =	vadd.f32 v1, v0  }
0x11b: {  	v1 =	vld [tilespmem:s30+$0x4D0]  }
0x11c: {  	v0 =	vadd.f32 v2, v0;
	_ =	sdelay $0x1  }
0x11d: {  	v0 =	vadd.f32 v3, v0;
	_ =	sdelay $0x1  }
0x11e: {  	v0 =	vadd.f32 v1, v0;
	_ =	sdelay $0x1  }
0x11f: {  	[tilespmem:s31+$0x18B50] =	vst v0  }
0x120: {  	v0 =	vld [tilespmem:s30+$0xFFFFFB60]  }
0x121: {  	v1 =	vld [tilespmem:s30+$0xFFFFFBE0];
	_ =	sdelay $0x1  }
0x122: {  	v2 =	vld [tilespmem:s30+$0xFFFFFC60];
	_ =	sdelay $0x1  }
0x123: {  	v3 =	vld [tilespmem:s30+$0xFFFFFCE0]  }
0x124: {  	v0 =	vadd.f32 v1, v0  }
0x125: {  	v1 =	vld [tilespmem:s30+$0xFFFFFD60]  }
0x126: {  	v0 =	vadd.f32 v2, v0  }
0x127: {  	v2 =	vld [tilespmem:s30+$0xFFFFFDE0]  }
0x128: {  	v0 =	vadd.f32 v3, v0  }
0x129: {  	v3 =	vld [tilespmem:s30+$0xFFFFFE60]  }
0x12a: {  	v0 =	vadd.f32 v1, v0  }
0x12b: {  	v1 =	vld [tilespmem:s30+$0xFFFFFEE0]  }
0x12c: {  	v0 =	vadd.f32 v2, v0  }
0x12d: {  	v2 =	vld [tilespmem:s30+$0xFFFFFF60]  }
0x12e: {  	v0 =	vadd.f32 v3, v0  }
0x12f: {  	v3 =	vld [tilespmem:s30+$0xFFFFFFE0]  }
0x130: {  	v0 =	vadd.f32 v1, v0  }
0x131: {  	v1 =	vld [tilespmem:s30+$0x60]  }
0x132: {  	v0 =	vadd.f32 v2, v0  }
0x133: {  	v2 =	vld [tilespmem:s30+$0xE0]  }
0x134: {  	v0 =	vadd.f32 v3, v0  }
0x135: {  	v3 =	vld [tilespmem:s30+$0x160]  }
0x136: {  	v0 =	vadd.f32 v1, v0  }
0x137: {  	v1 =	vld [tilespmem:s30+$0x1E0]  }
0x138: {  	v0 =	vadd.f32 v2, v0  }
0x139: {  	v2 =	vld [tilespmem:s30+$0x260]  }
0x13a: {  	v0 =	vadd.f32 v3, v0  }
0x13b: {  	v3 =	vld [tilespmem:s30+$0x2E0]  }
0x13c: {  	v0 =	vadd.f32 v1, v0  }
0x13d: {  	v1 =	vld [tilespmem:s30+$0x360]  }
0x13e: {  	v0 =	vadd.f32 v2, v0  }
0x13f: {  	v2 =	vld [tilespmem:s30+$0x3E0]  }
0x140: {  	v0 =	vadd.f32 v3, v0  }
0x141: {  	v3 =	vld [tilespmem:s30+$0x460]  }
0x142: {  	v0 =	vadd.f32 v1, v0  }
0x143: {  	v1 =	vld [tilespmem:s30+$0x4E0]  }
0x144: {  	v0 =	vadd.f32 v2, v0;
	_ =	sdelay $0x1  }
0x145: {  	v0 =	vadd.f32 v3, v0;
	_ =	sdelay $0x1  }
0x146: {  	v0 =	vadd.f32 v1, v0;
	_ =	sdelay $0x1  }
0x147: {  	[tilespmem:s31+$0x18B60] =	vst v0  }
0x148: {  	v0 =	vld [tilespmem:s30+$0xFFFFFB70]  }
0x149: {  	v1 =	vld [tilespmem:s30+$0xFFFFFBF0];
	_ =	sdelay $0x1  }
0x14a: {  	v2 =	vld [tilespmem:s30+$0xFFFFFC70];
	_ =	sdelay $0x1  }
0x14b: {  	v3 =	vld [tilespmem:s30+$0xFFFFFCF0]  }
0x14c: {  	v0 =	vadd.f32 v1, v0  }
0x14d: {  	v1 =	vld [tilespmem:s30+$0xFFFFFD70]  }
0x14e: {  	v0 =	vadd.f32 v2, v0  }
0x14f: {  	v2 =	vld [tilespmem:s30+$0xFFFFFDF0]  }
0x150: {  	v0 =	vadd.f32 v3, v0  }
0x151: {  	v3 =	vld [tilespmem:s30+$0xFFFFFE70]  }
0x152: {  	v0 =	vadd.f32 v1, v0  }
0x153: {  	v1 =	vld [tilespmem:s30+$0xFFFFFEF0]  }
0x154: {  	v0 =	vadd.f32 v2, v0  }
0x155: {  	v2 =	vld [tilespmem:s30+$0xFFFFFF70]  }
0x156: {  	v0 =	vadd.f32 v3, v0  }
0x157: {  	v3 =	vld [tilespmem:s30+$0xFFFFFFF0]  }
0x158: {  	v0 =	vadd.f32 v1, v0  }
0x159: {  	v1 =	vld [tilespmem:s30+$0x70]  }
0x15a: {  	v0 =	vadd.f32 v2, v0  }
0x15b: {  	v2 =	vld [tilespmem:s30+$0xF0]  }
0x15c: {  	v0 =	vadd.f32 v3, v0  }
0x15d: {  	v3 =	vld [tilespmem:s30+$0x170]  }
0x15e: {  	v0 =	vadd.f32 v1, v0  }
0x15f: {  	v1 =	vld [tilespmem:s30+$0x1F0]  }
0x160: {  	v0 =	vadd.f32 v2, v0  }
0x161: {  	v2 =	vld [tilespmem:s30+$0x270]  }
0x162: {  	v0 =	vadd.f32 v3, v0  }
0x163: {  	v4 =	vld [tilespmem:s30+$0x2F0]  }
0x164: {  	v1 =	vadd.f32 v1, v0  }
0x165: {  	v3 =	vld [tilespmem:s30+$0x370]  }
0x166: {  	v0 =	vld [tilespmem:s30+$0x3F0];
	v5 =	vadd.f32 v2, v1  }
0x167: {  	v1 =	vld [tilespmem:s30+$0x470]  }
0x168: {  	s1 =	simm.s32 $0x200;
	s0 =	sshll.u32 s28, $0x1;
	v2 =	vld [tilespmem:s30+$0x4F0];
	v4 =	vadd.f32 v4, v5  }
.LBB2_3:
0x169: {  	p2 =	sne.s32 s1, $0x1E00  }
0x16a: {  	s30 =	sadd.s32 $0xA00, s30;
	s15 =	smov.u32 s1;
	s1 =	sadd.s32 $0x200, s1;
	v3 =	vadd.f32 v3, v4  }
0x16b: {  	_ = 	snop  }
0x16c: {  	v0 =	vadd.f32 v0, v3;
	_ =	sdelay $0x1  }
0x16d: {  	v0 =	vadd.f32 v1, v0;
	_ =	sdelay $0x1  }
0x16e: {  	v0 =	vadd.f32 v2, v0;
	_ =	sdelay $0x1  }
0x16f: {  	[tilespmem:s31+$0x18B70] =	vst v0  }
0x170: {  	v0 =	vld [tilespmem:s30+$0xFFFFFB80]  }
0x171: {  	v1 =	vld [tilespmem:s30+$0xFFFFFB00]  }
0x172: {  	v2 =	vld [tilespmem:s30+$0xFFFFFC00];
	_ =	sdelay $0x2  }
0x173: {  	v3 =	vld [tilespmem:s30+$0xFFFFFC80]  }
0x174: {  	v0 =	vadd.f32 v0, v1  }
0x175: {  	v1 =	vld [tilespmem:s30+$0xFFFFFD00]  }
0x176: {  	v0 =	vadd.f32 v2, v0  }
0x177: {  	v2 =	vld [tilespmem:s30+$0xFFFFFD80]  }
0x178: {  	v0 =	vadd.f32 v3, v0  }
0x179: {  	v3 =	vld [tilespmem:s30+$0xFFFFFE00]  }
0x17a: {  	v0 =	vadd.f32 v1, v0  }
0x17b: {  	v1 =	vld [tilespmem:s30+$0xFFFFFE80]  }
0x17c: {  	v0 =	vadd.f32 v2, v0  }
0x17d: {  	v2 =	vld [tilespmem:s30+$0xFFFFFF00]  }
0x17e: {  	v0 =	vadd.f32 v3, v0  }
0x17f: {  	v3 =	vld [tilespmem:s30+$0xFFFFFF80]  }
0x180: {  	v0 =	vadd.f32 v1, v0  }
0x181: {  	v1 =	vld [tilespmem:s30+$0x0]  }
0x182: {  	v0 =	vadd.f32 v2, v0  }
0x183: {  	v2 =	vld [tilespmem:s30+$0x80]  }
0x184: {  	v0 =	vadd.f32 v3, v0  }
0x185: {  	v3 =	vld [tilespmem:s30+$0x100]  }
0x186: {  	v0 =	vadd.f32 v1, v0  }
0x187: {  	v1 =	vld [tilespmem:s30+$0x180]  }
0x188: {  	v0 =	vadd.f32 v2, v0  }
0x189: {  	v2 =	vld [tilespmem:s30+$0x200]  }
0x18a: {  	v0 =	vadd.f32 v3, v0  }
0x18b: {  	v3 =	vld [tilespmem:s30+$0x280]  }
0x18c: {  	v0 =	vadd.f32 v1, v0  }
0x18d: {  	v1 =	vld [tilespmem:s30+$0x300]  }
0x18e: {  	v0 =	vadd.f32 v2, v0  }
0x18f: {  	v2 =	vld [tilespmem:s30+$0x380]  }
0x190: {  	v0 =	vadd.f32 v3, v0  }
0x191: {  	v3 =	vld [tilespmem:s30+$0x400]  }
0x192: {  	v0 =	vadd.f32 v1, v0  }
0x193: {  	v1 =	vld [tilespmem:s30+$0x480]  }
0x194: {  	v0 =	vadd.f32 v2, v0;
	_ =	sdelay $0x1  }
0x195: {  	v0 =	vadd.f32 v3, v0;
	_ =	sdelay $0x1  }
0x196: {  	v0 =	vadd.f32 v1, v0  }
0x197: {  	s31 =	sshra.s32 s15, $0x2  }
0x198: {  	[tilespmem:s31+$0x18B00] =	vst v0  }
0x199: {  	v0 =	vld [tilespmem:s30+$0xFFFFFB10]  }
0x19a: {  	v1 =	vld [tilespmem:s30+$0xFFFFFB90];
	_ =	sdelay $0x1  }
0x19b: {  	v2 =	vld [tilespmem:s30+$0xFFFFFC10];
	_ =	sdelay $0x1  }
0x19c: {  	v3 =	vld [tilespmem:s30+$0xFFFFFC90]  }
0x19d: {  	v0 =	vadd.f32 v1, v0  }
0x19e: {  	v1 =	vld [tilespmem:s30+$0xFFFFFD10]  }
0x19f: {  	v0 =	vadd.f32 v2, v0  }
0x1a0: {  	v2 =	vld [tilespmem:s30+$0xFFFFFD90]  }
0x1a1: {  	v0 =	vadd.f32 v3, v0  }
0x1a2: {  	v3 =	vld [tilespmem:s30+$0xFFFFFE10]  }
0x1a3: {  	v0 =	vadd.f32 v1, v0  }
0x1a4: {  	v1 =	vld [tilespmem:s30+$0xFFFFFE90]  }
0x1a5: {  	v0 =	vadd.f32 v2, v0  }
0x1a6: {  	v2 =	vld [tilespmem:s30+$0xFFFFFF10]  }
0x1a7: {  	v0 =	vadd.f32 v3, v0  }
0x1a8: {  	v3 =	vld [tilespmem:s30+$0xFFFFFF90]  }
0x1a9: {  	v0 =	vadd.f32 v1, v0  }
0x1aa: {  	v1 =	vld [tilespmem:s30+$0x10]  }
0x1ab: {  	v0 =	vadd.f32 v2, v0  }
0x1ac: {  	v2 =	vld [tilespmem:s30+$0x90]  }
0x1ad: {  	v0 =	vadd.f32 v3, v0  }
0x1ae: {  	v3 =	vld [tilespmem:s30+$0x110]  }
0x1af: {  	v0 =	vadd.f32 v1, v0  }
0x1b0: {  	v1 =	vld [tilespmem:s30+$0x190]  }
0x1b1: {  	v0 =	vadd.f32 v2, v0  }
0x1b2: {  	v2 =	vld [tilespmem:s30+$0x210]  }
0x1b3: {  	v0 =	vadd.f32 v3, v0  }
0x1b4: {  	v3 =	vld [tilespmem:s30+$0x290]  }
0x1b5: {  	v0 =	vadd.f32 v1, v0  }
0x1b6: {  	v1 =	vld [tilespmem:s30+$0x310]  }
0x1b7: {  	v0 =	vadd.f32 v2, v0  }
0x1b8: {  	v2 =	vld [tilespmem:s30+$0x390]  }
0x1b9: {  	v0 =	vadd.f32 v3, v0  }
0x1ba: {  	v3 =	vld [tilespmem:s30+$0x410]  }
0x1bb: {  	v0 =	vadd.f32 v1, v0  }
0x1bc: {  	v1 =	vld [tilespmem:s30+$0x490]  }
0x1bd: {  	v0 =	vadd.f32 v2, v0;
	_ =	sdelay $0x1  }
0x1be: {  	v0 =	vadd.f32 v3, v0;
	_ =	sdelay $0x1  }
0x1bf: {  	v0 =	vadd.f32 v1, v0;
	_ =	sdelay $0x1  }
0x1c0: {  	[tilespmem:s31+$0x18B10] =	vst v0  }
0x1c1: {  	v0 =	vld [tilespmem:s30+$0xFFFFFB20]  }
0x1c2: {  	v1 =	vld [tilespmem:s30+$0xFFFFFBA0];
	_ =	sdelay $0x1  }
0x1c3: {  	v2 =	vld [tilespmem:s30+$0xFFFFFC20];
	_ =	sdelay $0x1  }
0x1c4: {  	v3 =	vld [tilespmem:s30+$0xFFFFFCA0]  }
0x1c5: {  	v0 =	vadd.f32 v1, v0  }
0x1c6: {  	v1 =	vld [tilespmem:s30+$0xFFFFFD20]  }
0x1c7: {  	v0 =	vadd.f32 v2, v0  }
0x1c8: {  	v2 =	vld [tilespmem:s30+$0xFFFFFDA0]  }
0x1c9: {  	v0 =	vadd.f32 v3, v0  }
0x1ca: {  	v3 =	vld [tilespmem:s30+$0xFFFFFE20]  }
0x1cb: {  	v0 =	vadd.f32 v1, v0  }
0x1cc: {  	v1 =	vld [tilespmem:s30+$0xFFFFFEA0]  }
0x1cd: {  	v0 =	vadd.f32 v2, v0  }
0x1ce: {  	v2 =	vld [tilespmem:s30+$0xFFFFFF20]  }
0x1cf: {  	v0 =	vadd.f32 v3, v0  }
0x1d0: {  	v3 =	vld [tilespmem:s30+$0xFFFFFFA0]  }
0x1d1: {  	v0 =	vadd.f32 v1, v0  }
0x1d2: {  	v1 =	vld [tilespmem:s30+$0x20]  }
0x1d3: {  	v0 =	vadd.f32 v2, v0  }
0x1d4: {  	v2 =	vld [tilespmem:s30+$0xA0]  }
0x1d5: {  	v0 =	vadd.f32 v3, v0  }
0x1d6: {  	v3 =	vld [tilespmem:s30+$0x120]  }
0x1d7: {  	v0 =	vadd.f32 v1, v0  }
0x1d8: {  	v1 =	vld [tilespmem:s30+$0x1A0]  }
0x1d9: {  	v0 =	vadd.f32 v2, v0  }
0x1da: {  	v2 =	vld [tilespmem:s30+$0x220]  }
0x1db: {  	v0 =	vadd.f32 v3, v0  }
0x1dc: {  	v3 =	vld [tilespmem:s30+$0x2A0]  }
0x1dd: {  	v0 =	vadd.f32 v1, v0  }
0x1de: {  	v1 =	vld [tilespmem:s30+$0x320]  }
0x1df: {  	v0 =	vadd.f32 v2, v0  }
0x1e0: {  	v2 =	vld [tilespmem:s30+$0x3A0]  }
0x1e1: {  	v0 =	vadd.f32 v3, v0  }
0x1e2: {  	v3 =	vld [tilespmem:s30+$0x420]  }
0x1e3: {  	v0 =	vadd.f32 v1, v0  }
0x1e4: {  	v1 =	vld [tilespmem:s30+$0x4A0]  }
0x1e5: {  	v0 =	vadd.f32 v2, v0;
	_ =	sdelay $0x1  }
0x1e6: {  	v0 =	vadd.f32 v3, v0;
	_ =	sdelay $0x1  }
0x1e7: {  	v0 =	vadd.f32 v1, v0;
	_ =	sdelay $0x1  }
0x1e8: {  	[tilespmem:s31+$0x18B20] =	vst v0  }
0x1e9: {  	v0 =	vld [tilespmem:s30+$0xFFFFFB30]  }
0x1ea: {  	v1 =	vld [tilespmem:s30+$0xFFFFFBB0]  }
0x1eb: {  	v2 =	vld [tilespmem:s30+$0xFFFFFC30];
	_ =	sdelay $0x2  }
0x1ec: {  	v3 =	vld [tilespmem:s30+$0xFFFFFCB0]  }
0x1ed: {  	v0 =	vadd.f32 v1, v0  }
0x1ee: {  	v1 =	vld [tilespmem:s30+$0xFFFFFD30]  }
0x1ef: {  	v0 =	vadd.f32 v2, v0  }
0x1f0: {  	v2 =	vld [tilespmem:s30+$0xFFFFFDB0]  }
0x1f1: {  	v0 =	vadd.f32 v3, v0  }
0x1f2: {  	v3 =	vld [tilespmem:s30+$0xFFFFFE30]  }
0x1f3: {  	v0 =	vadd.f32 v1, v0  }
0x1f4: {  	v1 =	vld [tilespmem:s30+$0xFFFFFEB0]  }
0x1f5: {  	v0 =	vadd.f32 v2, v0  }
0x1f6: {  	v2 =	vld [tilespmem:s30+$0xFFFFFF30]  }
0x1f7: {  	v0 =	vadd.f32 v3, v0  }
0x1f8: {  	v3 =	vld [tilespmem:s30+$0xFFFFFFB0]  }
0x1f9: {  	v0 =	vadd.f32 v1, v0  }
0x1fa: {  	v1 =	vld [tilespmem:s30+$0x30]  }
0x1fb: {  	v0 =	vadd.f32 v2, v0  }
0x1fc: {  	v2 =	vld [tilespmem:s30+$0xB0]  }
0x1fd: {  	v0 =	vadd.f32 v3, v0  }
0x1fe: {  	v3 =	vld [tilespmem:s30+$0x130]  }
0x1ff: {  	v0 =	vadd.f32 v1, v0  }
0x200: {  	v1 =	vld [tilespmem:s30+$0x1B0]  }
0x201: {  	v0 =	vadd.f32 v2, v0  }
0x202: {  	v2 =	vld [tilespmem:s30+$0x230]  }
0x203: {  	v0 =	vadd.f32 v3, v0  }
0x204: {  	v3 =	vld [tilespmem:s30+$0x2B0]  }
0x205: {  	v0 =	vadd.f32 v1, v0  }
0x206: {  	v1 =	vld [tilespmem:s30+$0x330]  }
0x207: {  	v0 =	vadd.f32 v2, v0  }
0x208: {  	v2 =	vld [tilespmem:s30+$0x3B0]  }
0x209: {  	v0 =	vadd.f32 v3, v0  }
0x20a: {  	v3 =	vld [tilespmem:s30+$0x430]  }
0x20b: {  	v0 =	vadd.f32 v1, v0  }
0x20c: {  	v1 =	vld [tilespmem:s30+$0x4B0]  }
0x20d: {  	v0 =	vadd.f32 v2, v0;
	_ =	sdelay $0x1  }
0x20e: {  	v0 =	vadd.f32 v3, v0;
	_ =	sdelay $0x1  }
0x20f: {  	v0 =	vadd.f32 v1, v0;
	_ =	sdelay $0x1  }
0x210: {  	[tilespmem:s31+$0x18B30] =	vst v0  }
0x211: {  	v0 =	vld [tilespmem:s30+$0xFFFFFB40]  }
0x212: {  	v1 =	vld [tilespmem:s30+$0xFFFFFBC0];
	_ =	sdelay $0x1  }
0x213: {  	v2 =	vld [tilespmem:s30+$0xFFFFFC40];
	_ =	sdelay $0x1  }
0x214: {  	v3 =	vld [tilespmem:s30+$0xFFFFFCC0]  }
0x215: {  	v0 =	vadd.f32 v1, v0  }
0x216: {  	v1 =	vld [tilespmem:s30+$0xFFFFFD40]  }
0x217: {  	v0 =	vadd.f32 v2, v0  }
0x218: {  	v2 =	vld [tilespmem:s30+$0xFFFFFDC0]  }
0x219: {  	v0 =	vadd.f32 v3, v0  }
0x21a: {  	v3 =	vld [tilespmem:s30+$0xFFFFFE40]  }
0x21b: {  	v0 =	vadd.f32 v1, v0  }
0x21c: {  	v1 =	vld [tilespmem:s30+$0xFFFFFEC0]  }
0x21d: {  	v0 =	vadd.f32 v2, v0  }
0x21e: {  	v2 =	vld [tilespmem:s30+$0xFFFFFF40]  }
0x21f: {  	v0 =	vadd.f32 v3, v0  }
0x220: {  	v3 =	vld [tilespmem:s30+$0xFFFFFFC0]  }
0x221: {  	v0 =	vadd.f32 v1, v0  }
0x222: {  	v1 =	vld [tilespmem:s30+$0x40]  }
0x223: {  	v0 =	vadd.f32 v2, v0  }
0x224: {  	v2 =	vld [tilespmem:s30+$0xC0]  }
0x225: {  	v0 =	vadd.f32 v3, v0  }
0x226: {  	v3 =	vld [tilespmem:s30+$0x140]  }
0x227: {  	v0 =	vadd.f32 v1, v0  }
0x228: {  	v1 =	vld [tilespmem:s30+$0x1C0]  }
0x229: {  	v0 =	vadd.f32 v2, v0  }
0x22a: {  	v2 =	vld [tilespmem:s30+$0x240]  }
0x22b: {  	v0 =	vadd.f32 v3, v0  }
0x22c: {  	v3 =	vld [tilespmem:s30+$0x2C0]  }
0x22d: {  	v0 =	vadd.f32 v1, v0  }
0x22e: {  	v1 =	vld [tilespmem:s30+$0x340]  }
0x22f: {  	v0 =	vadd.f32 v2, v0  }
0x230: {  	v2 =	vld [tilespmem:s30+$0x3C0]  }
0x231: {  	v0 =	vadd.f32 v3, v0  }
0x232: {  	v3 =	vld [tilespmem:s30+$0x440]  }
0x233: {  	v0 =	vadd.f32 v1, v0  }
0x234: {  	v1 =	vld [tilespmem:s30+$0x4C0]  }
0x235: {  	v0 =	vadd.f32 v2, v0;
	_ =	sdelay $0x1  }
0x236: {  	v0 =	vadd.f32 v3, v0;
	_ =	sdelay $0x1  }
0x237: {  	v0 =	vadd.f32 v1, v0;
	_ =	sdelay $0x1  }
0x238: {  	[tilespmem:s31+$0x18B40] =	vst v0  }
0x239: {  	v0 =	vld [tilespmem:s30+$0xFFFFFB50]  }
0x23a: {  	v1 =	vld [tilespmem:s30+$0xFFFFFBD0]  }
0x23b: {  	v2 =	vld [tilespmem:s30+$0xFFFFFC50]  }
0x23c: {  	v3 =	vld [tilespmem:s30+$0xFFFFFCD0]  }
0x23d: {  	v4 =	vld [tilespmem:s30+$0xFFFFFD50]  }
0x23e: {  	v5 =	vld [tilespmem:s30+$0xFFFFFDD0]  }
0x23f: {  	v0 =	vadd.f32 v1, v0;
	v1 =	vld [tilespmem:s30+$0xFFFFFE50]  }
0x240: {  	v6 =	vld [tilespmem:s30+$0xFFFFFED0]  }
0x241: {  	v0 =	vadd.f32 v2, v0;
	v2 =	vld [tilespmem:s30+$0xFFFFFF50]  }
0x242: {  	v7 =	vld [tilespmem:s30+$0xFFFFFFD0]  }
0x243: {  	v0 =	vadd.f32 v3, v0;
	v3 =	vld [tilespmem:s30+$0x50]  }
0x244: {  	v8 =	vld [tilespmem:s30+$0xD0]  }
0x245: {  	v0 =	vadd.f32 v4, v0;
	v4 =	vld [tilespmem:s30+$0x150]  }
0x246: {  	v9 =	vld [tilespmem:s30+$0x1D0]  }
0x247: {  	v0 =	vadd.f32 v5, v0;
	v5 =	vld [tilespmem:s30+$0x250]  }
0x248: {  	v10 =	vld [tilespmem:s30+$0x2D0]  }
0x249: {  	v0 =	vadd.f32 v1, v0;
	v1 =	vld [tilespmem:s30+$0x350]  }
0x24a: {  	v11 =	vld [tilespmem:s30+$0x3D0]  }
0x24b: {  	v0 =	vadd.f32 v6, v0;
	v6 =	vld [tilespmem:s30+$0x450]  }
0x24c: {  	v12 =	vld [tilespmem:s30+$0x4D0]  }
0x24d: {  	v0 =	vadd.f32 v2, v0;
	_ =	sdelay $0x1  }
0x24e: {  	v0 =	vadd.f32 v7, v0;
	_ =	sdelay $0x1  }
0x24f: {  	v0 =	vadd.f32 v3, v0;
	_ =	sdelay $0x1  }
0x250: {  	v0 =	vadd.f32 v8, v0;
	_ =	sdelay $0x1  }
0x251: {  	v0 =	vadd.f32 v4, v0;
	_ =	sdelay $0x1  }
0x252: {  	v0 =	vadd.f32 v9, v0;
	_ =	sdelay $0x1  }
0x253: {  	v0 =	vadd.f32 v5, v0;
	_ =	sdelay $0x1  }
0x254: {  	v0 =	vadd.f32 v10, v0;
	_ =	sdelay $0x1  }
0x255: {  	v0 =	vadd.f32 v1, v0;
	_ =	sdelay $0x1  }
0x256: {  	v0 =	vadd.f32 v11, v0;
	_ =	sdelay $0x1  }
0x257: {  	v0 =	vadd.f32 v6, v0;
	_ =	sdelay $0x1  }
0x258: {  	v0 =	vadd.f32 v12, v0;
	_ =	sdelay $0x1  }
0x259: {  	[tilespmem:s31+$0x18B50] =	vst v0  }
0x25a: {  	v0 =	vld [tilespmem:s30+$0xFFFFFB60]  }
0x25b: {  	v1 =	vld [tilespmem:s30+$0xFFFFFBE0]  }
0x25c: {  	v2 =	vld [tilespmem:s30+$0xFFFFFC60]  }
0x25d: {  	v3 =	vld [tilespmem:s30+$0xFFFFFCE0]  }
0x25e: {  	v4 =	vld [tilespmem:s30+$0xFFFFFD60]  }
0x25f: {  	v5 =	vld [tilespmem:s30+$0xFFFFFDE0]  }
0x260: {  	v0 =	vadd.f32 v1, v0;
	v1 =	vld [tilespmem:s30+$0xFFFFFE60]  }
0x261: {  	v6 =	vld [tilespmem:s30+$0xFFFFFEE0]  }
0x262: {  	v0 =	vadd.f32 v2, v0;
	v2 =	vld [tilespmem:s30+$0xFFFFFF60]  }
0x263: {  	v7 =	vld [tilespmem:s30+$0xFFFFFFE0]  }
0x264: {  	v0 =	vadd.f32 v3, v0;
	v3 =	vld [tilespmem:s30+$0x60]  }
0x265: {  	v8 =	vld [tilespmem:s30+$0xE0]  }
0x266: {  	v0 =	vadd.f32 v4, v0;
	v4 =	vld [tilespmem:s30+$0x160]  }
0x267: {  	v9 =	vld [tilespmem:s30+$0x1E0]  }
0x268: {  	v0 =	vadd.f32 v5, v0;
	v5 =	vld [tilespmem:s30+$0x260]  }
0x269: {  	v10 =	vld [tilespmem:s30+$0x2E0]  }
0x26a: {  	v0 =	vadd.f32 v1, v0;
	v1 =	vld [tilespmem:s30+$0x360]  }
0x26b: {  	v11 =	vld [tilespmem:s30+$0x3E0]  }
0x26c: {  	v0 =	vadd.f32 v6, v0;
	v6 =	vld [tilespmem:s30+$0x460]  }
0x26d: {  	v12 =	vld [tilespmem:s30+$0x4E0]  }
0x26e: {  	v0 =	vadd.f32 v2, v0;
	_ =	sdelay $0x1  }
0x26f: {  	v0 =	vadd.f32 v7, v0;
	_ =	sdelay $0x1  }
0x270: {  	v0 =	vadd.f32 v3, v0;
	_ =	sdelay $0x1  }
0x271: {  	v0 =	vadd.f32 v8, v0;
	_ =	sdelay $0x1  }
0x272: {  	v0 =	vadd.f32 v4, v0;
	_ =	sdelay $0x1  }
0x273: {  	v0 =	vadd.f32 v9, v0;
	_ =	sdelay $0x1  }
0x274: {  	v0 =	vadd.f32 v5, v0;
	_ =	sdelay $0x1  }
0x275: {  	v0 =	vadd.f32 v10, v0;
	_ =	sdelay $0x1  }
0x276: {  	v0 =	vadd.f32 v1, v0;
	_ =	sdelay $0x1  }
0x277: {  	v0 =	vadd.f32 v11, v0;
	_ =	sdelay $0x1  }
0x278: {  	v0 =	vadd.f32 v6, v0;
	_ =	sdelay $0x1  }
0x279: {  	v0 =	vadd.f32 v12, v0;
	_ =	sdelay $0x1  }
0x27a: {  	[tilespmem:s31+$0x18B60] =	vst v0  }
0x27b: {  	v0 =	vld [tilespmem:s30+$0xFFFFFB70]  }
0x27c: {  	v1 =	vld [tilespmem:s30+$0xFFFFFBF0]  }
0x27d: {  	v2 =	vld [tilespmem:s30+$0xFFFFFC70]  }
0x27e: {  	v3 =	vld [tilespmem:s30+$0xFFFFFCF0]  }
0x27f: {  	v4 =	vld [tilespmem:s30+$0xFFFFFD70]  }
0x280: {  	v5 =	vld [tilespmem:s30+$0xFFFFFDF0]  }
0x281: {  	v0 =	vadd.f32 v1, v0;
	v1 =	vld [tilespmem:s30+$0xFFFFFE70]  }
0x282: {  	v6 =	vld [tilespmem:s30+$0xFFFFFEF0]  }
0x283: {  	v0 =	vadd.f32 v2, v0;
	v7 =	vld [tilespmem:s30+$0xFFFFFF70]  }
0x284: {  	v8 =	vld [tilespmem:s30+$0xFFFFFFF0]  }
0x285: {  	v0 =	vadd.f32 v3, v0;
	v9 =	vld [tilespmem:s30+$0x70]  }
0x286: {  	v10 =	vld [tilespmem:s30+$0xF0]  }
0x287: {  	v0 =	vadd.f32 v4, v0;
	v4 =	vld [tilespmem:s30+$0x170]  }
0x288: {  	v11 =	vld [tilespmem:s30+$0x1F0]  }
0x289: {  	v0 =	vadd.f32 v5, v0;
	v5 =	vld [tilespmem:s30+$0x270]  }
0x28a: {  	v12 =	vld [tilespmem:s30+$0x2F0]  }
0x28b: {  	v1 =	vadd.f32 v1, v0;
	v3 =	vld [tilespmem:s30+$0x370]  }
0x28c: {  	v0 =	vld [tilespmem:s30+$0x3F0]  }
0x28d: {  	v6 =	vadd.f32 v6, v1;
	v1 =	vld [tilespmem:s30+$0x470]  }
0x28e: {  	v2 =	vld [tilespmem:s30+$0x4F0]  }
0x28f: {  	v6 =	vadd.f32 v7, v6;
	_ =	sdelay $0x1  }
0x290: {  	v6 =	vadd.f32 v8, v6;
	_ =	sdelay $0x1  }
0x291: {  	v6 =	vadd.f32 v9, v6;
	_ =	sdelay $0x1  }
0x292: {  	v6 =	vadd.f32 v10, v6;
	_ =	sdelay $0x1  }
0x293: {  	v4 =	vadd.f32 v4, v6;
	_ =	sdelay $0x1  }
.Ltmp0:
0x294: {  	v4 =	vadd.f32 v11, v4;
	(pc) =	sbr.rel @p2 .LBB2_3-.Ltmp0, $3  }
0x295: {  	_ = 	snop  }
0x296: {  	v4 =	vadd.f32 v5, v4;
	_ =	sdelay $0x1  }
0x297: {  	v4 =	vadd.f32 v12, v4  }
0x298: {  	_ = 	snop  }
0x299: {  	v3 =	vadd.f32 v3, v4;
	_ =	sdelay $0x1  }
0x29a: {  	v0 =	vadd.f32 v0, v3;
	_ =	sdelay $0x1  }
0x29b: {  	v0 =	vadd.f32 v1, v0  }
0x29c: {  	s1 =	sshll.u32 s28, $0xC  }
0x29d: {  	s1 =	sadd.s32 s9, s1;
	v0 =	vadd.f32 v2, v0  }
0x29e: {  	s1 =	sshrl.u32 s1, $0x3  }
0x29f: {  	s0 =	sadd.s32 $0x2, s0;
	s1 =	sadd.s32 s4, s1;
	[tilespmem:s31+$0x18B70] =	vst v0  }
0x2a0: {  	[hbm4b:s1+s3] =	stream.linear.scatter [tilespmem:s21], [sflag:$0x3], $0x800, $0x38;
	[tilespmem:$0x19B00] =	vst v63  }
0x2a1: {  	s1 =	smul.u32 $0x140, s0  }
0x2a2: {  	p2 =	slt.u32 s0, s5  }
0x2a3: {  	s1 =	simm.s32 @!p2 $0x0  }
0x2a4: {  	[tilespmem:s12], [sflag:$0x1] =	stream.indirect.gather [hbm4b:s2+s11], $0x80, s1, s11, $0xb8;
	[tilespmem:$0x19B00] =	vst v63  }
0x2a5: {  	s15 =	sadd.s32 $0x80, s1  }
0x2a6: {  	[tilespmem:s13], [sflag:$0x1] =	stream.indirect.gather [hbm4b:s2+s11], $0x80, s15, s11, $0xb8;
	[tilespmem:$0x19B00] =	vst v63  }
0x2a7: {  	s15 =	sadd.s32 $0x100, s1  }
0x2a8: {  	[tilespmem:s16], [sflag:$0x1] =	stream.indirect.gather [hbm4b:s2+s14], $0x80, s15, s14, $0xb8;
	[tilespmem:$0x19B00] =	vst v63  }
0x2a9: {  	_ =	swait.ge [sflag:s22], $0xA000  }
0x2aa: {  	[sflag:s22] =	ssyncset.done $0x0  }
0x2ab: {  	s0 =	simm.s32 @!p1 $0x4;
	[sflag:s22] =	ssyncadd.s32 $0xFFFF6000  }
0x2ac: {  	_ =	swait.ge @!p1 [sflag:s0], $0x800  }
0x2ad: {  	[sflag:s0] =	ssyncset.done @!p1 $0x0  }
0x2ae: {  	s30 =	simm.s32 $0xF000;
	[sflag:s0] =	ssyncadd.s32 @!p1 $0xFFFFF800  }
0x2af: {  	v0 =	vld [tilespmem:s30+$0xFFFFFB80]  }
0x2b0: {  	v1 =	vld [tilespmem:s30+$0xFFFFFB00];
	_ =	sdelay $0x1  }
0x2b1: {  	v2 =	vld [tilespmem:s30+$0xFFFFFC00];
	_ =	sdelay $0x1  }
0x2b2: {  	v3 =	vld [tilespmem:s30+$0xFFFFFC80]  }
0x2b3: {  	v0 =	vadd.f32 v0, v1  }
0x2b4: {  	v1 =	vld [tilespmem:s30+$0xFFFFFD00]  }
0x2b5: {  	v0 =	vadd.f32 v2, v0  }
0x2b6: {  	v2 =	vld [tilespmem:s30+$0xFFFFFD80]  }
0x2b7: {  	v0 =	vadd.f32 v3, v0  }
0x2b8: {  	v3 =	vld [tilespmem:s30+$0xFFFFFE00]  }
0x2b9: {  	v0 =	vadd.f32 v1, v0  }
0x2ba: {  	v1 =	vld [tilespmem:s30+$0xFFFFFE80]  }
0x2bb: {  	v0 =	vadd.f32 v2, v0  }
0x2bc: {  	v2 =	vld [tilespmem:s30+$0xFFFFFF00]  }
0x2bd: {  	v0 =	vadd.f32 v3, v0  }
0x2be: {  	v3 =	vld [tilespmem:s30+$0xFFFFFF80]  }
0x2bf: {  	v0 =	vadd.f32 v1, v0  }
0x2c0: {  	v1 =	vld [tilespmem:s30+$0x0]  }
0x2c1: {  	v0 =	vadd.f32 v2, v0  }
0x2c2: {  	v2 =	vld [tilespmem:s30+$0x80]  }
0x2c3: {  	v0 =	vadd.f32 v3, v0  }
0x2c4: {  	v3 =	vld [tilespmem:s30+$0x100]  }
0x2c5: {  	v0 =	vadd.f32 v1, v0  }
0x2c6: {  	v1 =	vld [tilespmem:s30+$0x180]  }
0x2c7: {  	v0 =	vadd.f32 v2, v0  }
0x2c8: {  	v2 =	vld [tilespmem:s30+$0x200]  }
0x2c9: {  	v0 =	vadd.f32 v3, v0  }
0x2ca: {  	v3 =	vld [tilespmem:s30+$0x280]  }
0x2cb: {  	v0 =	vadd.f32 v1, v0  }
0x2cc: {  	v1 =	vld [tilespmem:s30+$0x300]  }
0x2cd: {  	v0 =	vadd.f32 v2, v0  }
0x2ce: {  	v2 =	vld [tilespmem:s30+$0x380]  }
0x2cf: {  	v0 =	vadd.f32 v3, v0  }
0x2d0: {  	v3 =	vld [tilespmem:s30+$0x400]  }
0x2d1: {  	v0 =	vadd.f32 v1, v0  }
0x2d2: {  	v1 =	vld [tilespmem:s30+$0x480]  }
0x2d3: {  	v0 =	vadd.f32 v2, v0;
	_ =	sdelay $0x1  }
0x2d4: {  	v0 =	vadd.f32 v3, v0;
	_ =	sdelay $0x1  }
0x2d5: {  	v0 =	vadd.f32 v1, v0  }
0x2d6: {  	s31 =	simm.s32 $0x0  }
0x2d7: {  	[tilespmem:s31+$0x19300] =	vst v0  }
0x2d8: {  	v0 =	vld [tilespmem:s30+$0xFFFFFB10]  }
0x2d9: {  	v1 =	vld [tilespmem:s30+$0xFFFFFB90];
	_ =	sdelay $0x1  }
0x2da: {  	v2 =	vld [tilespmem:s30+$0xFFFFFC10];
	_ =	sdelay $0x1  }
0x2db: {  	v3 =	vld [tilespmem:s30+$0xFFFFFC90]  }
0x2dc: {  	v0 =	vadd.f32 v1, v0  }
0x2dd: {  	v1 =	vld [tilespmem:s30+$0xFFFFFD10]  }
0x2de: {  	v0 =	vadd.f32 v2, v0  }
0x2df: {  	v2 =	vld [tilespmem:s30+$0xFFFFFD90]  }
0x2e0: {  	v0 =	vadd.f32 v3, v0  }
0x2e1: {  	v3 =	vld [tilespmem:s30+$0xFFFFFE10]  }
0x2e2: {  	v0 =	vadd.f32 v1, v0  }
0x2e3: {  	v1 =	vld [tilespmem:s30+$0xFFFFFE90]  }
0x2e4: {  	v0 =	vadd.f32 v2, v0  }
0x2e5: {  	v2 =	vld [tilespmem:s30+$0xFFFFFF10]  }
0x2e6: {  	v0 =	vadd.f32 v3, v0  }
0x2e7: {  	v3 =	vld [tilespmem:s30+$0xFFFFFF90]  }
0x2e8: {  	v0 =	vadd.f32 v1, v0  }
0x2e9: {  	v1 =	vld [tilespmem:s30+$0x10]  }
0x2ea: {  	v0 =	vadd.f32 v2, v0  }
0x2eb: {  	v2 =	vld [tilespmem:s30+$0x90]  }
0x2ec: {  	v0 =	vadd.f32 v3, v0  }
0x2ed: {  	v3 =	vld [tilespmem:s30+$0x110]  }
0x2ee: {  	v0 =	vadd.f32 v1, v0  }
0x2ef: {  	v1 =	vld [tilespmem:s30+$0x190]  }
0x2f0: {  	v0 =	vadd.f32 v2, v0  }
0x2f1: {  	v2 =	vld [tilespmem:s30+$0x210]  }
0x2f2: {  	v0 =	vadd.f32 v3, v0  }
0x2f3: {  	v3 =	vld [tilespmem:s30+$0x290]  }
0x2f4: {  	v0 =	vadd.f32 v1, v0  }
0x2f5: {  	v1 =	vld [tilespmem:s30+$0x310]  }
0x2f6: {  	v0 =	vadd.f32 v2, v0  }
0x2f7: {  	v2 =	vld [tilespmem:s30+$0x390]  }
0x2f8: {  	v0 =	vadd.f32 v3, v0  }
0x2f9: {  	v3 =	vld [tilespmem:s30+$0x410]  }
0x2fa: {  	v0 =	vadd.f32 v1, v0  }
0x2fb: {  	v1 =	vld [tilespmem:s30+$0x490]  }
0x2fc: {  	v0 =	vadd.f32 v2, v0;
	_ =	sdelay $0x1  }
0x2fd: {  	v0 =	vadd.f32 v3, v0;
	_ =	sdelay $0x1  }
0x2fe: {  	v0 =	vadd.f32 v1, v0;
	_ =	sdelay $0x1  }
0x2ff: {  	[tilespmem:s31+$0x19310] =	vst v0  }
0x300: {  	v0 =	vld [tilespmem:s30+$0xFFFFFB20]  }
0x301: {  	v1 =	vld [tilespmem:s30+$0xFFFFFBA0];
	_ =	sdelay $0x1  }
0x302: {  	v2 =	vld [tilespmem:s30+$0xFFFFFC20];
	_ =	sdelay $0x1  }
0x303: {  	v3 =	vld [tilespmem:s30+$0xFFFFFCA0]  }
0x304: {  	v0 =	vadd.f32 v1, v0  }
0x305: {  	v1 =	vld [tilespmem:s30+$0xFFFFFD20]  }
0x306: {  	v0 =	vadd.f32 v2, v0  }
0x307: {  	v2 =	vld [tilespmem:s30+$0xFFFFFDA0]  }
0x308: {  	v0 =	vadd.f32 v3, v0  }
0x309: {  	v3 =	vld [tilespmem:s30+$0xFFFFFE20]  }
0x30a: {  	v0 =	vadd.f32 v1, v0  }
0x30b: {  	v1 =	vld [tilespmem:s30+$0xFFFFFEA0]  }
0x30c: {  	v0 =	vadd.f32 v2, v0  }
0x30d: {  	v2 =	vld [tilespmem:s30+$0xFFFFFF20]  }
0x30e: {  	v0 =	vadd.f32 v3, v0  }
0x30f: {  	v3 =	vld [tilespmem:s30+$0xFFFFFFA0]  }
0x310: {  	v0 =	vadd.f32 v1, v0  }
0x311: {  	v1 =	vld [tilespmem:s30+$0x20]  }
0x312: {  	v0 =	vadd.f32 v2, v0  }
0x313: {  	v2 =	vld [tilespmem:s30+$0xA0]  }
0x314: {  	v0 =	vadd.f32 v3, v0  }
0x315: {  	v3 =	vld [tilespmem:s30+$0x120]  }
0x316: {  	v0 =	vadd.f32 v1, v0  }
0x317: {  	v1 =	vld [tilespmem:s30+$0x1A0]  }
0x318: {  	v0 =	vadd.f32 v2, v0  }
0x319: {  	v2 =	vld [tilespmem:s30+$0x220]  }
0x31a: {  	v0 =	vadd.f32 v3, v0  }
0x31b: {  	v3 =	vld [tilespmem:s30+$0x2A0]  }
0x31c: {  	v0 =	vadd.f32 v1, v0  }
0x31d: {  	v1 =	vld [tilespmem:s30+$0x320]  }
0x31e: {  	v0 =	vadd.f32 v2, v0  }
0x31f: {  	v2 =	vld [tilespmem:s30+$0x3A0]  }
0x320: {  	v0 =	vadd.f32 v3, v0  }
0x321: {  	v3 =	vld [tilespmem:s30+$0x420]  }
0x322: {  	v0 =	vadd.f32 v1, v0  }
0x323: {  	v1 =	vld [tilespmem:s30+$0x4A0]  }
0x324: {  	v0 =	vadd.f32 v2, v0;
	_ =	sdelay $0x1  }
0x325: {  	v0 =	vadd.f32 v3, v0;
	_ =	sdelay $0x1  }
0x326: {  	v0 =	vadd.f32 v1, v0;
	_ =	sdelay $0x1  }
0x327: {  	[tilespmem:s31+$0x19320] =	vst v0  }
0x328: {  	v0 =	vld [tilespmem:s30+$0xFFFFFB30]  }
0x329: {  	v1 =	vld [tilespmem:s30+$0xFFFFFBB0];
	_ =	sdelay $0x1  }
0x32a: {  	v2 =	vld [tilespmem:s30+$0xFFFFFC30];
	_ =	sdelay $0x1  }
0x32b: {  	v3 =	vld [tilespmem:s30+$0xFFFFFCB0]  }
0x32c: {  	v0 =	vadd.f32 v1, v0  }
0x32d: {  	v1 =	vld [tilespmem:s30+$0xFFFFFD30]  }
0x32e: {  	v0 =	vadd.f32 v2, v0  }
0x32f: {  	v2 =	vld [tilespmem:s30+$0xFFFFFDB0]  }
0x330: {  	v0 =	vadd.f32 v3, v0  }
0x331: {  	v3 =	vld [tilespmem:s30+$0xFFFFFE30]  }
0x332: {  	v0 =	vadd.f32 v1, v0  }
0x333: {  	v1 =	vld [tilespmem:s30+$0xFFFFFEB0]  }
0x334: {  	v0 =	vadd.f32 v2, v0  }
0x335: {  	v2 =	vld [tilespmem:s30+$0xFFFFFF30]  }
0x336: {  	v0 =	vadd.f32 v3, v0  }
0x337: {  	v3 =	vld [tilespmem:s30+$0xFFFFFFB0]  }
0x338: {  	v0 =	vadd.f32 v1, v0  }
0x339: {  	v1 =	vld [tilespmem:s30+$0x30]  }
0x33a: {  	v0 =	vadd.f32 v2, v0  }
0x33b: {  	v2 =	vld [tilespmem:s30+$0xB0]  }
0x33c: {  	v0 =	vadd.f32 v3, v0  }
0x33d: {  	v3 =	vld [tilespmem:s30+$0x130]  }
0x33e: {  	v0 =	vadd.f32 v1, v0  }
0x33f: {  	v1 =	vld [tilespmem:s30+$0x1B0]  }
0x340: {  	v0 =	vadd.f32 v2, v0  }
0x341: {  	v2 =	vld [tilespmem:s30+$0x230]  }
0x342: {  	v0 =	vadd.f32 v3, v0  }
0x343: {  	v3 =	vld [tilespmem:s30+$0x2B0]  }
0x344: {  	v0 =	vadd.f32 v1, v0  }
0x345: {  	v1 =	vld [tilespmem:s30+$0x330]  }
0x346: {  	v0 =	vadd.f32 v2, v0  }
0x347: {  	v2 =	vld [tilespmem:s30+$0x3B0]  }
0x348: {  	v0 =	vadd.f32 v3, v0  }
0x349: {  	v3 =	vld [tilespmem:s30+$0x430]  }
0x34a: {  	v0 =	vadd.f32 v1, v0  }
0x34b: {  	v1 =	vld [tilespmem:s30+$0x4B0]  }
0x34c: {  	v0 =	vadd.f32 v2, v0;
	_ =	sdelay $0x1  }
0x34d: {  	v0 =	vadd.f32 v3, v0;
	_ =	sdelay $0x1  }
0x34e: {  	v0 =	vadd.f32 v1, v0;
	_ =	sdelay $0x1  }
0x34f: {  	[tilespmem:s31+$0x19330] =	vst v0  }
0x350: {  	v0 =	vld [tilespmem:s30+$0xFFFFFB40]  }
0x351: {  	v1 =	vld [tilespmem:s30+$0xFFFFFBC0];
	_ =	sdelay $0x1  }
0x352: {  	v2 =	vld [tilespmem:s30+$0xFFFFFC40];
	_ =	sdelay $0x1  }
0x353: {  	v3 =	vld [tilespmem:s30+$0xFFFFFCC0]  }
0x354: {  	v0 =	vadd.f32 v1, v0  }
0x355: {  	v1 =	vld [tilespmem:s30+$0xFFFFFD40]  }
0x356: {  	v0 =	vadd.f32 v2, v0  }
0x357: {  	v2 =	vld [tilespmem:s30+$0xFFFFFDC0]  }
0x358: {  	v0 =	vadd.f32 v3, v0  }
0x359: {  	v3 =	vld [tilespmem:s30+$0xFFFFFE40]  }
0x35a: {  	v0 =	vadd.f32 v1, v0  }
0x35b: {  	v1 =	vld [tilespmem:s30+$0xFFFFFEC0]  }
0x35c: {  	v0 =	vadd.f32 v2, v0  }
0x35d: {  	v2 =	vld [tilespmem:s30+$0xFFFFFF40]  }
0x35e: {  	v0 =	vadd.f32 v3, v0  }
0x35f: {  	v3 =	vld [tilespmem:s30+$0xFFFFFFC0]  }
0x360: {  	v0 =	vadd.f32 v1, v0  }
0x361: {  	v1 =	vld [tilespmem:s30+$0x40]  }
0x362: {  	v0 =	vadd.f32 v2, v0  }
0x363: {  	v2 =	vld [tilespmem:s30+$0xC0]  }
0x364: {  	v0 =	vadd.f32 v3, v0  }
0x365: {  	v3 =	vld [tilespmem:s30+$0x140]  }
0x366: {  	v0 =	vadd.f32 v1, v0  }
0x367: {  	v1 =	vld [tilespmem:s30+$0x1C0]  }
0x368: {  	v0 =	vadd.f32 v2, v0  }
0x369: {  	v2 =	vld [tilespmem:s30+$0x240]  }
0x36a: {  	v0 =	vadd.f32 v3, v0  }
0x36b: {  	v3 =	vld [tilespmem:s30+$0x2C0]  }
0x36c: {  	v0 =	vadd.f32 v1, v0  }
0x36d: {  	v1 =	vld [tilespmem:s30+$0x340]  }
0x36e: {  	v0 =	vadd.f32 v2, v0  }
0x36f: {  	v2 =	vld [tilespmem:s30+$0x3C0]  }
0x370: {  	v0 =	vadd.f32 v3, v0  }
0x371: {  	v3 =	vld [tilespmem:s30+$0x440]  }
0x372: {  	v0 =	vadd.f32 v1, v0  }
0x373: {  	v1 =	vld [tilespmem:s30+$0x4C0]  }
0x374: {  	v0 =	vadd.f32 v2, v0;
	_ =	sdelay $0x1  }
0x375: {  	v0 =	vadd.f32 v3, v0;
	_ =	sdelay $0x1  }
0x376: {  	v0 =	vadd.f32 v1, v0;
	_ =	sdelay $0x1  }
0x377: {  	[tilespmem:s31+$0x19340] =	vst v0  }
0x378: {  	v0 =	vld [tilespmem:s30+$0xFFFFFB50]  }
0x379: {  	v1 =	vld [tilespmem:s30+$0xFFFFFBD0];
	_ =	sdelay $0x1  }
0x37a: {  	v2 =	vld [tilespmem:s30+$0xFFFFFC50];
	_ =	sdelay $0x1  }
0x37b: {  	v3 =	vld [tilespmem:s30+$0xFFFFFCD0]  }
0x37c: {  	v0 =	vadd.f32 v1, v0  }
0x37d: {  	v1 =	vld [tilespmem:s30+$0xFFFFFD50]  }
0x37e: {  	v0 =	vadd.f32 v2, v0  }
0x37f: {  	v2 =	vld [tilespmem:s30+$0xFFFFFDD0]  }
0x380: {  	v0 =	vadd.f32 v3, v0  }
0x381: {  	v3 =	vld [tilespmem:s30+$0xFFFFFE50]  }
0x382: {  	v0 =	vadd.f32 v1, v0  }
0x383: {  	v1 =	vld [tilespmem:s30+$0xFFFFFED0]  }
0x384: {  	v0 =	vadd.f32 v2, v0  }
0x385: {  	v2 =	vld [tilespmem:s30+$0xFFFFFF50]  }
0x386: {  	v0 =	vadd.f32 v3, v0  }
0x387: {  	v3 =	vld [tilespmem:s30+$0xFFFFFFD0]  }
0x388: {  	v0 =	vadd.f32 v1, v0  }
0x389: {  	v1 =	vld [tilespmem:s30+$0x50]  }
0x38a: {  	v0 =	vadd.f32 v2, v0  }
0x38b: {  	v2 =	vld [tilespmem:s30+$0xD0]  }
0x38c: {  	v0 =	vadd.f32 v3, v0  }
0x38d: {  	v3 =	vld [tilespmem:s30+$0x150]  }
0x38e: {  	v0 =	vadd.f32 v1, v0  }
0x38f: {  	v1 =	vld [tilespmem:s30+$0x1D0]  }
0x390: {  	v0 =	vadd.f32 v2, v0  }
0x391: {  	v2 =	vld [tilespmem:s30+$0x250]  }
0x392: {  	v0 =	vadd.f32 v3, v0  }
0x393: {  	v3 =	vld [tilespmem:s30+$0x2D0]  }
0x394: {  	v0 =	vadd.f32 v1, v0  }
0x395: {  	v1 =	vld [tilespmem:s30+$0x350]  }
0x396: {  	v0 =	vadd.f32 v2, v0  }
0x397: {  	v2 =	vld [tilespmem:s30+$0x3D0]  }
0x398: {  	v0 =	vadd.f32 v3, v0  }
0x399: {  	v3 =	vld [tilespmem:s30+$0x450]  }
0x39a: {  	v0 =	vadd.f32 v1, v0  }
0x39b: {  	v1 =	vld [tilespmem:s30+$0x4D0]  }
0x39c: {  	v0 =	vadd.f32 v2, v0;
	_ =	sdelay $0x1  }
0x39d: {  	v0 =	vadd.f32 v3, v0;
	_ =	sdelay $0x1  }
0x39e: {  	v0 =	vadd.f32 v1, v0;
	_ =	sdelay $0x1  }
0x39f: {  	[tilespmem:s31+$0x19350] =	vst v0  }
0x3a0: {  	v0 =	vld [tilespmem:s30+$0xFFFFFB60]  }
0x3a1: {  	v1 =	vld [tilespmem:s30+$0xFFFFFBE0];
	_ =	sdelay $0x1  }
0x3a2: {  	v2 =	vld [tilespmem:s30+$0xFFFFFC60];
	_ =	sdelay $0x1  }
0x3a3: {  	v3 =	vld [tilespmem:s30+$0xFFFFFCE0]  }
0x3a4: {  	v0 =	vadd.f32 v1, v0  }
0x3a5: {  	v1 =	vld [tilespmem:s30+$0xFFFFFD60]  }
0x3a6: {  	v0 =	vadd.f32 v2, v0  }
0x3a7: {  	v2 =	vld [tilespmem:s30+$0xFFFFFDE0]  }
0x3a8: {  	v0 =	vadd.f32 v3, v0  }
0x3a9: {  	v3 =	vld [tilespmem:s30+$0xFFFFFE60]  }
0x3aa: {  	v0 =	vadd.f32 v1, v0  }
0x3ab: {  	v1 =	vld [tilespmem:s30+$0xFFFFFEE0]  }
0x3ac: {  	v0 =	vadd.f32 v2, v0  }
0x3ad: {  	v2 =	vld [tilespmem:s30+$0xFFFFFF60]  }
0x3ae: {  	v0 =	vadd.f32 v3, v0  }
0x3af: {  	v3 =	vld [tilespmem:s30+$0xFFFFFFE0]  }
0x3b0: {  	v0 =	vadd.f32 v1, v0  }
0x3b1: {  	v1 =	vld [tilespmem:s30+$0x60]  }
0x3b2: {  	v0 =	vadd.f32 v2, v0  }
0x3b3: {  	v2 =	vld [tilespmem:s30+$0xE0]  }
0x3b4: {  	v0 =	vadd.f32 v3, v0  }
0x3b5: {  	v3 =	vld [tilespmem:s30+$0x160]  }
0x3b6: {  	v0 =	vadd.f32 v1, v0  }
0x3b7: {  	v1 =	vld [tilespmem:s30+$0x1E0]  }
0x3b8: {  	v0 =	vadd.f32 v2, v0  }
0x3b9: {  	v2 =	vld [tilespmem:s30+$0x260]  }
0x3ba: {  	v0 =	vadd.f32 v3, v0  }
0x3bb: {  	v3 =	vld [tilespmem:s30+$0x2E0]  }
0x3bc: {  	v0 =	vadd.f32 v1, v0  }
0x3bd: {  	v1 =	vld [tilespmem:s30+$0x360]  }
0x3be: {  	v0 =	vadd.f32 v2, v0  }
0x3bf: {  	v2 =	vld [tilespmem:s30+$0x3E0]  }
0x3c0: {  	v0 =	vadd.f32 v3, v0  }
0x3c1: {  	v3 =	vld [tilespmem:s30+$0x460]  }
0x3c2: {  	v0 =	vadd.f32 v1, v0  }
0x3c3: {  	v1 =	vld [tilespmem:s30+$0x4E0]  }
0x3c4: {  	v0 =	vadd.f32 v2, v0;
	_ =	sdelay $0x1  }
0x3c5: {  	v0 =	vadd.f32 v3, v0;
	_ =	sdelay $0x1  }
0x3c6: {  	v0 =	vadd.f32 v1, v0;
	_ =	sdelay $0x1  }
0x3c7: {  	[tilespmem:s31+$0x19360] =	vst v0  }
0x3c8: {  	v0 =	vld [tilespmem:s30+$0xFFFFFB70]  }
0x3c9: {  	v1 =	vld [tilespmem:s30+$0xFFFFFBF0];
	_ =	sdelay $0x1  }
0x3ca: {  	v2 =	vld [tilespmem:s30+$0xFFFFFC70];
	_ =	sdelay $0x1  }
0x3cb: {  	v3 =	vld [tilespmem:s30+$0xFFFFFCF0]  }
0x3cc: {  	v0 =	vadd.f32 v1, v0  }
0x3cd: {  	v1 =	vld [tilespmem:s30+$0xFFFFFD70]  }
0x3ce: {  	v0 =	vadd.f32 v2, v0  }
0x3cf: {  	v2 =	vld [tilespmem:s30+$0xFFFFFDF0]  }
0x3d0: {  	v0 =	vadd.f32 v3, v0  }
0x3d1: {  	v3 =	vld [tilespmem:s30+$0xFFFFFE70]  }
0x3d2: {  	v0 =	vadd.f32 v1, v0  }
0x3d3: {  	v1 =	vld [tilespmem:s30+$0xFFFFFEF0]  }
0x3d4: {  	v0 =	vadd.f32 v2, v0  }
0x3d5: {  	v2 =	vld [tilespmem:s30+$0xFFFFFF70]  }
0x3d6: {  	v0 =	vadd.f32 v3, v0  }
0x3d7: {  	v3 =	vld [tilespmem:s30+$0xFFFFFFF0]  }
0x3d8: {  	v0 =	vadd.f32 v1, v0  }
0x3d9: {  	v1 =	vld [tilespmem:s30+$0x70]  }
0x3da: {  	v0 =	vadd.f32 v2, v0  }
0x3db: {  	v2 =	vld [tilespmem:s30+$0xF0]  }
0x3dc: {  	v0 =	vadd.f32 v3, v0  }
0x3dd: {  	v3 =	vld [tilespmem:s30+$0x170]  }
0x3de: {  	v0 =	vadd.f32 v1, v0  }
0x3df: {  	v1 =	vld [tilespmem:s30+$0x1F0]  }
0x3e0: {  	v0 =	vadd.f32 v2, v0  }
0x3e1: {  	v2 =	vld [tilespmem:s30+$0x270]  }
0x3e2: {  	v0 =	vadd.f32 v3, v0  }
0x3e3: {  	v4 =	vld [tilespmem:s30+$0x2F0]  }
0x3e4: {  	v1 =	vadd.f32 v1, v0  }
0x3e5: {  	v3 =	vld [tilespmem:s30+$0x370]  }
0x3e6: {  	v0 =	vld [tilespmem:s30+$0x3F0];
	v5 =	vadd.f32 v2, v1  }
0x3e7: {  	v2 =	vld [tilespmem:s30+$0x470]  }
0x3e8: {  	s0 =	simm.s32 $0x200;
	v1 =	vld [tilespmem:s30+$0x4F0];
	v4 =	vadd.f32 v4, v5  }
.LBB2_5:
0x3e9: {  	p1 =	sne.s32 s0, $0x1E00  }
0x3ea: {  	s30 =	sadd.s32 $0xA00, s30;
	s1 =	smov.u32 s0;
	s0 =	sadd.s32 $0x200, s0;
	v3 =	vadd.f32 v3, v4  }
0x3eb: {  	_ = 	snop  }
0x3ec: {  	v0 =	vadd.f32 v0, v3;
	_ =	sdelay $0x1  }
0x3ed: {  	v0 =	vadd.f32 v2, v0;
	_ =	sdelay $0x1  }
0x3ee: {  	v0 =	vadd.f32 v1, v0;
	_ =	sdelay $0x1  }
0x3ef: {  	[tilespmem:s31+$0x19370] =	vst v0  }
0x3f0: {  	v0 =	vld [tilespmem:s30+$0xFFFFFB80]  }
0x3f1: {  	v1 =	vld [tilespmem:s30+$0xFFFFFB00]  }
0x3f2: {  	v2 =	vld [tilespmem:s30+$0xFFFFFC00];
	_ =	sdelay $0x2  }
0x3f3: {  	v3 =	vld [tilespmem:s30+$0xFFFFFC80]  }
0x3f4: {  	v0 =	vadd.f32 v0, v1  }
0x3f5: {  	v1 =	vld [tilespmem:s30+$0xFFFFFD00]  }
0x3f6: {  	v0 =	vadd.f32 v2, v0  }
0x3f7: {  	v2 =	vld [tilespmem:s30+$0xFFFFFD80]  }
0x3f8: {  	v0 =	vadd.f32 v3, v0  }
0x3f9: {  	v3 =	vld [tilespmem:s30+$0xFFFFFE00]  }
0x3fa: {  	v0 =	vadd.f32 v1, v0  }
0x3fb: {  	v1 =	vld [tilespmem:s30+$0xFFFFFE80]  }
0x3fc: {  	v0 =	vadd.f32 v2, v0  }
0x3fd: {  	v2 =	vld [tilespmem:s30+$0xFFFFFF00]  }
0x3fe: {  	v0 =	vadd.f32 v3, v0  }
0x3ff: {  	v3 =	vld [tilespmem:s30+$0xFFFFFF80]  }
0x400: {  	v0 =	vadd.f32 v1, v0  }
0x401: {  	v1 =	vld [tilespmem:s30+$0x0]  }
0x402: {  	v0 =	vadd.f32 v2, v0  }
0x403: {  	v2 =	vld [tilespmem:s30+$0x80]  }
0x404: {  	v0 =	vadd.f32 v3, v0  }
0x405: {  	v3 =	vld [tilespmem:s30+$0x100]  }
0x406: {  	v0 =	vadd.f32 v1, v0  }
0x407: {  	v1 =	vld [tilespmem:s30+$0x180]  }
0x408: {  	v0 =	vadd.f32 v2, v0  }
0x409: {  	v2 =	vld [tilespmem:s30+$0x200]  }
0x40a: {  	v0 =	vadd.f32 v3, v0  }
0x40b: {  	v3 =	vld [tilespmem:s30+$0x280]  }
0x40c: {  	v0 =	vadd.f32 v1, v0  }
0x40d: {  	v1 =	vld [tilespmem:s30+$0x300]  }
0x40e: {  	v0 =	vadd.f32 v2, v0  }
0x40f: {  	v2 =	vld [tilespmem:s30+$0x380]  }
0x410: {  	v0 =	vadd.f32 v3, v0  }
0x411: {  	v3 =	vld [tilespmem:s30+$0x400]  }
0x412: {  	v0 =	vadd.f32 v1, v0  }
0x413: {  	v1 =	vld [tilespmem:s30+$0x480]  }
0x414: {  	v0 =	vadd.f32 v2, v0;
	_ =	sdelay $0x1  }
0x415: {  	v0 =	vadd.f32 v3, v0;
	_ =	sdelay $0x1  }
0x416: {  	v0 =	vadd.f32 v1, v0  }
0x417: {  	s31 =	sshra.s32 s1, $0x2  }
0x418: {  	[tilespmem:s31+$0x19300] =	vst v0  }
0x419: {  	v0 =	vld [tilespmem:s30+$0xFFFFFB10]  }
0x41a: {  	v1 =	vld [tilespmem:s30+$0xFFFFFB90];
	_ =	sdelay $0x1  }
0x41b: {  	v2 =	vld [tilespmem:s30+$0xFFFFFC10];
	_ =	sdelay $0x1  }
0x41c: {  	v3 =	vld [tilespmem:s30+$0xFFFFFC90]  }
0x41d: {  	v0 =	vadd.f32 v1, v0  }
0x41e: {  	v1 =	vld [tilespmem:s30+$0xFFFFFD10]  }
0x41f: {  	v0 =	vadd.f32 v2, v0  }
0x420: {  	v2 =	vld [tilespmem:s30+$0xFFFFFD90]  }
0x421: {  	v0 =	vadd.f32 v3, v0  }
0x422: {  	v3 =	vld [tilespmem:s30+$0xFFFFFE10]  }
0x423: {  	v0 =	vadd.f32 v1, v0  }
0x424: {  	v1 =	vld [tilespmem:s30+$0xFFFFFE90]  }
0x425: {  	v0 =	vadd.f32 v2, v0  }
0x426: {  	v2 =	vld [tilespmem:s30+$0xFFFFFF10]  }
0x427: {  	v0 =	vadd.f32 v3, v0  }
0x428: {  	v3 =	vld [tilespmem:s30+$0xFFFFFF90]  }
0x429: {  	v0 =	vadd.f32 v1, v0  }
0x42a: {  	v1 =	vld [tilespmem:s30+$0x10]  }
0x42b: {  	v0 =	vadd.f32 v2, v0  }
0x42c: {  	v2 =	vld [tilespmem:s30+$0x90]  }
0x42d: {  	v0 =	vadd.f32 v3, v0  }
0x42e: {  	v3 =	vld [tilespmem:s30+$0x110]  }
0x42f: {  	v0 =	vadd.f32 v1, v0  }
0x430: {  	v1 =	vld [tilespmem:s30+$0x190]  }
0x431: {  	v0 =	vadd.f32 v2, v0  }
0x432: {  	v2 =	vld [tilespmem:s30+$0x210]  }
0x433: {  	v0 =	vadd.f32 v3, v0  }
0x434: {  	v3 =	vld [tilespmem:s30+$0x290]  }
0x435: {  	v0 =	vadd.f32 v1, v0  }
0x436: {  	v1 =	vld [tilespmem:s30+$0x310]  }
0x437: {  	v0 =	vadd.f32 v2, v0  }
0x438: {  	v2 =	vld [tilespmem:s30+$0x390]  }
0x439: {  	v0 =	vadd.f32 v3, v0  }
0x43a: {  	v3 =	vld [tilespmem:s30+$0x410]  }
0x43b: {  	v0 =	vadd.f32 v1, v0  }
0x43c: {  	v1 =	vld [tilespmem:s30+$0x490]  }
0x43d: {  	v0 =	vadd.f32 v2, v0;
	_ =	sdelay $0x1  }
0x43e: {  	v0 =	vadd.f32 v3, v0;
	_ =	sdelay $0x1  }
0x43f: {  	v0 =	vadd.f32 v1, v0;
	_ =	sdelay $0x1  }
0x440: {  	[tilespmem:s31+$0x19310] =	vst v0  }
0x441: {  	v0 =	vld [tilespmem:s30+$0xFFFFFB20]  }
0x442: {  	v1 =	vld [tilespmem:s30+$0xFFFFFBA0];
	_ =	sdelay $0x1  }
0x443: {  	v2 =	vld [tilespmem:s30+$0xFFFFFC20];
	_ =	sdelay $0x1  }
0x444: {  	v3 =	vld [tilespmem:s30+$0xFFFFFCA0]  }
0x445: {  	v0 =	vadd.f32 v1, v0  }
0x446: {  	v1 =	vld [tilespmem:s30+$0xFFFFFD20]  }
0x447: {  	v0 =	vadd.f32 v2, v0  }
0x448: {  	v2 =	vld [tilespmem:s30+$0xFFFFFDA0]  }
0x449: {  	v0 =	vadd.f32 v3, v0  }
0x44a: {  	v3 =	vld [tilespmem:s30+$0xFFFFFE20]  }
0x44b: {  	v0 =	vadd.f32 v1, v0  }
0x44c: {  	v1 =	vld [tilespmem:s30+$0xFFFFFEA0]  }
0x44d: {  	v0 =	vadd.f32 v2, v0  }
0x44e: {  	v2 =	vld [tilespmem:s30+$0xFFFFFF20]  }
0x44f: {  	v0 =	vadd.f32 v3, v0  }
0x450: {  	v3 =	vld [tilespmem:s30+$0xFFFFFFA0]  }
0x451: {  	v0 =	vadd.f32 v1, v0  }
0x452: {  	v1 =	vld [tilespmem:s30+$0x20]  }
0x453: {  	v0 =	vadd.f32 v2, v0  }
0x454: {  	v2 =	vld [tilespmem:s30+$0xA0]  }
0x455: {  	v0 =	vadd.f32 v3, v0  }
0x456: {  	v3 =	vld [tilespmem:s30+$0x120]  }
0x457: {  	v0 =	vadd.f32 v1, v0  }
0x458: {  	v1 =	vld [tilespmem:s30+$0x1A0]  }
0x459: {  	v0 =	vadd.f32 v2, v0  }
0x45a: {  	v2 =	vld [tilespmem:s30+$0x220]  }
0x45b: {  	v0 =	vadd.f32 v3, v0  }
0x45c: {  	v3 =	vld [tilespmem:s30+$0x2A0]  }
0x45d: {  	v0 =	vadd.f32 v1, v0  }
0x45e: {  	v1 =	vld [tilespmem:s30+$0x320]  }
0x45f: {  	v0 =	vadd.f32 v2, v0  }
0x460: {  	v2 =	vld [tilespmem:s30+$0x3A0]  }
0x461: {  	v0 =	vadd.f32 v3, v0  }
0x462: {  	v3 =	vld [tilespmem:s30+$0x420]  }
0x463: {  	v0 =	vadd.f32 v1, v0  }
0x464: {  	v1 =	vld [tilespmem:s30+$0x4A0]  }
0x465: {  	v0 =	vadd.f32 v2, v0;
	_ =	sdelay $0x1  }
0x466: {  	v0 =	vadd.f32 v3, v0;
	_ =	sdelay $0x1  }
0x467: {  	v0 =	vadd.f32 v1, v0;
	_ =	sdelay $0x1  }
0x468: {  	[tilespmem:s31+$0x19320] =	vst v0  }
0x469: {  	v0 =	vld [tilespmem:s30+$0xFFFFFB30]  }
0x46a: {  	v1 =	vld [tilespmem:s30+$0xFFFFFBB0]  }
0x46b: {  	v2 =	vld [tilespmem:s30+$0xFFFFFC30];
	_ =	sdelay $0x2  }
0x46c: {  	v3 =	vld [tilespmem:s30+$0xFFFFFCB0]  }
0x46d: {  	v0 =	vadd.f32 v1, v0  }
0x46e: {  	v1 =	vld [tilespmem:s30+$0xFFFFFD30]  }
0x46f: {  	v0 =	vadd.f32 v2, v0  }
0x470: {  	v2 =	vld [tilespmem:s30+$0xFFFFFDB0]  }
0x471: {  	v0 =	vadd.f32 v3, v0  }
0x472: {  	v3 =	vld [tilespmem:s30+$0xFFFFFE30]  }
0x473: {  	v0 =	vadd.f32 v1, v0  }
0x474: {  	v1 =	vld [tilespmem:s30+$0xFFFFFEB0]  }
0x475: {  	v0 =	vadd.f32 v2, v0  }
0x476: {  	v2 =	vld [tilespmem:s30+$0xFFFFFF30]  }
0x477: {  	v0 =	vadd.f32 v3, v0  }
0x478: {  	v3 =	vld [tilespmem:s30+$0xFFFFFFB0]  }
0x479: {  	v0 =	vadd.f32 v1, v0  }
0x47a: {  	v1 =	vld [tilespmem:s30+$0x30]  }
0x47b: {  	v0 =	vadd.f32 v2, v0  }
0x47c: {  	v2 =	vld [tilespmem:s30+$0xB0]  }
0x47d: {  	v0 =	vadd.f32 v3, v0  }
0x47e: {  	v3 =	vld [tilespmem:s30+$0x130]  }
0x47f: {  	v0 =	vadd.f32 v1, v0  }
0x480: {  	v1 =	vld [tilespmem:s30+$0x1B0]  }
0x481: {  	v0 =	vadd.f32 v2, v0  }
0x482: {  	v2 =	vld [tilespmem:s30+$0x230]  }
0x483: {  	v0 =	vadd.f32 v3, v0  }
0x484: {  	v3 =	vld [tilespmem:s30+$0x2B0]  }
0x485: {  	v0 =	vadd.f32 v1, v0  }
0x486: {  	v1 =	vld [tilespmem:s30+$0x330]  }
0x487: {  	v0 =	vadd.f32 v2, v0  }
0x488: {  	v2 =	vld [tilespmem:s30+$0x3B0]  }
0x489: {  	v0 =	vadd.f32 v3, v0  }
0x48a: {  	v3 =	vld [tilespmem:s30+$0x430]  }
0x48b: {  	v0 =	vadd.f32 v1, v0  }
0x48c: {  	v1 =	vld [tilespmem:s30+$0x4B0]  }
0x48d: {  	v0 =	vadd.f32 v2, v0;
	_ =	sdelay $0x1  }
0x48e: {  	v0 =	vadd.f32 v3, v0;
	_ =	sdelay $0x1  }
0x48f: {  	v0 =	vadd.f32 v1, v0;
	_ =	sdelay $0x1  }
0x490: {  	[tilespmem:s31+$0x19330] =	vst v0  }
0x491: {  	v0 =	vld [tilespmem:s30+$0xFFFFFB40]  }
0x492: {  	v1 =	vld [tilespmem:s30+$0xFFFFFBC0];
	_ =	sdelay $0x1  }
0x493: {  	v2 =	vld [tilespmem:s30+$0xFFFFFC40];
	_ =	sdelay $0x1  }
0x494: {  	v3 =	vld [tilespmem:s30+$0xFFFFFCC0]  }
0x495: {  	v0 =	vadd.f32 v1, v0  }
0x496: {  	v1 =	vld [tilespmem:s30+$0xFFFFFD40]  }
0x497: {  	v0 =	vadd.f32 v2, v0  }
0x498: {  	v2 =	vld [tilespmem:s30+$0xFFFFFDC0]  }
0x499: {  	v0 =	vadd.f32 v3, v0  }
0x49a: {  	v3 =	vld [tilespmem:s30+$0xFFFFFE40]  }
0x49b: {  	v0 =	vadd.f32 v1, v0  }
0x49c: {  	v1 =	vld [tilespmem:s30+$0xFFFFFEC0]  }
0x49d: {  	v0 =	vadd.f32 v2, v0  }
0x49e: {  	v2 =	vld [tilespmem:s30+$0xFFFFFF40]  }
0x49f: {  	v0 =	vadd.f32 v3, v0  }
0x4a0: {  	v3 =	vld [tilespmem:s30+$0xFFFFFFC0]  }
0x4a1: {  	v0 =	vadd.f32 v1, v0  }
0x4a2: {  	v1 =	vld [tilespmem:s30+$0x40]  }
0x4a3: {  	v0 =	vadd.f32 v2, v0  }
0x4a4: {  	v2 =	vld [tilespmem:s30+$0xC0]  }
0x4a5: {  	v0 =	vadd.f32 v3, v0  }
0x4a6: {  	v3 =	vld [tilespmem:s30+$0x140]  }
0x4a7: {  	v0 =	vadd.f32 v1, v0  }
0x4a8: {  	v1 =	vld [tilespmem:s30+$0x1C0]  }
0x4a9: {  	v0 =	vadd.f32 v2, v0  }
0x4aa: {  	v2 =	vld [tilespmem:s30+$0x240]  }
0x4ab: {  	v0 =	vadd.f32 v3, v0  }
0x4ac: {  	v3 =	vld [tilespmem:s30+$0x2C0]  }
0x4ad: {  	v0 =	vadd.f32 v1, v0  }
0x4ae: {  	v1 =	vld [tilespmem:s30+$0x340]  }
0x4af: {  	v0 =	vadd.f32 v2, v0  }
0x4b0: {  	v2 =	vld [tilespmem:s30+$0x3C0]  }
0x4b1: {  	v0 =	vadd.f32 v3, v0  }
0x4b2: {  	v3 =	vld [tilespmem:s30+$0x440]  }
0x4b3: {  	v0 =	vadd.f32 v1, v0  }
0x4b4: {  	v1 =	vld [tilespmem:s30+$0x4C0]  }
0x4b5: {  	v0 =	vadd.f32 v2, v0;
	_ =	sdelay $0x1  }
0x4b6: {  	v0 =	vadd.f32 v3, v0;
	_ =	sdelay $0x1  }
0x4b7: {  	v0 =	vadd.f32 v1, v0;
	_ =	sdelay $0x1  }
0x4b8: {  	[tilespmem:s31+$0x19340] =	vst v0  }
0x4b9: {  	v0 =	vld [tilespmem:s30+$0xFFFFFB50]  }
0x4ba: {  	v1 =	vld [tilespmem:s30+$0xFFFFFBD0]  }
0x4bb: {  	v2 =	vld [tilespmem:s30+$0xFFFFFC50]  }
0x4bc: {  	v3 =	vld [tilespmem:s30+$0xFFFFFCD0]  }
0x4bd: {  	v4 =	vld [tilespmem:s30+$0xFFFFFD50]  }
0x4be: {  	v5 =	vld [tilespmem:s30+$0xFFFFFDD0]  }
0x4bf: {  	v0 =	vadd.f32 v1, v0;
	v1 =	vld [tilespmem:s30+$0xFFFFFE50]  }
0x4c0: {  	v6 =	vld [tilespmem:s30+$0xFFFFFED0]  }
0x4c1: {  	v0 =	vadd.f32 v2, v0;
	v2 =	vld [tilespmem:s30+$0xFFFFFF50]  }
0x4c2: {  	v7 =	vld [tilespmem:s30+$0xFFFFFFD0]  }
0x4c3: {  	v0 =	vadd.f32 v3, v0;
	v3 =	vld [tilespmem:s30+$0x50]  }
0x4c4: {  	v8 =	vld [tilespmem:s30+$0xD0]  }
0x4c5: {  	v0 =	vadd.f32 v4, v0;
	v4 =	vld [tilespmem:s30+$0x150]  }
0x4c6: {  	v9 =	vld [tilespmem:s30+$0x1D0]  }
0x4c7: {  	v0 =	vadd.f32 v5, v0;
	v5 =	vld [tilespmem:s30+$0x250]  }
0x4c8: {  	v10 =	vld [tilespmem:s30+$0x2D0]  }
0x4c9: {  	v0 =	vadd.f32 v1, v0;
	v1 =	vld [tilespmem:s30+$0x350]  }
0x4ca: {  	v11 =	vld [tilespmem:s30+$0x3D0]  }
0x4cb: {  	v0 =	vadd.f32 v6, v0;
	v6 =	vld [tilespmem:s30+$0x450]  }
0x4cc: {  	v12 =	vld [tilespmem:s30+$0x4D0]  }
0x4cd: {  	v0 =	vadd.f32 v2, v0;
	_ =	sdelay $0x1  }
0x4ce: {  	v0 =	vadd.f32 v7, v0;
	_ =	sdelay $0x1  }
0x4cf: {  	v0 =	vadd.f32 v3, v0;
	_ =	sdelay $0x1  }
0x4d0: {  	v0 =	vadd.f32 v8, v0;
	_ =	sdelay $0x1  }
0x4d1: {  	v0 =	vadd.f32 v4, v0;
	_ =	sdelay $0x1  }
0x4d2: {  	v0 =	vadd.f32 v9, v0;
	_ =	sdelay $0x1  }
0x4d3: {  	v0 =	vadd.f32 v5, v0;
	_ =	sdelay $0x1  }
0x4d4: {  	v0 =	vadd.f32 v10, v0;
	_ =	sdelay $0x1  }
0x4d5: {  	v0 =	vadd.f32 v1, v0;
	_ =	sdelay $0x1  }
0x4d6: {  	v0 =	vadd.f32 v11, v0;
	_ =	sdelay $0x1  }
0x4d7: {  	v0 =	vadd.f32 v6, v0;
	_ =	sdelay $0x1  }
0x4d8: {  	v0 =	vadd.f32 v12, v0;
	_ =	sdelay $0x1  }
0x4d9: {  	[tilespmem:s31+$0x19350] =	vst v0  }
0x4da: {  	v0 =	vld [tilespmem:s30+$0xFFFFFB60]  }
0x4db: {  	v1 =	vld [tilespmem:s30+$0xFFFFFBE0]  }
0x4dc: {  	v2 =	vld [tilespmem:s30+$0xFFFFFC60]  }
0x4dd: {  	v3 =	vld [tilespmem:s30+$0xFFFFFCE0]  }
0x4de: {  	v4 =	vld [tilespmem:s30+$0xFFFFFD60]  }
0x4df: {  	v5 =	vld [tilespmem:s30+$0xFFFFFDE0]  }
0x4e0: {  	v0 =	vadd.f32 v1, v0;
	v1 =	vld [tilespmem:s30+$0xFFFFFE60]  }
0x4e1: {  	v6 =	vld [tilespmem:s30+$0xFFFFFEE0]  }
0x4e2: {  	v0 =	vadd.f32 v2, v0;
	v2 =	vld [tilespmem:s30+$0xFFFFFF60]  }
0x4e3: {  	v7 =	vld [tilespmem:s30+$0xFFFFFFE0]  }
0x4e4: {  	v0 =	vadd.f32 v3, v0;
	v3 =	vld [tilespmem:s30+$0x60]  }
0x4e5: {  	v8 =	vld [tilespmem:s30+$0xE0]  }
0x4e6: {  	v0 =	vadd.f32 v4, v0;
	v4 =	vld [tilespmem:s30+$0x160]  }
0x4e7: {  	v9 =	vld [tilespmem:s30+$0x1E0]  }
0x4e8: {  	v0 =	vadd.f32 v5, v0;
	v5 =	vld [tilespmem:s30+$0x260]  }
0x4e9: {  	v10 =	vld [tilespmem:s30+$0x2E0]  }
0x4ea: {  	v0 =	vadd.f32 v1, v0;
	v1 =	vld [tilespmem:s30+$0x360]  }
0x4eb: {  	v11 =	vld [tilespmem:s30+$0x3E0]  }
0x4ec: {  	v0 =	vadd.f32 v6, v0;
	v6 =	vld [tilespmem:s30+$0x460]  }
0x4ed: {  	v12 =	vld [tilespmem:s30+$0x4E0]  }
0x4ee: {  	v0 =	vadd.f32 v2, v0;
	_ =	sdelay $0x1  }
0x4ef: {  	v0 =	vadd.f32 v7, v0;
	_ =	sdelay $0x1  }
0x4f0: {  	v0 =	vadd.f32 v3, v0;
	_ =	sdelay $0x1  }
0x4f1: {  	v0 =	vadd.f32 v8, v0;
	_ =	sdelay $0x1  }
0x4f2: {  	v0 =	vadd.f32 v4, v0;
	_ =	sdelay $0x1  }
0x4f3: {  	v0 =	vadd.f32 v9, v0;
	_ =	sdelay $0x1  }
0x4f4: {  	v0 =	vadd.f32 v5, v0;
	_ =	sdelay $0x1  }
0x4f5: {  	v0 =	vadd.f32 v10, v0;
	_ =	sdelay $0x1  }
0x4f6: {  	v0 =	vadd.f32 v1, v0;
	_ =	sdelay $0x1  }
0x4f7: {  	v0 =	vadd.f32 v11, v0;
	_ =	sdelay $0x1  }
0x4f8: {  	v0 =	vadd.f32 v6, v0;
	_ =	sdelay $0x1  }
0x4f9: {  	v0 =	vadd.f32 v12, v0;
	_ =	sdelay $0x1  }
0x4fa: {  	[tilespmem:s31+$0x19360] =	vst v0  }
0x4fb: {  	v0 =	vld [tilespmem:s30+$0xFFFFFB70]  }
0x4fc: {  	v1 =	vld [tilespmem:s30+$0xFFFFFBF0]  }
0x4fd: {  	v2 =	vld [tilespmem:s30+$0xFFFFFC70]  }
0x4fe: {  	v3 =	vld [tilespmem:s30+$0xFFFFFCF0]  }
0x4ff: {  	v4 =	vld [tilespmem:s30+$0xFFFFFD70]  }
0x500: {  	v5 =	vld [tilespmem:s30+$0xFFFFFDF0]  }
0x501: {  	v0 =	vadd.f32 v1, v0;
	v1 =	vld [tilespmem:s30+$0xFFFFFE70]  }
0x502: {  	v6 =	vld [tilespmem:s30+$0xFFFFFEF0]  }
0x503: {  	v0 =	vadd.f32 v2, v0;
	v7 =	vld [tilespmem:s30+$0xFFFFFF70]  }
0x504: {  	v8 =	vld [tilespmem:s30+$0xFFFFFFF0]  }
0x505: {  	v0 =	vadd.f32 v3, v0;
	v9 =	vld [tilespmem:s30+$0x70]  }
0x506: {  	v10 =	vld [tilespmem:s30+$0xF0]  }
0x507: {  	v0 =	vadd.f32 v4, v0;
	v4 =	vld [tilespmem:s30+$0x170]  }
0x508: {  	v11 =	vld [tilespmem:s30+$0x1F0]  }
0x509: {  	v0 =	vadd.f32 v5, v0;
	v5 =	vld [tilespmem:s30+$0x270]  }
0x50a: {  	v12 =	vld [tilespmem:s30+$0x2F0]  }
0x50b: {  	v1 =	vadd.f32 v1, v0;
	v3 =	vld [tilespmem:s30+$0x370]  }
0x50c: {  	v0 =	vld [tilespmem:s30+$0x3F0]  }
0x50d: {  	v6 =	vadd.f32 v6, v1;
	v2 =	vld [tilespmem:s30+$0x470]  }
0x50e: {  	v1 =	vld [tilespmem:s30+$0x4F0]  }
0x50f: {  	v6 =	vadd.f32 v7, v6;
	_ =	sdelay $0x1  }
0x510: {  	v6 =	vadd.f32 v8, v6;
	_ =	sdelay $0x1  }
0x511: {  	v6 =	vadd.f32 v9, v6;
	_ =	sdelay $0x1  }
0x512: {  	v6 =	vadd.f32 v10, v6;
	_ =	sdelay $0x1  }
0x513: {  	v4 =	vadd.f32 v4, v6;
	_ =	sdelay $0x1  }
.Ltmp1:
0x514: {  	v4 =	vadd.f32 v11, v4;
	(pc) =	sbr.rel @p1 .LBB2_5-.Ltmp1, $3  }
0x515: {  	_ = 	snop  }
0x516: {  	v4 =	vadd.f32 v5, v4;
	_ =	sdelay $0x1  }
0x517: {  	v4 =	vadd.f32 v12, v4  }
0x518: {  	_ = 	snop  }
0x519: {  	v3 =	vadd.f32 v3, v4;
	_ =	sdelay $0x1  }
0x51a: {  	v0 =	vadd.f32 v0, v3  }
0x51b: {  	s28 =	sadd.s32 $0x1, s28  }
0x51c: {  	p1 =	sne.s32 s28, s8;
	v0 =	vadd.f32 v2, v0  }
.Ltmp2:
0x51d: {  	s0 =	sshll.u32 s29, $0xB;
	(pc) =	sbr.rel @p1 .LBB2_2-.Ltmp2, $4  }
0x51e: {  	s0 =	sadd.s32 s9, s0;
	v0 =	vadd.f32 v1, v0  }
0x51f: {  	s0 =	sshrl.u32 s0, $0x3  }
0x520: {  	s0 =	sadd.s32 s4, s0;
	[tilespmem:s31+$0x19370] =	vst v0  }
0x521: {  	[hbm4b:s0+s3] =	stream.linear.scatter [tilespmem:s23], [sflag:$0x4], $0x800, $0x38;
	[tilespmem:$0x19B00] =	vst v63  }
0x522: {  	_ =	swait.ge [sflag:s20], $0xA000  }
0x523: {  	[sflag:s20] =	ssyncset.done $0x0  }
0x524: {  	s26 =	sadd.s32 $0x1, s26;
	[sflag:s20] =	ssyncadd.s32 $0xFFFF6000  }
0x525: {  	p1 =	sne.s32 s26, s10;
	_ =	swait.ge [sflag:s24], $0x800  }
.Ltmp3:
0x526: {  	[sflag:s24] =	ssyncset.done $0x0;
	(pc) =	sbr.rel @p1 .LBB2_1-.Ltmp3, $4  }
0x527: {  	[sflag:s24] =	ssyncadd.s32 $0xFFFFF800  }
0x528: {  	_ =	swait.ge [sflag:s25], $0x800  }
0x529: {  	[sflag:s25] =	ssyncset.done $0x0  }
0x52a: {  	[sflag:s25] =	ssyncadd.s32 $0xFFFFF800  }
0x52b: {  	_ =	sfence.sel $0x180000  }
0x52c: {  	[bflag:$0x0] =	sbarrier.arrive $0xFFFF  }
0x52d: {  	_ =	strace $0x90000047  }
0x52e: {  	s0 =	stileid.u32;
	[bflag:$0x2] =	sbarrier.arrive $0xFFFF  }
0x52f: {  	p0 =	sne.s32 s0, $0x0;
	s0 =	rddreg [dreg:$0x3]  }
0x530: {  	s0 =	sadd.s32 @!p0 $0x100000, s0  }
0x531: {  	[sflag:s0] =	ssyncadd.tile.s32 @!p0 $0x1;
	_ =	shalt  }
.Lfunc_end2:
_tile_overlayer_lowered:
.L_overlay_start_2:
0x532: {  	(tag) =	ssettag $0x2  }
0x533: {  	s0 =	rddreg [dreg:$0x0];
	s2 =	stileid.u32  }
0x534: {  	s1 =	rddreg [dreg:$0x1];
	p0 =	sne.s32 s2, $0x0  }
0x535: {  	s3 =	rddreg [dreg:$0x2];
	[bflag:$0x3] =	sbarrier.arrive $0xFFFF;
	s2 =	simm.s32 @!p0 $0x1C05  }
0x536: {  	[timem:s3], [sflag:s2] =	dma.local @!p0 [hbm:s0], s1  }
0x537: {  	s0 =	simm.s32 @!p0 $0x5  }
0x538: {  	_ =	swait.ge @!p0 [sflag:s0], s1  }
0x539: {  	s1 =	ssub.s32 @!p0 $0x0, s1;
	[sflag:s0] =	ssyncset.done @!p0 $0x0  }
0x53a: {  	[sflag:s0] =	ssyncadd.s32 @!p0 s1  }
0x53b: {  	[bflag:$0x3] =	sbarrier.arrive $0xFFFF  }
0x53c: {  	_ =	shalt  }

</sc_bundles>
